<compile_context>
chip_gen: v7x
topology: tpu7x:2x2x1
jax: 0.10.2.dev20260603
libtpu: 0.0.44.dev20260713+nightly
codegen_flags: <defaults>
</compile_context>

<pallas_src>
import functools

import jax
import jax.numpy as jnp
from jax import lax
from jax.experimental import pallas as pl
from jax.experimental.pallas import tpu as pltpu
from jax.experimental.pallas import tpu_sc as plsc

EMBED = 64
WIDE = 128
THETA = 10000.0
BATCH = 1024
SEQ = 200
VOCAB = 1000000
K = 64
TOTAL = BATCH * SEQ
LANES = 16
CPAD = 256
CH = 504
NCH = 62
NW = 32


def _coeff_tables():
    freqs = 1.0 / (THETA ** (jnp.arange(0, EMBED, 2, dtype=jnp.float32) / EMBED))
    pos = jnp.arange(CPAD, dtype=jnp.float32) % SEQ
    angles = pos[:, None] * freqs[None, :]
    c8 = jnp.cos(angles) * 8.0
    s8 = jnp.sin(angles) * 8.0
    ct = jnp.repeat(c8, 2, axis=1)
    st = jnp.stack([-s8, s8], axis=-1).reshape(CPAD, EMBED)
    return (jnp.concatenate([ct, ct], axis=1),
            jnp.concatenate([st, st], axis=1))



def _rope_gather(xr, w, ct, st):
    upw = TOTAL // (K * NW)
    mesh = plsc.VectorSubcoreMesh(core_axis_name="c", subcore_axis_name="s")

    @functools.partial(
        pl.kernel,
        mesh=mesh,
        out_type=jax.ShapeDtypeStruct((NW, upw, K, WIDE), jnp.float32),
        scratch_types=[
            pltpu.VMEM((upw, K), jnp.int32),
            pltpu.VMEM((4, K), jnp.int32),
            pltpu.VMEM((4, K, WIDE), jnp.float32),
            pltpu.VMEM((2, K, WIDE), jnp.float32),
            pltpu.VMEM((CPAD, WIDE), jnp.float32),
            pltpu.VMEM((CPAD, WIDE), jnp.float32),
            pltpu.SemaphoreType.DMA,
            pltpu.SemaphoreType.DMA,
            pltpu.SemaphoreType.DMA,
            pltpu.SemaphoreType.DMA,
            pltpu.SemaphoreType.DMA,
            pltpu.SemaphoreType.DMA,
        ],
    )
    def body(xr_h, w_h, ct_h, st_h, out_h, idx_v, tidx_v, wrows_v, out_v,
             ct_v, st_v, gsem0, gsem1, gsem2, gsem3, osem0, osem1):
        wid = lax.axis_index("s") * 2 + lax.axis_index("c")
        pltpu.sync_copy(ct_h, ct_v)
        pltpu.sync_copy(st_h, st_v)
        pltpu.sync_copy(xr_h.at[wid], idx_v)
        gsems = (gsem0, gsem1, gsem2, gsem3)
        osems = (osem0, osem1)
        perm = jnp.bitwise_xor(lax.iota(jnp.int32, LANES), 1)

        def issue(u, g):
            for j in range(K // LANES):
                sl = pl.ds(LANES * j, LANES)
                tidx_v[g, sl] = jnp.right_shift(idx_v[u, sl], 1)
            pltpu.async_copy(w_h.at[tidx_v.at[g]], wrows_v.at[g], gsems[g])

        for u0 in range(3):
            issue(u0, u0)

        def run_unit(u, g, b):
            @pl.when(u >= 2)
            def _():
                pltpu.make_async_copy(
                    out_v.at[b], out_h.at[wid, u - 2], osems[b]).wait()

            @pl.when(u + 3 < upw)
            def _():
                issue(u + 3, (g + 3) % 4)

            pltpu.make_async_copy(
                w_h.at[tidx_v.at[g]], wrows_v.at[g], gsems[g]).wait()
            pbase = jnp.mod(K * u, SEQ)

            @plsc.parallel_loop(0, K, unroll=4)
            def _rot(k):
                for j in range(WIDE // LANES):
                    sl = pl.ds(LANES * j, LANES)
                    xv = wrows_v[g, k, sl]
                    xs = xv.at[perm].get(mode="promise_in_bounds")
                    cv = ct_v[pbase + k, sl]
                    sv = st_v[pbase + k, sl]
                    out_v[b, k, sl] = xv * cv + xs * sv

            pltpu.async_copy(out_v.at[b], out_h.at[wid, u], osems[b])

        def outer(i, carry):
            for b in range(4):
                run_unit(4 * i + b, b, b % 2)
            return carry

        lax.fori_loop(0, upw // 4, outer, 0)
        for b in range(2):
            pltpu.make_async_copy(
                out_v.at[b], out_h.at[wid, upw - 2 + b], osems[b]).wait()

    return body(xr, w, ct, st)


def kernel(x, table):
    xi = x.astype(jnp.int32)
    xr = xi.reshape(NW, TOTAL // (NW * K), K)
    w = table.reshape(VOCAB // 2, WIDE)
    ct, st = _coeff_tables()
    out4 = _rope_gather(xr, w, ct, st)
    half = (xr & 1).astype(jnp.bool_)[..., None]
    out = jnp.where(half, out4[..., EMBED:], out4[..., :EMBED])
    return out.reshape(BATCH, SEQ, EMBED)

# --- scband reference (transcript-rebuilt; emitter-appended) ---
"""Pipeline reference for scband-ro-peembedder-alternative-91182155694402 (READ-ONLY COPY).

The authoritative reference and input builder live on the scoring server;
editing this copy changes nothing except your own understanding.
"""

import jax, jax.numpy as jnp
import numpy as np
import math

VOCAB = 1000000
EMBED = 64
MAX_LEN = 1024
THETA = 10000.0
B = 1024
S = 200


def setup_inputs(seed: int = 0) -> dict:
    key = jax.random.key(seed)
    k1, k2 = jax.random.split(key)
    x = jax.random.randint(k1, (B, S), 0, VOCAB, dtype=jnp.int64 if jax.config.jax_enable_x64 else jnp.int32)
    table = jax.random.normal(k2, (VOCAB, EMBED), dtype=jnp.float32) * 0.02
    return {"x": x, "table": table}


def reference(x, table):
    # embedding lookup (gather) + scale, matching nn.Embedding + sqrt(d)
    emb = jnp.take(table, x, axis=0) * math.sqrt(EMBED)  # (B, S, EMBED)
    # RoPE via complex-equivalent real arithmetic:
    # x_complex = x_even + i*x_odd; multiply by exp(i*angles)
    xr = emb.reshape(B, S, EMBED // 2, 2)
    xe = xr[..., 0]
    xo = xr[..., 1]
    positions = jnp.arange(S, dtype=jnp.float32)[:, None]  # (S, 1)
    freqs = 1.0 / (THETA ** (jnp.arange(0, EMBED, 2, dtype=jnp.float32) / EMBED))  # (EMBED//2,)
    angles = positions * freqs[None, :]  # (S, EMBED//2)
    cos = jnp.cos(angles)[None, :, :]
    sin = jnp.sin(angles)[None, :, :]
    out_e = xe * cos - xo * sin
    out_o = xe * sin + xo * cos
    out = jnp.stack([out_e, out_o], axis=-1).reshape(B, S, EMBED)
    # dropout p=0.0 -> identity
    return out

if __name__ == "__main__":
    import jax
    _d = setup_inputs()
    print(jax.jit(kernel)(*tuple(_d.values())))

</pallas_src>

<mosaic_0001>
#map = affine_map<(d0, d1) -> (0, 0, 0)>
#map1 = affine_map<(d0, d1) -> (0, 0)>
#map2 = affine_map<(d0, d1) -> (0, 0, 0, 0)>
module attributes {stable_mosaic.version = 14 : i64} {
  func.func @body(%arg0: i32, %arg1: i32, %arg2: memref<32x100x64xi32, #tpu.memory_space<hbm>>, %arg3: memref<500000x128xf32, #tpu.memory_space<hbm>>, %arg4: memref<256x128xf32, #tpu.memory_space<hbm>>, %arg5: memref<256x128xf32, #tpu.memory_space<hbm>>, %arg6: memref<32x100x64x128xf32, #tpu.memory_space<hbm>>, %arg7: memref<100x64xi32, #tpu.memory_space<vmem>>, %arg8: memref<4x64xi32, #tpu.memory_space<vmem>>, %arg9: memref<4x64x128xf32, #tpu.memory_space<vmem>>, %arg10: memref<2x64x128xf32, #tpu.memory_space<vmem>>, %arg11: memref<256x128xf32, #tpu.memory_space<vmem>>, %arg12: memref<256x128xf32, #tpu.memory_space<vmem>>, %arg13: memref<!tpu.dma_semaphore, #tpu.memory_space<semaphore_mem>>, %arg14: memref<!tpu.dma_semaphore, #tpu.memory_space<semaphore_mem>>, %arg15: memref<!tpu.dma_semaphore, #tpu.memory_space<semaphore_mem>>, %arg16: memref<!tpu.dma_semaphore, #tpu.memory_space<semaphore_mem>>, %arg17: memref<!tpu.dma_semaphore, #tpu.memory_space<semaphore_mem>>, %arg18: memref<!tpu.dma_semaphore, #tpu.memory_space<semaphore_mem>>) attributes {dimension_semantics = [#tpu.dimension_semantics<core_parallel>, #tpu.dimension_semantics<subcore_parallel>], iteration_bounds = array<i64: 2, 16>, scalar_prefetch = 0 : i64, scratch_operands = 12 : i64, tpu.core_type = #tpu.core_type<sc_vector_subcore>, window_params = [{transform_indices = #map}, {transform_indices = #map1}, {transform_indices = #map1}, {transform_indices = #map1}, {transform_indices = #map2}]} {
    %mul3A = arith.constant 2 : i32
    %mul3A_0 = arith.muli %arg1, %mul3A : i32
    %add3A = arith.addi %mul3A_0, %arg0 : i32
    "tpu.region"() ({
      %run_scoped3A = tpu.sem_alloc : memref<!tpu.dma_semaphore, #tpu.memory_space<semaphore_mem>>
      tpu.enqueue_dma source(%arg4 : memref<256x128xf32, #tpu.memory_space<hbm>>) target(%arg11 : memref<256x128xf32, #tpu.memory_space<vmem>>) target_semaphore(%run_scoped3A : memref<!tpu.dma_semaphore, #tpu.memory_space<semaphore_mem>>)
      tpu.wait_dma2 semaphore(%run_scoped3A : memref<!tpu.dma_semaphore, #tpu.memory_space<semaphore_mem>>) src(%arg4 : memref<256x128xf32, #tpu.memory_space<hbm>>) dst(%arg11 : memref<256x128xf32, #tpu.memory_space<vmem>>)
      tpu.yield
    }) : () -> ()
    "tpu.region"() ({
      %run_scoped3A = tpu.sem_alloc : memref<!tpu.dma_semaphore, #tpu.memory_space<semaphore_mem>>
      tpu.enqueue_dma source(%arg5 : memref<256x128xf32, #tpu.memory_space<hbm>>) target(%arg12 : memref<256x128xf32, #tpu.memory_space<vmem>>) target_semaphore(%run_scoped3A : memref<!tpu.dma_semaphore, #tpu.memory_space<semaphore_mem>>)
      tpu.wait_dma2 semaphore(%run_scoped3A : memref<!tpu.dma_semaphore, #tpu.memory_space<semaphore_mem>>) src(%arg5 : memref<256x128xf32, #tpu.memory_space<hbm>>) dst(%arg12 : memref<256x128xf32, #tpu.memory_space<vmem>>)
      tpu.yield
    }) : () -> ()
    "tpu.region"() ({
      %run_scoped3A = tpu.sem_alloc : memref<!tpu.dma_semaphore, #tpu.memory_space<semaphore_mem>>
      %dma_start3A_243 = arith.constant 0 : i32
      %dma_start3A_244 = arith.constant 0 : i32
      %dma_start3A_245 = tpu.memref_slice %arg2[%add3A, %dma_start3A_243, %dma_start3A_244] : memref<32x100x64xi32, #tpu.memory_space<hbm>> -> memref<1x100x64xi32, #tpu.memory_space<hbm>>
      %dma_start3A_246 = tpu.memref_squeeze %dma_start3A_245 : memref<1x100x64xi32, #tpu.memory_space<hbm>> -> memref<100x64xi32, #tpu.memory_space<hbm>>
      %dma_start3A_247 = arith.constant 0 : i32
      %dma_start3A_248 = arith.constant 0 : i32
      %dma_start3A_249 = tpu.memref_slice %arg2[%add3A, %dma_start3A_247, %dma_start3A_248] : memref<32x100x64xi32, #tpu.memory_space<hbm>> -> memref<1x100x64xi32, #tpu.memory_space<hbm>>
      %dma_start3A_250 = tpu.memref_squeeze %dma_start3A_249 : memref<1x100x64xi32, #tpu.memory_space<hbm>> -> memref<100x64xi32, #tpu.memory_space<hbm>>
      tpu.enqueue_dma source(%dma_start3A_250 : memref<100x64xi32, #tpu.memory_space<hbm>>) target(%arg7 : memref<100x64xi32, #tpu.memory_space<vmem>>) target_semaphore(%run_scoped3A : memref<!tpu.dma_semaphore, #tpu.memory_space<semaphore_mem>>)
      %dma_wait3A_251 = arith.constant 0 : i32
      %dma_wait3A_252 = arith.constant 0 : i32
      %dma_wait3A_253 = tpu.memref_slice %arg2[%add3A, %dma_wait3A_251, %dma_wait3A_252] : memref<32x100x64xi32, #tpu.memory_space<hbm>> -> memref<1x100x64xi32, #tpu.memory_space<hbm>>
      %dma_wait3A_254 = tpu.memref_squeeze %dma_wait3A_253 : memref<1x100x64xi32, #tpu.memory_space<hbm>> -> memref<100x64xi32, #tpu.memory_space<hbm>>
      %dma_wait3A_255 = arith.constant 0 : i32
      %dma_wait3A_256 = arith.constant 0 : i32
      %dma_wait3A_257 = tpu.memref_slice %arg2[%add3A, %dma_wait3A_255, %dma_wait3A_256] : memref<32x100x64xi32, #tpu.memory_space<hbm>> -> memref<1x100x64xi32, #tpu.memory_space<hbm>>
      %dma_wait3A_258 = tpu.memref_squeeze %dma_wait3A_257 : memref<1x100x64xi32, #tpu.memory_space<hbm>> -> memref<100x64xi32, #tpu.memory_space<hbm>>
      tpu.wait_dma2 semaphore(%run_scoped3A : memref<!tpu.dma_semaphore, #tpu.memory_space<semaphore_mem>>) src(%dma_wait3A_258 : memref<100x64xi32, #tpu.memory_space<hbm>>) dst(%arg7 : memref<100x64xi32, #tpu.memory_space<vmem>>)
      tpu.yield
    }) : () -> ()
    %iota3A = tpu.iota {dimensions = array<i32: 0>} : vector<16xi32>
    %xor3A = arith.constant 1 : i32
    %xor3A_1 = vector.broadcast %xor3A : i32 to vector<16xi32>
    %xor3A_2 = arith.xori %iota3A, %xor3A_1 : vector<16xi32>
    %get3A = arith.constant 0 : i32
    %get3A_3 = arith.index_cast %get3A : i32 to index
    %get3A_4 = arith.constant 0 : index
    %get3A_5 = tpu.vector_load %arg7[%get3A_3, %get3A_4] {strides = array<i32>} : memref<100x64xi32, #tpu.memory_space<vmem>>, vector<1x16xi32>,
    %get3A_6 = vector.shape_cast %get3A_5 : vector<1x16xi32> to vector<16xi32>
    %shift_right_arithmetic3A = arith.constant 1 : i32
    %shift_right_arithmetic3A_7 = vector.broadcast %shift_right_arithmetic3A : i32 to vector<16xi32>
    %shift_right_arithmetic3A_8 = arith.shrsi %get3A_6, %shift_right_arithmetic3A_7 : vector<16xi32>
    %swap3A = arith.constant 0 : i32
    %swap3A_9 = arith.index_cast %swap3A : i32 to index
    %swap3A_10 = arith.constant 0 : index
    %swap3A_11 = tpu.vector_load %arg8[%swap3A_9, %swap3A_10] {strides = array<i32>} : memref<4x64xi32, #tpu.memory_space<vmem>>, vector<1x16xi32>,
    %swap3A_12 = vector.shape_cast %swap3A_11 : vector<1x16xi32> to vector<16xi32>
    %swap3A_13 = vector.shape_cast %shift_right_arithmetic3A_8 : vector<16xi32> to vector<1x16xi32>
    tpu.vector_store %arg8[%swap3A_9, %swap3A_10], %swap3A_13 {strides = array<i32>} : memref<4x64xi32, #tpu.memory_space<vmem>>, vector<1x16xi32>,
    %get3A_14 = arith.constant 0 : i32
    %get3A_15 = arith.index_cast %get3A_14 : i32 to index
    %get3A_16 = arith.constant 16 : index
    %get3A_17 = tpu.vector_load %arg7[%get3A_15, %get3A_16] {strides = array<i32>} : memref<100x64xi32, #tpu.memory_space<vmem>>, vector<1x16xi32>,
    %get3A_18 = vector.shape_cast %get3A_17 : vector<1x16xi32> to vector<16xi32>
    %shift_right_arithmetic3A_19 = arith.constant 1 : i32
    %shift_right_arithmetic3A_20 = vector.broadcast %shift_right_arithmetic3A_19 : i32 to vector<16xi32>
    %shift_right_arithmetic3A_21 = arith.shrsi %get3A_18, %shift_right_arithmetic3A_20 : vector<16xi32>
    %swap3A_22 = arith.constant 0 : i32
    %swap3A_23 = arith.index_cast %swap3A_22 : i32 to index
    %swap3A_24 = arith.constant 16 : index
    %swap3A_25 = tpu.vector_load %arg8[%swap3A_23, %swap3A_24] {strides = array<i32>} : memref<4x64xi32, #tpu.memory_space<vmem>>, vector<1x16xi32>,
    %swap3A_26 = vector.shape_cast %swap3A_25 : vector<1x16xi32> to vector<16xi32>
    %swap3A_27 = vector.shape_cast %shift_right_arithmetic3A_21 : vector<16xi32> to vector<1x16xi32>
    tpu.vector_store %arg8[%swap3A_23, %swap3A_24], %swap3A_27 {strides = array<i32>} : memref<4x64xi32, #tpu.memory_space<vmem>>, vector<1x16xi32>,
    %get3A_28 = arith.constant 0 : i32
    %get3A_29 = arith.index_cast %get3A_28 : i32 to index
    %get3A_30 = arith.constant 32 : index
    %get3A_31 = tpu.vector_load %arg7[%get3A_29, %get3A_30] {strides = array<i32>} : memref<100x64xi32, #tpu.memory_space<vmem>>, vector<1x16xi32>,
    %get3A_32 = vector.shape_cast %get3A_31 : vector<1x16xi32> to vector<16xi32>
    %shift_right_arithmetic3A_33 = arith.constant 1 : i32
    %shift_right_arithmetic3A_34 = vector.broadcast %shift_right_arithmetic3A_33 : i32 to vector<16xi32>
    %shift_right_arithmetic3A_35 = arith.shrsi %get3A_32, %shift_right_arithmetic3A_34 : vector<16xi32>
    %swap3A_36 = arith.constant 0 : i32
    %swap3A_37 = arith.index_cast %swap3A_36 : i32 to index
    %swap3A_38 = arith.constant 32 : index
    %swap3A_39 = tpu.vector_load %arg8[%swap3A_37, %swap3A_38] {strides = array<i32>} : memref<4x64xi32, #tpu.memory_space<vmem>>, vector<1x16xi32>,
    %swap3A_40 = vector.shape_cast %swap3A_39 : vector<1x16xi32> to vector<16xi32>
    %swap3A_41 = vector.shape_cast %shift_right_arithmetic3A_35 : vector<16xi32> to vector<1x16xi32>
    tpu.vector_store %arg8[%swap3A_37, %swap3A_38], %swap3A_41 {strides = array<i32>} : memref<4x64xi32, #tpu.memory_space<vmem>>, vector<1x16xi32>,
    %get3A_42 = arith.constant 0 : i32
    %get3A_43 = arith.index_cast %get3A_42 : i32 to index
    %get3A_44 = arith.constant 48 : index
    %get3A_45 = tpu.vector_load %arg7[%get3A_43, %get3A_44] {strides = array<i32>} : memref<100x64xi32, #tpu.memory_space<vmem>>, vector<1x16xi32>,
    %get3A_46 = vector.shape_cast %get3A_45 : vector<1x16xi32> to vector<16xi32>
    %shift_right_arithmetic3A_47 = arith.constant 1 : i32
    %shift_right_arithmetic3A_48 = vector.broadcast %shift_right_arithmetic3A_47 : i32 to vector<16xi32>
    %shift_right_arithmetic3A_49 = arith.shrsi %get3A_46, %shift_right_arithmetic3A_48 : vector<16xi32>
    %swap3A_50 = arith.constant 0 : i32
    %swap3A_51 = arith.index_cast %swap3A_50 : i32 to index
    %swap3A_52 = arith.constant 48 : index
    %swap3A_53 = tpu.vector_load %arg8[%swap3A_51, %swap3A_52] {strides = array<i32>} : memref<4x64xi32, #tpu.memory_space<vmem>>, vector<1x16xi32>,
    %swap3A_54 = vector.shape_cast %swap3A_53 : vector<1x16xi32> to vector<16xi32>
    %swap3A_55 = vector.shape_cast %shift_right_arithmetic3A_49 : vector<16xi32> to vector<1x16xi32>
    tpu.vector_store %arg8[%swap3A_51, %swap3A_52], %swap3A_55 {strides = array<i32>} : memref<4x64xi32, #tpu.memory_space<vmem>>, vector<1x16xi32>,
    %dma_start3A = arith.constant 0 : i32
    %dma_start3A_56 = arith.constant 0 : i32
    %dma_start3A_57 = arith.constant 0 : i32
    %dma_start3A_58 = arith.constant 0 : i32
    %dma_start3A_59 = tpu.memref_slice %arg9[%dma_start3A_56, %dma_start3A_57, %dma_start3A_58] : memref<4x64x128xf32, #tpu.memory_space<vmem>> -> memref<1x64x128xf32, #tpu.memory_space<vmem>>
    %dma_start3A_60 = tpu.memref_squeeze %dma_start3A_59 : memref<1x64x128xf32, #tpu.memory_space<vmem>> -> memref<64x128xf32, #tpu.memory_space<vmem>>
    %dma_start3A_61 = arith.constant 0 : i32
    %dma_start3A_62 = tpu.memref_slice %arg8[%dma_start3A, %dma_start3A_61] : memref<4x64xi32, #tpu.memory_space<vmem>> -> memref<1x64xi32, #tpu.memory_space<vmem>>
    %dma_start3A_63 = tpu.memref_squeeze %dma_start3A_62 : memref<1x64xi32, #tpu.memory_space<vmem>> -> memref<64xi32, #tpu.memory_space<vmem>>
    %dma_start3A_64 = arith.constant 0 : i32
    %dma_start3A_65 = arith.constant 0 : i32
    %dma_start3A_66 = tpu.memref_slice %arg3[%dma_start3A_64, %dma_start3A_65] : memref<500000x128xf32, #tpu.memory_space<hbm>> -> memref<500000x128xf32, #tpu.memory_space<hbm>>
    tpu.enqueue_indirect_dma source(%dma_start3A_66 : memref<500000x128xf32, #tpu.memory_space<hbm>>) target(%dma_start3A_60 : memref<64x128xf32, #tpu.memory_space<vmem>>) offsets(%dma_start3A_63 : memref<64xi32, #tpu.memory_space<vmem>>) semaphore(%arg13 : memref<!tpu.dma_semaphore, #tpu.memory_space<semaphore_mem>>)
    %get3A_67 = arith.constant 1 : i32
    %get3A_68 = arith.index_cast %get3A_67 : i32 to index
    %get3A_69 = arith.constant 0 : index
    %get3A_70 = tpu.vector_load %arg7[%get3A_68, %get3A_69] {strides = array<i32>} : memref<100x64xi32, #tpu.memory_space<vmem>>, vector<1x16xi32>,
    %get3A_71 = vector.shape_cast %get3A_70 : vector<1x16xi32> to vector<16xi32>
    %shift_right_arithmetic3A_72 = arith.constant 1 : i32
    %shift_right_arithmetic3A_73 = vector.broadcast %shift_right_arithmetic3A_72 : i32 to vector<16xi32>
    %shift_right_arithmetic3A_74 = arith.shrsi %get3A_71, %shift_right_arithmetic3A_73 : vector<16xi32>
    %swap3A_75 = arith.constant 1 : i32
    %swap3A_76 = arith.index_cast %swap3A_75 : i32 to index
    %swap3A_77 = arith.constant 0 : index
    %swap3A_78 = tpu.vector_load %arg8[%swap3A_76, %swap3A_77] {strides = array<i32>} : memref<4x64xi32, #tpu.memory_space<vmem>>, vector<1x16xi32>,
    %swap3A_79 = vector.shape_cast %swap3A_78 : vector<1x16xi32> to vector<16xi32>
    %swap3A_80 = vector.shape_cast %shift_right_arithmetic3A_74 : vector<16xi32> to vector<1x16xi32>
    tpu.vector_store %arg8[%swap3A_76, %swap3A_77], %swap3A_80 {strides = array<i32>} : memref<4x64xi32, #tpu.memory_space<vmem>>, vector<1x16xi32>,
    %get3A_81 = arith.constant 1 : i32
    %get3A_82 = arith.index_cast %get3A_81 : i32 to index
    %get3A_83 = arith.constant 16 : index
    %get3A_84 = tpu.vector_load %arg7[%get3A_82, %get3A_83] {strides = array<i32>} : memref<100x64xi32, #tpu.memory_space<vmem>>, vector<1x16xi32>,
    %get3A_85 = vector.shape_cast %get3A_84 : vector<1x16xi32> to vector<16xi32>
    %shift_right_arithmetic3A_86 = arith.constant 1 : i32
    %shift_right_arithmetic3A_87 = vector.broadcast %shift_right_arithmetic3A_86 : i32 to vector<16xi32>
    %shift_right_arithmetic3A_88 = arith.shrsi %get3A_85, %shift_right_arithmetic3A_87 : vector<16xi32>
    %swap3A_89 = arith.constant 1 : i32
    %swap3A_90 = arith.index_cast %swap3A_89 : i32 to index
    %swap3A_91 = arith.constant 16 : index
    %swap3A_92 = tpu.vector_load %arg8[%swap3A_90, %swap3A_91] {strides = array<i32>} : memref<4x64xi32, #tpu.memory_space<vmem>>, vector<1x16xi32>,
    %swap3A_93 = vector.shape_cast %swap3A_92 : vector<1x16xi32> to vector<16xi32>
    %swap3A_94 = vector.shape_cast %shift_right_arithmetic3A_88 : vector<16xi32> to vector<1x16xi32>
    tpu.vector_store %arg8[%swap3A_90, %swap3A_91], %swap3A_94 {strides = array<i32>} : memref<4x64xi32, #tpu.memory_space<vmem>>, vector<1x16xi32>,
    %get3A_95 = arith.constant 1 : i32
    %get3A_96 = arith.index_cast %get3A_95 : i32 to index
    %get3A_97 = arith.constant 32 : index
    %get3A_98 = tpu.vector_load %arg7[%get3A_96, %get3A_97] {strides = array<i32>} : memref<100x64xi32, #tpu.memory_space<vmem>>, vector<1x16xi32>,
    %get3A_99 = vector.shape_cast %get3A_98 : vector<1x16xi32> to vector<16xi32>
    %shift_right_arithmetic3A_100 = arith.constant 1 : i32
    %shift_right_arithmetic3A_101 = vector.broadcast %shift_right_arithmetic3A_100 : i32 to vector<16xi32>
    %shift_right_arithmetic3A_102 = arith.shrsi %get3A_99, %shift_right_arithmetic3A_101 : vector<16xi32>
    %swap3A_103 = arith.constant 1 : i32
    %swap3A_104 = arith.index_cast %swap3A_103 : i32 to index
    %swap3A_105 = arith.constant 32 : index
    %swap3A_106 = tpu.vector_load %arg8[%swap3A_104, %swap3A_105] {strides = array<i32>} : memref<4x64xi32, #tpu.memory_space<vmem>>, vector<1x16xi32>,
    %swap3A_107 = vector.shape_cast %swap3A_106 : vector<1x16xi32> to vector<16xi32>
    %swap3A_108 = vector.shape_cast %shift_right_arithmetic3A_102 : vector<16xi32> to vector<1x16xi32>
    tpu.vector_store %arg8[%swap3A_104, %swap3A_105], %swap3A_108 {strides = array<i32>} : memref<4x64xi32, #tpu.memory_space<vmem>>, vector<1x16xi32>,
    %get3A_109 = arith.constant 1 : i32
    %get3A_110 = arith.index_cast %get3A_109 : i32 to index
    %get3A_111 = arith.constant 48 : index
    %get3A_112 = tpu.vector_load %arg7[%get3A_110, %get3A_111] {strides = array<i32>} : memref<100x64xi32, #tpu.memory_space<vmem>>, vector<1x16xi32>,
    %get3A_113 = vector.shape_cast %get3A_112 : vector<1x16xi32> to vector<16xi32>
    %shift_right_arithmetic3A_114 = arith.constant 1 : i32
    %shift_right_arithmetic3A_115 = vector.broadcast %shift_right_arithmetic3A_114 : i32 to vector<16xi32>
    %shift_right_arithmetic3A_116 = arith.shrsi %get3A_113, %shift_right_arithmetic3A_115 : vector<16xi32>
    %swap3A_117 = arith.constant 1 : i32
    %swap3A_118 = arith.index_cast %swap3A_117 : i32 to index
    %swap3A_119 = arith.constant 48 : index
    %swap3A_120 = tpu.vector_load %arg8[%swap3A_118, %swap3A_119] {strides = array<i32>} : memref<4x64xi32, #tpu.memory_space<vmem>>, vector<1x16xi32>,
    %swap3A_121 = vector.shape_cast %swap3A_120 : vector<1x16xi32> to vector<16xi32>
    %swap3A_122 = vector.shape_cast %shift_right_arithmetic3A_116 : vector<16xi32> to vector<1x16xi32>
    tpu.vector_store %arg8[%swap3A_118, %swap3A_119], %swap3A_122 {strides = array<i32>} : memref<4x64xi32, #tpu.memory_space<vmem>>, vector<1x16xi32>,
    %dma_start3A_123 = arith.constant 1 : i32
    %dma_start3A_124 = arith.constant 1 : i32
    %dma_start3A_125 = arith.constant 0 : i32
    %dma_start3A_126 = arith.constant 0 : i32
    %dma_start3A_127 = tpu.memref_slice %arg9[%dma_start3A_124, %dma_start3A_125, %dma_start3A_126] : memref<4x64x128xf32, #tpu.memory_space<vmem>> -> memref<1x64x128xf32, #tpu.memory_space<vmem>>
    %dma_start3A_128 = tpu.memref_squeeze %dma_start3A_127 : memref<1x64x128xf32, #tpu.memory_space<vmem>> -> memref<64x128xf32, #tpu.memory_space<vmem>>
    %dma_start3A_129 = arith.constant 0 : i32
    %dma_start3A_130 = tpu.memref_slice %arg8[%dma_start3A_123, %dma_start3A_129] : memref<4x64xi32, #tpu.memory_space<vmem>> -> memref<1x64xi32, #tpu.memory_space<vmem>>
    %dma_start3A_131 = tpu.memref_squeeze %dma_start3A_130 : memref<1x64xi32, #tpu.memory_space<vmem>> -> memref<64xi32, #tpu.memory_space<vmem>>
    %dma_start3A_132 = arith.constant 0 : i32
    %dma_start3A_133 = arith.constant 0 : i32
    %dma_start3A_134 = tpu.memref_slice %arg3[%dma_start3A_132, %dma_start3A_133] : memref<500000x128xf32, #tpu.memory_space<hbm>> -> memref<500000x128xf32, #tpu.memory_space<hbm>>
    tpu.enqueue_indirect_dma source(%dma_start3A_134 : memref<500000x128xf32, #tpu.memory_space<hbm>>) target(%dma_start3A_128 : memref<64x128xf32, #tpu.memory_space<vmem>>) offsets(%dma_start3A_131 : memref<64xi32, #tpu.memory_space<vmem>>) semaphore(%arg14 : memref<!tpu.dma_semaphore, #tpu.memory_space<semaphore_mem>>)
    %get3A_135 = arith.constant 2 : i32
    %get3A_136 = arith.index_cast %get3A_135 : i32 to index
    %get3A_137 = arith.constant 0 : index
    %get3A_138 = tpu.vector_load %arg7[%get3A_136, %get3A_137] {strides = array<i32>} : memref<100x64xi32, #tpu.memory_space<vmem>>, vector<1x16xi32>,
    %get3A_139 = vector.shape_cast %get3A_138 : vector<1x16xi32> to vector<16xi32>
    %shift_right_arithmetic3A_140 = arith.constant 1 : i32
    %shift_right_arithmetic3A_141 = vector.broadcast %shift_right_arithmetic3A_140 : i32 to vector<16xi32>
    %shift_right_arithmetic3A_142 = arith.shrsi %get3A_139, %shift_right_arithmetic3A_141 : vector<16xi32>
    %swap3A_143 = arith.constant 2 : i32
    %swap3A_144 = arith.index_cast %swap3A_143 : i32 to index
    %swap3A_145 = arith.constant 0 : index
    %swap3A_146 = tpu.vector_load %arg8[%swap3A_144, %swap3A_145] {strides = array<i32>} : memref<4x64xi32, #tpu.memory_space<vmem>>, vector<1x16xi32>,
    %swap3A_147 = vector.shape_cast %swap3A_146 : vector<1x16xi32> to vector<16xi32>
    %swap3A_148 = vector.shape_cast %shift_right_arithmetic3A_142 : vector<16xi32> to vector<1x16xi32>
    tpu.vector_store %arg8[%swap3A_144, %swap3A_145], %swap3A_148 {strides = array<i32>} : memref<4x64xi32, #tpu.memory_space<vmem>>, vector<1x16xi32>,
    %get3A_149 = arith.constant 2 : i32
    %get3A_150 = arith.index_cast %get3A_149 : i32 to index
    %get3A_151 = arith.constant 16 : index
    %get3A_152 = tpu.vector_load %arg7[%get3A_150, %get3A_151] {strides = array<i32>} : memref<100x64xi32, #tpu.memory_space<vmem>>, vector<1x16xi32>,
    %get3A_153 = vector.shape_cast %get3A_152 : vector<1x16xi32> to vector<16xi32>
    %shift_right_arithmetic3A_154 = arith.constant 1 : i32
    %shift_right_arithmetic3A_155 = vector.broadcast %shift_right_arithmetic3A_154 : i32 to vector<16xi32>
    %shift_right_arithmetic3A_156 = arith.shrsi %get3A_153, %shift_right_arithmetic3A_155 : vector<16xi32>
    %swap3A_157 = arith.constant 2 : i32
    %swap3A_158 = arith.index_cast %swap3A_157 : i32 to index
    %swap3A_159 = arith.constant 16 : index
    %swap3A_160 = tpu.vector_load %arg8[%swap3A_158, %swap3A_159] {strides = array<i32>} : memref<4x64xi32, #tpu.memory_space<vmem>>, vector<1x16xi32>,
    %swap3A_161 = vector.shape_cast %swap3A_160 : vector<1x16xi32> to vector<16xi32>
    %swap3A_162 = vector.shape_cast %shift_right_arithmetic3A_156 : vector<16xi32> to vector<1x16xi32>
    tpu.vector_store %arg8[%swap3A_158, %swap3A_159], %swap3A_162 {strides = array<i32>} : memref<4x64xi32, #tpu.memory_space<vmem>>, vector<1x16xi32>,
    %get3A_163 = arith.constant 2 : i32
    %get3A_164 = arith.index_cast %get3A_163 : i32 to index
    %get3A_165 = arith.constant 32 : index
    %get3A_166 = tpu.vector_load %arg7[%get3A_164, %get3A_165] {strides = array<i32>} : memref<100x64xi32, #tpu.memory_space<vmem>>, vector<1x16xi32>,
    %get3A_167 = vector.shape_cast %get3A_166 : vector<1x16xi32> to vector<16xi32>
    %shift_right_arithmetic3A_168 = arith.constant 1 : i32
    %shift_right_arithmetic3A_169 = vector.broadcast %shift_right_arithmetic3A_168 : i32 to vector<16xi32>
    %shift_right_arithmetic3A_170 = arith.shrsi %get3A_167, %shift_right_arithmetic3A_169 : vector<16xi32>
    %swap3A_171 = arith.constant 2 : i32
    %swap3A_172 = arith.index_cast %swap3A_171 : i32 to index
    %swap3A_173 = arith.constant 32 : index
    %swap3A_174 = tpu.vector_load %arg8[%swap3A_172, %swap3A_173] {strides = array<i32>} : memref<4x64xi32, #tpu.memory_space<vmem>>, vector<1x16xi32>,
    %swap3A_175 = vector.shape_cast %swap3A_174 : vector<1x16xi32> to vector<16xi32>
    %swap3A_176 = vector.shape_cast %shift_right_arithmetic3A_170 : vector<16xi32> to vector<1x16xi32>
    tpu.vector_store %arg8[%swap3A_172, %swap3A_173], %swap3A_176 {strides = array<i32>} : memref<4x64xi32, #tpu.memory_space<vmem>>, vector<1x16xi32>,
    %get3A_177 = arith.constant 2 : i32
    %get3A_178 = arith.index_cast %get3A_177 : i32 to index
    %get3A_179 = arith.constant 48 : index
    %get3A_180 = tpu.vector_load %arg7[%get3A_178, %get3A_179] {strides = array<i32>} : memref<100x64xi32, #tpu.memory_space<vmem>>, vector<1x16xi32>,
    %get3A_181 = vector.shape_cast %get3A_180 : vector<1x16xi32> to vector<16xi32>
    %shift_right_arithmetic3A_182 = arith.constant 1 : i32
    %shift_right_arithmetic3A_183 = vector.broadcast %shift_right_arithmetic3A_182 : i32 to vector<16xi32>
    %shift_right_arithmetic3A_184 = arith.shrsi %get3A_181, %shift_right_arithmetic3A_183 : vector<16xi32>
    %swap3A_185 = arith.constant 2 : i32
    %swap3A_186 = arith.index_cast %swap3A_185 : i32 to index
    %swap3A_187 = arith.constant 48 : index
    %swap3A_188 = tpu.vector_load %arg8[%swap3A_186, %swap3A_187] {strides = array<i32>} : memref<4x64xi32, #tpu.memory_space<vmem>>, vector<1x16xi32>,
    %swap3A_189 = vector.shape_cast %swap3A_188 : vector<1x16xi32> to vector<16xi32>
    %swap3A_190 = vector.shape_cast %shift_right_arithmetic3A_184 : vector<16xi32> to vector<1x16xi32>
    tpu.vector_store %arg8[%swap3A_186, %swap3A_187], %swap3A_190 {strides = array<i32>} : memref<4x64xi32, #tpu.memory_space<vmem>>, vector<1x16xi32>,
    %dma_start3A_191 = arith.constant 2 : i32
    %dma_start3A_192 = arith.constant 2 : i32
    %dma_start3A_193 = arith.constant 0 : i32
    %dma_start3A_194 = arith.constant 0 : i32
    %dma_start3A_195 = tpu.memref_slice %arg9[%dma_start3A_192, %dma_start3A_193, %dma_start3A_194] : memref<4x64x128xf32, #tpu.memory_space<vmem>> -> memref<1x64x128xf32, #tpu.memory_space<vmem>>
    %dma_start3A_196 = tpu.memref_squeeze %dma_start3A_195 : memref<1x64x128xf32, #tpu.memory_space<vmem>> -> memref<64x128xf32, #tpu.memory_space<vmem>>
    %dma_start3A_197 = arith.constant 0 : i32
    %dma_start3A_198 = tpu.memref_slice %arg8[%dma_start3A_191, %dma_start3A_197] : memref<4x64xi32, #tpu.memory_space<vmem>> -> memref<1x64xi32, #tpu.memory_space<vmem>>
    %dma_start3A_199 = tpu.memref_squeeze %dma_start3A_198 : memref<1x64xi32, #tpu.memory_space<vmem>> -> memref<64xi32, #tpu.memory_space<vmem>>
    %dma_start3A_200 = arith.constant 0 : i32
    %dma_start3A_201 = arith.constant 0 : i32
    %dma_start3A_202 = tpu.memref_slice %arg3[%dma_start3A_200, %dma_start3A_201] : memref<500000x128xf32, #tpu.memory_space<hbm>> -> memref<500000x128xf32, #tpu.memory_space<hbm>>
    tpu.enqueue_indirect_dma source(%dma_start3A_202 : memref<500000x128xf32, #tpu.memory_space<hbm>>) target(%dma_start3A_196 : memref<64x128xf32, #tpu.memory_space<vmem>>) offsets(%dma_start3A_199 : memref<64xi32, #tpu.memory_space<vmem>>) semaphore(%arg15 : memref<!tpu.dma_semaphore, #tpu.memory_space<semaphore_mem>>)
    %scan3A = arith.constant 0 : i32
    %scan3A_203 = arith.constant 0 : i32
    %scan3A_204 = arith.constant 25 : i32
    %scan3A_205 = arith.addi %scan3A_203, %scan3A_204 : i32
    %scan3A_206 = arith.constant 1 : i32
    scf.for %scan3A_243 = %scan3A_203 to %scan3A_205 step %scan3A_206  : i32 {
      %mul3A_244 = arith.constant 4 : i32
      %mul3A_245 = arith.muli %mul3A_244, %scan3A_243 : i32
      %add3A_246 = arith.constant 0 : i32
      %add3A_247 = arith.addi %mul3A_245, %add3A_246 : i32
      %ge3A = arith.constant 2 : i32
      %ge3A_248 = arith.cmpi sge, %add3A_247, %ge3A : i32
      %convert_element_type3A = arith.extui %ge3A_248 : i1 to i32
      %cond3A = arith.constant 0 : i32
      %cond3A_249 = arith.cmpi ne, %convert_element_type3A, %cond3A : i32
      scf.if %cond3A_249 {
        %sub3A = arith.constant 2 : i32
        %sub3A_497 = arith.subi %add3A_247, %sub3A : i32
        %dma_wait3A_498 = arith.constant 0 : i32
        %dma_wait3A_499 = arith.constant 0 : i32
        %dma_wait3A_500 = arith.constant 0 : i32
        %dma_wait3A_501 = tpu.memref_slice %arg10[%dma_wait3A_498, %dma_wait3A_499, %dma_wait3A_500] : memref<2x64x128xf32, #tpu.memory_space<vmem>> -> memref<1x64x128xf32, #tpu.memory_space<vmem>>
        %dma_wait3A_502 = tpu.memref_squeeze %dma_wait3A_501 : memref<1x64x128xf32, #tpu.memory_space<vmem>> -> memref<64x128xf32, #tpu.memory_space<vmem>>
        %dma_wait3A_503 = arith.constant 0 : i32
        %dma_wait3A_504 = arith.constant 0 : i32
        %dma_wait3A_505 = tpu.memref_slice %arg6[%add3A, %sub3A_497, %dma_wait3A_503, %dma_wait3A_504] : memref<32x100x64x128xf32, #tpu.memory_space<hbm>> -> memref<1x1x64x128xf32, #tpu.memory_space<hbm>>
        %dma_wait3A_506 = tpu.memref_squeeze %dma_wait3A_505 : memref<1x1x64x128xf32, #tpu.memory_space<hbm>> -> memref<64x128xf32, #tpu.memory_space<hbm>>
        %dma_wait3A_507 = arith.constant 0 : i32
        %dma_wait3A_508 = arith.constant 0 : i32
        %dma_wait3A_509 = tpu.memref_slice %arg6[%add3A, %sub3A_497, %dma_wait3A_507, %dma_wait3A_508] : memref<32x100x64x128xf32, #tpu.memory_space<hbm>> -> memref<1x1x64x128xf32, #tpu.memory_space<hbm>>
        %dma_wait3A_510 = tpu.memref_squeeze %dma_wait3A_509 : memref<1x1x64x128xf32, #tpu.memory_space<hbm>> -> memref<64x128xf32, #tpu.memory_space<hbm>>
        %dma_wait3A_511 = arith.constant 0 : i32
        %dma_wait3A_512 = arith.constant 0 : i32
        %dma_wait3A_513 = tpu.memref_slice %arg10[%dma_wait3A_498, %dma_wait3A_511, %dma_wait3A_512] : memref<2x64x128xf32, #tpu.memory_space<vmem>> -> memref<1x64x128xf32, #tpu.memory_space<vmem>>
        %dma_wait3A_514 = tpu.memref_squeeze %dma_wait3A_513 : memref<1x64x128xf32, #tpu.memory_space<vmem>> -> memref<64x128xf32, #tpu.memory_space<vmem>>
        tpu.wait_dma2 semaphore(%arg17 : memref<!tpu.dma_semaphore, #tpu.memory_space<semaphore_mem>>) src(%dma_wait3A_514 : memref<64x128xf32, #tpu.memory_space<vmem>>) dst(%dma_wait3A_510 : memref<64x128xf32, #tpu.memory_space<hbm>>)
      } else {
      }
      %add3A_250 = arith.constant 3 : i32
      %add3A_251 = arith.addi %add3A_247, %add3A_250 : i32
      %lt3A = arith.constant 100 : i32
      %lt3A_252 = arith.cmpi slt, %add3A_251, %lt3A : i32
      %convert_element_type3A_253 = arith.extui %lt3A_252 : i1 to i32
      %cond3A_254 = arith.constant 0 : i32
      %cond3A_255 = arith.cmpi ne, %convert_element_type3A_253, %cond3A_254 : i32
      scf.if %cond3A_255 {
        %add3A_497 = arith.constant 3 : i32
        %add3A_498 = arith.addi %add3A_247, %add3A_497 : i32
        %get3A_499 = arith.index_cast %add3A_498 : i32 to index
        %get3A_500 = arith.constant 0 : index
        %get3A_501 = tpu.vector_load %arg7[%get3A_499, %get3A_500] {strides = array<i32>} : memref<100x64xi32, #tpu.memory_space<vmem>>, vector<1x16xi32>,
        %get3A_502 = vector.shape_cast %get3A_501 : vector<1x16xi32> to vector<16xi32>
        %shift_right_arithmetic3A_503 = arith.constant 1 : i32
        %shift_right_arithmetic3A_504 = vector.broadcast %shift_right_arithmetic3A_503 : i32 to vector<16xi32>
        %shift_right_arithmetic3A_505 = arith.shrsi %get3A_502, %shift_right_arithmetic3A_504 : vector<16xi32>
        %swap3A_506 = arith.constant 3 : i32
        %swap3A_507 = arith.index_cast %swap3A_506 : i32 to index
        %swap3A_508 = arith.constant 0 : index
        %swap3A_509 = tpu.vector_load %arg8[%swap3A_507, %swap3A_508] {strides = array<i32>} : memref<4x64xi32, #tpu.memory_space<vmem>>, vector<1x16xi32>,
        %swap3A_510 = vector.shape_cast %swap3A_509 : vector<1x16xi32> to vector<16xi32>
        %swap3A_511 = vector.shape_cast %shift_right_arithmetic3A_505 : vector<16xi32> to vector<1x16xi32>
        tpu.vector_store %arg8[%swap3A_507, %swap3A_508], %swap3A_511 {strides = array<i32>} : memref<4x64xi32, #tpu.memory_space<vmem>>, vector<1x16xi32>,
        %get3A_512 = arith.index_cast %add3A_498 : i32 to index
        %get3A_513 = arith.constant 16 : index
        %get3A_514 = tpu.vector_load %arg7[%get3A_512, %get3A_513] {strides = array<i32>} : memref<100x64xi32, #tpu.memory_space<vmem>>, vector<1x16xi32>,
        %get3A_515 = vector.shape_cast %get3A_514 : vector<1x16xi32> to vector<16xi32>
        %shift_right_arithmetic3A_516 = arith.constant 1 : i32
        %shift_right_arithmetic3A_517 = vector.broadcast %shift_right_arithmetic3A_516 : i32 to vector<16xi32>
        %shift_right_arithmetic3A_518 = arith.shrsi %get3A_515, %shift_right_arithmetic3A_517 : vector<16xi32>
        %swap3A_519 = arith.constant 3 : i32
        %swap3A_520 = arith.index_cast %swap3A_519 : i32 to index
        %swap3A_521 = arith.constant 16 : index
        %swap3A_522 = tpu.vector_load %arg8[%swap3A_520, %swap3A_521] {strides = array<i32>} : memref<4x64xi32, #tpu.memory_space<vmem>>, vector<1x16xi32>,
        %swap3A_523 = vector.shape_cast %swap3A_522 : vector<1x16xi32> to vector<16xi32>
        %swap3A_524 = vector.shape_cast %shift_right_arithmetic3A_518 : vector<16xi32> to vector<1x16xi32>
        tpu.vector_store %arg8[%swap3A_520, %swap3A_521], %swap3A_524 {strides = array<i32>} : memref<4x64xi32, #tpu.memory_space<vmem>>, vector<1x16xi32>,
        %get3A_525 = arith.index_cast %add3A_498 : i32 to index
        %get3A_526 = arith.constant 32 : index
        %get3A_527 = tpu.vector_load %arg7[%get3A_525, %get3A_526] {strides = array<i32>} : memref<100x64xi32, #tpu.memory_space<vmem>>, vector<1x16xi32>,
        %get3A_528 = vector.shape_cast %get3A_527 : vector<1x16xi32> to vector<16xi32>
        %shift_right_arithmetic3A_529 = arith.constant 1 : i32
        %shift_right_arithmetic3A_530 = vector.broadcast %shift_right_arithmetic3A_529 : i32 to vector<16xi32>
        %shift_right_arithmetic3A_531 = arith.shrsi %get3A_528, %shift_right_arithmetic3A_530 : vector<16xi32>
        %swap3A_532 = arith.constant 3 : i32
        %swap3A_533 = arith.index_cast %swap3A_532 : i32 to index
        %swap3A_534 = arith.constant 32 : index
        %swap3A_535 = tpu.vector_load %arg8[%swap3A_533, %swap3A_534] {strides = array<i32>} : memref<4x64xi32, #tpu.memory_space<vmem>>, vector<1x16xi32>,
        %swap3A_536 = vector.shape_cast %swap3A_535 : vector<1x16xi32> to vector<16xi32>
        %swap3A_537 = vector.shape_cast %shift_right_arithmetic3A_531 : vector<16xi32> to vector<1x16xi32>
        tpu.vector_store %arg8[%swap3A_533, %swap3A_534], %swap3A_537 {strides = array<i32>} : memref<4x64xi32, #tpu.memory_space<vmem>>, vector<1x16xi32>,
        %get3A_538 = arith.index_cast %add3A_498 : i32 to index
        %get3A_539 = arith.constant 48 : index
        %get3A_540 = tpu.vector_load %arg7[%get3A_538, %get3A_539] {strides = array<i32>} : memref<100x64xi32, #tpu.memory_space<vmem>>, vector<1x16xi32>,
        %get3A_541 = vector.shape_cast %get3A_540 : vector<1x16xi32> to vector<16xi32>
        %shift_right_arithmetic3A_542 = arith.constant 1 : i32
        %shift_right_arithmetic3A_543 = vector.broadcast %shift_right_arithmetic3A_542 : i32 to vector<16xi32>
        %shift_right_arithmetic3A_544 = arith.shrsi %get3A_541, %shift_right_arithmetic3A_543 : vector<16xi32>
        %swap3A_545 = arith.constant 3 : i32
        %swap3A_546 = arith.index_cast %swap3A_545 : i32 to index
        %swap3A_547 = arith.constant 48 : index
        %swap3A_548 = tpu.vector_load %arg8[%swap3A_546, %swap3A_547] {strides = array<i32>} : memref<4x64xi32, #tpu.memory_space<vmem>>, vector<1x16xi32>,
        %swap3A_549 = vector.shape_cast %swap3A_548 : vector<1x16xi32> to vector<16xi32>
        %swap3A_550 = vector.shape_cast %shift_right_arithmetic3A_544 : vector<16xi32> to vector<1x16xi32>
        tpu.vector_store %arg8[%swap3A_546, %swap3A_547], %swap3A_550 {strides = array<i32>} : memref<4x64xi32, #tpu.memory_space<vmem>>, vector<1x16xi32>,
        %dma_start3A_551 = arith.constant 3 : i32
        %dma_start3A_552 = arith.constant 3 : i32
        %dma_start3A_553 = arith.constant 0 : i32
        %dma_start3A_554 = arith.constant 0 : i32
        %dma_start3A_555 = tpu.memref_slice %arg9[%dma_start3A_552, %dma_start3A_553, %dma_start3A_554] : memref<4x64x128xf32, #tpu.memory_space<vmem>> -> memref<1x64x128xf32, #tpu.memory_space<vmem>>
        %dma_start3A_556 = tpu.memref_squeeze %dma_start3A_555 : memref<1x64x128xf32, #tpu.memory_space<vmem>> -> memref<64x128xf32, #tpu.memory_space<vmem>>
        %dma_start3A_557 = arith.constant 0 : i32
        %dma_start3A_558 = tpu.memref_slice %arg8[%dma_start3A_551, %dma_start3A_557] : memref<4x64xi32, #tpu.memory_space<vmem>> -> memref<1x64xi32, #tpu.memory_space<vmem>>
        %dma_start3A_559 = tpu.memref_squeeze %dma_start3A_558 : memref<1x64xi32, #tpu.memory_space<vmem>> -> memref<64xi32, #tpu.memory_space<vmem>>
        %dma_start3A_560 = arith.constant 0 : i32
        %dma_start3A_561 = arith.constant 0 : i32
        %dma_start3A_562 = tpu.memref_slice %arg3[%dma_start3A_560, %dma_start3A_561] : memref<500000x128xf32, #tpu.memory_space<hbm>> -> memref<500000x128xf32, #tpu.memory_space<hbm>>
        tpu.enqueue_indirect_dma source(%dma_start3A_562 : memref<500000x128xf32, #tpu.memory_space<hbm>>) target(%dma_start3A_556 : memref<64x128xf32, #tpu.memory_space<vmem>>) offsets(%dma_start3A_559 : memref<64xi32, #tpu.memory_space<vmem>>) semaphore(%arg16 : memref<!tpu.dma_semaphore, #tpu.memory_space<semaphore_mem>>)
      } else {
      }
      %dma_wait3A_256 = arith.constant 0 : i32
      %dma_wait3A_257 = arith.constant 0 : i32
      %dma_wait3A_258 = arith.constant 0 : i32
      %dma_wait3A_259 = arith.constant 0 : i32
      %dma_wait3A_260 = tpu.memref_slice %arg9[%dma_wait3A_257, %dma_wait3A_258, %dma_wait3A_259] : memref<4x64x128xf32, #tpu.memory_space<vmem>> -> memref<1x64x128xf32, #tpu.memory_space<vmem>>
      %dma_wait3A_261 = tpu.memref_squeeze %dma_wait3A_260 : memref<1x64x128xf32, #tpu.memory_space<vmem>> -> memref<64x128xf32, #tpu.memory_space<vmem>>
      %dma_wait3A_262 = arith.constant 0 : i32
      %dma_wait3A_263 = tpu.memref_slice %arg8[%dma_wait3A_256, %dma_wait3A_262] : memref<4x64xi32, #tpu.memory_space<vmem>> -> memref<1x64xi32, #tpu.memory_space<vmem>>
      %dma_wait3A_264 = tpu.memref_squeeze %dma_wait3A_263 : memref<1x64xi32, #tpu.memory_space<vmem>> -> memref<64xi32, #tpu.memory_space<vmem>>
      %dma_wait3A_265 = arith.constant 0 : i32
      %dma_wait3A_266 = arith.constant 0 : i32
      %dma_wait3A_267 = tpu.memref_slice %arg3[%dma_wait3A_265, %dma_wait3A_266] : memref<500000x128xf32, #tpu.memory_space<hbm>> -> memref<500000x128xf32, #tpu.memory_space<hbm>>
      tpu.wait_indirect_dma semaphore(%arg13 : memref<!tpu.dma_semaphore, #tpu.memory_space<semaphore_mem>>) src(%dma_wait3A_267 : memref<500000x128xf32, #tpu.memory_space<hbm>>) dst(%dma_wait3A_261 : memref<64x128xf32, #tpu.memory_space<vmem>>)
      %mul3A_268 = arith.constant 64 : i32
      %mul3A_269 = arith.muli %mul3A_268, %add3A_247 : i32
      %jit3A = arith.constant 200 : i32
      %eq3A = arith.constant 0 : i32
      %eq3A_270 = arith.cmpi eq, %jit3A, %eq3A : i32
      %jit3A_271 = arith.constant 1 : i32
      %select_n3A = arith.select %eq3A_270, %jit3A_271, %jit3A : i32
      %rem3A = arith.remsi %mul3A_269, %select_n3A : i32
      %ne3A = arith.constant 0 : i32
      %ne3A_272 = arith.cmpi ne, %rem3A, %ne3A : i32
      %lt3A_273 = arith.constant 0 : i32
      %lt3A_274 = arith.cmpi slt, %rem3A, %lt3A_273 : i32
      %lt3A_275 = arith.constant 0 : i32
      %lt3A_276 = arith.cmpi slt, %select_n3A, %lt3A_275 : i32
      %ne3A_277 = arith.xori %lt3A_274, %lt3A_276 : i1
      %and3A = arith.andi %ne3A_277, %ne3A_272 : i1
      %add3A_278 = arith.addi %rem3A, %select_n3A : i32
      %select_n3A_279 = arith.select %and3A, %add3A_278, %rem3A : i32
      %parallel_loop3A = arith.constant 0 : i32
      %parallel_loop3A_280 = arith.constant 64 : i32
      %parallel_loop3A_281 = arith.constant 1 : i32
      scf.for %parallel_loop3A_497 = %parallel_loop3A to %parallel_loop3A_280 step %parallel_loop3A_281  : i32 {
        %parallel_loop3A_498 = arith.constant 0 : i32
        %parallel_loop3A_499 = arith.index_cast %parallel_loop3A_498 : i32 to index
        %parallel_loop3A_500 = arith.index_cast %parallel_loop3A_497 : i32 to index
        %parallel_loop3A_501 = arith.constant 0 : index
        %parallel_loop3A_502 = tpu.vector_load %arg9[%parallel_loop3A_499, %parallel_loop3A_500, %parallel_loop3A_501] {strides = array<i32>} : memref<4x64x128xf32, #tpu.memory_space<vmem>>, vector<1x1x16xf32>,
        %parallel_loop3A_503 = vector.shape_cast %parallel_loop3A_502 : vector<1x1x16xf32> to vector<16xf32>
        %parallel_loop3A_504 = arith.constant 0 : i32
        %parallel_loop3A_505 = vector.broadcast %parallel_loop3A_504 : i32 to vector<16xi32>
        %parallel_loop3A_506 = arith.cmpi slt, %xor3A_2, %parallel_loop3A_505 : vector<16xi32>
        %parallel_loop3A_507 = arith.constant 16 : i32
        %parallel_loop3A_508 = vector.broadcast %parallel_loop3A_507 : i32 to vector<16xi32>
        %parallel_loop3A_509 = arith.addi %xor3A_2, %parallel_loop3A_508 : vector<16xi32>
        %parallel_loop3A_510 = arith.select %parallel_loop3A_506, %parallel_loop3A_509, %xor3A_2 : vector<16xi1>, vector<16xi32>
        %parallel_loop3A_511 = vector.shape_cast %parallel_loop3A_510 : vector<16xi32> to vector<16x1xi32>
        %parallel_loop3A_512 = vector.shape_cast %parallel_loop3A_511 : vector<16x1xi32> to vector<16xi32>
        %parallel_loop3A_513 = tpu.dynamic_gather %parallel_loop3A_503[%parallel_loop3A_512] in [0] : vector<16xf32>, vector<16xi32> -> vector<16xf32>
        %parallel_loop3A_514 = arith.addi %select_n3A_279, %parallel_loop3A_497 : i32
        %parallel_loop3A_515 = arith.index_cast %parallel_loop3A_514 : i32 to index
        %parallel_loop3A_516 = arith.constant 0 : index
        %parallel_loop3A_517 = tpu.vector_load %arg11[%parallel_loop3A_515, %parallel_loop3A_516] {strides = array<i32>} : memref<256x128xf32, #tpu.memory_space<vmem>>, vector<1x16xf32>,
        %parallel_loop3A_518 = vector.shape_cast %parallel_loop3A_517 : vector<1x16xf32> to vector<16xf32>
        %parallel_loop3A_519 = arith.addi %select_n3A_279, %parallel_loop3A_497 : i32
        %parallel_loop3A_520 = arith.index_cast %parallel_loop3A_519 : i32 to index
        %parallel_loop3A_521 = arith.constant 0 : index
        %parallel_loop3A_522 = tpu.vector_load %arg12[%parallel_loop3A_520, %parallel_loop3A_521] {strides = array<i32>} : memref<256x128xf32, #tpu.memory_space<vmem>>, vector<1x16xf32>,
        %parallel_loop3A_523 = vector.shape_cast %parallel_loop3A_522 : vector<1x16xf32> to vector<16xf32>
        %parallel_loop3A_524 = arith.mulf %parallel_loop3A_503, %parallel_loop3A_518 : vector<16xf32>
        %parallel_loop3A_525 = arith.mulf %parallel_loop3A_513, %parallel_loop3A_523 : vector<16xf32>
        %parallel_loop3A_526 = arith.addf %parallel_loop3A_524, %parallel_loop3A_525 : vector<16xf32>
        %parallel_loop3A_527 = arith.constant 0 : i32
        %parallel_loop3A_528 = arith.index_cast %parallel_loop3A_527 : i32 to index
        %parallel_loop3A_529 = arith.index_cast %parallel_loop3A_497 : i32 to index
        %parallel_loop3A_530 = arith.constant 0 : index
        %parallel_loop3A_531 = tpu.vector_load %arg10[%parallel_loop3A_528, %parallel_loop3A_529, %parallel_loop3A_530] {strides = array<i32>} : memref<2x64x128xf32, #tpu.memory_space<vmem>>, vector<1x1x16xf32>,
        %parallel_loop3A_532 = vector.shape_cast %parallel_loop3A_531 : vector<1x1x16xf32> to vector<16xf32>
        %parallel_loop3A_533 = vector.shape_cast %parallel_loop3A_526 : vector<16xf32> to vector<1x1x16xf32>
        tpu.vector_store %arg10[%parallel_loop3A_528, %parallel_loop3A_529, %parallel_loop3A_530], %parallel_loop3A_533 {strides = array<i32>} : memref<2x64x128xf32, #tpu.memory_space<vmem>>, vector<1x1x16xf32>,
        %parallel_loop3A_534 = arith.constant 0 : i32
        %parallel_loop3A_535 = arith.index_cast %parallel_loop3A_534 : i32 to index
        %parallel_loop3A_536 = arith.index_cast %parallel_loop3A_497 : i32 to index
        %parallel_loop3A_537 = arith.constant 16 : index
        %parallel_loop3A_538 = tpu.vector_load %arg9[%parallel_loop3A_535, %parallel_loop3A_536, %parallel_loop3A_537] {strides = array<i32>} : memref<4x64x128xf32, #tpu.memory_space<vmem>>, vector<1x1x16xf32>,
        %parallel_loop3A_539 = vector.shape_cast %parallel_loop3A_538 : vector<1x1x16xf32> to vector<16xf32>
        %parallel_loop3A_540 = arith.constant 0 : i32
        %parallel_loop3A_541 = vector.broadcast %parallel_loop3A_540 : i32 to vector<16xi32>
        %parallel_loop3A_542 = arith.cmpi slt, %xor3A_2, %parallel_loop3A_541 : vector<16xi32>
        %parallel_loop3A_543 = arith.constant 16 : i32
        %parallel_loop3A_544 = vector.broadcast %parallel_loop3A_543 : i32 to vector<16xi32>
        %parallel_loop3A_545 = arith.addi %xor3A_2, %parallel_loop3A_544 : vector<16xi32>
        %parallel_loop3A_546 = arith.select %parallel_loop3A_542, %parallel_loop3A_545, %xor3A_2 : vector<16xi1>, vector<16xi32>
        %parallel_loop3A_547 = vector.shape_cast %parallel_loop3A_546 : vector<16xi32> to vector<16x1xi32>
        %parallel_loop3A_548 = vector.shape_cast %parallel_loop3A_547 : vector<16x1xi32> to vector<16xi32>
        %parallel_loop3A_549 = tpu.dynamic_gather %parallel_loop3A_539[%parallel_loop3A_548] in [0] : vector<16xf32>, vector<16xi32> -> vector<16xf32>
        %parallel_loop3A_550 = arith.addi %select_n3A_279, %parallel_loop3A_497 : i32
        %parallel_loop3A_551 = arith.index_cast %parallel_loop3A_550 : i32 to index
        %parallel_loop3A_552 = arith.constant 16 : index
        %parallel_loop3A_553 = tpu.vector_load %arg11[%parallel_loop3A_551, %parallel_loop3A_552] {strides = array<i32>} : memref<256x128xf32, #tpu.memory_space<vmem>>, vector<1x16xf32>,
        %parallel_loop3A_554 = vector.shape_cast %parallel_loop3A_553 : vector<1x16xf32> to vector<16xf32>
        %parallel_loop3A_555 = arith.addi %select_n3A_279, %parallel_loop3A_497 : i32
        %parallel_loop3A_556 = arith.index_cast %parallel_loop3A_555 : i32 to index
        %parallel_loop3A_557 = arith.constant 16 : index
        %parallel_loop3A_558 = tpu.vector_load %arg12[%parallel_loop3A_556, %parallel_loop3A_557] {strides = array<i32>} : memref<256x128xf32, #tpu.memory_space<vmem>>, vector<1x16xf32>,
        %parallel_loop3A_559 = vector.shape_cast %parallel_loop3A_558 : vector<1x16xf32> to vector<16xf32>
        %parallel_loop3A_560 = arith.mulf %parallel_loop3A_539, %parallel_loop3A_554 : vector<16xf32>
        %parallel_loop3A_561 = arith.mulf %parallel_loop3A_549, %parallel_loop3A_559 : vector<16xf32>
        %parallel_loop3A_562 = arith.addf %parallel_loop3A_560, %parallel_loop3A_561 : vector<16xf32>
        %parallel_loop3A_563 = arith.constant 0 : i32
        %parallel_loop3A_564 = arith.index_cast %parallel_loop3A_563 : i32 to index
        %parallel_loop3A_565 = arith.index_cast %parallel_loop3A_497 : i32 to index
        %parallel_loop3A_566 = arith.constant 16 : index
        %parallel_loop3A_567 = tpu.vector_load %arg10[%parallel_loop3A_564, %parallel_loop3A_565, %parallel_loop3A_566] {strides = array<i32>} : memref<2x64x128xf32, #tpu.memory_space<vmem>>, vector<1x1x16xf32>,
        %parallel_loop3A_568 = vector.shape_cast %parallel_loop3A_567 : vector<1x1x16xf32> to vector<16xf32>
        %parallel_loop3A_569 = vector.shape_cast %parallel_loop3A_562 : vector<16xf32> to vector<1x1x16xf32>
        tpu.vector_store %arg10[%parallel_loop3A_564, %parallel_loop3A_565, %parallel_loop3A_566], %parallel_loop3A_569 {strides = array<i32>} : memref<2x64x128xf32, #tpu.memory_space<vmem>>, vector<1x1x16xf32>,
        %parallel_loop3A_570 = arith.constant 0 : i32
        %parallel_loop3A_571 = arith.index_cast %parallel_loop3A_570 : i32 to index
        %parallel_loop3A_572 = arith.index_cast %parallel_loop3A_497 : i32 to index
        %parallel_loop3A_573 = arith.constant 32 : index
        %parallel_loop3A_574 = tpu.vector_load %arg9[%parallel_loop3A_571, %parallel_loop3A_572, %parallel_loop3A_573] {strides = array<i32>} : memref<4x64x128xf32, #tpu.memory_space<vmem>>, vector<1x1x16xf32>,
        %parallel_loop3A_575 = vector.shape_cast %parallel_loop3A_574 : vector<1x1x16xf32> to vector<16xf32>
        %parallel_loop3A_576 = arith.constant 0 : i32
        %parallel_loop3A_577 = vector.broadcast %parallel_loop3A_576 : i32 to vector<16xi32>
        %parallel_loop3A_578 = arith.cmpi slt, %xor3A_2, %parallel_loop3A_577 : vector<16xi32>
        %parallel_loop3A_579 = arith.constant 16 : i32
        %parallel_loop3A_580 = vector.broadcast %parallel_loop3A_579 : i32 to vector<16xi32>
        %parallel_loop3A_581 = arith.addi %xor3A_2, %parallel_loop3A_580 : vector<16xi32>
        %parallel_loop3A_582 = arith.select %parallel_loop3A_578, %parallel_loop3A_581, %xor3A_2 : vector<16xi1>, vector<16xi32>
        %parallel_loop3A_583 = vector.shape_cast %parallel_loop3A_582 : vector<16xi32> to vector<16x1xi32>
        %parallel_loop3A_584 = vector.shape_cast %parallel_loop3A_583 : vector<16x1xi32> to vector<16xi32>
        %parallel_loop3A_585 = tpu.dynamic_gather %parallel_loop3A_575[%parallel_loop3A_584] in [0] : vector<16xf32>, vector<16xi32> -> vector<16xf32>
        %parallel_loop3A_586 = arith.addi %select_n3A_279, %parallel_loop3A_497 : i32
        %parallel_loop3A_587 = arith.index_cast %parallel_loop3A_586 : i32 to index
        %parallel_loop3A_588 = arith.constant 32 : index
        %parallel_loop3A_589 = tpu.vector_load %arg11[%parallel_loop3A_587, %parallel_loop3A_588] {strides = array<i32>} : memref<256x128xf32, #tpu.memory_space<vmem>>, vector<1x16xf32>,
        %parallel_loop3A_590 = vector.shape_cast %parallel_loop3A_589 : vector<1x16xf32> to vector<16xf32>
        %parallel_loop3A_591 = arith.addi %select_n3A_279, %parallel_loop3A_497 : i32
        %parallel_loop3A_592 = arith.index_cast %parallel_loop3A_591 : i32 to index
        %parallel_loop3A_593 = arith.constant 32 : index
        %parallel_loop3A_594 = tpu.vector_load %arg12[%parallel_loop3A_592, %parallel_loop3A_593] {strides = array<i32>} : memref<256x128xf32, #tpu.memory_space<vmem>>, vector<1x16xf32>,
        %parallel_loop3A_595 = vector.shape_cast %parallel_loop3A_594 : vector<1x16xf32> to vector<16xf32>
        %parallel_loop3A_596 = arith.mulf %parallel_loop3A_575, %parallel_loop3A_590 : vector<16xf32>
        %parallel_loop3A_597 = arith.mulf %parallel_loop3A_585, %parallel_loop3A_595 : vector<16xf32>
        %parallel_loop3A_598 = arith.addf %parallel_loop3A_596, %parallel_loop3A_597 : vector<16xf32>
        %parallel_loop3A_599 = arith.constant 0 : i32
        %parallel_loop3A_600 = arith.index_cast %parallel_loop3A_599 : i32 to index
        %parallel_loop3A_601 = arith.index_cast %parallel_loop3A_497 : i32 to index
        %parallel_loop3A_602 = arith.constant 32 : index
        %parallel_loop3A_603 = tpu.vector_load %arg10[%parallel_loop3A_600, %parallel_loop3A_601, %parallel_loop3A_602] {strides = array<i32>} : memref<2x64x128xf32, #tpu.memory_space<vmem>>, vector<1x1x16xf32>,
        %parallel_loop3A_604 = vector.shape_cast %parallel_loop3A_603 : vector<1x1x16xf32> to vector<16xf32>
        %parallel_loop3A_605 = vector.shape_cast %parallel_loop3A_598 : vector<16xf32> to vector<1x1x16xf32>
        tpu.vector_store %arg10[%parallel_loop3A_600, %parallel_loop3A_601, %parallel_loop3A_602], %parallel_loop3A_605 {strides = array<i32>} : memref<2x64x128xf32, #tpu.memory_space<vmem>>, vector<1x1x16xf32>,
        %parallel_loop3A_606 = arith.constant 0 : i32
        %parallel_loop3A_607 = arith.index_cast %parallel_loop3A_606 : i32 to index
        %parallel_loop3A_608 = arith.index_cast %parallel_loop3A_497 : i32 to index
        %parallel_loop3A_609 = arith.constant 48 : index
        %parallel_loop3A_610 = tpu.vector_load %arg9[%parallel_loop3A_607, %parallel_loop3A_608, %parallel_loop3A_609] {strides = array<i32>} : memref<4x64x128xf32, #tpu.memory_space<vmem>>, vector<1x1x16xf32>,
        %parallel_loop3A_611 = vector.shape_cast %parallel_loop3A_610 : vector<1x1x16xf32> to vector<16xf32>
        %parallel_loop3A_612 = arith.constant 0 : i32
        %parallel_loop3A_613 = vector.broadcast %parallel_loop3A_612 : i32 to vector<16xi32>
        %parallel_loop3A_614 = arith.cmpi slt, %xor3A_2, %parallel_loop3A_613 : vector<16xi32>
        %parallel_loop3A_615 = arith.constant 16 : i32
        %parallel_loop3A_616 = vector.broadcast %parallel_loop3A_615 : i32 to vector<16xi32>
        %parallel_loop3A_617 = arith.addi %xor3A_2, %parallel_loop3A_616 : vector<16xi32>
        %parallel_loop3A_618 = arith.select %parallel_loop3A_614, %parallel_loop3A_617, %xor3A_2 : vector<16xi1>, vector<16xi32>
        %parallel_loop3A_619 = vector.shape_cast %parallel_loop3A_618 : vector<16xi32> to vector<16x1xi32>
        %parallel_loop3A_620 = vector.shape_cast %parallel_loop3A_619 : vector<16x1xi32> to vector<16xi32>
        %parallel_loop3A_621 = tpu.dynamic_gather %parallel_loop3A_611[%parallel_loop3A_620] in [0] : vector<16xf32>, vector<16xi32> -> vector<16xf32>
        %parallel_loop3A_622 = arith.addi %select_n3A_279, %parallel_loop3A_497 : i32
        %parallel_loop3A_623 = arith.index_cast %parallel_loop3A_622 : i32 to index
        %parallel_loop3A_624 = arith.constant 48 : index
        %parallel_loop3A_625 = tpu.vector_load %arg11[%parallel_loop3A_623, %parallel_loop3A_624] {strides = array<i32>} : memref<256x128xf32, #tpu.memory_space<vmem>>, vector<1x16xf32>,
        %parallel_loop3A_626 = vector.shape_cast %parallel_loop3A_625 : vector<1x16xf32> to vector<16xf32>
        %parallel_loop3A_627 = arith.addi %select_n3A_279, %parallel_loop3A_497 : i32
        %parallel_loop3A_628 = arith.index_cast %parallel_loop3A_627 : i32 to index
        %parallel_loop3A_629 = arith.constant 48 : index
        %parallel_loop3A_630 = tpu.vector_load %arg12[%parallel_loop3A_628, %parallel_loop3A_629] {strides = array<i32>} : memref<256x128xf32, #tpu.memory_space<vmem>>, vector<1x16xf32>,
        %parallel_loop3A_631 = vector.shape_cast %parallel_loop3A_630 : vector<1x16xf32> to vector<16xf32>
        %parallel_loop3A_632 = arith.mulf %parallel_loop3A_611, %parallel_loop3A_626 : vector<16xf32>
        %parallel_loop3A_633 = arith.mulf %parallel_loop3A_621, %parallel_loop3A_631 : vector<16xf32>
        %parallel_loop3A_634 = arith.addf %parallel_loop3A_632, %parallel_loop3A_633 : vector<16xf32>
        %parallel_loop3A_635 = arith.constant 0 : i32
        %parallel_loop3A_636 = arith.index_cast %parallel_loop3A_635 : i32 to index
        %parallel_loop3A_637 = arith.index_cast %parallel_loop3A_497 : i32 to index
        %parallel_loop3A_638 = arith.constant 48 : index
        %parallel_loop3A_639 = tpu.vector_load %arg10[%parallel_loop3A_636, %parallel_loop3A_637, %parallel_loop3A_638] {strides = array<i32>} : memref<2x64x128xf32, #tpu.memory_space<vmem>>, vector<1x1x16xf32>,
        %parallel_loop3A_640 = vector.shape_cast %parallel_loop3A_639 : vector<1x1x16xf32> to vector<16xf32>
        %parallel_loop3A_641 = vector.shape_cast %parallel_loop3A_634 : vector<16xf32> to vector<1x1x16xf32>
        tpu.vector_store %arg10[%parallel_loop3A_636, %parallel_loop3A_637, %parallel_loop3A_638], %parallel_loop3A_641 {strides = array<i32>} : memref<2x64x128xf32, #tpu.memory_space<vmem>>, vector<1x1x16xf32>,
        %parallel_loop3A_642 = arith.constant 0 : i32
        %parallel_loop3A_643 = arith.index_cast %parallel_loop3A_642 : i32 to index
        %parallel_loop3A_644 = arith.index_cast %parallel_loop3A_497 : i32 to index
        %parallel_loop3A_645 = arith.constant 64 : index
        %parallel_loop3A_646 = tpu.vector_load %arg9[%parallel_loop3A_643, %parallel_loop3A_644, %parallel_loop3A_645] {strides = array<i32>} : memref<4x64x128xf32, #tpu.memory_space<vmem>>, vector<1x1x16xf32>,
        %parallel_loop3A_647 = vector.shape_cast %parallel_loop3A_646 : vector<1x1x16xf32> to vector<16xf32>
        %parallel_loop3A_648 = arith.constant 0 : i32
        %parallel_loop3A_649 = vector.broadcast %parallel_loop3A_648 : i32 to vector<16xi32>
        %parallel_loop3A_650 = arith.cmpi slt, %xor3A_2, %parallel_loop3A_649 : vector<16xi32>
        %parallel_loop3A_651 = arith.constant 16 : i32
        %parallel_loop3A_652 = vector.broadcast %parallel_loop3A_651 : i32 to vector<16xi32>
        %parallel_loop3A_653 = arith.addi %xor3A_2, %parallel_loop3A_652 : vector<16xi32>
        %parallel_loop3A_654 = arith.select %parallel_loop3A_650, %parallel_loop3A_653, %xor3A_2 : vector<16xi1>, vector<16xi32>
        %parallel_loop3A_655 = vector.shape_cast %parallel_loop3A_654 : vector<16xi32> to vector<16x1xi32>
        %parallel_loop3A_656 = vector.shape_cast %parallel_loop3A_655 : vector<16x1xi32> to vector<16xi32>
        %parallel_loop3A_657 = tpu.dynamic_gather %parallel_loop3A_647[%parallel_loop3A_656] in [0] : vector<16xf32>, vector<16xi32> -> vector<16xf32>
        %parallel_loop3A_658 = arith.addi %select_n3A_279, %parallel_loop3A_497 : i32
        %parallel_loop3A_659 = arith.index_cast %parallel_loop3A_658 : i32 to index
        %parallel_loop3A_660 = arith.constant 64 : index
        %parallel_loop3A_661 = tpu.vector_load %arg11[%parallel_loop3A_659, %parallel_loop3A_660] {strides = array<i32>} : memref<256x128xf32, #tpu.memory_space<vmem>>, vector<1x16xf32>,
        %parallel_loop3A_662 = vector.shape_cast %parallel_loop3A_661 : vector<1x16xf32> to vector<16xf32>
        %parallel_loop3A_663 = arith.addi %select_n3A_279, %parallel_loop3A_497 : i32
        %parallel_loop3A_664 = arith.index_cast %parallel_loop3A_663 : i32 to index
        %parallel_loop3A_665 = arith.constant 64 : index
        %parallel_loop3A_666 = tpu.vector_load %arg12[%parallel_loop3A_664, %parallel_loop3A_665] {strides = array<i32>} : memref<256x128xf32, #tpu.memory_space<vmem>>, vector<1x16xf32>,
        %parallel_loop3A_667 = vector.shape_cast %parallel_loop3A_666 : vector<1x16xf32> to vector<16xf32>
        %parallel_loop3A_668 = arith.mulf %parallel_loop3A_647, %parallel_loop3A_662 : vector<16xf32>
        %parallel_loop3A_669 = arith.mulf %parallel_loop3A_657, %parallel_loop3A_667 : vector<16xf32>
        %parallel_loop3A_670 = arith.addf %parallel_loop3A_668, %parallel_loop3A_669 : vector<16xf32>
        %parallel_loop3A_671 = arith.constant 0 : i32
        %parallel_loop3A_672 = arith.index_cast %parallel_loop3A_671 : i32 to index
        %parallel_loop3A_673 = arith.index_cast %parallel_loop3A_497 : i32 to index
        %parallel_loop3A_674 = arith.constant 64 : index
        %parallel_loop3A_675 = tpu.vector_load %arg10[%parallel_loop3A_672, %parallel_loop3A_673, %parallel_loop3A_674] {strides = array<i32>} : memref<2x64x128xf32, #tpu.memory_space<vmem>>, vector<1x1x16xf32>,
        %parallel_loop3A_676 = vector.shape_cast %parallel_loop3A_675 : vector<1x1x16xf32> to vector<16xf32>
        %parallel_loop3A_677 = vector.shape_cast %parallel_loop3A_670 : vector<16xf32> to vector<1x1x16xf32>
        tpu.vector_store %arg10[%parallel_loop3A_672, %parallel_loop3A_673, %parallel_loop3A_674], %parallel_loop3A_677 {strides = array<i32>} : memref<2x64x128xf32, #tpu.memory_space<vmem>>, vector<1x1x16xf32>,
        %parallel_loop3A_678 = arith.constant 0 : i32
        %parallel_loop3A_679 = arith.index_cast %parallel_loop3A_678 : i32 to index
        %parallel_loop3A_680 = arith.index_cast %parallel_loop3A_497 : i32 to index
        %parallel_loop3A_681 = arith.constant 80 : index
        %parallel_loop3A_682 = tpu.vector_load %arg9[%parallel_loop3A_679, %parallel_loop3A_680, %parallel_loop3A_681] {strides = array<i32>} : memref<4x64x128xf32, #tpu.memory_space<vmem>>, vector<1x1x16xf32>,
        %parallel_loop3A_683 = vector.shape_cast %parallel_loop3A_682 : vector<1x1x16xf32> to vector<16xf32>
        %parallel_loop3A_684 = arith.constant 0 : i32
        %parallel_loop3A_685 = vector.broadcast %parallel_loop3A_684 : i32 to vector<16xi32>
        %parallel_loop3A_686 = arith.cmpi slt, %xor3A_2, %parallel_loop3A_685 : vector<16xi32>
        %parallel_loop3A_687 = arith.constant 16 : i32
        %parallel_loop3A_688 = vector.broadcast %parallel_loop3A_687 : i32 to vector<16xi32>
        %parallel_loop3A_689 = arith.addi %xor3A_2, %parallel_loop3A_688 : vector<16xi32>
        %parallel_loop3A_690 = arith.select %parallel_loop3A_686, %parallel_loop3A_689, %xor3A_2 : vector<16xi1>, vector<16xi32>
        %parallel_loop3A_691 = vector.shape_cast %parallel_loop3A_690 : vector<16xi32> to vector<16x1xi32>
        %parallel_loop3A_692 = vector.shape_cast %parallel_loop3A_691 : vector<16x1xi32> to vector<16xi32>
        %parallel_loop3A_693 = tpu.dynamic_gather %parallel_loop3A_683[%parallel_loop3A_692] in [0] : vector<16xf32>, vector<16xi32> -> vector<16xf32>
        %parallel_loop3A_694 = arith.addi %select_n3A_279, %parallel_loop3A_497 : i32
        %parallel_loop3A_695 = arith.index_cast %parallel_loop3A_694 : i32 to index
        %parallel_loop3A_696 = arith.constant 80 : index
        %parallel_loop3A_697 = tpu.vector_load %arg11[%parallel_loop3A_695, %parallel_loop3A_696] {strides = array<i32>} : memref<256x128xf32, #tpu.memory_space<vmem>>, vector<1x16xf32>,
        %parallel_loop3A_698 = vector.shape_cast %parallel_loop3A_697 : vector<1x16xf32> to vector<16xf32>
        %parallel_loop3A_699 = arith.addi %select_n3A_279, %parallel_loop3A_497 : i32
        %parallel_loop3A_700 = arith.index_cast %parallel_loop3A_699 : i32 to index
        %parallel_loop3A_701 = arith.constant 80 : index
        %parallel_loop3A_702 = tpu.vector_load %arg12[%parallel_loop3A_700, %parallel_loop3A_701] {strides = array<i32>} : memref<256x128xf32, #tpu.memory_space<vmem>>, vector<1x16xf32>,
        %parallel_loop3A_703 = vector.shape_cast %parallel_loop3A_702 : vector<1x16xf32> to vector<16xf32>
        %parallel_loop3A_704 = arith.mulf %parallel_loop3A_683, %parallel_loop3A_698 : vector<16xf32>
        %parallel_loop3A_705 = arith.mulf %parallel_loop3A_693, %parallel_loop3A_703 : vector<16xf32>
        %parallel_loop3A_706 = arith.addf %parallel_loop3A_704, %parallel_loop3A_705 : vector<16xf32>
        %parallel_loop3A_707 = arith.constant 0 : i32
        %parallel_loop3A_708 = arith.index_cast %parallel_loop3A_707 : i32 to index
        %parallel_loop3A_709 = arith.index_cast %parallel_loop3A_497 : i32 to index
        %parallel_loop3A_710 = arith.constant 80 : index
        %parallel_loop3A_711 = tpu.vector_load %arg10[%parallel_loop3A_708, %parallel_loop3A_709, %parallel_loop3A_710] {strides = array<i32>} : memref<2x64x128xf32, #tpu.memory_space<vmem>>, vector<1x1x16xf32>,
        %parallel_loop3A_712 = vector.shape_cast %parallel_loop3A_711 : vector<1x1x16xf32> to vector<16xf32>
        %parallel_loop3A_713 = vector.shape_cast %parallel_loop3A_706 : vector<16xf32> to vector<1x1x16xf32>
        tpu.vector_store %arg10[%parallel_loop3A_708, %parallel_loop3A_709, %parallel_loop3A_710], %parallel_loop3A_713 {strides = array<i32>} : memref<2x64x128xf32, #tpu.memory_space<vmem>>, vector<1x1x16xf32>,
        %parallel_loop3A_714 = arith.constant 0 : i32
        %parallel_loop3A_715 = arith.index_cast %parallel_loop3A_714 : i32 to index
        %parallel_loop3A_716 = arith.index_cast %parallel_loop3A_497 : i32 to index
        %parallel_loop3A_717 = arith.constant 96 : index
        %parallel_loop3A_718 = tpu.vector_load %arg9[%parallel_loop3A_715, %parallel_loop3A_716, %parallel_loop3A_717] {strides = array<i32>} : memref<4x64x128xf32, #tpu.memory_space<vmem>>, vector<1x1x16xf32>,
        %parallel_loop3A_719 = vector.shape_cast %parallel_loop3A_718 : vector<1x1x16xf32> to vector<16xf32>
        %parallel_loop3A_720 = arith.constant 0 : i32
        %parallel_loop3A_721 = vector.broadcast %parallel_loop3A_720 : i32 to vector<16xi32>
        %parallel_loop3A_722 = arith.cmpi slt, %xor3A_2, %parallel_loop3A_721 : vector<16xi32>
        %parallel_loop3A_723 = arith.constant 16 : i32
        %parallel_loop3A_724 = vector.broadcast %parallel_loop3A_723 : i32 to vector<16xi32>
        %parallel_loop3A_725 = arith.addi %xor3A_2, %parallel_loop3A_724 : vector<16xi32>
        %parallel_loop3A_726 = arith.select %parallel_loop3A_722, %parallel_loop3A_725, %xor3A_2 : vector<16xi1>, vector<16xi32>
        %parallel_loop3A_727 = vector.shape_cast %parallel_loop3A_726 : vector<16xi32> to vector<16x1xi32>
        %parallel_loop3A_728 = vector.shape_cast %parallel_loop3A_727 : vector<16x1xi32> to vector<16xi32>
        %parallel_loop3A_729 = tpu.dynamic_gather %parallel_loop3A_719[%parallel_loop3A_728] in [0] : vector<16xf32>, vector<16xi32> -> vector<16xf32>
        %parallel_loop3A_730 = arith.addi %select_n3A_279, %parallel_loop3A_497 : i32
        %parallel_loop3A_731 = arith.index_cast %parallel_loop3A_730 : i32 to index
        %parallel_loop3A_732 = arith.constant 96 : index
        %parallel_loop3A_733 = tpu.vector_load %arg11[%parallel_loop3A_731, %parallel_loop3A_732] {strides = array<i32>} : memref<256x128xf32, #tpu.memory_space<vmem>>, vector<1x16xf32>,
        %parallel_loop3A_734 = vector.shape_cast %parallel_loop3A_733 : vector<1x16xf32> to vector<16xf32>
        %parallel_loop3A_735 = arith.addi %select_n3A_279, %parallel_loop3A_497 : i32
        %parallel_loop3A_736 = arith.index_cast %parallel_loop3A_735 : i32 to index
        %parallel_loop3A_737 = arith.constant 96 : index
        %parallel_loop3A_738 = tpu.vector_load %arg12[%parallel_loop3A_736, %parallel_loop3A_737] {strides = array<i32>} : memref<256x128xf32, #tpu.memory_space<vmem>>, vector<1x16xf32>,
        %parallel_loop3A_739 = vector.shape_cast %parallel_loop3A_738 : vector<1x16xf32> to vector<16xf32>
        %parallel_loop3A_740 = arith.mulf %parallel_loop3A_719, %parallel_loop3A_734 : vector<16xf32>
        %parallel_loop3A_741 = arith.mulf %parallel_loop3A_729, %parallel_loop3A_739 : vector<16xf32>
        %parallel_loop3A_742 = arith.addf %parallel_loop3A_740, %parallel_loop3A_741 : vector<16xf32>
        %parallel_loop3A_743 = arith.constant 0 : i32
        %parallel_loop3A_744 = arith.index_cast %parallel_loop3A_743 : i32 to index
        %parallel_loop3A_745 = arith.index_cast %parallel_loop3A_497 : i32 to index
        %parallel_loop3A_746 = arith.constant 96 : index
        %parallel_loop3A_747 = tpu.vector_load %arg10[%parallel_loop3A_744, %parallel_loop3A_745, %parallel_loop3A_746] {strides = array<i32>} : memref<2x64x128xf32, #tpu.memory_space<vmem>>, vector<1x1x16xf32>,
        %parallel_loop3A_748 = vector.shape_cast %parallel_loop3A_747 : vector<1x1x16xf32> to vector<16xf32>
        %parallel_loop3A_749 = vector.shape_cast %parallel_loop3A_742 : vector<16xf32> to vector<1x1x16xf32>
        tpu.vector_store %arg10[%parallel_loop3A_744, %parallel_loop3A_745, %parallel_loop3A_746], %parallel_loop3A_749 {strides = array<i32>} : memref<2x64x128xf32, #tpu.memory_space<vmem>>, vector<1x1x16xf32>,
        %parallel_loop3A_750 = arith.constant 0 : i32
        %parallel_loop3A_751 = arith.index_cast %parallel_loop3A_750 : i32 to index
        %parallel_loop3A_752 = arith.index_cast %parallel_loop3A_497 : i32 to index
        %parallel_loop3A_753 = arith.constant 112 : index
        %parallel_loop3A_754 = tpu.vector_load %arg9[%parallel_loop3A_751, %parallel_loop3A_752, %parallel_loop3A_753] {strides = array<i32>} : memref<4x64x128xf32, #tpu.memory_space<vmem>>, vector<1x1x16xf32>,
        %parallel_loop3A_755 = vector.shape_cast %parallel_loop3A_754 : vector<1x1x16xf32> to vector<16xf32>
        %parallel_loop3A_756 = arith.constant 0 : i32
        %parallel_loop3A_757 = vector.broadcast %parallel_loop3A_756 : i32 to vector<16xi32>
        %parallel_loop3A_758 = arith.cmpi slt, %xor3A_2, %parallel_loop3A_757 : vector<16xi32>
        %parallel_loop3A_759 = arith.constant 16 : i32
        %parallel_loop3A_760 = vector.broadcast %parallel_loop3A_759 : i32 to vector<16xi32>
        %parallel_loop3A_761 = arith.addi %xor3A_2, %parallel_loop3A_760 : vector<16xi32>
        %parallel_loop3A_762 = arith.select %parallel_loop3A_758, %parallel_loop3A_761, %xor3A_2 : vector<16xi1>, vector<16xi32>
        %parallel_loop3A_763 = vector.shape_cast %parallel_loop3A_762 : vector<16xi32> to vector<16x1xi32>
        %parallel_loop3A_764 = vector.shape_cast %parallel_loop3A_763 : vector<16x1xi32> to vector<16xi32>
        %parallel_loop3A_765 = tpu.dynamic_gather %parallel_loop3A_755[%parallel_loop3A_764] in [0] : vector<16xf32>, vector<16xi32> -> vector<16xf32>
        %parallel_loop3A_766 = arith.addi %select_n3A_279, %parallel_loop3A_497 : i32
        %parallel_loop3A_767 = arith.index_cast %parallel_loop3A_766 : i32 to index
        %parallel_loop3A_768 = arith.constant 112 : index
        %parallel_loop3A_769 = tpu.vector_load %arg11[%parallel_loop3A_767, %parallel_loop3A_768] {strides = array<i32>} : memref<256x128xf32, #tpu.memory_space<vmem>>, vector<1x16xf32>,
        %parallel_loop3A_770 = vector.shape_cast %parallel_loop3A_769 : vector<1x16xf32> to vector<16xf32>
        %parallel_loop3A_771 = arith.addi %select_n3A_279, %parallel_loop3A_497 : i32
        %parallel_loop3A_772 = arith.index_cast %parallel_loop3A_771 : i32 to index
        %parallel_loop3A_773 = arith.constant 112 : index
        %parallel_loop3A_774 = tpu.vector_load %arg12[%parallel_loop3A_772, %parallel_loop3A_773] {strides = array<i32>} : memref<256x128xf32, #tpu.memory_space<vmem>>, vector<1x16xf32>,
        %parallel_loop3A_775 = vector.shape_cast %parallel_loop3A_774 : vector<1x16xf32> to vector<16xf32>
        %parallel_loop3A_776 = arith.mulf %parallel_loop3A_755, %parallel_loop3A_770 : vector<16xf32>
        %parallel_loop3A_777 = arith.mulf %parallel_loop3A_765, %parallel_loop3A_775 : vector<16xf32>
        %parallel_loop3A_778 = arith.addf %parallel_loop3A_776, %parallel_loop3A_777 : vector<16xf32>
        %parallel_loop3A_779 = arith.constant 0 : i32
        %parallel_loop3A_780 = arith.index_cast %parallel_loop3A_779 : i32 to index
        %parallel_loop3A_781 = arith.index_cast %parallel_loop3A_497 : i32 to index
        %parallel_loop3A_782 = arith.constant 112 : index
        %parallel_loop3A_783 = tpu.vector_load %arg10[%parallel_loop3A_780, %parallel_loop3A_781, %parallel_loop3A_782] {strides = array<i32>} : memref<2x64x128xf32, #tpu.memory_space<vmem>>, vector<1x1x16xf32>,
        %parallel_loop3A_784 = vector.shape_cast %parallel_loop3A_783 : vector<1x1x16xf32> to vector<16xf32>
        %parallel_loop3A_785 = vector.shape_cast %parallel_loop3A_778 : vector<16xf32> to vector<1x1x16xf32>
        tpu.vector_store %arg10[%parallel_loop3A_780, %parallel_loop3A_781, %parallel_loop3A_782], %parallel_loop3A_785 {strides = array<i32>} : memref<2x64x128xf32, #tpu.memory_space<vmem>>, vector<1x1x16xf32>,
      } {sc.loop_unroll_factor = 4 : i64, sc.parallel_access}
      %dma_start3A_282 = arith.constant 0 : i32
      %dma_start3A_283 = arith.constant 0 : i32
      %dma_start3A_284 = arith.constant 0 : i32
      %dma_start3A_285 = tpu.memref_slice %arg10[%dma_start3A_282, %dma_start3A_283, %dma_start3A_284] : memref<2x64x128xf32, #tpu.memory_space<vmem>> -> memref<1x64x128xf32, #tpu.memory_space<vmem>>
      %dma_start3A_286 = tpu.memref_squeeze %dma_start3A_285 : memref<1x64x128xf32, #tpu.memory_space<vmem>> -> memref<64x128xf32, #tpu.memory_space<vmem>>
      %dma_start3A_287 = arith.constant 0 : i32
      %dma_start3A_288 = arith.constant 0 : i32
      %dma_start3A_289 = tpu.memref_slice %arg6[%add3A, %add3A_247, %dma_start3A_287, %dma_start3A_288] : memref<32x100x64x128xf32, #tpu.memory_space<hbm>> -> memref<1x1x64x128xf32, #tpu.memory_space<hbm>>
      %dma_start3A_290 = tpu.memref_squeeze %dma_start3A_289 : memref<1x1x64x128xf32, #tpu.memory_space<hbm>> -> memref<64x128xf32, #tpu.memory_space<hbm>>
      %dma_start3A_291 = arith.constant 0 : i32
      %dma_start3A_292 = arith.constant 0 : i32
      %dma_start3A_293 = tpu.memref_slice %arg6[%add3A, %add3A_247, %dma_start3A_291, %dma_start3A_292] : memref<32x100x64x128xf32, #tpu.memory_space<hbm>> -> memref<1x1x64x128xf32, #tpu.memory_space<hbm>>
      %dma_start3A_294 = tpu.memref_squeeze %dma_start3A_293 : memref<1x1x64x128xf32, #tpu.memory_space<hbm>> -> memref<64x128xf32, #tpu.memory_space<hbm>>
      %dma_start3A_295 = arith.constant 0 : i32
      %dma_start3A_296 = arith.constant 0 : i32
      %dma_start3A_297 = tpu.memref_slice %arg10[%dma_start3A_282, %dma_start3A_295, %dma_start3A_296] : memref<2x64x128xf32, #tpu.memory_space<vmem>> -> memref<1x64x128xf32, #tpu.memory_space<vmem>>
      %dma_start3A_298 = tpu.memref_squeeze %dma_start3A_297 : memref<1x64x128xf32, #tpu.memory_space<vmem>> -> memref<64x128xf32, #tpu.memory_space<vmem>>
      tpu.enqueue_dma source(%dma_start3A_298 : memref<64x128xf32, #tpu.memory_space<vmem>>) target(%dma_start3A_294 : memref<64x128xf32, #tpu.memory_space<hbm>>) target_semaphore(%arg17 : memref<!tpu.dma_semaphore, #tpu.memory_space<semaphore_mem>>)
      %mul3A_299 = arith.constant 4 : i32
      %mul3A_300 = arith.muli %mul3A_299, %scan3A_243 : i32
      %add3A_301 = arith.constant 1 : i32
      %add3A_302 = arith.addi %mul3A_300, %add3A_301 : i32
      %ge3A_303 = arith.constant 2 : i32
      %ge3A_304 = arith.cmpi sge, %add3A_302, %ge3A_303 : i32
      %convert_element_type3A_305 = arith.extui %ge3A_304 : i1 to i32
      %cond3A_306 = arith.constant 0 : i32
      %cond3A_307 = arith.cmpi ne, %convert_element_type3A_305, %cond3A_306 : i32
      scf.if %cond3A_307 {
        %sub3A = arith.constant 2 : i32
        %sub3A_497 = arith.subi %add3A_302, %sub3A : i32
        %dma_wait3A_498 = arith.constant 1 : i32
        %dma_wait3A_499 = arith.constant 0 : i32
        %dma_wait3A_500 = arith.constant 0 : i32
        %dma_wait3A_501 = tpu.memref_slice %arg10[%dma_wait3A_498, %dma_wait3A_499, %dma_wait3A_500] : memref<2x64x128xf32, #tpu.memory_space<vmem>> -> memref<1x64x128xf32, #tpu.memory_space<vmem>>
        %dma_wait3A_502 = tpu.memref_squeeze %dma_wait3A_501 : memref<1x64x128xf32, #tpu.memory_space<vmem>> -> memref<64x128xf32, #tpu.memory_space<vmem>>
        %dma_wait3A_503 = arith.constant 0 : i32
        %dma_wait3A_504 = arith.constant 0 : i32
        %dma_wait3A_505 = tpu.memref_slice %arg6[%add3A, %sub3A_497, %dma_wait3A_503, %dma_wait3A_504] : memref<32x100x64x128xf32, #tpu.memory_space<hbm>> -> memref<1x1x64x128xf32, #tpu.memory_space<hbm>>
        %dma_wait3A_506 = tpu.memref_squeeze %dma_wait3A_505 : memref<1x1x64x128xf32, #tpu.memory_space<hbm>> -> memref<64x128xf32, #tpu.memory_space<hbm>>
        %dma_wait3A_507 = arith.constant 0 : i32
        %dma_wait3A_508 = arith.constant 0 : i32
        %dma_wait3A_509 = tpu.memref_slice %arg6[%add3A, %sub3A_497, %dma_wait3A_507, %dma_wait3A_508] : memref<32x100x64x128xf32, #tpu.memory_space<hbm>> -> memref<1x1x64x128xf32, #tpu.memory_space<hbm>>
        %dma_wait3A_510 = tpu.memref_squeeze %dma_wait3A_509 : memref<1x1x64x128xf32, #tpu.memory_space<hbm>> -> memref<64x128xf32, #tpu.memory_space<hbm>>
        %dma_wait3A_511 = arith.constant 0 : i32
        %dma_wait3A_512 = arith.constant 0 : i32
        %dma_wait3A_513 = tpu.memref_slice %arg10[%dma_wait3A_498, %dma_wait3A_511, %dma_wait3A_512] : memref<2x64x128xf32, #tpu.memory_space<vmem>> -> memref<1x64x128xf32, #tpu.memory_space<vmem>>
        %dma_wait3A_514 = tpu.memref_squeeze %dma_wait3A_513 : memref<1x64x128xf32, #tpu.memory_space<vmem>> -> memref<64x128xf32, #tpu.memory_space<vmem>>
        tpu.wait_dma2 semaphore(%arg18 : memref<!tpu.dma_semaphore, #tpu.memory_space<semaphore_mem>>) src(%dma_wait3A_514 : memref<64x128xf32, #tpu.memory_space<vmem>>) dst(%dma_wait3A_510 : memref<64x128xf32, #tpu.memory_space<hbm>>)
      } else {
      }
      %add3A_308 = arith.constant 3 : i32
      %add3A_309 = arith.addi %add3A_302, %add3A_308 : i32
      %lt3A_310 = arith.constant 100 : i32
      %lt3A_311 = arith.cmpi slt, %add3A_309, %lt3A_310 : i32
      %convert_element_type3A_312 = arith.extui %lt3A_311 : i1 to i32
      %cond3A_313 = arith.constant 0 : i32
      %cond3A_314 = arith.cmpi ne, %convert_element_type3A_312, %cond3A_313 : i32
      scf.if %cond3A_314 {
        %add3A_497 = arith.constant 3 : i32
        %add3A_498 = arith.addi %add3A_302, %add3A_497 : i32
        %get3A_499 = arith.index_cast %add3A_498 : i32 to index
        %get3A_500 = arith.constant 0 : index
        %get3A_501 = tpu.vector_load %arg7[%get3A_499, %get3A_500] {strides = array<i32>} : memref<100x64xi32, #tpu.memory_space<vmem>>, vector<1x16xi32>,
        %get3A_502 = vector.shape_cast %get3A_501 : vector<1x16xi32> to vector<16xi32>
        %shift_right_arithmetic3A_503 = arith.constant 1 : i32
        %shift_right_arithmetic3A_504 = vector.broadcast %shift_right_arithmetic3A_503 : i32 to vector<16xi32>
        %shift_right_arithmetic3A_505 = arith.shrsi %get3A_502, %shift_right_arithmetic3A_504 : vector<16xi32>
        %swap3A_506 = arith.constant 0 : i32
        %swap3A_507 = arith.index_cast %swap3A_506 : i32 to index
        %swap3A_508 = arith.constant 0 : index
        %swap3A_509 = tpu.vector_load %arg8[%swap3A_507, %swap3A_508] {strides = array<i32>} : memref<4x64xi32, #tpu.memory_space<vmem>>, vector<1x16xi32>,
        %swap3A_510 = vector.shape_cast %swap3A_509 : vector<1x16xi32> to vector<16xi32>
        %swap3A_511 = vector.shape_cast %shift_right_arithmetic3A_505 : vector<16xi32> to vector<1x16xi32>
        tpu.vector_store %arg8[%swap3A_507, %swap3A_508], %swap3A_511 {strides = array<i32>} : memref<4x64xi32, #tpu.memory_space<vmem>>, vector<1x16xi32>,
        %get3A_512 = arith.index_cast %add3A_498 : i32 to index
        %get3A_513 = arith.constant 16 : index
        %get3A_514 = tpu.vector_load %arg7[%get3A_512, %get3A_513] {strides = array<i32>} : memref<100x64xi32, #tpu.memory_space<vmem>>, vector<1x16xi32>,
        %get3A_515 = vector.shape_cast %get3A_514 : vector<1x16xi32> to vector<16xi32>
        %shift_right_arithmetic3A_516 = arith.constant 1 : i32
        %shift_right_arithmetic3A_517 = vector.broadcast %shift_right_arithmetic3A_516 : i32 to vector<16xi32>
        %shift_right_arithmetic3A_518 = arith.shrsi %get3A_515, %shift_right_arithmetic3A_517 : vector<16xi32>
        %swap3A_519 = arith.constant 0 : i32
        %swap3A_520 = arith.index_cast %swap3A_519 : i32 to index
        %swap3A_521 = arith.constant 16 : index
        %swap3A_522 = tpu.vector_load %arg8[%swap3A_520, %swap3A_521] {strides = array<i32>} : memref<4x64xi32, #tpu.memory_space<vmem>>, vector<1x16xi32>,
        %swap3A_523 = vector.shape_cast %swap3A_522 : vector<1x16xi32> to vector<16xi32>
        %swap3A_524 = vector.shape_cast %shift_right_arithmetic3A_518 : vector<16xi32> to vector<1x16xi32>
        tpu.vector_store %arg8[%swap3A_520, %swap3A_521], %swap3A_524 {strides = array<i32>} : memref<4x64xi32, #tpu.memory_space<vmem>>, vector<1x16xi32>,
        %get3A_525 = arith.index_cast %add3A_498 : i32 to index
        %get3A_526 = arith.constant 32 : index
        %get3A_527 = tpu.vector_load %arg7[%get3A_525, %get3A_526] {strides = array<i32>} : memref<100x64xi32, #tpu.memory_space<vmem>>, vector<1x16xi32>,
        %get3A_528 = vector.shape_cast %get3A_527 : vector<1x16xi32> to vector<16xi32>
        %shift_right_arithmetic3A_529 = arith.constant 1 : i32
        %shift_right_arithmetic3A_530 = vector.broadcast %shift_right_arithmetic3A_529 : i32 to vector<16xi32>
        %shift_right_arithmetic3A_531 = arith.shrsi %get3A_528, %shift_right_arithmetic3A_530 : vector<16xi32>
        %swap3A_532 = arith.constant 0 : i32
        %swap3A_533 = arith.index_cast %swap3A_532 : i32 to index
        %swap3A_534 = arith.constant 32 : index
        %swap3A_535 = tpu.vector_load %arg8[%swap3A_533, %swap3A_534] {strides = array<i32>} : memref<4x64xi32, #tpu.memory_space<vmem>>, vector<1x16xi32>,
        %swap3A_536 = vector.shape_cast %swap3A_535 : vector<1x16xi32> to vector<16xi32>
        %swap3A_537 = vector.shape_cast %shift_right_arithmetic3A_531 : vector<16xi32> to vector<1x16xi32>
        tpu.vector_store %arg8[%swap3A_533, %swap3A_534], %swap3A_537 {strides = array<i32>} : memref<4x64xi32, #tpu.memory_space<vmem>>, vector<1x16xi32>,
        %get3A_538 = arith.index_cast %add3A_498 : i32 to index
        %get3A_539 = arith.constant 48 : index
        %get3A_540 = tpu.vector_load %arg7[%get3A_538, %get3A_539] {strides = array<i32>} : memref<100x64xi32, #tpu.memory_space<vmem>>, vector<1x16xi32>,
        %get3A_541 = vector.shape_cast %get3A_540 : vector<1x16xi32> to vector<16xi32>
        %shift_right_arithmetic3A_542 = arith.constant 1 : i32
        %shift_right_arithmetic3A_543 = vector.broadcast %shift_right_arithmetic3A_542 : i32 to vector<16xi32>
        %shift_right_arithmetic3A_544 = arith.shrsi %get3A_541, %shift_right_arithmetic3A_543 : vector<16xi32>
        %swap3A_545 = arith.constant 0 : i32
        %swap3A_546 = arith.index_cast %swap3A_545 : i32 to index
        %swap3A_547 = arith.constant 48 : index
        %swap3A_548 = tpu.vector_load %arg8[%swap3A_546, %swap3A_547] {strides = array<i32>} : memref<4x64xi32, #tpu.memory_space<vmem>>, vector<1x16xi32>,
        %swap3A_549 = vector.shape_cast %swap3A_548 : vector<1x16xi32> to vector<16xi32>
        %swap3A_550 = vector.shape_cast %shift_right_arithmetic3A_544 : vector<16xi32> to vector<1x16xi32>
        tpu.vector_store %arg8[%swap3A_546, %swap3A_547], %swap3A_550 {strides = array<i32>} : memref<4x64xi32, #tpu.memory_space<vmem>>, vector<1x16xi32>,
        %dma_start3A_551 = arith.constant 0 : i32
        %dma_start3A_552 = arith.constant 0 : i32
        %dma_start3A_553 = arith.constant 0 : i32
        %dma_start3A_554 = arith.constant 0 : i32
        %dma_start3A_555 = tpu.memref_slice %arg9[%dma_start3A_552, %dma_start3A_553, %dma_start3A_554] : memref<4x64x128xf32, #tpu.memory_space<vmem>> -> memref<1x64x128xf32, #tpu.memory_space<vmem>>
        %dma_start3A_556 = tpu.memref_squeeze %dma_start3A_555 : memref<1x64x128xf32, #tpu.memory_space<vmem>> -> memref<64x128xf32, #tpu.memory_space<vmem>>
        %dma_start3A_557 = arith.constant 0 : i32
        %dma_start3A_558 = tpu.memref_slice %arg8[%dma_start3A_551, %dma_start3A_557] : memref<4x64xi32, #tpu.memory_space<vmem>> -> memref<1x64xi32, #tpu.memory_space<vmem>>
        %dma_start3A_559 = tpu.memref_squeeze %dma_start3A_558 : memref<1x64xi32, #tpu.memory_space<vmem>> -> memref<64xi32, #tpu.memory_space<vmem>>
        %dma_start3A_560 = arith.constant 0 : i32
        %dma_start3A_561 = arith.constant 0 : i32
        %dma_start3A_562 = tpu.memref_slice %arg3[%dma_start3A_560, %dma_start3A_561] : memref<500000x128xf32, #tpu.memory_space<hbm>> -> memref<500000x128xf32, #tpu.memory_space<hbm>>
        tpu.enqueue_indirect_dma source(%dma_start3A_562 : memref<500000x128xf32, #tpu.memory_space<hbm>>) target(%dma_start3A_556 : memref<64x128xf32, #tpu.memory_space<vmem>>) offsets(%dma_start3A_559 : memref<64xi32, #tpu.memory_space<vmem>>) semaphore(%arg13 : memref<!tpu.dma_semaphore, #tpu.memory_space<semaphore_mem>>)
      } else {
      }
      %dma_wait3A_315 = arith.constant 1 : i32
      %dma_wait3A_316 = arith.constant 1 : i32
      %dma_wait3A_317 = arith.constant 0 : i32
      %dma_wait3A_318 = arith.constant 0 : i32
      %dma_wait3A_319 = tpu.memref_slice %arg9[%dma_wait3A_316, %dma_wait3A_317, %dma_wait3A_318] : memref<4x64x128xf32, #tpu.memory_space<vmem>> -> memref<1x64x128xf32, #tpu.memory_space<vmem>>
      %dma_wait3A_320 = tpu.memref_squeeze %dma_wait3A_319 : memref<1x64x128xf32, #tpu.memory_space<vmem>> -> memref<64x128xf32, #tpu.memory_space<vmem>>
      %dma_wait3A_321 = arith.constant 0 : i32
      %dma_wait3A_322 = tpu.memref_slice %arg8[%dma_wait3A_315, %dma_wait3A_321] : memref<4x64xi32, #tpu.memory_space<vmem>> -> memref<1x64xi32, #tpu.memory_space<vmem>>
      %dma_wait3A_323 = tpu.memref_squeeze %dma_wait3A_322 : memref<1x64xi32, #tpu.memory_space<vmem>> -> memref<64xi32, #tpu.memory_space<vmem>>
      %dma_wait3A_324 = arith.constant 0 : i32
      %dma_wait3A_325 = arith.constant 0 : i32
      %dma_wait3A_326 = tpu.memref_slice %arg3[%dma_wait3A_324, %dma_wait3A_325] : memref<500000x128xf32, #tpu.memory_space<hbm>> -> memref<500000x128xf32, #tpu.memory_space<hbm>>
      tpu.wait_indirect_dma semaphore(%arg14 : memref<!tpu.dma_semaphore, #tpu.memory_space<semaphore_mem>>) src(%dma_wait3A_326 : memref<500000x128xf32, #tpu.memory_space<hbm>>) dst(%dma_wait3A_320 : memref<64x128xf32, #tpu.memory_space<vmem>>)
      %mul3A_327 = arith.constant 64 : i32
      %mul3A_328 = arith.muli %mul3A_327, %add3A_302 : i32
      %jit3A_329 = arith.constant 200 : i32
      %eq3A_330 = arith.constant 0 : i32
      %eq3A_331 = arith.cmpi eq, %jit3A_329, %eq3A_330 : i32
      %jit3A_332 = arith.constant 1 : i32
      %select_n3A_333 = arith.select %eq3A_331, %jit3A_332, %jit3A_329 : i32
      %rem3A_334 = arith.remsi %mul3A_328, %select_n3A_333 : i32
      %ne3A_335 = arith.constant 0 : i32
      %ne3A_336 = arith.cmpi ne, %rem3A_334, %ne3A_335 : i32
      %lt3A_337 = arith.constant 0 : i32
      %lt3A_338 = arith.cmpi slt, %rem3A_334, %lt3A_337 : i32
      %lt3A_339 = arith.constant 0 : i32
      %lt3A_340 = arith.cmpi slt, %select_n3A_333, %lt3A_339 : i32
      %ne3A_341 = arith.xori %lt3A_338, %lt3A_340 : i1
      %and3A_342 = arith.andi %ne3A_341, %ne3A_336 : i1
      %add3A_343 = arith.addi %rem3A_334, %select_n3A_333 : i32
      %select_n3A_344 = arith.select %and3A_342, %add3A_343, %rem3A_334 : i32
      %parallel_loop3A_345 = arith.constant 0 : i32
      %parallel_loop3A_346 = arith.constant 64 : i32
      %parallel_loop3A_347 = arith.constant 1 : i32
      scf.for %parallel_loop3A_497 = %parallel_loop3A_345 to %parallel_loop3A_346 step %parallel_loop3A_347  : i32 {
        %parallel_loop3A_498 = arith.constant 1 : i32
        %parallel_loop3A_499 = arith.index_cast %parallel_loop3A_498 : i32 to index
        %parallel_loop3A_500 = arith.index_cast %parallel_loop3A_497 : i32 to index
        %parallel_loop3A_501 = arith.constant 0 : index
        %parallel_loop3A_502 = tpu.vector_load %arg9[%parallel_loop3A_499, %parallel_loop3A_500, %parallel_loop3A_501] {strides = array<i32>} : memref<4x64x128xf32, #tpu.memory_space<vmem>>, vector<1x1x16xf32>,
        %parallel_loop3A_503 = vector.shape_cast %parallel_loop3A_502 : vector<1x1x16xf32> to vector<16xf32>
        %parallel_loop3A_504 = arith.constant 0 : i32
        %parallel_loop3A_505 = vector.broadcast %parallel_loop3A_504 : i32 to vector<16xi32>
        %parallel_loop3A_506 = arith.cmpi slt, %xor3A_2, %parallel_loop3A_505 : vector<16xi32>
        %parallel_loop3A_507 = arith.constant 16 : i32
        %parallel_loop3A_508 = vector.broadcast %parallel_loop3A_507 : i32 to vector<16xi32>
        %parallel_loop3A_509 = arith.addi %xor3A_2, %parallel_loop3A_508 : vector<16xi32>
        %parallel_loop3A_510 = arith.select %parallel_loop3A_506, %parallel_loop3A_509, %xor3A_2 : vector<16xi1>, vector<16xi32>
        %parallel_loop3A_511 = vector.shape_cast %parallel_loop3A_510 : vector<16xi32> to vector<16x1xi32>
        %parallel_loop3A_512 = vector.shape_cast %parallel_loop3A_511 : vector<16x1xi32> to vector<16xi32>
        %parallel_loop3A_513 = tpu.dynamic_gather %parallel_loop3A_503[%parallel_loop3A_512] in [0] : vector<16xf32>, vector<16xi32> -> vector<16xf32>
        %parallel_loop3A_514 = arith.addi %select_n3A_344, %parallel_loop3A_497 : i32
        %parallel_loop3A_515 = arith.index_cast %parallel_loop3A_514 : i32 to index
        %parallel_loop3A_516 = arith.constant 0 : index
        %parallel_loop3A_517 = tpu.vector_load %arg11[%parallel_loop3A_515, %parallel_loop3A_516] {strides = array<i32>} : memref<256x128xf32, #tpu.memory_space<vmem>>, vector<1x16xf32>,
        %parallel_loop3A_518 = vector.shape_cast %parallel_loop3A_517 : vector<1x16xf32> to vector<16xf32>
        %parallel_loop3A_519 = arith.addi %select_n3A_344, %parallel_loop3A_497 : i32
        %parallel_loop3A_520 = arith.index_cast %parallel_loop3A_519 : i32 to index
        %parallel_loop3A_521 = arith.constant 0 : index
        %parallel_loop3A_522 = tpu.vector_load %arg12[%parallel_loop3A_520, %parallel_loop3A_521] {strides = array<i32>} : memref<256x128xf32, #tpu.memory_space<vmem>>, vector<1x16xf32>,
        %parallel_loop3A_523 = vector.shape_cast %parallel_loop3A_522 : vector<1x16xf32> to vector<16xf32>
        %parallel_loop3A_524 = arith.mulf %parallel_loop3A_503, %parallel_loop3A_518 : vector<16xf32>
        %parallel_loop3A_525 = arith.mulf %parallel_loop3A_513, %parallel_loop3A_523 : vector<16xf32>
        %parallel_loop3A_526 = arith.addf %parallel_loop3A_524, %parallel_loop3A_525 : vector<16xf32>
        %parallel_loop3A_527 = arith.constant 1 : i32
        %parallel_loop3A_528 = arith.index_cast %parallel_loop3A_527 : i32 to index
        %parallel_loop3A_529 = arith.index_cast %parallel_loop3A_497 : i32 to index
        %parallel_loop3A_530 = arith.constant 0 : index
        %parallel_loop3A_531 = tpu.vector_load %arg10[%parallel_loop3A_528, %parallel_loop3A_529, %parallel_loop3A_530] {strides = array<i32>} : memref<2x64x128xf32, #tpu.memory_space<vmem>>, vector<1x1x16xf32>,
        %parallel_loop3A_532 = vector.shape_cast %parallel_loop3A_531 : vector<1x1x16xf32> to vector<16xf32>
        %parallel_loop3A_533 = vector.shape_cast %parallel_loop3A_526 : vector<16xf32> to vector<1x1x16xf32>
        tpu.vector_store %arg10[%parallel_loop3A_528, %parallel_loop3A_529, %parallel_loop3A_530], %parallel_loop3A_533 {strides = array<i32>} : memref<2x64x128xf32, #tpu.memory_space<vmem>>, vector<1x1x16xf32>,
        %parallel_loop3A_534 = arith.constant 1 : i32
        %parallel_loop3A_535 = arith.index_cast %parallel_loop3A_534 : i32 to index
        %parallel_loop3A_536 = arith.index_cast %parallel_loop3A_497 : i32 to index
        %parallel_loop3A_537 = arith.constant 16 : index
        %parallel_loop3A_538 = tpu.vector_load %arg9[%parallel_loop3A_535, %parallel_loop3A_536, %parallel_loop3A_537] {strides = array<i32>} : memref<4x64x128xf32, #tpu.memory_space<vmem>>, vector<1x1x16xf32>,
        %parallel_loop3A_539 = vector.shape_cast %parallel_loop3A_538 : vector<1x1x16xf32> to vector<16xf32>
        %parallel_loop3A_540 = arith.constant 0 : i32
        %parallel_loop3A_541 = vector.broadcast %parallel_loop3A_540 : i32 to vector<16xi32>
        %parallel_loop3A_542 = arith.cmpi slt, %xor3A_2, %parallel_loop3A_541 : vector<16xi32>
        %parallel_loop3A_543 = arith.constant 16 : i32
        %parallel_loop3A_544 = vector.broadcast %parallel_loop3A_543 : i32 to vector<16xi32>
        %parallel_loop3A_545 = arith.addi %xor3A_2, %parallel_loop3A_544 : vector<16xi32>
        %parallel_loop3A_546 = arith.select %parallel_loop3A_542, %parallel_loop3A_545, %xor3A_2 : vector<16xi1>, vector<16xi32>
        %parallel_loop3A_547 = vector.shape_cast %parallel_loop3A_546 : vector<16xi32> to vector<16x1xi32>
        %parallel_loop3A_548 = vector.shape_cast %parallel_loop3A_547 : vector<16x1xi32> to vector<16xi32>
        %parallel_loop3A_549 = tpu.dynamic_gather %parallel_loop3A_539[%parallel_loop3A_548] in [0] : vector<16xf32>, vector<16xi32> -> vector<16xf32>
        %parallel_loop3A_550 = arith.addi %select_n3A_344, %parallel_loop3A_497 : i32
        %parallel_loop3A_551 = arith.index_cast %parallel_loop3A_550 : i32 to index
        %parallel_loop3A_552 = arith.constant 16 : index
        %parallel_loop3A_553 = tpu.vector_load %arg11[%parallel_loop3A_551, %parallel_loop3A_552] {strides = array<i32>} : memref<256x128xf32, #tpu.memory_space<vmem>>, vector<1x16xf32>,
        %parallel_loop3A_554 = vector.shape_cast %parallel_loop3A_553 : vector<1x16xf32> to vector<16xf32>
        %parallel_loop3A_555 = arith.addi %select_n3A_344, %parallel_loop3A_497 : i32
        %parallel_loop3A_556 = arith.index_cast %parallel_loop3A_555 : i32 to index
        %parallel_loop3A_557 = arith.constant 16 : index
        %parallel_loop3A_558 = tpu.vector_load %arg12[%parallel_loop3A_556, %parallel_loop3A_557] {strides = array<i32>} : memref<256x128xf32, #tpu.memory_space<vmem>>, vector<1x16xf32>,
        %parallel_loop3A_559 = vector.shape_cast %parallel_loop3A_558 : vector<1x16xf32> to vector<16xf32>
        %parallel_loop3A_560 = arith.mulf %parallel_loop3A_539, %parallel_loop3A_554 : vector<16xf32>
        %parallel_loop3A_561 = arith.mulf %parallel_loop3A_549, %parallel_loop3A_559 : vector<16xf32>
        %parallel_loop3A_562 = arith.addf %parallel_loop3A_560, %parallel_loop3A_561 : vector<16xf32>
        %parallel_loop3A_563 = arith.constant 1 : i32
        %parallel_loop3A_564 = arith.index_cast %parallel_loop3A_563 : i32 to index
        %parallel_loop3A_565 = arith.index_cast %parallel_loop3A_497 : i32 to index
        %parallel_loop3A_566 = arith.constant 16 : index
        %parallel_loop3A_567 = tpu.vector_load %arg10[%parallel_loop3A_564, %parallel_loop3A_565, %parallel_loop3A_566] {strides = array<i32>} : memref<2x64x128xf32, #tpu.memory_space<vmem>>, vector<1x1x16xf32>,
        %parallel_loop3A_568 = vector.shape_cast %parallel_loop3A_567 : vector<1x1x16xf32> to vector<16xf32>
        %parallel_loop3A_569 = vector.shape_cast %parallel_loop3A_562 : vector<16xf32> to vector<1x1x16xf32>
        tpu.vector_store %arg10[%parallel_loop3A_564, %parallel_loop3A_565, %parallel_loop3A_566], %parallel_loop3A_569 {strides = array<i32>} : memref<2x64x128xf32, #tpu.memory_space<vmem>>, vector<1x1x16xf32>,
        %parallel_loop3A_570 = arith.constant 1 : i32
        %parallel_loop3A_571 = arith.index_cast %parallel_loop3A_570 : i32 to index
        %parallel_loop3A_572 = arith.index_cast %parallel_loop3A_497 : i32 to index
        %parallel_loop3A_573 = arith.constant 32 : index
        %parallel_loop3A_574 = tpu.vector_load %arg9[%parallel_loop3A_571, %parallel_loop3A_572, %parallel_loop3A_573] {strides = array<i32>} : memref<4x64x128xf32, #tpu.memory_space<vmem>>, vector<1x1x16xf32>,
        %parallel_loop3A_575 = vector.shape_cast %parallel_loop3A_574 : vector<1x1x16xf32> to vector<16xf32>
        %parallel_loop3A_576 = arith.constant 0 : i32
        %parallel_loop3A_577 = vector.broadcast %parallel_loop3A_576 : i32 to vector<16xi32>
        %parallel_loop3A_578 = arith.cmpi slt, %xor3A_2, %parallel_loop3A_577 : vector<16xi32>
        %parallel_loop3A_579 = arith.constant 16 : i32
        %parallel_loop3A_580 = vector.broadcast %parallel_loop3A_579 : i32 to vector<16xi32>
        %parallel_loop3A_581 = arith.addi %xor3A_2, %parallel_loop3A_580 : vector<16xi32>
        %parallel_loop3A_582 = arith.select %parallel_loop3A_578, %parallel_loop3A_581, %xor3A_2 : vector<16xi1>, vector<16xi32>
        %parallel_loop3A_583 = vector.shape_cast %parallel_loop3A_582 : vector<16xi32> to vector<16x1xi32>
        %parallel_loop3A_584 = vector.shape_cast %parallel_loop3A_583 : vector<16x1xi32> to vector<16xi32>
        %parallel_loop3A_585 = tpu.dynamic_gather %parallel_loop3A_575[%parallel_loop3A_584] in [0] : vector<16xf32>, vector<16xi32> -> vector<16xf32>
        %parallel_loop3A_586 = arith.addi %select_n3A_344, %parallel_loop3A_497 : i32
        %parallel_loop3A_587 = arith.index_cast %parallel_loop3A_586 : i32 to index
        %parallel_loop3A_588 = arith.constant 32 : index
        %parallel_loop3A_589 = tpu.vector_load %arg11[%parallel_loop3A_587, %parallel_loop3A_588] {strides = array<i32>} : memref<256x128xf32, #tpu.memory_space<vmem>>, vector<1x16xf32>,
        %parallel_loop3A_590 = vector.shape_cast %parallel_loop3A_589 : vector<1x16xf32> to vector<16xf32>
        %parallel_loop3A_591 = arith.addi %select_n3A_344, %parallel_loop3A_497 : i32
        %parallel_loop3A_592 = arith.index_cast %parallel_loop3A_591 : i32 to index
        %parallel_loop3A_593 = arith.constant 32 : index
        %parallel_loop3A_594 = tpu.vector_load %arg12[%parallel_loop3A_592, %parallel_loop3A_593] {strides = array<i32>} : memref<256x128xf32, #tpu.memory_space<vmem>>, vector<1x16xf32>,
        %parallel_loop3A_595 = vector.shape_cast %parallel_loop3A_594 : vector<1x16xf32> to vector<16xf32>
        %parallel_loop3A_596 = arith.mulf %parallel_loop3A_575, %parallel_loop3A_590 : vector<16xf32>
        %parallel_loop3A_597 = arith.mulf %parallel_loop3A_585, %parallel_loop3A_595 : vector<16xf32>
        %parallel_loop3A_598 = arith.addf %parallel_loop3A_596, %parallel_loop3A_597 : vector<16xf32>
        %parallel_loop3A_599 = arith.constant 1 : i32
        %parallel_loop3A_600 = arith.index_cast %parallel_loop3A_599 : i32 to index
        %parallel_loop3A_601 = arith.index_cast %parallel_loop3A_497 : i32 to index
        %parallel_loop3A_602 = arith.constant 32 : index
        %parallel_loop3A_603 = tpu.vector_load %arg10[%parallel_loop3A_600, %parallel_loop3A_601, %parallel_loop3A_602] {strides = array<i32>} : memref<2x64x128xf32, #tpu.memory_space<vmem>>, vector<1x1x16xf32>,
        %parallel_loop3A_604 = vector.shape_cast %parallel_loop3A_603 : vector<1x1x16xf32> to vector<16xf32>
        %parallel_loop3A_605 = vector.shape_cast %parallel_loop3A_598 : vector<16xf32> to vector<1x1x16xf32>
        tpu.vector_store %arg10[%parallel_loop3A_600, %parallel_loop3A_601, %parallel_loop3A_602], %parallel_loop3A_605 {strides = array<i32>} : memref<2x64x128xf32, #tpu.memory_space<vmem>>, vector<1x1x16xf32>,
        %parallel_loop3A_606 = arith.constant 1 : i32
        %parallel_loop3A_607 = arith.index_cast %parallel_loop3A_606 : i32 to index
        %parallel_loop3A_608 = arith.index_cast %parallel_loop3A_497 : i32 to index
        %parallel_loop3A_609 = arith.constant 48 : index
        %parallel_loop3A_610 = tpu.vector_load %arg9[%parallel_loop3A_607, %parallel_loop3A_608, %parallel_loop3A_609] {strides = array<i32>} : memref<4x64x128xf32, #tpu.memory_space<vmem>>, vector<1x1x16xf32>,
        %parallel_loop3A_611 = vector.shape_cast %parallel_loop3A_610 : vector<1x1x16xf32> to vector<16xf32>
        %parallel_loop3A_612 = arith.constant 0 : i32
        %parallel_loop3A_613 = vector.broadcast %parallel_loop3A_612 : i32 to vector<16xi32>
        %parallel_loop3A_614 = arith.cmpi slt, %xor3A_2, %parallel_loop3A_613 : vector<16xi32>
        %parallel_loop3A_615 = arith.constant 16 : i32
        %parallel_loop3A_616 = vector.broadcast %parallel_loop3A_615 : i32 to vector<16xi32>
        %parallel_loop3A_617 = arith.addi %xor3A_2, %parallel_loop3A_616 : vector<16xi32>
        %parallel_loop3A_618 = arith.select %parallel_loop3A_614, %parallel_loop3A_617, %xor3A_2 : vector<16xi1>, vector<16xi32>
        %parallel_loop3A_619 = vector.shape_cast %parallel_loop3A_618 : vector<16xi32> to vector<16x1xi32>
        %parallel_loop3A_620 = vector.shape_cast %parallel_loop3A_619 : vector<16x1xi32> to vector<16xi32>
        %parallel_loop3A_621 = tpu.dynamic_gather %parallel_loop3A_611[%parallel_loop3A_620] in [0] : vector<16xf32>, vector<16xi32> -> vector<16xf32>
        %parallel_loop3A_622 = arith.addi %select_n3A_344, %parallel_loop3A_497 : i32
        %parallel_loop3A_623 = arith.index_cast %parallel_loop3A_622 : i32 to index
        %parallel_loop3A_624 = arith.constant 48 : index
        %parallel_loop3A_625 = tpu.vector_load %arg11[%parallel_loop3A_623, %parallel_loop3A_624] {strides = array<i32>} : memref<256x128xf32, #tpu.memory_space<vmem>>, vector<1x16xf32>,
        %parallel_loop3A_626 = vector.shape_cast %parallel_loop3A_625 : vector<1x16xf32> to vector<16xf32>
        %parallel_loop3A_627 = arith.addi %select_n3A_344, %parallel_loop3A_497 : i32
        %parallel_loop3A_628 = arith.index_cast %parallel_loop3A_627 : i32 to index
        %parallel_loop3A_629 = arith.constant 48 : index
        %parallel_loop3A_630 = tpu.vector_load %arg12[%parallel_loop3A_628, %parallel_loop3A_629] {strides = array<i32>} : memref<256x128xf32, #tpu.memory_space<vmem>>, vector<1x16xf32>,
        %parallel_loop3A_631 = vector.shape_cast %parallel_loop3A_630 : vector<1x16xf32> to vector<16xf32>
        %parallel_loop3A_632 = arith.mulf %parallel_loop3A_611, %parallel_loop3A_626 : vector<16xf32>
        %parallel_loop3A_633 = arith.mulf %parallel_loop3A_621, %parallel_loop3A_631 : vector<16xf32>
        %parallel_loop3A_634 = arith.addf %parallel_loop3A_632, %parallel_loop3A_633 : vector<16xf32>
        %parallel_loop3A_635 = arith.constant 1 : i32
        %parallel_loop3A_636 = arith.index_cast %parallel_loop3A_635 : i32 to index
        %parallel_loop3A_637 = arith.index_cast %parallel_loop3A_497 : i32 to index
        %parallel_loop3A_638 = arith.constant 48 : index
        %parallel_loop3A_639 = tpu.vector_load %arg10[%parallel_loop3A_636, %parallel_loop3A_637, %parallel_loop3A_638] {strides = array<i32>} : memref<2x64x128xf32, #tpu.memory_space<vmem>>, vector<1x1x16xf32>,
        %parallel_loop3A_640 = vector.shape_cast %parallel_loop3A_639 : vector<1x1x16xf32> to vector<16xf32>
        %parallel_loop3A_641 = vector.shape_cast %parallel_loop3A_634 : vector<16xf32> to vector<1x1x16xf32>
        tpu.vector_store %arg10[%parallel_loop3A_636, %parallel_loop3A_637, %parallel_loop3A_638], %parallel_loop3A_641 {strides = array<i32>} : memref<2x64x128xf32, #tpu.memory_space<vmem>>, vector<1x1x16xf32>,
        %parallel_loop3A_642 = arith.constant 1 : i32
        %parallel_loop3A_643 = arith.index_cast %parallel_loop3A_642 : i32 to index
        %parallel_loop3A_644 = arith.index_cast %parallel_loop3A_497 : i32 to index
        %parallel_loop3A_645 = arith.constant 64 : index
        %parallel_loop3A_646 = tpu.vector_load %arg9[%parallel_loop3A_643, %parallel_loop3A_644, %parallel_loop3A_645] {strides = array<i32>} : memref<4x64x128xf32, #tpu.memory_space<vmem>>, vector<1x1x16xf32>,
        %parallel_loop3A_647 = vector.shape_cast %parallel_loop3A_646 : vector<1x1x16xf32> to vector<16xf32>
        %parallel_loop3A_648 = arith.constant 0 : i32
        %parallel_loop3A_649 = vector.broadcast %parallel_loop3A_648 : i32 to vector<16xi32>
        %parallel_loop3A_650 = arith.cmpi slt, %xor3A_2, %parallel_loop3A_649 : vector<16xi32>
        %parallel_loop3A_651 = arith.constant 16 : i32
        %parallel_loop3A_652 = vector.broadcast %parallel_loop3A_651 : i32 to vector<16xi32>
        %parallel_loop3A_653 = arith.addi %xor3A_2, %parallel_loop3A_652 : vector<16xi32>
        %parallel_loop3A_654 = arith.select %parallel_loop3A_650, %parallel_loop3A_653, %xor3A_2 : vector<16xi1>, vector<16xi32>
        %parallel_loop3A_655 = vector.shape_cast %parallel_loop3A_654 : vector<16xi32> to vector<16x1xi32>
        %parallel_loop3A_656 = vector.shape_cast %parallel_loop3A_655 : vector<16x1xi32> to vector<16xi32>
        %parallel_loop3A_657 = tpu.dynamic_gather %parallel_loop3A_647[%parallel_loop3A_656] in [0] : vector<16xf32>, vector<16xi32> -> vector<16xf32>
        %parallel_loop3A_658 = arith.addi %select_n3A_344, %parallel_loop3A_497 : i32
        %parallel_loop3A_659 = arith.index_cast %parallel_loop3A_658 : i32 to index
        %parallel_loop3A_660 = arith.constant 64 : index
        %parallel_loop3A_661 = tpu.vector_load %arg11[%parallel_loop3A_659, %parallel_loop3A_660] {strides = array<i32>} : memref<256x128xf32, #tpu.memory_space<vmem>>, vector<1x16xf32>,
        %parallel_loop3A_662 = vector.shape_cast %parallel_loop3A_661 : vector<1x16xf32> to vector<16xf32>
        %parallel_loop3A_663 = arith.addi %select_n3A_344, %parallel_loop3A_497 : i32
        %parallel_loop3A_664 = arith.index_cast %parallel_loop3A_663 : i32 to index
        %parallel_loop3A_665 = arith.constant 64 : index
        %parallel_loop3A_666 = tpu.vector_load %arg12[%parallel_loop3A_664, %parallel_loop3A_665] {strides = array<i32>} : memref<256x128xf32, #tpu.memory_space<vmem>>, vector<1x16xf32>,
        %parallel_loop3A_667 = vector.shape_cast %parallel_loop3A_666 : vector<1x16xf32> to vector<16xf32>
        %parallel_loop3A_668 = arith.mulf %parallel_loop3A_647, %parallel_loop3A_662 : vector<16xf32>
        %parallel_loop3A_669 = arith.mulf %parallel_loop3A_657, %parallel_loop3A_667 : vector<16xf32>
        %parallel_loop3A_670 = arith.addf %parallel_loop3A_668, %parallel_loop3A_669 : vector<16xf32>
        %parallel_loop3A_671 = arith.constant 1 : i32
        %parallel_loop3A_672 = arith.index_cast %parallel_loop3A_671 : i32 to index
        %parallel_loop3A_673 = arith.index_cast %parallel_loop3A_497 : i32 to index
        %parallel_loop3A_674 = arith.constant 64 : index
        %parallel_loop3A_675 = tpu.vector_load %arg10[%parallel_loop3A_672, %parallel_loop3A_673, %parallel_loop3A_674] {strides = array<i32>} : memref<2x64x128xf32, #tpu.memory_space<vmem>>, vector<1x1x16xf32>,
        %parallel_loop3A_676 = vector.shape_cast %parallel_loop3A_675 : vector<1x1x16xf32> to vector<16xf32>
        %parallel_loop3A_677 = vector.shape_cast %parallel_loop3A_670 : vector<16xf32> to vector<1x1x16xf32>
        tpu.vector_store %arg10[%parallel_loop3A_672, %parallel_loop3A_673, %parallel_loop3A_674], %parallel_loop3A_677 {strides = array<i32>} : memref<2x64x128xf32, #tpu.memory_space<vmem>>, vector<1x1x16xf32>,
        %parallel_loop3A_678 = arith.constant 1 : i32
        %parallel_loop3A_679 = arith.index_cast %parallel_loop3A_678 : i32 to index
        %parallel_loop3A_680 = arith.index_cast %parallel_loop3A_497 : i32 to index
        %parallel_loop3A_681 = arith.constant 80 : index
        %parallel_loop3A_682 = tpu.vector_load %arg9[%parallel_loop3A_679, %parallel_loop3A_680, %parallel_loop3A_681] {strides = array<i32>} : memref<4x64x128xf32, #tpu.memory_space<vmem>>, vector<1x1x16xf32>,
        %parallel_loop3A_683 = vector.shape_cast %parallel_loop3A_682 : vector<1x1x16xf32> to vector<16xf32>
        %parallel_loop3A_684 = arith.constant 0 : i32
        %parallel_loop3A_685 = vector.broadcast %parallel_loop3A_684 : i32 to vector<16xi32>
        %parallel_loop3A_686 = arith.cmpi slt, %xor3A_2, %parallel_loop3A_685 : vector<16xi32>
        %parallel_loop3A_687 = arith.constant 16 : i32
        %parallel_loop3A_688 = vector.broadcast %parallel_loop3A_687 : i32 to vector<16xi32>
        %parallel_loop3A_689 = arith.addi %xor3A_2, %parallel_loop3A_688 : vector<16xi32>
        %parallel_loop3A_690 = arith.select %parallel_loop3A_686, %parallel_loop3A_689, %xor3A_2 : vector<16xi1>, vector<16xi32>
        %parallel_loop3A_691 = vector.shape_cast %parallel_loop3A_690 : vector<16xi32> to vector<16x1xi32>
        %parallel_loop3A_692 = vector.shape_cast %parallel_loop3A_691 : vector<16x1xi32> to vector<16xi32>
        %parallel_loop3A_693 = tpu.dynamic_gather %parallel_loop3A_683[%parallel_loop3A_692] in [0] : vector<16xf32>, vector<16xi32> -> vector<16xf32>
        %parallel_loop3A_694 = arith.addi %select_n3A_344, %parallel_loop3A_497 : i32
        %parallel_loop3A_695 = arith.index_cast %parallel_loop3A_694 : i32 to index
        %parallel_loop3A_696 = arith.constant 80 : index
        %parallel_loop3A_697 = tpu.vector_load %arg11[%parallel_loop3A_695, %parallel_loop3A_696] {strides = array<i32>} : memref<256x128xf32, #tpu.memory_space<vmem>>, vector<1x16xf32>,
        %parallel_loop3A_698 = vector.shape_cast %parallel_loop3A_697 : vector<1x16xf32> to vector<16xf32>
        %parallel_loop3A_699 = arith.addi %select_n3A_344, %parallel_loop3A_497 : i32
        %parallel_loop3A_700 = arith.index_cast %parallel_loop3A_699 : i32 to index
        %parallel_loop3A_701 = arith.constant 80 : index
        %parallel_loop3A_702 = tpu.vector_load %arg12[%parallel_loop3A_700, %parallel_loop3A_701] {strides = array<i32>} : memref<256x128xf32, #tpu.memory_space<vmem>>, vector<1x16xf32>,
        %parallel_loop3A_703 = vector.shape_cast %parallel_loop3A_702 : vector<1x16xf32> to vector<16xf32>
        %parallel_loop3A_704 = arith.mulf %parallel_loop3A_683, %parallel_loop3A_698 : vector<16xf32>
        %parallel_loop3A_705 = arith.mulf %parallel_loop3A_693, %parallel_loop3A_703 : vector<16xf32>
        %parallel_loop3A_706 = arith.addf %parallel_loop3A_704, %parallel_loop3A_705 : vector<16xf32>
        %parallel_loop3A_707 = arith.constant 1 : i32
        %parallel_loop3A_708 = arith.index_cast %parallel_loop3A_707 : i32 to index
        %parallel_loop3A_709 = arith.index_cast %parallel_loop3A_497 : i32 to index
        %parallel_loop3A_710 = arith.constant 80 : index
        %parallel_loop3A_711 = tpu.vector_load %arg10[%parallel_loop3A_708, %parallel_loop3A_709, %parallel_loop3A_710] {strides = array<i32>} : memref<2x64x128xf32, #tpu.memory_space<vmem>>, vector<1x1x16xf32>,
        %parallel_loop3A_712 = vector.shape_cast %parallel_loop3A_711 : vector<1x1x16xf32> to vector<16xf32>
        %parallel_loop3A_713 = vector.shape_cast %parallel_loop3A_706 : vector<16xf32> to vector<1x1x16xf32>
        tpu.vector_store %arg10[%parallel_loop3A_708, %parallel_loop3A_709, %parallel_loop3A_710], %parallel_loop3A_713 {strides = array<i32>} : memref<2x64x128xf32, #tpu.memory_space<vmem>>, vector<1x1x16xf32>,
        %parallel_loop3A_714 = arith.constant 1 : i32
        %parallel_loop3A_715 = arith.index_cast %parallel_loop3A_714 : i32 to index
        %parallel_loop3A_716 = arith.index_cast %parallel_loop3A_497 : i32 to index
        %parallel_loop3A_717 = arith.constant 96 : index
        %parallel_loop3A_718 = tpu.vector_load %arg9[%parallel_loop3A_715, %parallel_loop3A_716, %parallel_loop3A_717] {strides = array<i32>} : memref<4x64x128xf32, #tpu.memory_space<vmem>>, vector<1x1x16xf32>,
        %parallel_loop3A_719 = vector.shape_cast %parallel_loop3A_718 : vector<1x1x16xf32> to vector<16xf32>
        %parallel_loop3A_720 = arith.constant 0 : i32
        %parallel_loop3A_721 = vector.broadcast %parallel_loop3A_720 : i32 to vector<16xi32>
        %parallel_loop3A_722 = arith.cmpi slt, %xor3A_2, %parallel_loop3A_721 : vector<16xi32>
        %parallel_loop3A_723 = arith.constant 16 : i32
        %parallel_loop3A_724 = vector.broadcast %parallel_loop3A_723 : i32 to vector<16xi32>
        %parallel_loop3A_725 = arith.addi %xor3A_2, %parallel_loop3A_724 : vector<16xi32>
        %parallel_loop3A_726 = arith.select %parallel_loop3A_722, %parallel_loop3A_725, %xor3A_2 : vector<16xi1>, vector<16xi32>
        %parallel_loop3A_727 = vector.shape_cast %parallel_loop3A_726 : vector<16xi32> to vector<16x1xi32>
        %parallel_loop3A_728 = vector.shape_cast %parallel_loop3A_727 : vector<16x1xi32> to vector<16xi32>
        %parallel_loop3A_729 = tpu.dynamic_gather %parallel_loop3A_719[%parallel_loop3A_728] in [0] : vector<16xf32>, vector<16xi32> -> vector<16xf32>
        %parallel_loop3A_730 = arith.addi %select_n3A_344, %parallel_loop3A_497 : i32
        %parallel_loop3A_731 = arith.index_cast %parallel_loop3A_730 : i32 to index
        %parallel_loop3A_732 = arith.constant 96 : index
        %parallel_loop3A_733 = tpu.vector_load %arg11[%parallel_loop3A_731, %parallel_loop3A_732] {strides = array<i32>} : memref<256x128xf32, #tpu.memory_space<vmem>>, vector<1x16xf32>,
        %parallel_loop3A_734 = vector.shape_cast %parallel_loop3A_733 : vector<1x16xf32> to vector<16xf32>
        %parallel_loop3A_735 = arith.addi %select_n3A_344, %parallel_loop3A_497 : i32
        %parallel_loop3A_736 = arith.index_cast %parallel_loop3A_735 : i32 to index
        %parallel_loop3A_737 = arith.constant 96 : index
        %parallel_loop3A_738 = tpu.vector_load %arg12[%parallel_loop3A_736, %parallel_loop3A_737] {strides = array<i32>} : memref<256x128xf32, #tpu.memory_space<vmem>>, vector<1x16xf32>,
        %parallel_loop3A_739 = vector.shape_cast %parallel_loop3A_738 : vector<1x16xf32> to vector<16xf32>
        %parallel_loop3A_740 = arith.mulf %parallel_loop3A_719, %parallel_loop3A_734 : vector<16xf32>
        %parallel_loop3A_741 = arith.mulf %parallel_loop3A_729, %parallel_loop3A_739 : vector<16xf32>
        %parallel_loop3A_742 = arith.addf %parallel_loop3A_740, %parallel_loop3A_741 : vector<16xf32>
        %parallel_loop3A_743 = arith.constant 1 : i32
        %parallel_loop3A_744 = arith.index_cast %parallel_loop3A_743 : i32 to index
        %parallel_loop3A_745 = arith.index_cast %parallel_loop3A_497 : i32 to index
        %parallel_loop3A_746 = arith.constant 96 : index
        %parallel_loop3A_747 = tpu.vector_load %arg10[%parallel_loop3A_744, %parallel_loop3A_745, %parallel_loop3A_746] {strides = array<i32>} : memref<2x64x128xf32, #tpu.memory_space<vmem>>, vector<1x1x16xf32>,
        %parallel_loop3A_748 = vector.shape_cast %parallel_loop3A_747 : vector<1x1x16xf32> to vector<16xf32>
        %parallel_loop3A_749 = vector.shape_cast %parallel_loop3A_742 : vector<16xf32> to vector<1x1x16xf32>
        tpu.vector_store %arg10[%parallel_loop3A_744, %parallel_loop3A_745, %parallel_loop3A_746], %parallel_loop3A_749 {strides = array<i32>} : memref<2x64x128xf32, #tpu.memory_space<vmem>>, vector<1x1x16xf32>,
        %parallel_loop3A_750 = arith.constant 1 : i32
        %parallel_loop3A_751 = arith.index_cast %parallel_loop3A_750 : i32 to index
        %parallel_loop3A_752 = arith.index_cast %parallel_loop3A_497 : i32 to index
        %parallel_loop3A_753 = arith.constant 112 : index
        %parallel_loop3A_754 = tpu.vector_load %arg9[%parallel_loop3A_751, %parallel_loop3A_752, %parallel_loop3A_753] {strides = array<i32>} : memref<4x64x128xf32, #tpu.memory_space<vmem>>, vector<1x1x16xf32>,
        %parallel_loop3A_755 = vector.shape_cast %parallel_loop3A_754 : vector<1x1x16xf32> to vector<16xf32>
        %parallel_loop3A_756 = arith.constant 0 : i32
        %parallel_loop3A_757 = vector.broadcast %parallel_loop3A_756 : i32 to vector<16xi32>
        %parallel_loop3A_758 = arith.cmpi slt, %xor3A_2, %parallel_loop3A_757 : vector<16xi32>
        %parallel_loop3A_759 = arith.constant 16 : i32
        %parallel_loop3A_760 = vector.broadcast %parallel_loop3A_759 : i32 to vector<16xi32>
        %parallel_loop3A_761 = arith.addi %xor3A_2, %parallel_loop3A_760 : vector<16xi32>
        %parallel_loop3A_762 = arith.select %parallel_loop3A_758, %parallel_loop3A_761, %xor3A_2 : vector<16xi1>, vector<16xi32>
        %parallel_loop3A_763 = vector.shape_cast %parallel_loop3A_762 : vector<16xi32> to vector<16x1xi32>
        %parallel_loop3A_764 = vector.shape_cast %parallel_loop3A_763 : vector<16x1xi32> to vector<16xi32>
        %parallel_loop3A_765 = tpu.dynamic_gather %parallel_loop3A_755[%parallel_loop3A_764] in [0] : vector<16xf32>, vector<16xi32> -> vector<16xf32>
        %parallel_loop3A_766 = arith.addi %select_n3A_344, %parallel_loop3A_497 : i32
        %parallel_loop3A_767 = arith.index_cast %parallel_loop3A_766 : i32 to index
        %parallel_loop3A_768 = arith.constant 112 : index
        %parallel_loop3A_769 = tpu.vector_load %arg11[%parallel_loop3A_767, %parallel_loop3A_768] {strides = array<i32>} : memref<256x128xf32, #tpu.memory_space<vmem>>, vector<1x16xf32>,
        %parallel_loop3A_770 = vector.shape_cast %parallel_loop3A_769 : vector<1x16xf32> to vector<16xf32>
        %parallel_loop3A_771 = arith.addi %select_n3A_344, %parallel_loop3A_497 : i32
        %parallel_loop3A_772 = arith.index_cast %parallel_loop3A_771 : i32 to index
        %parallel_loop3A_773 = arith.constant 112 : index
        %parallel_loop3A_774 = tpu.vector_load %arg12[%parallel_loop3A_772, %parallel_loop3A_773] {strides = array<i32>} : memref<256x128xf32, #tpu.memory_space<vmem>>, vector<1x16xf32>,
        %parallel_loop3A_775 = vector.shape_cast %parallel_loop3A_774 : vector<1x16xf32> to vector<16xf32>
        %parallel_loop3A_776 = arith.mulf %parallel_loop3A_755, %parallel_loop3A_770 : vector<16xf32>
        %parallel_loop3A_777 = arith.mulf %parallel_loop3A_765, %parallel_loop3A_775 : vector<16xf32>
        %parallel_loop3A_778 = arith.addf %parallel_loop3A_776, %parallel_loop3A_777 : vector<16xf32>
        %parallel_loop3A_779 = arith.constant 1 : i32
        %parallel_loop3A_780 = arith.index_cast %parallel_loop3A_779 : i32 to index
        %parallel_loop3A_781 = arith.index_cast %parallel_loop3A_497 : i32 to index
        %parallel_loop3A_782 = arith.constant 112 : index
        %parallel_loop3A_783 = tpu.vector_load %arg10[%parallel_loop3A_780, %parallel_loop3A_781, %parallel_loop3A_782] {strides = array<i32>} : memref<2x64x128xf32, #tpu.memory_space<vmem>>, vector<1x1x16xf32>,
        %parallel_loop3A_784 = vector.shape_cast %parallel_loop3A_783 : vector<1x1x16xf32> to vector<16xf32>
        %parallel_loop3A_785 = vector.shape_cast %parallel_loop3A_778 : vector<16xf32> to vector<1x1x16xf32>
        tpu.vector_store %arg10[%parallel_loop3A_780, %parallel_loop3A_781, %parallel_loop3A_782], %parallel_loop3A_785 {strides = array<i32>} : memref<2x64x128xf32, #tpu.memory_space<vmem>>, vector<1x1x16xf32>,
      } {sc.loop_unroll_factor = 4 : i64, sc.parallel_access}
      %dma_start3A_348 = arith.constant 1 : i32
      %dma_start3A_349 = arith.constant 0 : i32
      %dma_start3A_350 = arith.constant 0 : i32
      %dma_start3A_351 = tpu.memref_slice %arg10[%dma_start3A_348, %dma_start3A_349, %dma_start3A_350] : memref<2x64x128xf32, #tpu.memory_space<vmem>> -> memref<1x64x128xf32, #tpu.memory_space<vmem>>
      %dma_start3A_352 = tpu.memref_squeeze %dma_start3A_351 : memref<1x64x128xf32, #tpu.memory_space<vmem>> -> memref<64x128xf32, #tpu.memory_space<vmem>>
      %dma_start3A_353 = arith.constant 0 : i32
      %dma_start3A_354 = arith.constant 0 : i32
      %dma_start3A_355 = tpu.memref_slice %arg6[%add3A, %add3A_302, %dma_start3A_353, %dma_start3A_354] : memref<32x100x64x128xf32, #tpu.memory_space<hbm>> -> memref<1x1x64x128xf32, #tpu.memory_space<hbm>>
      %dma_start3A_356 = tpu.memref_squeeze %dma_start3A_355 : memref<1x1x64x128xf32, #tpu.memory_space<hbm>> -> memref<64x128xf32, #tpu.memory_space<hbm>>
      %dma_start3A_357 = arith.constant 0 : i32
      %dma_start3A_358 = arith.constant 0 : i32
      %dma_start3A_359 = tpu.memref_slice %arg6[%add3A, %add3A_302, %dma_start3A_357, %dma_start3A_358] : memref<32x100x64x128xf32, #tpu.memory_space<hbm>> -> memref<1x1x64x128xf32, #tpu.memory_space<hbm>>
      %dma_start3A_360 = tpu.memref_squeeze %dma_start3A_359 : memref<1x1x64x128xf32, #tpu.memory_space<hbm>> -> memref<64x128xf32, #tpu.memory_space<hbm>>
      %dma_start3A_361 = arith.constant 0 : i32
      %dma_start3A_362 = arith.constant 0 : i32
      %dma_start3A_363 = tpu.memref_slice %arg10[%dma_start3A_348, %dma_start3A_361, %dma_start3A_362] : memref<2x64x128xf32, #tpu.memory_space<vmem>> -> memref<1x64x128xf32, #tpu.memory_space<vmem>>
      %dma_start3A_364 = tpu.memref_squeeze %dma_start3A_363 : memref<1x64x128xf32, #tpu.memory_space<vmem>> -> memref<64x128xf32, #tpu.memory_space<vmem>>
      tpu.enqueue_dma source(%dma_start3A_364 : memref<64x128xf32, #tpu.memory_space<vmem>>) target(%dma_start3A_360 : memref<64x128xf32, #tpu.memory_space<hbm>>) target_semaphore(%arg18 : memref<!tpu.dma_semaphore, #tpu.memory_space<semaphore_mem>>)
      %mul3A_365 = arith.constant 4 : i32
      %mul3A_366 = arith.muli %mul3A_365, %scan3A_243 : i32
      %add3A_367 = arith.constant 2 : i32
      %add3A_368 = arith.addi %mul3A_366, %add3A_367 : i32
      %ge3A_369 = arith.constant 2 : i32
      %ge3A_370 = arith.cmpi sge, %add3A_368, %ge3A_369 : i32
      %convert_element_type3A_371 = arith.extui %ge3A_370 : i1 to i32
      %cond3A_372 = arith.constant 0 : i32
      %cond3A_373 = arith.cmpi ne, %convert_element_type3A_371, %cond3A_372 : i32
      scf.if %cond3A_373 {
        %sub3A = arith.constant 2 : i32
        %sub3A_497 = arith.subi %add3A_368, %sub3A : i32
        %dma_wait3A_498 = arith.constant 0 : i32
        %dma_wait3A_499 = arith.constant 0 : i32
        %dma_wait3A_500 = arith.constant 0 : i32
        %dma_wait3A_501 = tpu.memref_slice %arg10[%dma_wait3A_498, %dma_wait3A_499, %dma_wait3A_500] : memref<2x64x128xf32, #tpu.memory_space<vmem>> -> memref<1x64x128xf32, #tpu.memory_space<vmem>>
        %dma_wait3A_502 = tpu.memref_squeeze %dma_wait3A_501 : memref<1x64x128xf32, #tpu.memory_space<vmem>> -> memref<64x128xf32, #tpu.memory_space<vmem>>
        %dma_wait3A_503 = arith.constant 0 : i32
        %dma_wait3A_504 = arith.constant 0 : i32
        %dma_wait3A_505 = tpu.memref_slice %arg6[%add3A, %sub3A_497, %dma_wait3A_503, %dma_wait3A_504] : memref<32x100x64x128xf32, #tpu.memory_space<hbm>> -> memref<1x1x64x128xf32, #tpu.memory_space<hbm>>
        %dma_wait3A_506 = tpu.memref_squeeze %dma_wait3A_505 : memref<1x1x64x128xf32, #tpu.memory_space<hbm>> -> memref<64x128xf32, #tpu.memory_space<hbm>>
        %dma_wait3A_507 = arith.constant 0 : i32
        %dma_wait3A_508 = arith.constant 0 : i32
        %dma_wait3A_509 = tpu.memref_slice %arg6[%add3A, %sub3A_497, %dma_wait3A_507, %dma_wait3A_508] : memref<32x100x64x128xf32, #tpu.memory_space<hbm>> -> memref<1x1x64x128xf32, #tpu.memory_space<hbm>>
        %dma_wait3A_510 = tpu.memref_squeeze %dma_wait3A_509 : memref<1x1x64x128xf32, #tpu.memory_space<hbm>> -> memref<64x128xf32, #tpu.memory_space<hbm>>
        %dma_wait3A_511 = arith.constant 0 : i32
        %dma_wait3A_512 = arith.constant 0 : i32
        %dma_wait3A_513 = tpu.memref_slice %arg10[%dma_wait3A_498, %dma_wait3A_511, %dma_wait3A_512] : memref<2x64x128xf32, #tpu.memory_space<vmem>> -> memref<1x64x128xf32, #tpu.memory_space<vmem>>
        %dma_wait3A_514 = tpu.memref_squeeze %dma_wait3A_513 : memref<1x64x128xf32, #tpu.memory_space<vmem>> -> memref<64x128xf32, #tpu.memory_space<vmem>>
        tpu.wait_dma2 semaphore(%arg17 : memref<!tpu.dma_semaphore, #tpu.memory_space<semaphore_mem>>) src(%dma_wait3A_514 : memref<64x128xf32, #tpu.memory_space<vmem>>) dst(%dma_wait3A_510 : memref<64x128xf32, #tpu.memory_space<hbm>>)
      } else {
      }
      %add3A_374 = arith.constant 3 : i32
      %add3A_375 = arith.addi %add3A_368, %add3A_374 : i32
      %lt3A_376 = arith.constant 100 : i32
      %lt3A_377 = arith.cmpi slt, %add3A_375, %lt3A_376 : i32
      %convert_element_type3A_378 = arith.extui %lt3A_377 : i1 to i32
      %cond3A_379 = arith.constant 0 : i32
      %cond3A_380 = arith.cmpi ne, %convert_element_type3A_378, %cond3A_379 : i32
      scf.if %cond3A_380 {
        %add3A_497 = arith.constant 3 : i32
        %add3A_498 = arith.addi %add3A_368, %add3A_497 : i32
        %get3A_499 = arith.index_cast %add3A_498 : i32 to index
        %get3A_500 = arith.constant 0 : index
        %get3A_501 = tpu.vector_load %arg7[%get3A_499, %get3A_500] {strides = array<i32>} : memref<100x64xi32, #tpu.memory_space<vmem>>, vector<1x16xi32>,
        %get3A_502 = vector.shape_cast %get3A_501 : vector<1x16xi32> to vector<16xi32>
        %shift_right_arithmetic3A_503 = arith.constant 1 : i32
        %shift_right_arithmetic3A_504 = vector.broadcast %shift_right_arithmetic3A_503 : i32 to vector<16xi32>
        %shift_right_arithmetic3A_505 = arith.shrsi %get3A_502, %shift_right_arithmetic3A_504 : vector<16xi32>
        %swap3A_506 = arith.constant 1 : i32
        %swap3A_507 = arith.index_cast %swap3A_506 : i32 to index
        %swap3A_508 = arith.constant 0 : index
        %swap3A_509 = tpu.vector_load %arg8[%swap3A_507, %swap3A_508] {strides = array<i32>} : memref<4x64xi32, #tpu.memory_space<vmem>>, vector<1x16xi32>,
        %swap3A_510 = vector.shape_cast %swap3A_509 : vector<1x16xi32> to vector<16xi32>
        %swap3A_511 = vector.shape_cast %shift_right_arithmetic3A_505 : vector<16xi32> to vector<1x16xi32>
        tpu.vector_store %arg8[%swap3A_507, %swap3A_508], %swap3A_511 {strides = array<i32>} : memref<4x64xi32, #tpu.memory_space<vmem>>, vector<1x16xi32>,
        %get3A_512 = arith.index_cast %add3A_498 : i32 to index
        %get3A_513 = arith.constant 16 : index
        %get3A_514 = tpu.vector_load %arg7[%get3A_512, %get3A_513] {strides = array<i32>} : memref<100x64xi32, #tpu.memory_space<vmem>>, vector<1x16xi32>,
        %get3A_515 = vector.shape_cast %get3A_514 : vector<1x16xi32> to vector<16xi32>
        %shift_right_arithmetic3A_516 = arith.constant 1 : i32
        %shift_right_arithmetic3A_517 = vector.broadcast %shift_right_arithmetic3A_516 : i32 to vector<16xi32>
        %shift_right_arithmetic3A_518 = arith.shrsi %get3A_515, %shift_right_arithmetic3A_517 : vector<16xi32>
        %swap3A_519 = arith.constant 1 : i32
        %swap3A_520 = arith.index_cast %swap3A_519 : i32 to index
        %swap3A_521 = arith.constant 16 : index
        %swap3A_522 = tpu.vector_load %arg8[%swap3A_520, %swap3A_521] {strides = array<i32>} : memref<4x64xi32, #tpu.memory_space<vmem>>, vector<1x16xi32>,
        %swap3A_523 = vector.shape_cast %swap3A_522 : vector<1x16xi32> to vector<16xi32>
        %swap3A_524 = vector.shape_cast %shift_right_arithmetic3A_518 : vector<16xi32> to vector<1x16xi32>
        tpu.vector_store %arg8[%swap3A_520, %swap3A_521], %swap3A_524 {strides = array<i32>} : memref<4x64xi32, #tpu.memory_space<vmem>>, vector<1x16xi32>,
        %get3A_525 = arith.index_cast %add3A_498 : i32 to index
        %get3A_526 = arith.constant 32 : index
        %get3A_527 = tpu.vector_load %arg7[%get3A_525, %get3A_526] {strides = array<i32>} : memref<100x64xi32, #tpu.memory_space<vmem>>, vector<1x16xi32>,
        %get3A_528 = vector.shape_cast %get3A_527 : vector<1x16xi32> to vector<16xi32>
        %shift_right_arithmetic3A_529 = arith.constant 1 : i32
        %shift_right_arithmetic3A_530 = vector.broadcast %shift_right_arithmetic3A_529 : i32 to vector<16xi32>
        %shift_right_arithmetic3A_531 = arith.shrsi %get3A_528, %shift_right_arithmetic3A_530 : vector<16xi32>
        %swap3A_532 = arith.constant 1 : i32
        %swap3A_533 = arith.index_cast %swap3A_532 : i32 to index
        %swap3A_534 = arith.constant 32 : index
        %swap3A_535 = tpu.vector_load %arg8[%swap3A_533, %swap3A_534] {strides = array<i32>} : memref<4x64xi32, #tpu.memory_space<vmem>>, vector<1x16xi32>,
        %swap3A_536 = vector.shape_cast %swap3A_535 : vector<1x16xi32> to vector<16xi32>
        %swap3A_537 = vector.shape_cast %shift_right_arithmetic3A_531 : vector<16xi32> to vector<1x16xi32>
        tpu.vector_store %arg8[%swap3A_533, %swap3A_534], %swap3A_537 {strides = array<i32>} : memref<4x64xi32, #tpu.memory_space<vmem>>, vector<1x16xi32>,
        %get3A_538 = arith.index_cast %add3A_498 : i32 to index
        %get3A_539 = arith.constant 48 : index
        %get3A_540 = tpu.vector_load %arg7[%get3A_538, %get3A_539] {strides = array<i32>} : memref<100x64xi32, #tpu.memory_space<vmem>>, vector<1x16xi32>,
        %get3A_541 = vector.shape_cast %get3A_540 : vector<1x16xi32> to vector<16xi32>
        %shift_right_arithmetic3A_542 = arith.constant 1 : i32
        %shift_right_arithmetic3A_543 = vector.broadcast %shift_right_arithmetic3A_542 : i32 to vector<16xi32>
        %shift_right_arithmetic3A_544 = arith.shrsi %get3A_541, %shift_right_arithmetic3A_543 : vector<16xi32>
        %swap3A_545 = arith.constant 1 : i32
        %swap3A_546 = arith.index_cast %swap3A_545 : i32 to index
        %swap3A_547 = arith.constant 48 : index
        %swap3A_548 = tpu.vector_load %arg8[%swap3A_546, %swap3A_547] {strides = array<i32>} : memref<4x64xi32, #tpu.memory_space<vmem>>, vector<1x16xi32>,
        %swap3A_549 = vector.shape_cast %swap3A_548 : vector<1x16xi32> to vector<16xi32>
        %swap3A_550 = vector.shape_cast %shift_right_arithmetic3A_544 : vector<16xi32> to vector<1x16xi32>
        tpu.vector_store %arg8[%swap3A_546, %swap3A_547], %swap3A_550 {strides = array<i32>} : memref<4x64xi32, #tpu.memory_space<vmem>>, vector<1x16xi32>,
        %dma_start3A_551 = arith.constant 1 : i32
        %dma_start3A_552 = arith.constant 1 : i32
        %dma_start3A_553 = arith.constant 0 : i32
        %dma_start3A_554 = arith.constant 0 : i32
        %dma_start3A_555 = tpu.memref_slice %arg9[%dma_start3A_552, %dma_start3A_553, %dma_start3A_554] : memref<4x64x128xf32, #tpu.memory_space<vmem>> -> memref<1x64x128xf32, #tpu.memory_space<vmem>>
        %dma_start3A_556 = tpu.memref_squeeze %dma_start3A_555 : memref<1x64x128xf32, #tpu.memory_space<vmem>> -> memref<64x128xf32, #tpu.memory_space<vmem>>
        %dma_start3A_557 = arith.constant 0 : i32
        %dma_start3A_558 = tpu.memref_slice %arg8[%dma_start3A_551, %dma_start3A_557] : memref<4x64xi32, #tpu.memory_space<vmem>> -> memref<1x64xi32, #tpu.memory_space<vmem>>
        %dma_start3A_559 = tpu.memref_squeeze %dma_start3A_558 : memref<1x64xi32, #tpu.memory_space<vmem>> -> memref<64xi32, #tpu.memory_space<vmem>>
        %dma_start3A_560 = arith.constant 0 : i32
        %dma_start3A_561 = arith.constant 0 : i32
        %dma_start3A_562 = tpu.memref_slice %arg3[%dma_start3A_560, %dma_start3A_561] : memref<500000x128xf32, #tpu.memory_space<hbm>> -> memref<500000x128xf32, #tpu.memory_space<hbm>>
        tpu.enqueue_indirect_dma source(%dma_start3A_562 : memref<500000x128xf32, #tpu.memory_space<hbm>>) target(%dma_start3A_556 : memref<64x128xf32, #tpu.memory_space<vmem>>) offsets(%dma_start3A_559 : memref<64xi32, #tpu.memory_space<vmem>>) semaphore(%arg14 : memref<!tpu.dma_semaphore, #tpu.memory_space<semaphore_mem>>)
      } else {
      }
      %dma_wait3A_381 = arith.constant 2 : i32
      %dma_wait3A_382 = arith.constant 2 : i32
      %dma_wait3A_383 = arith.constant 0 : i32
      %dma_wait3A_384 = arith.constant 0 : i32
      %dma_wait3A_385 = tpu.memref_slice %arg9[%dma_wait3A_382, %dma_wait3A_383, %dma_wait3A_384] : memref<4x64x128xf32, #tpu.memory_space<vmem>> -> memref<1x64x128xf32, #tpu.memory_space<vmem>>
      %dma_wait3A_386 = tpu.memref_squeeze %dma_wait3A_385 : memref<1x64x128xf32, #tpu.memory_space<vmem>> -> memref<64x128xf32, #tpu.memory_space<vmem>>
      %dma_wait3A_387 = arith.constant 0 : i32
      %dma_wait3A_388 = tpu.memref_slice %arg8[%dma_wait3A_381, %dma_wait3A_387] : memref<4x64xi32, #tpu.memory_space<vmem>> -> memref<1x64xi32, #tpu.memory_space<vmem>>
      %dma_wait3A_389 = tpu.memref_squeeze %dma_wait3A_388 : memref<1x64xi32, #tpu.memory_space<vmem>> -> memref<64xi32, #tpu.memory_space<vmem>>
      %dma_wait3A_390 = arith.constant 0 : i32
      %dma_wait3A_391 = arith.constant 0 : i32
      %dma_wait3A_392 = tpu.memref_slice %arg3[%dma_wait3A_390, %dma_wait3A_391] : memref<500000x128xf32, #tpu.memory_space<hbm>> -> memref<500000x128xf32, #tpu.memory_space<hbm>>
      tpu.wait_indirect_dma semaphore(%arg15 : memref<!tpu.dma_semaphore, #tpu.memory_space<semaphore_mem>>) src(%dma_wait3A_392 : memref<500000x128xf32, #tpu.memory_space<hbm>>) dst(%dma_wait3A_386 : memref<64x128xf32, #tpu.memory_space<vmem>>)
      %mul3A_393 = arith.constant 64 : i32
      %mul3A_394 = arith.muli %mul3A_393, %add3A_368 : i32
      %jit3A_395 = arith.constant 200 : i32
      %eq3A_396 = arith.constant 0 : i32
      %eq3A_397 = arith.cmpi eq, %jit3A_395, %eq3A_396 : i32
      %jit3A_398 = arith.constant 1 : i32
      %select_n3A_399 = arith.select %eq3A_397, %jit3A_398, %jit3A_395 : i32
      %rem3A_400 = arith.remsi %mul3A_394, %select_n3A_399 : i32
      %ne3A_401 = arith.constant 0 : i32
      %ne3A_402 = arith.cmpi ne, %rem3A_400, %ne3A_401 : i32
      %lt3A_403 = arith.constant 0 : i32
      %lt3A_404 = arith.cmpi slt, %rem3A_400, %lt3A_403 : i32
      %lt3A_405 = arith.constant 0 : i32
      %lt3A_406 = arith.cmpi slt, %select_n3A_399, %lt3A_405 : i32
      %ne3A_407 = arith.xori %lt3A_404, %lt3A_406 : i1
      %and3A_408 = arith.andi %ne3A_407, %ne3A_402 : i1
      %add3A_409 = arith.addi %rem3A_400, %select_n3A_399 : i32
      %select_n3A_410 = arith.select %and3A_408, %add3A_409, %rem3A_400 : i32
      %parallel_loop3A_411 = arith.constant 0 : i32
      %parallel_loop3A_412 = arith.constant 64 : i32
      %parallel_loop3A_413 = arith.constant 1 : i32
      scf.for %parallel_loop3A_497 = %parallel_loop3A_411 to %parallel_loop3A_412 step %parallel_loop3A_413  : i32 {
        %parallel_loop3A_498 = arith.constant 2 : i32
        %parallel_loop3A_499 = arith.index_cast %parallel_loop3A_498 : i32 to index
        %parallel_loop3A_500 = arith.index_cast %parallel_loop3A_497 : i32 to index
        %parallel_loop3A_501 = arith.constant 0 : index
        %parallel_loop3A_502 = tpu.vector_load %arg9[%parallel_loop3A_499, %parallel_loop3A_500, %parallel_loop3A_501] {strides = array<i32>} : memref<4x64x128xf32, #tpu.memory_space<vmem>>, vector<1x1x16xf32>,
        %parallel_loop3A_503 = vector.shape_cast %parallel_loop3A_502 : vector<1x1x16xf32> to vector<16xf32>
        %parallel_loop3A_504 = arith.constant 0 : i32
        %parallel_loop3A_505 = vector.broadcast %parallel_loop3A_504 : i32 to vector<16xi32>
        %parallel_loop3A_506 = arith.cmpi slt, %xor3A_2, %parallel_loop3A_505 : vector<16xi32>
        %parallel_loop3A_507 = arith.constant 16 : i32
        %parallel_loop3A_508 = vector.broadcast %parallel_loop3A_507 : i32 to vector<16xi32>
        %parallel_loop3A_509 = arith.addi %xor3A_2, %parallel_loop3A_508 : vector<16xi32>
        %parallel_loop3A_510 = arith.select %parallel_loop3A_506, %parallel_loop3A_509, %xor3A_2 : vector<16xi1>, vector<16xi32>
        %parallel_loop3A_511 = vector.shape_cast %parallel_loop3A_510 : vector<16xi32> to vector<16x1xi32>
        %parallel_loop3A_512 = vector.shape_cast %parallel_loop3A_511 : vector<16x1xi32> to vector<16xi32>
        %parallel_loop3A_513 = tpu.dynamic_gather %parallel_loop3A_503[%parallel_loop3A_512] in [0] : vector<16xf32>, vector<16xi32> -> vector<16xf32>
        %parallel_loop3A_514 = arith.addi %select_n3A_410, %parallel_loop3A_497 : i32
        %parallel_loop3A_515 = arith.index_cast %parallel_loop3A_514 : i32 to index
        %parallel_loop3A_516 = arith.constant 0 : index
        %parallel_loop3A_517 = tpu.vector_load %arg11[%parallel_loop3A_515, %parallel_loop3A_516] {strides = array<i32>} : memref<256x128xf32, #tpu.memory_space<vmem>>, vector<1x16xf32>,
        %parallel_loop3A_518 = vector.shape_cast %parallel_loop3A_517 : vector<1x16xf32> to vector<16xf32>
        %parallel_loop3A_519 = arith.addi %select_n3A_410, %parallel_loop3A_497 : i32
        %parallel_loop3A_520 = arith.index_cast %parallel_loop3A_519 : i32 to index
        %parallel_loop3A_521 = arith.constant 0 : index
        %parallel_loop3A_522 = tpu.vector_load %arg12[%parallel_loop3A_520, %parallel_loop3A_521] {strides = array<i32>} : memref<256x128xf32, #tpu.memory_space<vmem>>, vector<1x16xf32>,
        %parallel_loop3A_523 = vector.shape_cast %parallel_loop3A_522 : vector<1x16xf32> to vector<16xf32>
        %parallel_loop3A_524 = arith.mulf %parallel_loop3A_503, %parallel_loop3A_518 : vector<16xf32>
        %parallel_loop3A_525 = arith.mulf %parallel_loop3A_513, %parallel_loop3A_523 : vector<16xf32>
        %parallel_loop3A_526 = arith.addf %parallel_loop3A_524, %parallel_loop3A_525 : vector<16xf32>
        %parallel_loop3A_527 = arith.constant 0 : i32
        %parallel_loop3A_528 = arith.index_cast %parallel_loop3A_527 : i32 to index
        %parallel_loop3A_529 = arith.index_cast %parallel_loop3A_497 : i32 to index
        %parallel_loop3A_530 = arith.constant 0 : index
        %parallel_loop3A_531 = tpu.vector_load %arg10[%parallel_loop3A_528, %parallel_loop3A_529, %parallel_loop3A_530] {strides = array<i32>} : memref<2x64x128xf32, #tpu.memory_space<vmem>>, vector<1x1x16xf32>,
        %parallel_loop3A_532 = vector.shape_cast %parallel_loop3A_531 : vector<1x1x16xf32> to vector<16xf32>
        %parallel_loop3A_533 = vector.shape_cast %parallel_loop3A_526 : vector<16xf32> to vector<1x1x16xf32>
        tpu.vector_store %arg10[%parallel_loop3A_528, %parallel_loop3A_529, %parallel_loop3A_530], %parallel_loop3A_533 {strides = array<i32>} : memref<2x64x128xf32, #tpu.memory_space<vmem>>, vector<1x1x16xf32>,
        %parallel_loop3A_534 = arith.constant 2 : i32
        %parallel_loop3A_535 = arith.index_cast %parallel_loop3A_534 : i32 to index
        %parallel_loop3A_536 = arith.index_cast %parallel_loop3A_497 : i32 to index
        %parallel_loop3A_537 = arith.constant 16 : index
        %parallel_loop3A_538 = tpu.vector_load %arg9[%parallel_loop3A_535, %parallel_loop3A_536, %parallel_loop3A_537] {strides = array<i32>} : memref<4x64x128xf32, #tpu.memory_space<vmem>>, vector<1x1x16xf32>,
        %parallel_loop3A_539 = vector.shape_cast %parallel_loop3A_538 : vector<1x1x16xf32> to vector<16xf32>
        %parallel_loop3A_540 = arith.constant 0 : i32
        %parallel_loop3A_541 = vector.broadcast %parallel_loop3A_540 : i32 to vector<16xi32>
        %parallel_loop3A_542 = arith.cmpi slt, %xor3A_2, %parallel_loop3A_541 : vector<16xi32>
        %parallel_loop3A_543 = arith.constant 16 : i32
        %parallel_loop3A_544 = vector.broadcast %parallel_loop3A_543 : i32 to vector<16xi32>
        %parallel_loop3A_545 = arith.addi %xor3A_2, %parallel_loop3A_544 : vector<16xi32>
        %parallel_loop3A_546 = arith.select %parallel_loop3A_542, %parallel_loop3A_545, %xor3A_2 : vector<16xi1>, vector<16xi32>
        %parallel_loop3A_547 = vector.shape_cast %parallel_loop3A_546 : vector<16xi32> to vector<16x1xi32>
        %parallel_loop3A_548 = vector.shape_cast %parallel_loop3A_547 : vector<16x1xi32> to vector<16xi32>
        %parallel_loop3A_549 = tpu.dynamic_gather %parallel_loop3A_539[%parallel_loop3A_548] in [0] : vector<16xf32>, vector<16xi32> -> vector<16xf32>
        %parallel_loop3A_550 = arith.addi %select_n3A_410, %parallel_loop3A_497 : i32
        %parallel_loop3A_551 = arith.index_cast %parallel_loop3A_550 : i32 to index
        %parallel_loop3A_552 = arith.constant 16 : index
        %parallel_loop3A_553 = tpu.vector_load %arg11[%parallel_loop3A_551, %parallel_loop3A_552] {strides = array<i32>} : memref<256x128xf32, #tpu.memory_space<vmem>>, vector<1x16xf32>,
        %parallel_loop3A_554 = vector.shape_cast %parallel_loop3A_553 : vector<1x16xf32> to vector<16xf32>
        %parallel_loop3A_555 = arith.addi %select_n3A_410, %parallel_loop3A_497 : i32
        %parallel_loop3A_556 = arith.index_cast %parallel_loop3A_555 : i32 to index
        %parallel_loop3A_557 = arith.constant 16 : index
        %parallel_loop3A_558 = tpu.vector_load %arg12[%parallel_loop3A_556, %parallel_loop3A_557] {strides = array<i32>} : memref<256x128xf32, #tpu.memory_space<vmem>>, vector<1x16xf32>,
        %parallel_loop3A_559 = vector.shape_cast %parallel_loop3A_558 : vector<1x16xf32> to vector<16xf32>
        %parallel_loop3A_560 = arith.mulf %parallel_loop3A_539, %parallel_loop3A_554 : vector<16xf32>
        %parallel_loop3A_561 = arith.mulf %parallel_loop3A_549, %parallel_loop3A_559 : vector<16xf32>
        %parallel_loop3A_562 = arith.addf %parallel_loop3A_560, %parallel_loop3A_561 : vector<16xf32>
        %parallel_loop3A_563 = arith.constant 0 : i32
        %parallel_loop3A_564 = arith.index_cast %parallel_loop3A_563 : i32 to index
        %parallel_loop3A_565 = arith.index_cast %parallel_loop3A_497 : i32 to index
        %parallel_loop3A_566 = arith.constant 16 : index
        %parallel_loop3A_567 = tpu.vector_load %arg10[%parallel_loop3A_564, %parallel_loop3A_565, %parallel_loop3A_566] {strides = array<i32>} : memref<2x64x128xf32, #tpu.memory_space<vmem>>, vector<1x1x16xf32>,
        %parallel_loop3A_568 = vector.shape_cast %parallel_loop3A_567 : vector<1x1x16xf32> to vector<16xf32>
        %parallel_loop3A_569 = vector.shape_cast %parallel_loop3A_562 : vector<16xf32> to vector<1x1x16xf32>
        tpu.vector_store %arg10[%parallel_loop3A_564, %parallel_loop3A_565, %parallel_loop3A_566], %parallel_loop3A_569 {strides = array<i32>} : memref<2x64x128xf32, #tpu.memory_space<vmem>>, vector<1x1x16xf32>,
        %parallel_loop3A_570 = arith.constant 2 : i32
        %parallel_loop3A_571 = arith.index_cast %parallel_loop3A_570 : i32 to index
        %parallel_loop3A_572 = arith.index_cast %parallel_loop3A_497 : i32 to index
        %parallel_loop3A_573 = arith.constant 32 : index
        %parallel_loop3A_574 = tpu.vector_load %arg9[%parallel_loop3A_571, %parallel_loop3A_572, %parallel_loop3A_573] {strides = array<i32>} : memref<4x64x128xf32, #tpu.memory_space<vmem>>, vector<1x1x16xf32>,
        %parallel_loop3A_575 = vector.shape_cast %parallel_loop3A_574 : vector<1x1x16xf32> to vector<16xf32>
        %parallel_loop3A_576 = arith.constant 0 : i32
        %parallel_loop3A_577 = vector.broadcast %parallel_loop3A_576 : i32 to vector<16xi32>
        %parallel_loop3A_578 = arith.cmpi slt, %xor3A_2, %parallel_loop3A_577 : vector<16xi32>
        %parallel_loop3A_579 = arith.constant 16 : i32
        %parallel_loop3A_580 = vector.broadcast %parallel_loop3A_579 : i32 to vector<16xi32>
        %parallel_loop3A_581 = arith.addi %xor3A_2, %parallel_loop3A_580 : vector<16xi32>
        %parallel_loop3A_582 = arith.select %parallel_loop3A_578, %parallel_loop3A_581, %xor3A_2 : vector<16xi1>, vector<16xi32>
        %parallel_loop3A_583 = vector.shape_cast %parallel_loop3A_582 : vector<16xi32> to vector<16x1xi32>
        %parallel_loop3A_584 = vector.shape_cast %parallel_loop3A_583 : vector<16x1xi32> to vector<16xi32>
        %parallel_loop3A_585 = tpu.dynamic_gather %parallel_loop3A_575[%parallel_loop3A_584] in [0] : vector<16xf32>, vector<16xi32> -> vector<16xf32>
        %parallel_loop3A_586 = arith.addi %select_n3A_410, %parallel_loop3A_497 : i32
        %parallel_loop3A_587 = arith.index_cast %parallel_loop3A_586 : i32 to index
        %parallel_loop3A_588 = arith.constant 32 : index
        %parallel_loop3A_589 = tpu.vector_load %arg11[%parallel_loop3A_587, %parallel_loop3A_588] {strides = array<i32>} : memref<256x128xf32, #tpu.memory_space<vmem>>, vector<1x16xf32>,
        %parallel_loop3A_590 = vector.shape_cast %parallel_loop3A_589 : vector<1x16xf32> to vector<16xf32>
        %parallel_loop3A_591 = arith.addi %select_n3A_410, %parallel_loop3A_497 : i32
        %parallel_loop3A_592 = arith.index_cast %parallel_loop3A_591 : i32 to index
        %parallel_loop3A_593 = arith.constant 32 : index
        %parallel_loop3A_594 = tpu.vector_load %arg12[%parallel_loop3A_592, %parallel_loop3A_593] {strides = array<i32>} : memref<256x128xf32, #tpu.memory_space<vmem>>, vector<1x16xf32>,
        %parallel_loop3A_595 = vector.shape_cast %parallel_loop3A_594 : vector<1x16xf32> to vector<16xf32>
        %parallel_loop3A_596 = arith.mulf %parallel_loop3A_575, %parallel_loop3A_590 : vector<16xf32>
        %parallel_loop3A_597 = arith.mulf %parallel_loop3A_585, %parallel_loop3A_595 : vector<16xf32>
        %parallel_loop3A_598 = arith.addf %parallel_loop3A_596, %parallel_loop3A_597 : vector<16xf32>
        %parallel_loop3A_599 = arith.constant 0 : i32
        %parallel_loop3A_600 = arith.index_cast %parallel_loop3A_599 : i32 to index
        %parallel_loop3A_601 = arith.index_cast %parallel_loop3A_497 : i32 to index
        %parallel_loop3A_602 = arith.constant 32 : index
        %parallel_loop3A_603 = tpu.vector_load %arg10[%parallel_loop3A_600, %parallel_loop3A_601, %parallel_loop3A_602] {strides = array<i32>} : memref<2x64x128xf32, #tpu.memory_space<vmem>>, vector<1x1x16xf32>,
        %parallel_loop3A_604 = vector.shape_cast %parallel_loop3A_603 : vector<1x1x16xf32> to vector<16xf32>
        %parallel_loop3A_605 = vector.shape_cast %parallel_loop3A_598 : vector<16xf32> to vector<1x1x16xf32>
        tpu.vector_store %arg10[%parallel_loop3A_600, %parallel_loop3A_601, %parallel_loop3A_602], %parallel_loop3A_605 {strides = array<i32>} : memref<2x64x128xf32, #tpu.memory_space<vmem>>, vector<1x1x16xf32>,
        %parallel_loop3A_606 = arith.constant 2 : i32
        %parallel_loop3A_607 = arith.index_cast %parallel_loop3A_606 : i32 to index
        %parallel_loop3A_608 = arith.index_cast %parallel_loop3A_497 : i32 to index
        %parallel_loop3A_609 = arith.constant 48 : index
        %parallel_loop3A_610 = tpu.vector_load %arg9[%parallel_loop3A_607, %parallel_loop3A_608, %parallel_loop3A_609] {strides = array<i32>} : memref<4x64x128xf32, #tpu.memory_space<vmem>>, vector<1x1x16xf32>,
        %parallel_loop3A_611 = vector.shape_cast %parallel_loop3A_610 : vector<1x1x16xf32> to vector<16xf32>
        %parallel_loop3A_612 = arith.constant 0 : i32
        %parallel_loop3A_613 = vector.broadcast %parallel_loop3A_612 : i32 to vector<16xi32>
        %parallel_loop3A_614 = arith.cmpi slt, %xor3A_2, %parallel_loop3A_613 : vector<16xi32>
        %parallel_loop3A_615 = arith.constant 16 : i32
        %parallel_loop3A_616 = vector.broadcast %parallel_loop3A_615 : i32 to vector<16xi32>
        %parallel_loop3A_617 = arith.addi %xor3A_2, %parallel_loop3A_616 : vector<16xi32>
        %parallel_loop3A_618 = arith.select %parallel_loop3A_614, %parallel_loop3A_617, %xor3A_2 : vector<16xi1>, vector<16xi32>
        %parallel_loop3A_619 = vector.shape_cast %parallel_loop3A_618 : vector<16xi32> to vector<16x1xi32>
        %parallel_loop3A_620 = vector.shape_cast %parallel_loop3A_619 : vector<16x1xi32> to vector<16xi32>
        %parallel_loop3A_621 = tpu.dynamic_gather %parallel_loop3A_611[%parallel_loop3A_620] in [0] : vector<16xf32>, vector<16xi32> -> vector<16xf32>
        %parallel_loop3A_622 = arith.addi %select_n3A_410, %parallel_loop3A_497 : i32
        %parallel_loop3A_623 = arith.index_cast %parallel_loop3A_622 : i32 to index
        %parallel_loop3A_624 = arith.constant 48 : index
        %parallel_loop3A_625 = tpu.vector_load %arg11[%parallel_loop3A_623, %parallel_loop3A_624] {strides = array<i32>} : memref<256x128xf32, #tpu.memory_space<vmem>>, vector<1x16xf32>,
        %parallel_loop3A_626 = vector.shape_cast %parallel_loop3A_625 : vector<1x16xf32> to vector<16xf32>
        %parallel_loop3A_627 = arith.addi %select_n3A_410, %parallel_loop3A_497 : i32
        %parallel_loop3A_628 = arith.index_cast %parallel_loop3A_627 : i32 to index
        %parallel_loop3A_629 = arith.constant 48 : index
        %parallel_loop3A_630 = tpu.vector_load %arg12[%parallel_loop3A_628, %parallel_loop3A_629] {strides = array<i32>} : memref<256x128xf32, #tpu.memory_space<vmem>>, vector<1x16xf32>,
        %parallel_loop3A_631 = vector.shape_cast %parallel_loop3A_630 : vector<1x16xf32> to vector<16xf32>
        %parallel_loop3A_632 = arith.mulf %parallel_loop3A_611, %parallel_loop3A_626 : vector<16xf32>
        %parallel_loop3A_633 = arith.mulf %parallel_loop3A_621, %parallel_loop3A_631 : vector<16xf32>
        %parallel_loop3A_634 = arith.addf %parallel_loop3A_632, %parallel_loop3A_633 : vector<16xf32>
        %parallel_loop3A_635 = arith.constant 0 : i32
        %parallel_loop3A_636 = arith.index_cast %parallel_loop3A_635 : i32 to index
        %parallel_loop3A_637 = arith.index_cast %parallel_loop3A_497 : i32 to index
        %parallel_loop3A_638 = arith.constant 48 : index
        %parallel_loop3A_639 = tpu.vector_load %arg10[%parallel_loop3A_636, %parallel_loop3A_637, %parallel_loop3A_638] {strides = array<i32>} : memref<2x64x128xf32, #tpu.memory_space<vmem>>, vector<1x1x16xf32>,
        %parallel_loop3A_640 = vector.shape_cast %parallel_loop3A_639 : vector<1x1x16xf32> to vector<16xf32>
        %parallel_loop3A_641 = vector.shape_cast %parallel_loop3A_634 : vector<16xf32> to vector<1x1x16xf32>
        tpu.vector_store %arg10[%parallel_loop3A_636, %parallel_loop3A_637, %parallel_loop3A_638], %parallel_loop3A_641 {strides = array<i32>} : memref<2x64x128xf32, #tpu.memory_space<vmem>>, vector<1x1x16xf32>,
        %parallel_loop3A_642 = arith.constant 2 : i32
        %parallel_loop3A_643 = arith.index_cast %parallel_loop3A_642 : i32 to index
        %parallel_loop3A_644 = arith.index_cast %parallel_loop3A_497 : i32 to index
        %parallel_loop3A_645 = arith.constant 64 : index
        %parallel_loop3A_646 = tpu.vector_load %arg9[%parallel_loop3A_643, %parallel_loop3A_644, %parallel_loop3A_645] {strides = array<i32>} : memref<4x64x128xf32, #tpu.memory_space<vmem>>, vector<1x1x16xf32>,
        %parallel_loop3A_647 = vector.shape_cast %parallel_loop3A_646 : vector<1x1x16xf32> to vector<16xf32>
        %parallel_loop3A_648 = arith.constant 0 : i32
        %parallel_loop3A_649 = vector.broadcast %parallel_loop3A_648 : i32 to vector<16xi32>
        %parallel_loop3A_650 = arith.cmpi slt, %xor3A_2, %parallel_loop3A_649 : vector<16xi32>
        %parallel_loop3A_651 = arith.constant 16 : i32
        %parallel_loop3A_652 = vector.broadcast %parallel_loop3A_651 : i32 to vector<16xi32>
        %parallel_loop3A_653 = arith.addi %xor3A_2, %parallel_loop3A_652 : vector<16xi32>
        %parallel_loop3A_654 = arith.select %parallel_loop3A_650, %parallel_loop3A_653, %xor3A_2 : vector<16xi1>, vector<16xi32>
        %parallel_loop3A_655 = vector.shape_cast %parallel_loop3A_654 : vector<16xi32> to vector<16x1xi32>
        %parallel_loop3A_656 = vector.shape_cast %parallel_loop3A_655 : vector<16x1xi32> to vector<16xi32>
        %parallel_loop3A_657 = tpu.dynamic_gather %parallel_loop3A_647[%parallel_loop3A_656] in [0] : vector<16xf32>, vector<16xi32> -> vector<16xf32>
        %parallel_loop3A_658 = arith.addi %select_n3A_410, %parallel_loop3A_497 : i32
        %parallel_loop3A_659 = arith.index_cast %parallel_loop3A_658 : i32 to index
        %parallel_loop3A_660 = arith.constant 64 : index
        %parallel_loop3A_661 = tpu.vector_load %arg11[%parallel_loop3A_659, %parallel_loop3A_660] {strides = array<i32>} : memref<256x128xf32, #tpu.memory_space<vmem>>, vector<1x16xf32>,
        %parallel_loop3A_662 = vector.shape_cast %parallel_loop3A_661 : vector<1x16xf32> to vector<16xf32>
        %parallel_loop3A_663 = arith.addi %select_n3A_410, %parallel_loop3A_497 : i32
        %parallel_loop3A_664 = arith.index_cast %parallel_loop3A_663 : i32 to index
        %parallel_loop3A_665 = arith.constant 64 : index
        %parallel_loop3A_666 = tpu.vector_load %arg12[%parallel_loop3A_664, %parallel_loop3A_665] {strides = array<i32>} : memref<256x128xf32, #tpu.memory_space<vmem>>, vector<1x16xf32>,
        %parallel_loop3A_667 = vector.shape_cast %parallel_loop3A_666 : vector<1x16xf32> to vector<16xf32>
        %parallel_loop3A_668 = arith.mulf %parallel_loop3A_647, %parallel_loop3A_662 : vector<16xf32>
        %parallel_loop3A_669 = arith.mulf %parallel_loop3A_657, %parallel_loop3A_667 : vector<16xf32>
        %parallel_loop3A_670 = arith.addf %parallel_loop3A_668, %parallel_loop3A_669 : vector<16xf32>
        %parallel_loop3A_671 = arith.constant 0 : i32
        %parallel_loop3A_672 = arith.index_cast %parallel_loop3A_671 : i32 to index
        %parallel_loop3A_673 = arith.index_cast %parallel_loop3A_497 : i32 to index
        %parallel_loop3A_674 = arith.constant 64 : index
        %parallel_loop3A_675 = tpu.vector_load %arg10[%parallel_loop3A_672, %parallel_loop3A_673, %parallel_loop3A_674] {strides = array<i32>} : memref<2x64x128xf32, #tpu.memory_space<vmem>>, vector<1x1x16xf32>,
        %parallel_loop3A_676 = vector.shape_cast %parallel_loop3A_675 : vector<1x1x16xf32> to vector<16xf32>
        %parallel_loop3A_677 = vector.shape_cast %parallel_loop3A_670 : vector<16xf32> to vector<1x1x16xf32>
        tpu.vector_store %arg10[%parallel_loop3A_672, %parallel_loop3A_673, %parallel_loop3A_674], %parallel_loop3A_677 {strides = array<i32>} : memref<2x64x128xf32, #tpu.memory_space<vmem>>, vector<1x1x16xf32>,
        %parallel_loop3A_678 = arith.constant 2 : i32
        %parallel_loop3A_679 = arith.index_cast %parallel_loop3A_678 : i32 to index
        %parallel_loop3A_680 = arith.index_cast %parallel_loop3A_497 : i32 to index
        %parallel_loop3A_681 = arith.constant 80 : index
        %parallel_loop3A_682 = tpu.vector_load %arg9[%parallel_loop3A_679, %parallel_loop3A_680, %parallel_loop3A_681] {strides = array<i32>} : memref<4x64x128xf32, #tpu.memory_space<vmem>>, vector<1x1x16xf32>,
        %parallel_loop3A_683 = vector.shape_cast %parallel_loop3A_682 : vector<1x1x16xf32> to vector<16xf32>
        %parallel_loop3A_684 = arith.constant 0 : i32
        %parallel_loop3A_685 = vector.broadcast %parallel_loop3A_684 : i32 to vector<16xi32>
        %parallel_loop3A_686 = arith.cmpi slt, %xor3A_2, %parallel_loop3A_685 : vector<16xi32>
        %parallel_loop3A_687 = arith.constant 16 : i32
        %parallel_loop3A_688 = vector.broadcast %parallel_loop3A_687 : i32 to vector<16xi32>
        %parallel_loop3A_689 = arith.addi %xor3A_2, %parallel_loop3A_688 : vector<16xi32>
        %parallel_loop3A_690 = arith.select %parallel_loop3A_686, %parallel_loop3A_689, %xor3A_2 : vector<16xi1>, vector<16xi32>
        %parallel_loop3A_691 = vector.shape_cast %parallel_loop3A_690 : vector<16xi32> to vector<16x1xi32>
        %parallel_loop3A_692 = vector.shape_cast %parallel_loop3A_691 : vector<16x1xi32> to vector<16xi32>
        %parallel_loop3A_693 = tpu.dynamic_gather %parallel_loop3A_683[%parallel_loop3A_692] in [0] : vector<16xf32>, vector<16xi32> -> vector<16xf32>
        %parallel_loop3A_694 = arith.addi %select_n3A_410, %parallel_loop3A_497 : i32
        %parallel_loop3A_695 = arith.index_cast %parallel_loop3A_694 : i32 to index
        %parallel_loop3A_696 = arith.constant 80 : index
        %parallel_loop3A_697 = tpu.vector_load %arg11[%parallel_loop3A_695, %parallel_loop3A_696] {strides = array<i32>} : memref<256x128xf32, #tpu.memory_space<vmem>>, vector<1x16xf32>,
        %parallel_loop3A_698 = vector.shape_cast %parallel_loop3A_697 : vector<1x16xf32> to vector<16xf32>
        %parallel_loop3A_699 = arith.addi %select_n3A_410, %parallel_loop3A_497 : i32
        %parallel_loop3A_700 = arith.index_cast %parallel_loop3A_699 : i32 to index
        %parallel_loop3A_701 = arith.constant 80 : index
        %parallel_loop3A_702 = tpu.vector_load %arg12[%parallel_loop3A_700, %parallel_loop3A_701] {strides = array<i32>} : memref<256x128xf32, #tpu.memory_space<vmem>>, vector<1x16xf32>,
        %parallel_loop3A_703 = vector.shape_cast %parallel_loop3A_702 : vector<1x16xf32> to vector<16xf32>
        %parallel_loop3A_704 = arith.mulf %parallel_loop3A_683, %parallel_loop3A_698 : vector<16xf32>
        %parallel_loop3A_705 = arith.mulf %parallel_loop3A_693, %parallel_loop3A_703 : vector<16xf32>
        %parallel_loop3A_706 = arith.addf %parallel_loop3A_704, %parallel_loop3A_705 : vector<16xf32>
        %parallel_loop3A_707 = arith.constant 0 : i32
        %parallel_loop3A_708 = arith.index_cast %parallel_loop3A_707 : i32 to index
        %parallel_loop3A_709 = arith.index_cast %parallel_loop3A_497 : i32 to index
        %parallel_loop3A_710 = arith.constant 80 : index
        %parallel_loop3A_711 = tpu.vector_load %arg10[%parallel_loop3A_708, %parallel_loop3A_709, %parallel_loop3A_710] {strides = array<i32>} : memref<2x64x128xf32, #tpu.memory_space<vmem>>, vector<1x1x16xf32>,
        %parallel_loop3A_712 = vector.shape_cast %parallel_loop3A_711 : vector<1x1x16xf32> to vector<16xf32>
        %parallel_loop3A_713 = vector.shape_cast %parallel_loop3A_706 : vector<16xf32> to vector<1x1x16xf32>
        tpu.vector_store %arg10[%parallel_loop3A_708, %parallel_loop3A_709, %parallel_loop3A_710], %parallel_loop3A_713 {strides = array<i32>} : memref<2x64x128xf32, #tpu.memory_space<vmem>>, vector<1x1x16xf32>,
        %parallel_loop3A_714 = arith.constant 2 : i32
        %parallel_loop3A_715 = arith.index_cast %parallel_loop3A_714 : i32 to index
        %parallel_loop3A_716 = arith.index_cast %parallel_loop3A_497 : i32 to index
        %parallel_loop3A_717 = arith.constant 96 : index
        %parallel_loop3A_718 = tpu.vector_load %arg9[%parallel_loop3A_715, %parallel_loop3A_716, %parallel_loop3A_717] {strides = array<i32>} : memref<4x64x128xf32, #tpu.memory_space<vmem>>, vector<1x1x16xf32>,
        %parallel_loop3A_719 = vector.shape_cast %parallel_loop3A_718 : vector<1x1x16xf32> to vector<16xf32>
        %parallel_loop3A_720 = arith.constant 0 : i32
        %parallel_loop3A_721 = vector.broadcast %parallel_loop3A_720 : i32 to vector<16xi32>
        %parallel_loop3A_722 = arith.cmpi slt, %xor3A_2, %parallel_loop3A_721 : vector<16xi32>
        %parallel_loop3A_723 = arith.constant 16 : i32
        %parallel_loop3A_724 = vector.broadcast %parallel_loop3A_723 : i32 to vector<16xi32>
        %parallel_loop3A_725 = arith.addi %xor3A_2, %parallel_loop3A_724 : vector<16xi32>
        %parallel_loop3A_726 = arith.select %parallel_loop3A_722, %parallel_loop3A_725, %xor3A_2 : vector<16xi1>, vector<16xi32>
        %parallel_loop3A_727 = vector.shape_cast %parallel_loop3A_726 : vector<16xi32> to vector<16x1xi32>
        %parallel_loop3A_728 = vector.shape_cast %parallel_loop3A_727 : vector<16x1xi32> to vector<16xi32>
        %parallel_loop3A_729 = tpu.dynamic_gather %parallel_loop3A_719[%parallel_loop3A_728] in [0] : vector<16xf32>, vector<16xi32> -> vector<16xf32>
        %parallel_loop3A_730 = arith.addi %select_n3A_410, %parallel_loop3A_497 : i32
        %parallel_loop3A_731 = arith.index_cast %parallel_loop3A_730 : i32 to index
        %parallel_loop3A_732 = arith.constant 96 : index
        %parallel_loop3A_733 = tpu.vector_load %arg11[%parallel_loop3A_731, %parallel_loop3A_732] {strides = array<i32>} : memref<256x128xf32, #tpu.memory_space<vmem>>, vector<1x16xf32>,
        %parallel_loop3A_734 = vector.shape_cast %parallel_loop3A_733 : vector<1x16xf32> to vector<16xf32>
        %parallel_loop3A_735 = arith.addi %select_n3A_410, %parallel_loop3A_497 : i32
        %parallel_loop3A_736 = arith.index_cast %parallel_loop3A_735 : i32 to index
        %parallel_loop3A_737 = arith.constant 96 : index
        %parallel_loop3A_738 = tpu.vector_load %arg12[%parallel_loop3A_736, %parallel_loop3A_737] {strides = array<i32>} : memref<256x128xf32, #tpu.memory_space<vmem>>, vector<1x16xf32>,
        %parallel_loop3A_739 = vector.shape_cast %parallel_loop3A_738 : vector<1x16xf32> to vector<16xf32>
        %parallel_loop3A_740 = arith.mulf %parallel_loop3A_719, %parallel_loop3A_734 : vector<16xf32>
        %parallel_loop3A_741 = arith.mulf %parallel_loop3A_729, %parallel_loop3A_739 : vector<16xf32>
        %parallel_loop3A_742 = arith.addf %parallel_loop3A_740, %parallel_loop3A_741 : vector<16xf32>
        %parallel_loop3A_743 = arith.constant 0 : i32
        %parallel_loop3A_744 = arith.index_cast %parallel_loop3A_743 : i32 to index
        %parallel_loop3A_745 = arith.index_cast %parallel_loop3A_497 : i32 to index
        %parallel_loop3A_746 = arith.constant 96 : index
        %parallel_loop3A_747 = tpu.vector_load %arg10[%parallel_loop3A_744, %parallel_loop3A_745, %parallel_loop3A_746] {strides = array<i32>} : memref<2x64x128xf32, #tpu.memory_space<vmem>>, vector<1x1x16xf32>,
        %parallel_loop3A_748 = vector.shape_cast %parallel_loop3A_747 : vector<1x1x16xf32> to vector<16xf32>
        %parallel_loop3A_749 = vector.shape_cast %parallel_loop3A_742 : vector<16xf32> to vector<1x1x16xf32>
        tpu.vector_store %arg10[%parallel_loop3A_744, %parallel_loop3A_745, %parallel_loop3A_746], %parallel_loop3A_749 {strides = array<i32>} : memref<2x64x128xf32, #tpu.memory_space<vmem>>, vector<1x1x16xf32>,
        %parallel_loop3A_750 = arith.constant 2 : i32
        %parallel_loop3A_751 = arith.index_cast %parallel_loop3A_750 : i32 to index
        %parallel_loop3A_752 = arith.index_cast %parallel_loop3A_497 : i32 to index
        %parallel_loop3A_753 = arith.constant 112 : index
        %parallel_loop3A_754 = tpu.vector_load %arg9[%parallel_loop3A_751, %parallel_loop3A_752, %parallel_loop3A_753] {strides = array<i32>} : memref<4x64x128xf32, #tpu.memory_space<vmem>>, vector<1x1x16xf32>,
        %parallel_loop3A_755 = vector.shape_cast %parallel_loop3A_754 : vector<1x1x16xf32> to vector<16xf32>
        %parallel_loop3A_756 = arith.constant 0 : i32
        %parallel_loop3A_757 = vector.broadcast %parallel_loop3A_756 : i32 to vector<16xi32>
        %parallel_loop3A_758 = arith.cmpi slt, %xor3A_2, %parallel_loop3A_757 : vector<16xi32>
        %parallel_loop3A_759 = arith.constant 16 : i32
        %parallel_loop3A_760 = vector.broadcast %parallel_loop3A_759 : i32 to vector<16xi32>
        %parallel_loop3A_761 = arith.addi %xor3A_2, %parallel_loop3A_760 : vector<16xi32>
        %parallel_loop3A_762 = arith.select %parallel_loop3A_758, %parallel_loop3A_761, %xor3A_2 : vector<16xi1>, vector<16xi32>
        %parallel_loop3A_763 = vector.shape_cast %parallel_loop3A_762 : vector<16xi32> to vector<16x1xi32>
        %parallel_loop3A_764 = vector.shape_cast %parallel_loop3A_763 : vector<16x1xi32> to vector<16xi32>
        %parallel_loop3A_765 = tpu.dynamic_gather %parallel_loop3A_755[%parallel_loop3A_764] in [0] : vector<16xf32>, vector<16xi32> -> vector<16xf32>
        %parallel_loop3A_766 = arith.addi %select_n3A_410, %parallel_loop3A_497 : i32
        %parallel_loop3A_767 = arith.index_cast %parallel_loop3A_766 : i32 to index
        %parallel_loop3A_768 = arith.constant 112 : index
        %parallel_loop3A_769 = tpu.vector_load %arg11[%parallel_loop3A_767, %parallel_loop3A_768] {strides = array<i32>} : memref<256x128xf32, #tpu.memory_space<vmem>>, vector<1x16xf32>,
        %parallel_loop3A_770 = vector.shape_cast %parallel_loop3A_769 : vector<1x16xf32> to vector<16xf32>
        %parallel_loop3A_771 = arith.addi %select_n3A_410, %parallel_loop3A_497 : i32
        %parallel_loop3A_772 = arith.index_cast %parallel_loop3A_771 : i32 to index
        %parallel_loop3A_773 = arith.constant 112 : index
        %parallel_loop3A_774 = tpu.vector_load %arg12[%parallel_loop3A_772, %parallel_loop3A_773] {strides = array<i32>} : memref<256x128xf32, #tpu.memory_space<vmem>>, vector<1x16xf32>,
        %parallel_loop3A_775 = vector.shape_cast %parallel_loop3A_774 : vector<1x16xf32> to vector<16xf32>
        %parallel_loop3A_776 = arith.mulf %parallel_loop3A_755, %parallel_loop3A_770 : vector<16xf32>
        %parallel_loop3A_777 = arith.mulf %parallel_loop3A_765, %parallel_loop3A_775 : vector<16xf32>
        %parallel_loop3A_778 = arith.addf %parallel_loop3A_776, %parallel_loop3A_777 : vector<16xf32>
        %parallel_loop3A_779 = arith.constant 0 : i32
        %parallel_loop3A_780 = arith.index_cast %parallel_loop3A_779 : i32 to index
        %parallel_loop3A_781 = arith.index_cast %parallel_loop3A_497 : i32 to index
        %parallel_loop3A_782 = arith.constant 112 : index
        %parallel_loop3A_783 = tpu.vector_load %arg10[%parallel_loop3A_780, %parallel_loop3A_781, %parallel_loop3A_782] {strides = array<i32>} : memref<2x64x128xf32, #tpu.memory_space<vmem>>, vector<1x1x16xf32>,
        %parallel_loop3A_784 = vector.shape_cast %parallel_loop3A_783 : vector<1x1x16xf32> to vector<16xf32>
        %parallel_loop3A_785 = vector.shape_cast %parallel_loop3A_778 : vector<16xf32> to vector<1x1x16xf32>
        tpu.vector_store %arg10[%parallel_loop3A_780, %parallel_loop3A_781, %parallel_loop3A_782], %parallel_loop3A_785 {strides = array<i32>} : memref<2x64x128xf32, #tpu.memory_space<vmem>>, vector<1x1x16xf32>,
      } {sc.loop_unroll_factor = 4 : i64, sc.parallel_access}
      %dma_start3A_414 = arith.constant 0 : i32
      %dma_start3A_415 = arith.constant 0 : i32
      %dma_start3A_416 = arith.constant 0 : i32
      %dma_start3A_417 = tpu.memref_slice %arg10[%dma_start3A_414, %dma_start3A_415, %dma_start3A_416] : memref<2x64x128xf32, #tpu.memory_space<vmem>> -> memref<1x64x128xf32, #tpu.memory_space<vmem>>
      %dma_start3A_418 = tpu.memref_squeeze %dma_start3A_417 : memref<1x64x128xf32, #tpu.memory_space<vmem>> -> memref<64x128xf32, #tpu.memory_space<vmem>>
      %dma_start3A_419 = arith.constant 0 : i32
      %dma_start3A_420 = arith.constant 0 : i32
      %dma_start3A_421 = tpu.memref_slice %arg6[%add3A, %add3A_368, %dma_start3A_419, %dma_start3A_420] : memref<32x100x64x128xf32, #tpu.memory_space<hbm>> -> memref<1x1x64x128xf32, #tpu.memory_space<hbm>>
      %dma_start3A_422 = tpu.memref_squeeze %dma_start3A_421 : memref<1x1x64x128xf32, #tpu.memory_space<hbm>> -> memref<64x128xf32, #tpu.memory_space<hbm>>
      %dma_start3A_423 = arith.constant 0 : i32
      %dma_start3A_424 = arith.constant 0 : i32
      %dma_start3A_425 = tpu.memref_slice %arg6[%add3A, %add3A_368, %dma_start3A_423, %dma_start3A_424] : memref<32x100x64x128xf32, #tpu.memory_space<hbm>> -> memref<1x1x64x128xf32, #tpu.memory_space<hbm>>
      %dma_start3A_426 = tpu.memref_squeeze %dma_start3A_425 : memref<1x1x64x128xf32, #tpu.memory_space<hbm>> -> memref<64x128xf32, #tpu.memory_space<hbm>>
      %dma_start3A_427 = arith.constant 0 : i32
      %dma_start3A_428 = arith.constant 0 : i32
      %dma_start3A_429 = tpu.memref_slice %arg10[%dma_start3A_414, %dma_start3A_427, %dma_start3A_428] : memref<2x64x128xf32, #tpu.memory_space<vmem>> -> memref<1x64x128xf32, #tpu.memory_space<vmem>>
      %dma_start3A_430 = tpu.memref_squeeze %dma_start3A_429 : memref<1x64x128xf32, #tpu.memory_space<vmem>> -> memref<64x128xf32, #tpu.memory_space<vmem>>
      tpu.enqueue_dma source(%dma_start3A_430 : memref<64x128xf32, #tpu.memory_space<vmem>>) target(%dma_start3A_426 : memref<64x128xf32, #tpu.memory_space<hbm>>) target_semaphore(%arg17 : memref<!tpu.dma_semaphore, #tpu.memory_space<semaphore_mem>>)
      %mul3A_431 = arith.constant 4 : i32
      %mul3A_432 = arith.muli %mul3A_431, %scan3A_243 : i32
      %add3A_433 = arith.constant 3 : i32
      %add3A_434 = arith.addi %mul3A_432, %add3A_433 : i32
      %ge3A_435 = arith.constant 2 : i32
      %ge3A_436 = arith.cmpi sge, %add3A_434, %ge3A_435 : i32
      %convert_element_type3A_437 = arith.extui %ge3A_436 : i1 to i32
      %cond3A_438 = arith.constant 0 : i32
      %cond3A_439 = arith.cmpi ne, %convert_element_type3A_437, %cond3A_438 : i32
      scf.if %cond3A_439 {
        %sub3A = arith.constant 2 : i32
        %sub3A_497 = arith.subi %add3A_434, %sub3A : i32
        %dma_wait3A_498 = arith.constant 1 : i32
        %dma_wait3A_499 = arith.constant 0 : i32
        %dma_wait3A_500 = arith.constant 0 : i32
        %dma_wait3A_501 = tpu.memref_slice %arg10[%dma_wait3A_498, %dma_wait3A_499, %dma_wait3A_500] : memref<2x64x128xf32, #tpu.memory_space<vmem>> -> memref<1x64x128xf32, #tpu.memory_space<vmem>>
        %dma_wait3A_502 = tpu.memref_squeeze %dma_wait3A_501 : memref<1x64x128xf32, #tpu.memory_space<vmem>> -> memref<64x128xf32, #tpu.memory_space<vmem>>
        %dma_wait3A_503 = arith.constant 0 : i32
        %dma_wait3A_504 = arith.constant 0 : i32
        %dma_wait3A_505 = tpu.memref_slice %arg6[%add3A, %sub3A_497, %dma_wait3A_503, %dma_wait3A_504] : memref<32x100x64x128xf32, #tpu.memory_space<hbm>> -> memref<1x1x64x128xf32, #tpu.memory_space<hbm>>
        %dma_wait3A_506 = tpu.memref_squeeze %dma_wait3A_505 : memref<1x1x64x128xf32, #tpu.memory_space<hbm>> -> memref<64x128xf32, #tpu.memory_space<hbm>>
        %dma_wait3A_507 = arith.constant 0 : i32
        %dma_wait3A_508 = arith.constant 0 : i32
        %dma_wait3A_509 = tpu.memref_slice %arg6[%add3A, %sub3A_497, %dma_wait3A_507, %dma_wait3A_508] : memref<32x100x64x128xf32, #tpu.memory_space<hbm>> -> memref<1x1x64x128xf32, #tpu.memory_space<hbm>>
        %dma_wait3A_510 = tpu.memref_squeeze %dma_wait3A_509 : memref<1x1x64x128xf32, #tpu.memory_space<hbm>> -> memref<64x128xf32, #tpu.memory_space<hbm>>
        %dma_wait3A_511 = arith.constant 0 : i32
        %dma_wait3A_512 = arith.constant 0 : i32
        %dma_wait3A_513 = tpu.memref_slice %arg10[%dma_wait3A_498, %dma_wait3A_511, %dma_wait3A_512] : memref<2x64x128xf32, #tpu.memory_space<vmem>> -> memref<1x64x128xf32, #tpu.memory_space<vmem>>
        %dma_wait3A_514 = tpu.memref_squeeze %dma_wait3A_513 : memref<1x64x128xf32, #tpu.memory_space<vmem>> -> memref<64x128xf32, #tpu.memory_space<vmem>>
        tpu.wait_dma2 semaphore(%arg18 : memref<!tpu.dma_semaphore, #tpu.memory_space<semaphore_mem>>) src(%dma_wait3A_514 : memref<64x128xf32, #tpu.memory_space<vmem>>) dst(%dma_wait3A_510 : memref<64x128xf32, #tpu.memory_space<hbm>>)
      } else {
      }
      %add3A_440 = arith.constant 3 : i32
      %add3A_441 = arith.addi %add3A_434, %add3A_440 : i32
      %lt3A_442 = arith.constant 100 : i32
      %lt3A_443 = arith.cmpi slt, %add3A_441, %lt3A_442 : i32
      %convert_element_type3A_444 = arith.extui %lt3A_443 : i1 to i32
      %cond3A_445 = arith.constant 0 : i32
      %cond3A_446 = arith.cmpi ne, %convert_element_type3A_444, %cond3A_445 : i32
      scf.if %cond3A_446 {
        %add3A_497 = arith.constant 3 : i32
        %add3A_498 = arith.addi %add3A_434, %add3A_497 : i32
        %get3A_499 = arith.index_cast %add3A_498 : i32 to index
        %get3A_500 = arith.constant 0 : index
        %get3A_501 = tpu.vector_load %arg7[%get3A_499, %get3A_500] {strides = array<i32>} : memref<100x64xi32, #tpu.memory_space<vmem>>, vector<1x16xi32>,
        %get3A_502 = vector.shape_cast %get3A_501 : vector<1x16xi32> to vector<16xi32>
        %shift_right_arithmetic3A_503 = arith.constant 1 : i32
        %shift_right_arithmetic3A_504 = vector.broadcast %shift_right_arithmetic3A_503 : i32 to vector<16xi32>
        %shift_right_arithmetic3A_505 = arith.shrsi %get3A_502, %shift_right_arithmetic3A_504 : vector<16xi32>
        %swap3A_506 = arith.constant 2 : i32
        %swap3A_507 = arith.index_cast %swap3A_506 : i32 to index
        %swap3A_508 = arith.constant 0 : index
        %swap3A_509 = tpu.vector_load %arg8[%swap3A_507, %swap3A_508] {strides = array<i32>} : memref<4x64xi32, #tpu.memory_space<vmem>>, vector<1x16xi32>,
        %swap3A_510 = vector.shape_cast %swap3A_509 : vector<1x16xi32> to vector<16xi32>
        %swap3A_511 = vector.shape_cast %shift_right_arithmetic3A_505 : vector<16xi32> to vector<1x16xi32>
        tpu.vector_store %arg8[%swap3A_507, %swap3A_508], %swap3A_511 {strides = array<i32>} : memref<4x64xi32, #tpu.memory_space<vmem>>, vector<1x16xi32>,
        %get3A_512 = arith.index_cast %add3A_498 : i32 to index
        %get3A_513 = arith.constant 16 : index
        %get3A_514 = tpu.vector_load %arg7[%get3A_512, %get3A_513] {strides = array<i32>} : memref<100x64xi32, #tpu.memory_space<vmem>>, vector<1x16xi32>,
        %get3A_515 = vector.shape_cast %get3A_514 : vector<1x16xi32> to vector<16xi32>
        %shift_right_arithmetic3A_516 = arith.constant 1 : i32
        %shift_right_arithmetic3A_517 = vector.broadcast %shift_right_arithmetic3A_516 : i32 to vector<16xi32>
        %shift_right_arithmetic3A_518 = arith.shrsi %get3A_515, %shift_right_arithmetic3A_517 : vector<16xi32>
        %swap3A_519 = arith.constant 2 : i32
        %swap3A_520 = arith.index_cast %swap3A_519 : i32 to index
        %swap3A_521 = arith.constant 16 : index
        %swap3A_522 = tpu.vector_load %arg8[%swap3A_520, %swap3A_521] {strides = array<i32>} : memref<4x64xi32, #tpu.memory_space<vmem>>, vector<1x16xi32>,
        %swap3A_523 = vector.shape_cast %swap3A_522 : vector<1x16xi32> to vector<16xi32>
        %swap3A_524 = vector.shape_cast %shift_right_arithmetic3A_518 : vector<16xi32> to vector<1x16xi32>
        tpu.vector_store %arg8[%swap3A_520, %swap3A_521], %swap3A_524 {strides = array<i32>} : memref<4x64xi32, #tpu.memory_space<vmem>>, vector<1x16xi32>,
        %get3A_525 = arith.index_cast %add3A_498 : i32 to index
        %get3A_526 = arith.constant 32 : index
        %get3A_527 = tpu.vector_load %arg7[%get3A_525, %get3A_526] {strides = array<i32>} : memref<100x64xi32, #tpu.memory_space<vmem>>, vector<1x16xi32>,
        %get3A_528 = vector.shape_cast %get3A_527 : vector<1x16xi32> to vector<16xi32>
        %shift_right_arithmetic3A_529 = arith.constant 1 : i32
        %shift_right_arithmetic3A_530 = vector.broadcast %shift_right_arithmetic3A_529 : i32 to vector<16xi32>
        %shift_right_arithmetic3A_531 = arith.shrsi %get3A_528, %shift_right_arithmetic3A_530 : vector<16xi32>
        %swap3A_532 = arith.constant 2 : i32
        %swap3A_533 = arith.index_cast %swap3A_532 : i32 to index
        %swap3A_534 = arith.constant 32 : index
        %swap3A_535 = tpu.vector_load %arg8[%swap3A_533, %swap3A_534] {strides = array<i32>} : memref<4x64xi32, #tpu.memory_space<vmem>>, vector<1x16xi32>,
        %swap3A_536 = vector.shape_cast %swap3A_535 : vector<1x16xi32> to vector<16xi32>
        %swap3A_537 = vector.shape_cast %shift_right_arithmetic3A_531 : vector<16xi32> to vector<1x16xi32>
        tpu.vector_store %arg8[%swap3A_533, %swap3A_534], %swap3A_537 {strides = array<i32>} : memref<4x64xi32, #tpu.memory_space<vmem>>, vector<1x16xi32>,
        %get3A_538 = arith.index_cast %add3A_498 : i32 to index
        %get3A_539 = arith.constant 48 : index
        %get3A_540 = tpu.vector_load %arg7[%get3A_538, %get3A_539] {strides = array<i32>} : memref<100x64xi32, #tpu.memory_space<vmem>>, vector<1x16xi32>,
        %get3A_541 = vector.shape_cast %get3A_540 : vector<1x16xi32> to vector<16xi32>
        %shift_right_arithmetic3A_542 = arith.constant 1 : i32
        %shift_right_arithmetic3A_543 = vector.broadcast %shift_right_arithmetic3A_542 : i32 to vector<16xi32>
        %shift_right_arithmetic3A_544 = arith.shrsi %get3A_541, %shift_right_arithmetic3A_543 : vector<16xi32>
        %swap3A_545 = arith.constant 2 : i32
        %swap3A_546 = arith.index_cast %swap3A_545 : i32 to index
        %swap3A_547 = arith.constant 48 : index
        %swap3A_548 = tpu.vector_load %arg8[%swap3A_546, %swap3A_547] {strides = array<i32>} : memref<4x64xi32, #tpu.memory_space<vmem>>, vector<1x16xi32>,
        %swap3A_549 = vector.shape_cast %swap3A_548 : vector<1x16xi32> to vector<16xi32>
        %swap3A_550 = vector.shape_cast %shift_right_arithmetic3A_544 : vector<16xi32> to vector<1x16xi32>
        tpu.vector_store %arg8[%swap3A_546, %swap3A_547], %swap3A_550 {strides = array<i32>} : memref<4x64xi32, #tpu.memory_space<vmem>>, vector<1x16xi32>,
        %dma_start3A_551 = arith.constant 2 : i32
        %dma_start3A_552 = arith.constant 2 : i32
        %dma_start3A_553 = arith.constant 0 : i32
        %dma_start3A_554 = arith.constant 0 : i32
        %dma_start3A_555 = tpu.memref_slice %arg9[%dma_start3A_552, %dma_start3A_553, %dma_start3A_554] : memref<4x64x128xf32, #tpu.memory_space<vmem>> -> memref<1x64x128xf32, #tpu.memory_space<vmem>>
        %dma_start3A_556 = tpu.memref_squeeze %dma_start3A_555 : memref<1x64x128xf32, #tpu.memory_space<vmem>> -> memref<64x128xf32, #tpu.memory_space<vmem>>
        %dma_start3A_557 = arith.constant 0 : i32
        %dma_start3A_558 = tpu.memref_slice %arg8[%dma_start3A_551, %dma_start3A_557] : memref<4x64xi32, #tpu.memory_space<vmem>> -> memref<1x64xi32, #tpu.memory_space<vmem>>
        %dma_start3A_559 = tpu.memref_squeeze %dma_start3A_558 : memref<1x64xi32, #tpu.memory_space<vmem>> -> memref<64xi32, #tpu.memory_space<vmem>>
        %dma_start3A_560 = arith.constant 0 : i32
        %dma_start3A_561 = arith.constant 0 : i32
        %dma_start3A_562 = tpu.memref_slice %arg3[%dma_start3A_560, %dma_start3A_561] : memref<500000x128xf32, #tpu.memory_space<hbm>> -> memref<500000x128xf32, #tpu.memory_space<hbm>>
        tpu.enqueue_indirect_dma source(%dma_start3A_562 : memref<500000x128xf32, #tpu.memory_space<hbm>>) target(%dma_start3A_556 : memref<64x128xf32, #tpu.memory_space<vmem>>) offsets(%dma_start3A_559 : memref<64xi32, #tpu.memory_space<vmem>>) semaphore(%arg15 : memref<!tpu.dma_semaphore, #tpu.memory_space<semaphore_mem>>)
      } else {
      }
      %dma_wait3A_447 = arith.constant 3 : i32
      %dma_wait3A_448 = arith.constant 3 : i32
      %dma_wait3A_449 = arith.constant 0 : i32
      %dma_wait3A_450 = arith.constant 0 : i32
      %dma_wait3A_451 = tpu.memref_slice %arg9[%dma_wait3A_448, %dma_wait3A_449, %dma_wait3A_450] : memref<4x64x128xf32, #tpu.memory_space<vmem>> -> memref<1x64x128xf32, #tpu.memory_space<vmem>>
      %dma_wait3A_452 = tpu.memref_squeeze %dma_wait3A_451 : memref<1x64x128xf32, #tpu.memory_space<vmem>> -> memref<64x128xf32, #tpu.memory_space<vmem>>
      %dma_wait3A_453 = arith.constant 0 : i32
      %dma_wait3A_454 = tpu.memref_slice %arg8[%dma_wait3A_447, %dma_wait3A_453] : memref<4x64xi32, #tpu.memory_space<vmem>> -> memref<1x64xi32, #tpu.memory_space<vmem>>
      %dma_wait3A_455 = tpu.memref_squeeze %dma_wait3A_454 : memref<1x64xi32, #tpu.memory_space<vmem>> -> memref<64xi32, #tpu.memory_space<vmem>>
      %dma_wait3A_456 = arith.constant 0 : i32
      %dma_wait3A_457 = arith.constant 0 : i32
      %dma_wait3A_458 = tpu.memref_slice %arg3[%dma_wait3A_456, %dma_wait3A_457] : memref<500000x128xf32, #tpu.memory_space<hbm>> -> memref<500000x128xf32, #tpu.memory_space<hbm>>
      tpu.wait_indirect_dma semaphore(%arg16 : memref<!tpu.dma_semaphore, #tpu.memory_space<semaphore_mem>>) src(%dma_wait3A_458 : memref<500000x128xf32, #tpu.memory_space<hbm>>) dst(%dma_wait3A_452 : memref<64x128xf32, #tpu.memory_space<vmem>>)
      %mul3A_459 = arith.constant 64 : i32
      %mul3A_460 = arith.muli %mul3A_459, %add3A_434 : i32
      %jit3A_461 = arith.constant 200 : i32
      %eq3A_462 = arith.constant 0 : i32
      %eq3A_463 = arith.cmpi eq, %jit3A_461, %eq3A_462 : i32
      %jit3A_464 = arith.constant 1 : i32
      %select_n3A_465 = arith.select %eq3A_463, %jit3A_464, %jit3A_461 : i32
      %rem3A_466 = arith.remsi %mul3A_460, %select_n3A_465 : i32
      %ne3A_467 = arith.constant 0 : i32
      %ne3A_468 = arith.cmpi ne, %rem3A_466, %ne3A_467 : i32
      %lt3A_469 = arith.constant 0 : i32
      %lt3A_470 = arith.cmpi slt, %rem3A_466, %lt3A_469 : i32
      %lt3A_471 = arith.constant 0 : i32
      %lt3A_472 = arith.cmpi slt, %select_n3A_465, %lt3A_471 : i32
      %ne3A_473 = arith.xori %lt3A_470, %lt3A_472 : i1
      %and3A_474 = arith.andi %ne3A_473, %ne3A_468 : i1
      %add3A_475 = arith.addi %rem3A_466, %select_n3A_465 : i32
      %select_n3A_476 = arith.select %and3A_474, %add3A_475, %rem3A_466 : i32
      %parallel_loop3A_477 = arith.constant 0 : i32
      %parallel_loop3A_478 = arith.constant 64 : i32
      %parallel_loop3A_479 = arith.constant 1 : i32
      scf.for %parallel_loop3A_497 = %parallel_loop3A_477 to %parallel_loop3A_478 step %parallel_loop3A_479  : i32 {
        %parallel_loop3A_498 = arith.constant 3 : i32
        %parallel_loop3A_499 = arith.index_cast %parallel_loop3A_498 : i32 to index
        %parallel_loop3A_500 = arith.index_cast %parallel_loop3A_497 : i32 to index
        %parallel_loop3A_501 = arith.constant 0 : index
        %parallel_loop3A_502 = tpu.vector_load %arg9[%parallel_loop3A_499, %parallel_loop3A_500, %parallel_loop3A_501] {strides = array<i32>} : memref<4x64x128xf32, #tpu.memory_space<vmem>>, vector<1x1x16xf32>,
        %parallel_loop3A_503 = vector.shape_cast %parallel_loop3A_502 : vector<1x1x16xf32> to vector<16xf32>
        %parallel_loop3A_504 = arith.constant 0 : i32
        %parallel_loop3A_505 = vector.broadcast %parallel_loop3A_504 : i32 to vector<16xi32>
        %parallel_loop3A_506 = arith.cmpi slt, %xor3A_2, %parallel_loop3A_505 : vector<16xi32>
        %parallel_loop3A_507 = arith.constant 16 : i32
        %parallel_loop3A_508 = vector.broadcast %parallel_loop3A_507 : i32 to vector<16xi32>
        %parallel_loop3A_509 = arith.addi %xor3A_2, %parallel_loop3A_508 : vector<16xi32>
        %parallel_loop3A_510 = arith.select %parallel_loop3A_506, %parallel_loop3A_509, %xor3A_2 : vector<16xi1>, vector<16xi32>
        %parallel_loop3A_511 = vector.shape_cast %parallel_loop3A_510 : vector<16xi32> to vector<16x1xi32>
        %parallel_loop3A_512 = vector.shape_cast %parallel_loop3A_511 : vector<16x1xi32> to vector<16xi32>
        %parallel_loop3A_513 = tpu.dynamic_gather %parallel_loop3A_503[%parallel_loop3A_512] in [0] : vector<16xf32>, vector<16xi32> -> vector<16xf32>
        %parallel_loop3A_514 = arith.addi %select_n3A_476, %parallel_loop3A_497 : i32
        %parallel_loop3A_515 = arith.index_cast %parallel_loop3A_514 : i32 to index
        %parallel_loop3A_516 = arith.constant 0 : index
        %parallel_loop3A_517 = tpu.vector_load %arg11[%parallel_loop3A_515, %parallel_loop3A_516] {strides = array<i32>} : memref<256x128xf32, #tpu.memory_space<vmem>>, vector<1x16xf32>,
        %parallel_loop3A_518 = vector.shape_cast %parallel_loop3A_517 : vector<1x16xf32> to vector<16xf32>
        %parallel_loop3A_519 = arith.addi %select_n3A_476, %parallel_loop3A_497 : i32
        %parallel_loop3A_520 = arith.index_cast %parallel_loop3A_519 : i32 to index
        %parallel_loop3A_521 = arith.constant 0 : index
        %parallel_loop3A_522 = tpu.vector_load %arg12[%parallel_loop3A_520, %parallel_loop3A_521] {strides = array<i32>} : memref<256x128xf32, #tpu.memory_space<vmem>>, vector<1x16xf32>,
        %parallel_loop3A_523 = vector.shape_cast %parallel_loop3A_522 : vector<1x16xf32> to vector<16xf32>
        %parallel_loop3A_524 = arith.mulf %parallel_loop3A_503, %parallel_loop3A_518 : vector<16xf32>
        %parallel_loop3A_525 = arith.mulf %parallel_loop3A_513, %parallel_loop3A_523 : vector<16xf32>
        %parallel_loop3A_526 = arith.addf %parallel_loop3A_524, %parallel_loop3A_525 : vector<16xf32>
        %parallel_loop3A_527 = arith.constant 1 : i32
        %parallel_loop3A_528 = arith.index_cast %parallel_loop3A_527 : i32 to index
        %parallel_loop3A_529 = arith.index_cast %parallel_loop3A_497 : i32 to index
        %parallel_loop3A_530 = arith.constant 0 : index
        %parallel_loop3A_531 = tpu.vector_load %arg10[%parallel_loop3A_528, %parallel_loop3A_529, %parallel_loop3A_530] {strides = array<i32>} : memref<2x64x128xf32, #tpu.memory_space<vmem>>, vector<1x1x16xf32>,
        %parallel_loop3A_532 = vector.shape_cast %parallel_loop3A_531 : vector<1x1x16xf32> to vector<16xf32>
        %parallel_loop3A_533 = vector.shape_cast %parallel_loop3A_526 : vector<16xf32> to vector<1x1x16xf32>
        tpu.vector_store %arg10[%parallel_loop3A_528, %parallel_loop3A_529, %parallel_loop3A_530], %parallel_loop3A_533 {strides = array<i32>} : memref<2x64x128xf32, #tpu.memory_space<vmem>>, vector<1x1x16xf32>,
        %parallel_loop3A_534 = arith.constant 3 : i32
        %parallel_loop3A_535 = arith.index_cast %parallel_loop3A_534 : i32 to index
        %parallel_loop3A_536 = arith.index_cast %parallel_loop3A_497 : i32 to index
        %parallel_loop3A_537 = arith.constant 16 : index
        %parallel_loop3A_538 = tpu.vector_load %arg9[%parallel_loop3A_535, %parallel_loop3A_536, %parallel_loop3A_537] {strides = array<i32>} : memref<4x64x128xf32, #tpu.memory_space<vmem>>, vector<1x1x16xf32>,
        %parallel_loop3A_539 = vector.shape_cast %parallel_loop3A_538 : vector<1x1x16xf32> to vector<16xf32>
        %parallel_loop3A_540 = arith.constant 0 : i32
        %parallel_loop3A_541 = vector.broadcast %parallel_loop3A_540 : i32 to vector<16xi32>
        %parallel_loop3A_542 = arith.cmpi slt, %xor3A_2, %parallel_loop3A_541 : vector<16xi32>
        %parallel_loop3A_543 = arith.constant 16 : i32
        %parallel_loop3A_544 = vector.broadcast %parallel_loop3A_543 : i32 to vector<16xi32>
        %parallel_loop3A_545 = arith.addi %xor3A_2, %parallel_loop3A_544 : vector<16xi32>
        %parallel_loop3A_546 = arith.select %parallel_loop3A_542, %parallel_loop3A_545, %xor3A_2 : vector<16xi1>, vector<16xi32>
        %parallel_loop3A_547 = vector.shape_cast %parallel_loop3A_546 : vector<16xi32> to vector<16x1xi32>
        %parallel_loop3A_548 = vector.shape_cast %parallel_loop3A_547 : vector<16x1xi32> to vector<16xi32>
        %parallel_loop3A_549 = tpu.dynamic_gather %parallel_loop3A_539[%parallel_loop3A_548] in [0] : vector<16xf32>, vector<16xi32> -> vector<16xf32>
        %parallel_loop3A_550 = arith.addi %select_n3A_476, %parallel_loop3A_497 : i32
        %parallel_loop3A_551 = arith.index_cast %parallel_loop3A_550 : i32 to index
        %parallel_loop3A_552 = arith.constant 16 : index
        %parallel_loop3A_553 = tpu.vector_load %arg11[%parallel_loop3A_551, %parallel_loop3A_552] {strides = array<i32>} : memref<256x128xf32, #tpu.memory_space<vmem>>, vector<1x16xf32>,
        %parallel_loop3A_554 = vector.shape_cast %parallel_loop3A_553 : vector<1x16xf32> to vector<16xf32>
        %parallel_loop3A_555 = arith.addi %select_n3A_476, %parallel_loop3A_497 : i32
        %parallel_loop3A_556 = arith.index_cast %parallel_loop3A_555 : i32 to index
        %parallel_loop3A_557 = arith.constant 16 : index
        %parallel_loop3A_558 = tpu.vector_load %arg12[%parallel_loop3A_556, %parallel_loop3A_557] {strides = array<i32>} : memref<256x128xf32, #tpu.memory_space<vmem>>, vector<1x16xf32>,
        %parallel_loop3A_559 = vector.shape_cast %parallel_loop3A_558 : vector<1x16xf32> to vector<16xf32>
        %parallel_loop3A_560 = arith.mulf %parallel_loop3A_539, %parallel_loop3A_554 : vector<16xf32>
        %parallel_loop3A_561 = arith.mulf %parallel_loop3A_549, %parallel_loop3A_559 : vector<16xf32>
        %parallel_loop3A_562 = arith.addf %parallel_loop3A_560, %parallel_loop3A_561 : vector<16xf32>
        %parallel_loop3A_563 = arith.constant 1 : i32
        %parallel_loop3A_564 = arith.index_cast %parallel_loop3A_563 : i32 to index
        %parallel_loop3A_565 = arith.index_cast %parallel_loop3A_497 : i32 to index
        %parallel_loop3A_566 = arith.constant 16 : index
        %parallel_loop3A_567 = tpu.vector_load %arg10[%parallel_loop3A_564, %parallel_loop3A_565, %parallel_loop3A_566] {strides = array<i32>} : memref<2x64x128xf32, #tpu.memory_space<vmem>>, vector<1x1x16xf32>,
        %parallel_loop3A_568 = vector.shape_cast %parallel_loop3A_567 : vector<1x1x16xf32> to vector<16xf32>
        %parallel_loop3A_569 = vector.shape_cast %parallel_loop3A_562 : vector<16xf32> to vector<1x1x16xf32>
        tpu.vector_store %arg10[%parallel_loop3A_564, %parallel_loop3A_565, %parallel_loop3A_566], %parallel_loop3A_569 {strides = array<i32>} : memref<2x64x128xf32, #tpu.memory_space<vmem>>, vector<1x1x16xf32>,
        %parallel_loop3A_570 = arith.constant 3 : i32
        %parallel_loop3A_571 = arith.index_cast %parallel_loop3A_570 : i32 to index
        %parallel_loop3A_572 = arith.index_cast %parallel_loop3A_497 : i32 to index
        %parallel_loop3A_573 = arith.constant 32 : index
        %parallel_loop3A_574 = tpu.vector_load %arg9[%parallel_loop3A_571, %parallel_loop3A_572, %parallel_loop3A_573] {strides = array<i32>} : memref<4x64x128xf32, #tpu.memory_space<vmem>>, vector<1x1x16xf32>,
        %parallel_loop3A_575 = vector.shape_cast %parallel_loop3A_574 : vector<1x1x16xf32> to vector<16xf32>
        %parallel_loop3A_576 = arith.constant 0 : i32
        %parallel_loop3A_577 = vector.broadcast %parallel_loop3A_576 : i32 to vector<16xi32>
        %parallel_loop3A_578 = arith.cmpi slt, %xor3A_2, %parallel_loop3A_577 : vector<16xi32>
        %parallel_loop3A_579 = arith.constant 16 : i32
        %parallel_loop3A_580 = vector.broadcast %parallel_loop3A_579 : i32 to vector<16xi32>
        %parallel_loop3A_581 = arith.addi %xor3A_2, %parallel_loop3A_580 : vector<16xi32>
        %parallel_loop3A_582 = arith.select %parallel_loop3A_578, %parallel_loop3A_581, %xor3A_2 : vector<16xi1>, vector<16xi32>
        %parallel_loop3A_583 = vector.shape_cast %parallel_loop3A_582 : vector<16xi32> to vector<16x1xi32>
        %parallel_loop3A_584 = vector.shape_cast %parallel_loop3A_583 : vector<16x1xi32> to vector<16xi32>
        %parallel_loop3A_585 = tpu.dynamic_gather %parallel_loop3A_575[%parallel_loop3A_584] in [0] : vector<16xf32>, vector<16xi32> -> vector<16xf32>
        %parallel_loop3A_586 = arith.addi %select_n3A_476, %parallel_loop3A_497 : i32
        %parallel_loop3A_587 = arith.index_cast %parallel_loop3A_586 : i32 to index
        %parallel_loop3A_588 = arith.constant 32 : index
        %parallel_loop3A_589 = tpu.vector_load %arg11[%parallel_loop3A_587, %parallel_loop3A_588] {strides = array<i32>} : memref<256x128xf32, #tpu.memory_space<vmem>>, vector<1x16xf32>,
        %parallel_loop3A_590 = vector.shape_cast %parallel_loop3A_589 : vector<1x16xf32> to vector<16xf32>
        %parallel_loop3A_591 = arith.addi %select_n3A_476, %parallel_loop3A_497 : i32
        %parallel_loop3A_592 = arith.index_cast %parallel_loop3A_591 : i32 to index
        %parallel_loop3A_593 = arith.constant 32 : index
        %parallel_loop3A_594 = tpu.vector_load %arg12[%parallel_loop3A_592, %parallel_loop3A_593] {strides = array<i32>} : memref<256x128xf32, #tpu.memory_space<vmem>>, vector<1x16xf32>,
        %parallel_loop3A_595 = vector.shape_cast %parallel_loop3A_594 : vector<1x16xf32> to vector<16xf32>
        %parallel_loop3A_596 = arith.mulf %parallel_loop3A_575, %parallel_loop3A_590 : vector<16xf32>
        %parallel_loop3A_597 = arith.mulf %parallel_loop3A_585, %parallel_loop3A_595 : vector<16xf32>
        %parallel_loop3A_598 = arith.addf %parallel_loop3A_596, %parallel_loop3A_597 : vector<16xf32>
        %parallel_loop3A_599 = arith.constant 1 : i32
        %parallel_loop3A_600 = arith.index_cast %parallel_loop3A_599 : i32 to index
        %parallel_loop3A_601 = arith.index_cast %parallel_loop3A_497 : i32 to index
        %parallel_loop3A_602 = arith.constant 32 : index
        %parallel_loop3A_603 = tpu.vector_load %arg10[%parallel_loop3A_600, %parallel_loop3A_601, %parallel_loop3A_602] {strides = array<i32>} : memref<2x64x128xf32, #tpu.memory_space<vmem>>, vector<1x1x16xf32>,
        %parallel_loop3A_604 = vector.shape_cast %parallel_loop3A_603 : vector<1x1x16xf32> to vector<16xf32>
        %parallel_loop3A_605 = vector.shape_cast %parallel_loop3A_598 : vector<16xf32> to vector<1x1x16xf32>
        tpu.vector_store %arg10[%parallel_loop3A_600, %parallel_loop3A_601, %parallel_loop3A_602], %parallel_loop3A_605 {strides = array<i32>} : memref<2x64x128xf32, #tpu.memory_space<vmem>>, vector<1x1x16xf32>,
        %parallel_loop3A_606 = arith.constant 3 : i32
        %parallel_loop3A_607 = arith.index_cast %parallel_loop3A_606 : i32 to index
        %parallel_loop3A_608 = arith.index_cast %parallel_loop3A_497 : i32 to index
        %parallel_loop3A_609 = arith.constant 48 : index
        %parallel_loop3A_610 = tpu.vector_load %arg9[%parallel_loop3A_607, %parallel_loop3A_608, %parallel_loop3A_609] {strides = array<i32>} : memref<4x64x128xf32, #tpu.memory_space<vmem>>, vector<1x1x16xf32>,
        %parallel_loop3A_611 = vector.shape_cast %parallel_loop3A_610 : vector<1x1x16xf32> to vector<16xf32>
        %parallel_loop3A_612 = arith.constant 0 : i32
        %parallel_loop3A_613 = vector.broadcast %parallel_loop3A_612 : i32 to vector<16xi32>
        %parallel_loop3A_614 = arith.cmpi slt, %xor3A_2, %parallel_loop3A_613 : vector<16xi32>
        %parallel_loop3A_615 = arith.constant 16 : i32
        %parallel_loop3A_616 = vector.broadcast %parallel_loop3A_615 : i32 to vector<16xi32>
        %parallel_loop3A_617 = arith.addi %xor3A_2, %parallel_loop3A_616 : vector<16xi32>
        %parallel_loop3A_618 = arith.select %parallel_loop3A_614, %parallel_loop3A_617, %xor3A_2 : vector<16xi1>, vector<16xi32>
        %parallel_loop3A_619 = vector.shape_cast %parallel_loop3A_618 : vector<16xi32> to vector<16x1xi32>
        %parallel_loop3A_620 = vector.shape_cast %parallel_loop3A_619 : vector<16x1xi32> to vector<16xi32>
        %parallel_loop3A_621 = tpu.dynamic_gather %parallel_loop3A_611[%parallel_loop3A_620] in [0] : vector<16xf32>, vector<16xi32> -> vector<16xf32>
        %parallel_loop3A_622 = arith.addi %select_n3A_476, %parallel_loop3A_497 : i32
        %parallel_loop3A_623 = arith.index_cast %parallel_loop3A_622 : i32 to index
        %parallel_loop3A_624 = arith.constant 48 : index
        %parallel_loop3A_625 = tpu.vector_load %arg11[%parallel_loop3A_623, %parallel_loop3A_624] {strides = array<i32>} : memref<256x128xf32, #tpu.memory_space<vmem>>, vector<1x16xf32>,
        %parallel_loop3A_626 = vector.shape_cast %parallel_loop3A_625 : vector<1x16xf32> to vector<16xf32>
        %parallel_loop3A_627 = arith.addi %select_n3A_476, %parallel_loop3A_497 : i32
        %parallel_loop3A_628 = arith.index_cast %parallel_loop3A_627 : i32 to index
        %parallel_loop3A_629 = arith.constant 48 : index
        %parallel_loop3A_630 = tpu.vector_load %arg12[%parallel_loop3A_628, %parallel_loop3A_629] {strides = array<i32>} : memref<256x128xf32, #tpu.memory_space<vmem>>, vector<1x16xf32>,
        %parallel_loop3A_631 = vector.shape_cast %parallel_loop3A_630 : vector<1x16xf32> to vector<16xf32>
        %parallel_loop3A_632 = arith.mulf %parallel_loop3A_611, %parallel_loop3A_626 : vector<16xf32>
        %parallel_loop3A_633 = arith.mulf %parallel_loop3A_621, %parallel_loop3A_631 : vector<16xf32>
        %parallel_loop3A_634 = arith.addf %parallel_loop3A_632, %parallel_loop3A_633 : vector<16xf32>
        %parallel_loop3A_635 = arith.constant 1 : i32
        %parallel_loop3A_636 = arith.index_cast %parallel_loop3A_635 : i32 to index
        %parallel_loop3A_637 = arith.index_cast %parallel_loop3A_497 : i32 to index
        %parallel_loop3A_638 = arith.constant 48 : index
        %parallel_loop3A_639 = tpu.vector_load %arg10[%parallel_loop3A_636, %parallel_loop3A_637, %parallel_loop3A_638] {strides = array<i32>} : memref<2x64x128xf32, #tpu.memory_space<vmem>>, vector<1x1x16xf32>,
        %parallel_loop3A_640 = vector.shape_cast %parallel_loop3A_639 : vector<1x1x16xf32> to vector<16xf32>
        %parallel_loop3A_641 = vector.shape_cast %parallel_loop3A_634 : vector<16xf32> to vector<1x1x16xf32>
        tpu.vector_store %arg10[%parallel_loop3A_636, %parallel_loop3A_637, %parallel_loop3A_638], %parallel_loop3A_641 {strides = array<i32>} : memref<2x64x128xf32, #tpu.memory_space<vmem>>, vector<1x1x16xf32>,
        %parallel_loop3A_642 = arith.constant 3 : i32
        %parallel_loop3A_643 = arith.index_cast %parallel_loop3A_642 : i32 to index
        %parallel_loop3A_644 = arith.index_cast %parallel_loop3A_497 : i32 to index
        %parallel_loop3A_645 = arith.constant 64 : index
        %parallel_loop3A_646 = tpu.vector_load %arg9[%parallel_loop3A_643, %parallel_loop3A_644, %parallel_loop3A_645] {strides = array<i32>} : memref<4x64x128xf32, #tpu.memory_space<vmem>>, vector<1x1x16xf32>,
        %parallel_loop3A_647 = vector.shape_cast %parallel_loop3A_646 : vector<1x1x16xf32> to vector<16xf32>
        %parallel_loop3A_648 = arith.constant 0 : i32
        %parallel_loop3A_649 = vector.broadcast %parallel_loop3A_648 : i32 to vector<16xi32>
        %parallel_loop3A_650 = arith.cmpi slt, %xor3A_2, %parallel_loop3A_649 : vector<16xi32>
        %parallel_loop3A_651 = arith.constant 16 : i32
        %parallel_loop3A_652 = vector.broadcast %parallel_loop3A_651 : i32 to vector<16xi32>
        %parallel_loop3A_653 = arith.addi %xor3A_2, %parallel_loop3A_652 : vector<16xi32>
        %parallel_loop3A_654 = arith.select %parallel_loop3A_650, %parallel_loop3A_653, %xor3A_2 : vector<16xi1>, vector<16xi32>
        %parallel_loop3A_655 = vector.shape_cast %parallel_loop3A_654 : vector<16xi32> to vector<16x1xi32>
        %parallel_loop3A_656 = vector.shape_cast %parallel_loop3A_655 : vector<16x1xi32> to vector<16xi32>
        %parallel_loop3A_657 = tpu.dynamic_gather %parallel_loop3A_647[%parallel_loop3A_656] in [0] : vector<16xf32>, vector<16xi32> -> vector<16xf32>
        %parallel_loop3A_658 = arith.addi %select_n3A_476, %parallel_loop3A_497 : i32
        %parallel_loop3A_659 = arith.index_cast %parallel_loop3A_658 : i32 to index
        %parallel_loop3A_660 = arith.constant 64 : index
        %parallel_loop3A_661 = tpu.vector_load %arg11[%parallel_loop3A_659, %parallel_loop3A_660] {strides = array<i32>} : memref<256x128xf32, #tpu.memory_space<vmem>>, vector<1x16xf32>,
        %parallel_loop3A_662 = vector.shape_cast %parallel_loop3A_661 : vector<1x16xf32> to vector<16xf32>
        %parallel_loop3A_663 = arith.addi %select_n3A_476, %parallel_loop3A_497 : i32
        %parallel_loop3A_664 = arith.index_cast %parallel_loop3A_663 : i32 to index
        %parallel_loop3A_665 = arith.constant 64 : index
        %parallel_loop3A_666 = tpu.vector_load %arg12[%parallel_loop3A_664, %parallel_loop3A_665] {strides = array<i32>} : memref<256x128xf32, #tpu.memory_space<vmem>>, vector<1x16xf32>,
        %parallel_loop3A_667 = vector.shape_cast %parallel_loop3A_666 : vector<1x16xf32> to vector<16xf32>
        %parallel_loop3A_668 = arith.mulf %parallel_loop3A_647, %parallel_loop3A_662 : vector<16xf32>
        %parallel_loop3A_669 = arith.mulf %parallel_loop3A_657, %parallel_loop3A_667 : vector<16xf32>
        %parallel_loop3A_670 = arith.addf %parallel_loop3A_668, %parallel_loop3A_669 : vector<16xf32>
        %parallel_loop3A_671 = arith.constant 1 : i32
        %parallel_loop3A_672 = arith.index_cast %parallel_loop3A_671 : i32 to index
        %parallel_loop3A_673 = arith.index_cast %parallel_loop3A_497 : i32 to index
        %parallel_loop3A_674 = arith.constant 64 : index
        %parallel_loop3A_675 = tpu.vector_load %arg10[%parallel_loop3A_672, %parallel_loop3A_673, %parallel_loop3A_674] {strides = array<i32>} : memref<2x64x128xf32, #tpu.memory_space<vmem>>, vector<1x1x16xf32>,
        %parallel_loop3A_676 = vector.shape_cast %parallel_loop3A_675 : vector<1x1x16xf32> to vector<16xf32>
        %parallel_loop3A_677 = vector.shape_cast %parallel_loop3A_670 : vector<16xf32> to vector<1x1x16xf32>
        tpu.vector_store %arg10[%parallel_loop3A_672, %parallel_loop3A_673, %parallel_loop3A_674], %parallel_loop3A_677 {strides = array<i32>} : memref<2x64x128xf32, #tpu.memory_space<vmem>>, vector<1x1x16xf32>,
        %parallel_loop3A_678 = arith.constant 3 : i32
        %parallel_loop3A_679 = arith.index_cast %parallel_loop3A_678 : i32 to index
        %parallel_loop3A_680 = arith.index_cast %parallel_loop3A_497 : i32 to index
        %parallel_loop3A_681 = arith.constant 80 : index
        %parallel_loop3A_682 = tpu.vector_load %arg9[%parallel_loop3A_679, %parallel_loop3A_680, %parallel_loop3A_681] {strides = array<i32>} : memref<4x64x128xf32, #tpu.memory_space<vmem>>, vector<1x1x16xf32>,
        %parallel_loop3A_683 = vector.shape_cast %parallel_loop3A_682 : vector<1x1x16xf32> to vector<16xf32>
        %parallel_loop3A_684 = arith.constant 0 : i32
        %parallel_loop3A_685 = vector.broadcast %parallel_loop3A_684 : i32 to vector<16xi32>
        %parallel_loop3A_686 = arith.cmpi slt, %xor3A_2, %parallel_loop3A_685 : vector<16xi32>
        %parallel_loop3A_687 = arith.constant 16 : i32
        %parallel_loop3A_688 = vector.broadcast %parallel_loop3A_687 : i32 to vector<16xi32>
        %parallel_loop3A_689 = arith.addi %xor3A_2, %parallel_loop3A_688 : vector<16xi32>
        %parallel_loop3A_690 = arith.select %parallel_loop3A_686, %parallel_loop3A_689, %xor3A_2 : vector<16xi1>, vector<16xi32>
        %parallel_loop3A_691 = vector.shape_cast %parallel_loop3A_690 : vector<16xi32> to vector<16x1xi32>
        %parallel_loop3A_692 = vector.shape_cast %parallel_loop3A_691 : vector<16x1xi32> to vector<16xi32>
        %parallel_loop3A_693 = tpu.dynamic_gather %parallel_loop3A_683[%parallel_loop3A_692] in [0] : vector<16xf32>, vector<16xi32> -> vector<16xf32>
        %parallel_loop3A_694 = arith.addi %select_n3A_476, %parallel_loop3A_497 : i32
        %parallel_loop3A_695 = arith.index_cast %parallel_loop3A_694 : i32 to index
        %parallel_loop3A_696 = arith.constant 80 : index
        %parallel_loop3A_697 = tpu.vector_load %arg11[%parallel_loop3A_695, %parallel_loop3A_696] {strides = array<i32>} : memref<256x128xf32, #tpu.memory_space<vmem>>, vector<1x16xf32>,
        %parallel_loop3A_698 = vector.shape_cast %parallel_loop3A_697 : vector<1x16xf32> to vector<16xf32>
        %parallel_loop3A_699 = arith.addi %select_n3A_476, %parallel_loop3A_497 : i32
        %parallel_loop3A_700 = arith.index_cast %parallel_loop3A_699 : i32 to index
        %parallel_loop3A_701 = arith.constant 80 : index
        %parallel_loop3A_702 = tpu.vector_load %arg12[%parallel_loop3A_700, %parallel_loop3A_701] {strides = array<i32>} : memref<256x128xf32, #tpu.memory_space<vmem>>, vector<1x16xf32>,
        %parallel_loop3A_703 = vector.shape_cast %parallel_loop3A_702 : vector<1x16xf32> to vector<16xf32>
        %parallel_loop3A_704 = arith.mulf %parallel_loop3A_683, %parallel_loop3A_698 : vector<16xf32>
        %parallel_loop3A_705 = arith.mulf %parallel_loop3A_693, %parallel_loop3A_703 : vector<16xf32>
        %parallel_loop3A_706 = arith.addf %parallel_loop3A_704, %parallel_loop3A_705 : vector<16xf32>
        %parallel_loop3A_707 = arith.constant 1 : i32
        %parallel_loop3A_708 = arith.index_cast %parallel_loop3A_707 : i32 to index
        %parallel_loop3A_709 = arith.index_cast %parallel_loop3A_497 : i32 to index
        %parallel_loop3A_710 = arith.constant 80 : index
        %parallel_loop3A_711 = tpu.vector_load %arg10[%parallel_loop3A_708, %parallel_loop3A_709, %parallel_loop3A_710] {strides = array<i32>} : memref<2x64x128xf32, #tpu.memory_space<vmem>>, vector<1x1x16xf32>,
        %parallel_loop3A_712 = vector.shape_cast %parallel_loop3A_711 : vector<1x1x16xf32> to vector<16xf32>
        %parallel_loop3A_713 = vector.shape_cast %parallel_loop3A_706 : vector<16xf32> to vector<1x1x16xf32>
        tpu.vector_store %arg10[%parallel_loop3A_708, %parallel_loop3A_709, %parallel_loop3A_710], %parallel_loop3A_713 {strides = array<i32>} : memref<2x64x128xf32, #tpu.memory_space<vmem>>, vector<1x1x16xf32>,
        %parallel_loop3A_714 = arith.constant 3 : i32
        %parallel_loop3A_715 = arith.index_cast %parallel_loop3A_714 : i32 to index
        %parallel_loop3A_716 = arith.index_cast %parallel_loop3A_497 : i32 to index
        %parallel_loop3A_717 = arith.constant 96 : index
        %parallel_loop3A_718 = tpu.vector_load %arg9[%parallel_loop3A_715, %parallel_loop3A_716, %parallel_loop3A_717] {strides = array<i32>} : memref<4x64x128xf32, #tpu.memory_space<vmem>>, vector<1x1x16xf32>,
        %parallel_loop3A_719 = vector.shape_cast %parallel_loop3A_718 : vector<1x1x16xf32> to vector<16xf32>
        %parallel_loop3A_720 = arith.constant 0 : i32
        %parallel_loop3A_721 = vector.broadcast %parallel_loop3A_720 : i32 to vector<16xi32>
        %parallel_loop3A_722 = arith.cmpi slt, %xor3A_2, %parallel_loop3A_721 : vector<16xi32>
        %parallel_loop3A_723 = arith.constant 16 : i32
        %parallel_loop3A_724 = vector.broadcast %parallel_loop3A_723 : i32 to vector<16xi32>
        %parallel_loop3A_725 = arith.addi %xor3A_2, %parallel_loop3A_724 : vector<16xi32>
        %parallel_loop3A_726 = arith.select %parallel_loop3A_722, %parallel_loop3A_725, %xor3A_2 : vector<16xi1>, vector<16xi32>
        %parallel_loop3A_727 = vector.shape_cast %parallel_loop3A_726 : vector<16xi32> to vector<16x1xi32>
        %parallel_loop3A_728 = vector.shape_cast %parallel_loop3A_727 : vector<16x1xi32> to vector<16xi32>
        %parallel_loop3A_729 = tpu.dynamic_gather %parallel_loop3A_719[%parallel_loop3A_728] in [0] : vector<16xf32>, vector<16xi32> -> vector<16xf32>
        %parallel_loop3A_730 = arith.addi %select_n3A_476, %parallel_loop3A_497 : i32
        %parallel_loop3A_731 = arith.index_cast %parallel_loop3A_730 : i32 to index
        %parallel_loop3A_732 = arith.constant 96 : index
        %parallel_loop3A_733 = tpu.vector_load %arg11[%parallel_loop3A_731, %parallel_loop3A_732] {strides = array<i32>} : memref<256x128xf32, #tpu.memory_space<vmem>>, vector<1x16xf32>,
        %parallel_loop3A_734 = vector.shape_cast %parallel_loop3A_733 : vector<1x16xf32> to vector<16xf32>
        %parallel_loop3A_735 = arith.addi %select_n3A_476, %parallel_loop3A_497 : i32
        %parallel_loop3A_736 = arith.index_cast %parallel_loop3A_735 : i32 to index
        %parallel_loop3A_737 = arith.constant 96 : index
        %parallel_loop3A_738 = tpu.vector_load %arg12[%parallel_loop3A_736, %parallel_loop3A_737] {strides = array<i32>} : memref<256x128xf32, #tpu.memory_space<vmem>>, vector<1x16xf32>,
        %parallel_loop3A_739 = vector.shape_cast %parallel_loop3A_738 : vector<1x16xf32> to vector<16xf32>
        %parallel_loop3A_740 = arith.mulf %parallel_loop3A_719, %parallel_loop3A_734 : vector<16xf32>
        %parallel_loop3A_741 = arith.mulf %parallel_loop3A_729, %parallel_loop3A_739 : vector<16xf32>
        %parallel_loop3A_742 = arith.addf %parallel_loop3A_740, %parallel_loop3A_741 : vector<16xf32>
        %parallel_loop3A_743 = arith.constant 1 : i32
        %parallel_loop3A_744 = arith.index_cast %parallel_loop3A_743 : i32 to index
        %parallel_loop3A_745 = arith.index_cast %parallel_loop3A_497 : i32 to index
        %parallel_loop3A_746 = arith.constant 96 : index
        %parallel_loop3A_747 = tpu.vector_load %arg10[%parallel_loop3A_744, %parallel_loop3A_745, %parallel_loop3A_746] {strides = array<i32>} : memref<2x64x128xf32, #tpu.memory_space<vmem>>, vector<1x1x16xf32>,
        %parallel_loop3A_748 = vector.shape_cast %parallel_loop3A_747 : vector<1x1x16xf32> to vector<16xf32>
        %parallel_loop3A_749 = vector.shape_cast %parallel_loop3A_742 : vector<16xf32> to vector<1x1x16xf32>
        tpu.vector_store %arg10[%parallel_loop3A_744, %parallel_loop3A_745, %parallel_loop3A_746], %parallel_loop3A_749 {strides = array<i32>} : memref<2x64x128xf32, #tpu.memory_space<vmem>>, vector<1x1x16xf32>,
        %parallel_loop3A_750 = arith.constant 3 : i32
        %parallel_loop3A_751 = arith.index_cast %parallel_loop3A_750 : i32 to index
        %parallel_loop3A_752 = arith.index_cast %parallel_loop3A_497 : i32 to index
        %parallel_loop3A_753 = arith.constant 112 : index
        %parallel_loop3A_754 = tpu.vector_load %arg9[%parallel_loop3A_751, %parallel_loop3A_752, %parallel_loop3A_753] {strides = array<i32>} : memref<4x64x128xf32, #tpu.memory_space<vmem>>, vector<1x1x16xf32>,
        %parallel_loop3A_755 = vector.shape_cast %parallel_loop3A_754 : vector<1x1x16xf32> to vector<16xf32>
        %parallel_loop3A_756 = arith.constant 0 : i32
        %parallel_loop3A_757 = vector.broadcast %parallel_loop3A_756 : i32 to vector<16xi32>
        %parallel_loop3A_758 = arith.cmpi slt, %xor3A_2, %parallel_loop3A_757 : vector<16xi32>
        %parallel_loop3A_759 = arith.constant 16 : i32
        %parallel_loop3A_760 = vector.broadcast %parallel_loop3A_759 : i32 to vector<16xi32>
        %parallel_loop3A_761 = arith.addi %xor3A_2, %parallel_loop3A_760 : vector<16xi32>
        %parallel_loop3A_762 = arith.select %parallel_loop3A_758, %parallel_loop3A_761, %xor3A_2 : vector<16xi1>, vector<16xi32>
        %parallel_loop3A_763 = vector.shape_cast %parallel_loop3A_762 : vector<16xi32> to vector<16x1xi32>
        %parallel_loop3A_764 = vector.shape_cast %parallel_loop3A_763 : vector<16x1xi32> to vector<16xi32>
        %parallel_loop3A_765 = tpu.dynamic_gather %parallel_loop3A_755[%parallel_loop3A_764] in [0] : vector<16xf32>, vector<16xi32> -> vector<16xf32>
        %parallel_loop3A_766 = arith.addi %select_n3A_476, %parallel_loop3A_497 : i32
        %parallel_loop3A_767 = arith.index_cast %parallel_loop3A_766 : i32 to index
        %parallel_loop3A_768 = arith.constant 112 : index
        %parallel_loop3A_769 = tpu.vector_load %arg11[%parallel_loop3A_767, %parallel_loop3A_768] {strides = array<i32>} : memref<256x128xf32, #tpu.memory_space<vmem>>, vector<1x16xf32>,
        %parallel_loop3A_770 = vector.shape_cast %parallel_loop3A_769 : vector<1x16xf32> to vector<16xf32>
        %parallel_loop3A_771 = arith.addi %select_n3A_476, %parallel_loop3A_497 : i32
        %parallel_loop3A_772 = arith.index_cast %parallel_loop3A_771 : i32 to index
        %parallel_loop3A_773 = arith.constant 112 : index
        %parallel_loop3A_774 = tpu.vector_load %arg12[%parallel_loop3A_772, %parallel_loop3A_773] {strides = array<i32>} : memref<256x128xf32, #tpu.memory_space<vmem>>, vector<1x16xf32>,
        %parallel_loop3A_775 = vector.shape_cast %parallel_loop3A_774 : vector<1x16xf32> to vector<16xf32>
        %parallel_loop3A_776 = arith.mulf %parallel_loop3A_755, %parallel_loop3A_770 : vector<16xf32>
        %parallel_loop3A_777 = arith.mulf %parallel_loop3A_765, %parallel_loop3A_775 : vector<16xf32>
        %parallel_loop3A_778 = arith.addf %parallel_loop3A_776, %parallel_loop3A_777 : vector<16xf32>
        %parallel_loop3A_779 = arith.constant 1 : i32
        %parallel_loop3A_780 = arith.index_cast %parallel_loop3A_779 : i32 to index
        %parallel_loop3A_781 = arith.index_cast %parallel_loop3A_497 : i32 to index
        %parallel_loop3A_782 = arith.constant 112 : index
        %parallel_loop3A_783 = tpu.vector_load %arg10[%parallel_loop3A_780, %parallel_loop3A_781, %parallel_loop3A_782] {strides = array<i32>} : memref<2x64x128xf32, #tpu.memory_space<vmem>>, vector<1x1x16xf32>,
        %parallel_loop3A_784 = vector.shape_cast %parallel_loop3A_783 : vector<1x1x16xf32> to vector<16xf32>
        %parallel_loop3A_785 = vector.shape_cast %parallel_loop3A_778 : vector<16xf32> to vector<1x1x16xf32>
        tpu.vector_store %arg10[%parallel_loop3A_780, %parallel_loop3A_781, %parallel_loop3A_782], %parallel_loop3A_785 {strides = array<i32>} : memref<2x64x128xf32, #tpu.memory_space<vmem>>, vector<1x1x16xf32>,
      } {sc.loop_unroll_factor = 4 : i64, sc.parallel_access}
      %dma_start3A_480 = arith.constant 1 : i32
      %dma_start3A_481 = arith.constant 0 : i32
      %dma_start3A_482 = arith.constant 0 : i32
      %dma_start3A_483 = tpu.memref_slice %arg10[%dma_start3A_480, %dma_start3A_481, %dma_start3A_482] : memref<2x64x128xf32, #tpu.memory_space<vmem>> -> memref<1x64x128xf32, #tpu.memory_space<vmem>>
      %dma_start3A_484 = tpu.memref_squeeze %dma_start3A_483 : memref<1x64x128xf32, #tpu.memory_space<vmem>> -> memref<64x128xf32, #tpu.memory_space<vmem>>
      %dma_start3A_485 = arith.constant 0 : i32
      %dma_start3A_486 = arith.constant 0 : i32
      %dma_start3A_487 = tpu.memref_slice %arg6[%add3A, %add3A_434, %dma_start3A_485, %dma_start3A_486] : memref<32x100x64x128xf32, #tpu.memory_space<hbm>> -> memref<1x1x64x128xf32, #tpu.memory_space<hbm>>
      %dma_start3A_488 = tpu.memref_squeeze %dma_start3A_487 : memref<1x1x64x128xf32, #tpu.memory_space<hbm>> -> memref<64x128xf32, #tpu.memory_space<hbm>>
      %dma_start3A_489 = arith.constant 0 : i32
      %dma_start3A_490 = arith.constant 0 : i32
      %dma_start3A_491 = tpu.memref_slice %arg6[%add3A, %add3A_434, %dma_start3A_489, %dma_start3A_490] : memref<32x100x64x128xf32, #tpu.memory_space<hbm>> -> memref<1x1x64x128xf32, #tpu.memory_space<hbm>>
      %dma_start3A_492 = tpu.memref_squeeze %dma_start3A_491 : memref<1x1x64x128xf32, #tpu.memory_space<hbm>> -> memref<64x128xf32, #tpu.memory_space<hbm>>
      %dma_start3A_493 = arith.constant 0 : i32
      %dma_start3A_494 = arith.constant 0 : i32
      %dma_start3A_495 = tpu.memref_slice %arg10[%dma_start3A_480, %dma_start3A_493, %dma_start3A_494] : memref<2x64x128xf32, #tpu.memory_space<vmem>> -> memref<1x64x128xf32, #tpu.memory_space<vmem>>
      %dma_start3A_496 = tpu.memref_squeeze %dma_start3A_495 : memref<1x64x128xf32, #tpu.memory_space<vmem>> -> memref<64x128xf32, #tpu.memory_space<vmem>>
      tpu.enqueue_dma source(%dma_start3A_496 : memref<64x128xf32, #tpu.memory_space<vmem>>) target(%dma_start3A_492 : memref<64x128xf32, #tpu.memory_space<hbm>>) target_semaphore(%arg18 : memref<!tpu.dma_semaphore, #tpu.memory_space<semaphore_mem>>)
    }
    %scan3A_207 = arith.constant 25 : i32
    %dma_wait3A = arith.constant 0 : i32
    %dma_wait3A_208 = arith.constant 98 : i32
    %dma_wait3A_209 = arith.constant 0 : i32
    %dma_wait3A_210 = arith.constant 0 : i32
    %dma_wait3A_211 = tpu.memref_slice %arg10[%dma_wait3A, %dma_wait3A_209, %dma_wait3A_210] : memref<2x64x128xf32, #tpu.memory_space<vmem>> -> memref<1x64x128xf32, #tpu.memory_space<vmem>>
    %dma_wait3A_212 = tpu.memref_squeeze %dma_wait3A_211 : memref<1x64x128xf32, #tpu.memory_space<vmem>> -> memref<64x128xf32, #tpu.memory_space<vmem>>
    %dma_wait3A_213 = arith.constant 0 : i32
    %dma_wait3A_214 = arith.constant 0 : i32
    %dma_wait3A_215 = tpu.memref_slice %arg6[%add3A, %dma_wait3A_208, %dma_wait3A_213, %dma_wait3A_214] : memref<32x100x64x128xf32, #tpu.memory_space<hbm>> -> memref<1x1x64x128xf32, #tpu.memory_space<hbm>>
    %dma_wait3A_216 = tpu.memref_squeeze %dma_wait3A_215 : memref<1x1x64x128xf32, #tpu.memory_space<hbm>> -> memref<64x128xf32, #tpu.memory_space<hbm>>
    %dma_wait3A_217 = arith.constant 0 : i32
    %dma_wait3A_218 = arith.constant 0 : i32
    %dma_wait3A_219 = tpu.memref_slice %arg6[%add3A, %dma_wait3A_208, %dma_wait3A_217, %dma_wait3A_218] : memref<32x100x64x128xf32, #tpu.memory_space<hbm>> -> memref<1x1x64x128xf32, #tpu.memory_space<hbm>>
    %dma_wait3A_220 = tpu.memref_squeeze %dma_wait3A_219 : memref<1x1x64x128xf32, #tpu.memory_space<hbm>> -> memref<64x128xf32, #tpu.memory_space<hbm>>
    %dma_wait3A_221 = arith.constant 0 : i32
    %dma_wait3A_222 = arith.constant 0 : i32
    %dma_wait3A_223 = tpu.memref_slice %arg10[%dma_wait3A, %dma_wait3A_221, %dma_wait3A_222] : memref<2x64x128xf32, #tpu.memory_space<vmem>> -> memref<1x64x128xf32, #tpu.memory_space<vmem>>
    %dma_wait3A_224 = tpu.memref_squeeze %dma_wait3A_223 : memref<1x64x128xf32, #tpu.memory_space<vmem>> -> memref<64x128xf32, #tpu.memory_space<vmem>>
    tpu.wait_dma2 semaphore(%arg17 : memref<!tpu.dma_semaphore, #tpu.memory_space<semaphore_mem>>) src(%dma_wait3A_224 : memref<64x128xf32, #tpu.memory_space<vmem>>) dst(%dma_wait3A_220 : memref<64x128xf32, #tpu.memory_space<hbm>>)
    %dma_wait3A_225 = arith.constant 1 : i32
    %dma_wait3A_226 = arith.constant 99 : i32
    %dma_wait3A_227 = arith.constant 0 : i32
    %dma_wait3A_228 = arith.constant 0 : i32
    %dma_wait3A_229 = tpu.memref_slice %arg10[%dma_wait3A_225, %dma_wait3A_227, %dma_wait3A_228] : memref<2x64x128xf32, #tpu.memory_space<vmem>> -> memref<1x64x128xf32, #tpu.memory_space<vmem>>
    %dma_wait3A_230 = tpu.memref_squeeze %dma_wait3A_229 : memref<1x64x128xf32, #tpu.memory_space<vmem>> -> memref<64x128xf32, #tpu.memory_space<vmem>>
    %dma_wait3A_231 = arith.constant 0 : i32
    %dma_wait3A_232 = arith.constant 0 : i32
    %dma_wait3A_233 = tpu.memref_slice %arg6[%add3A, %dma_wait3A_226, %dma_wait3A_231, %dma_wait3A_232] : memref<32x100x64x128xf32, #tpu.memory_space<hbm>> -> memref<1x1x64x128xf32, #tpu.memory_space<hbm>>
    %dma_wait3A_234 = tpu.memref_squeeze %dma_wait3A_233 : memref<1x1x64x128xf32, #tpu.memory_space<hbm>> -> memref<64x128xf32, #tpu.memory_space<hbm>>
    %dma_wait3A_235 = arith.constant 0 : i32
    %dma_wait3A_236 = arith.constant 0 : i32
    %dma_wait3A_237 = tpu.memref_slice %arg6[%add3A, %dma_wait3A_226, %dma_wait3A_235, %dma_wait3A_236] : memref<32x100x64x128xf32, #tpu.memory_space<hbm>> -> memref<1x1x64x128xf32, #tpu.memory_space<hbm>>
    %dma_wait3A_238 = tpu.memref_squeeze %dma_wait3A_237 : memref<1x1x64x128xf32, #tpu.memory_space<hbm>> -> memref<64x128xf32, #tpu.memory_space<hbm>>
    %dma_wait3A_239 = arith.constant 0 : i32
    %dma_wait3A_240 = arith.constant 0 : i32
    %dma_wait3A_241 = tpu.memref_slice %arg10[%dma_wait3A_225, %dma_wait3A_239, %dma_wait3A_240] : memref<2x64x128xf32, #tpu.memory_space<vmem>> -> memref<1x64x128xf32, #tpu.memory_space<vmem>>
    %dma_wait3A_242 = tpu.memref_squeeze %dma_wait3A_241 : memref<1x64x128xf32, #tpu.memory_space<vmem>> -> memref<64x128xf32, #tpu.memory_space<vmem>>
    tpu.wait_dma2 semaphore(%arg18 : memref<!tpu.dma_semaphore, #tpu.memory_space<semaphore_mem>>) src(%dma_wait3A_242 : memref<64x128xf32, #tpu.memory_space<vmem>>) dst(%dma_wait3A_238 : memref<64x128xf32, #tpu.memory_space<hbm>>)
    return
  }
}

</mosaic_0001>

<sc_bundles>
// kernel: kernel.3.cloned.1.call-start
scs
__scs_entry_jumppad:
0x0: {  	(pc) =	sbr.rel $0x88, $3  }
0x1: {  	(tag) =	ssettag $0x0;
	lr =	simm.s32 $0x1  }
0x2: {  	[smem:$0x3F9F] =	sst lr;
	_ =	strace $0xD0000000  }
0x3: {  	_ = 	snop  }
0x4: {  	_ = 	snop  }
0x5: {  	_ = 	snop  }
0x6: {  	_ = 	snop  }
0x7: {  	_ = 	snop  }
__scs_overlays_trampoline_lowered:
0x8: {  	[smem:$0x3FAE] =	sst s0  }
0x9: {  	[smem:$0x3FAF] =	sst s1  }
0xa: {  	[smem:$0x3FB0] =	sst s2  }
0xb: {  	[smem:$0x3FB1] =	sst s3  }
0xc: {  	[smem:$0x3FB2] =	sst s4  }
0xd: {  	[smem:$0x3FB3] =	sst s5  }
0xe: {  	[smem:$0x3FB4] =	sst s6  }
0xf: {  	[smem:$0x3FB5] =	sst s7  }
0x10: {  	[smem:$0x3FB6] =	sst s8  }
0x11: {  	[smem:$0x3FB7] =	sst s9;
	s0 =	simm.s32 @!p0 $0x0  }
0x12: {  	s1 =	sld [smem:$0x3F9D];
	s0 =	simm.s32 @p0 $0x1  }
0x13: {  	[smem:$0x3FB8] =	sst s0;
	s0 =	simm.s32 @!p1 $0x0  }
0x14: {  	s2 =	sld [smem:$0x3F9C];
	s0 =	simm.s32 @p1 $0x1  }
0x15: {  	[smem:$0x3FB9] =	sst s0;
	s0 =	simm.s32 @!p2 $0x0  }
0x16: {  	s3 =	sld [smem:$0x3FDB];
	s0 =	simm.s32 @p2 $0x1  }
0x17: {  	s4 =	simm.s32 $0x1BF5;
	[smem:$0x3FBB] =	sst s0  }
0x18: {  	s0 =	sld [smem:$0x3F9E];
	_ =	swait.ge [sflag:s4], $0x0  }
0x19: {  	s7 =	sld [smem:$0x3F9F]  }
0x1a: {  	s8 =	sadd.s32 $0xFFFFE003, lr  }
0x1b: {  	s9 =	sadd.s32 $0xFFFFFEF7, lr;
	s5 =	simm.s32 $0xFFFFFFFF;
	p2 =	slt.u32 s8, $0xFFFFF086  }
0x1c: {  	p1 =	slt.u32 s9, $0xF7A;
	s5 =	simm.s32 @!p2 $0x0  }
0x1d: {  	s5 =	simm.s32 @p1 $0x1;
	p0 =	seq.s32 s7, s2  }
0x1e: {  	s7 =	smul.u32 @!p0 $0xF7A, s2;
	p2 =	seq.s32 @!p0 s5, $0x0  }
0x1f: {  	s9 =	smul.u32 $0xF7A, s1;
	s8 =	simm.s32 @!p0 $0x1BF5;
	p2 =	por !p2, p0  }
0x20: {  	[sflag:s8] =	ssyncset.s32 @!p0 $0xFFFFF086;
	s6 =	sadd.s32 @!p0 s3, s7;
	s7 =	simm.s32 @!p0 $0x108  }
0x21: {  	s3 =	sadd.s32 s3, s9;
	s6 =	sadd.s32 @!p0 $0x88, s6;
	s7 =	simm.s32 @p2 $0x1082  }
0x22: {  	[simem:s7], [sflag:s8] =	dma.local @!p0 [hbm:s6], $0xF7A  }
0x23: {  	s9 =	sor.u32 $0xD0000000, s2;
	s6 =	simm.s32 $0x108;
	_ =	swait.ge @!p0 [sflag:s8], $0x0  }
0x24: {  	s3 =	sadd.s32 $0x88, s3;
	s6 =	simm.s32 @!p1 $0x1082;
	[sflag:s4] =	ssyncset.s32 $0xFFFFF086  }
0x25: {  	[simem:s6], [sflag:s4] =	dma.local [hbm:s3], $0xF7A  }
0x26: {  	[smem:$0x3F9F] =	sst s1;
	(tag) =	ssettag s2;
	_ =	strace s9  }
0x27: {  	s1 =	sld [smem:$0x3FAF]  }
0x28: {  	s2 =	sld [smem:$0x3FB0]  }
0x29: {  	s4 =	sld [smem:$0x3FB2]  }
0x2a: {  	p0 =	seq.s32 s5, $0x0;
	s5 =	sld [smem:$0x3FB3]  }
0x2b: {  	s6 =	sld [smem:$0x3FB4]  }
0x2c: {  	s7 =	sld [smem:$0x3FB5]  }
0x2d: {  	s3 =	simm.s32 $0x108;
	s8 =	sld [smem:$0x3FB6]  }
0x2e: {  	s3 =	simm.s32 @!p0 $0x1082;
	s9 =	sld [smem:$0x3FB7]  }
0x2f: {  	lr =	sadd.s32 s0, s3;
	s0 =	sld [smem:$0x3FAE]  }
0x30: {  	s3 =	sld [smem:$0x3FB1]  }
0x31: {  	[smem:$0x3FBA] =	sst s10  }
0x32: {  	s10 =	sld [smem:$0x3FB8];
	_ =	sdelay $0x3  }
0x33: {  	p0 =	seq.s32 s10, $0x1;
	s10 =	sld [smem:$0x3FBA];
	_ =	sdelay $0x3  }
0x34: {  	[smem:$0x3FBA] =	sst s10  }
0x35: {  	s10 =	sld [smem:$0x3FB9];
	_ =	sdelay $0x3  }
0x36: {  	p1 =	seq.s32 s10, $0x1;
	s10 =	sld [smem:$0x3FBA];
	_ =	sdelay $0x3  }
0x37: {  	[smem:$0x3FBA] =	sst s10  }
0x38: {  	s10 =	sld [smem:$0x3FBB]  }
0x39: {  	_ = 	snop;
	(pc) =	sbr.ind lr, $3  }
0x3a: {  	_ = 	snop  }
0x3b: {  	_ = 	snop  }
0x3c: {  	p2 =	seq.s32 s10, $0x1;
	s10 =	sld [smem:$0x3FBA]  }
0x3d: {  	_ =	shalt  }
0x3e: {  	_ =	shalt  }
0x3f: {  	_ =	shalt  }
0x40: {  	_ =	shalt  }
0x41: {  	_ =	shalt  }
0x42: {  	_ =	shalt  }
0x43: {  	_ =	shalt  }
0x44: {  	_ =	shalt  }
0x45: {  	_ =	shalt  }
0x46: {  	_ =	shalt  }
0x47: {  	_ =	shalt  }
0x48: {  	_ =	shalt  }
0x49: {  	_ =	shalt  }
0x4a: {  	_ =	shalt  }
0x4b: {  	_ =	shalt  }
0x4c: {  	_ =	shalt  }
0x4d: {  	_ =	shalt  }
0x4e: {  	_ =	shalt  }
0x4f: {  	_ =	shalt  }
0x50: {  	_ =	shalt  }
0x51: {  	_ =	shalt  }
0x52: {  	_ =	shalt  }
0x53: {  	_ =	shalt  }
0x54: {  	_ =	shalt  }
0x55: {  	_ =	shalt  }
0x56: {  	_ =	shalt  }
0x57: {  	_ =	shalt  }
0x58: {  	_ =	shalt  }
0x59: {  	_ =	shalt  }
0x5a: {  	_ =	shalt  }
0x5b: {  	_ =	shalt  }
0x5c: {  	_ =	shalt  }
0x5d: {  	_ =	shalt  }
0x5e: {  	_ =	shalt  }
0x5f: {  	_ =	shalt  }
0x60: {  	_ =	shalt  }
0x61: {  	_ =	shalt  }
0x62: {  	_ =	shalt  }
0x63: {  	_ =	shalt  }
0x64: {  	_ =	shalt  }
0x65: {  	_ =	shalt  }
0x66: {  	_ =	shalt  }
0x67: {  	_ =	shalt  }
0x68: {  	_ =	shalt  }
0x69: {  	_ =	shalt  }
0x6a: {  	_ =	shalt  }
0x6b: {  	_ =	shalt  }
0x6c: {  	_ =	shalt  }
0x6d: {  	_ =	shalt  }
0x6e: {  	_ =	shalt  }
0x6f: {  	_ =	shalt  }
0x70: {  	_ =	shalt  }
0x71: {  	_ =	shalt  }
0x72: {  	_ =	shalt  }
0x73: {  	_ =	shalt  }
0x74: {  	_ =	shalt  }
0x75: {  	_ =	shalt  }
0x76: {  	_ =	shalt  }
0x77: {  	_ =	shalt  }
0x78: {  	_ =	shalt  }
0x79: {  	_ =	shalt  }
0x7a: {  	_ =	shalt  }
0x7b: {  	_ =	shalt  }
0x7c: {  	_ =	shalt  }
0x7d: {  	_ =	shalt  }
0x7e: {  	_ =	shalt  }
0x7f: {  	_ =	shalt  }
0x80: {  	_ =	shalt  }
0x81: {  	_ =	shalt  }
0x82: {  	_ =	shalt  }
0x83: {  	_ =	shalt  }
0x84: {  	_ =	shalt  }
0x85: {  	_ =	shalt  }
0x86: {  	_ =	shalt  }
0x87: {  	_ =	shalt  }
.Lfunc_end0:
.L_simem_size_0:
called_computation.1_lowered:
.L_overlay_start_0:
0x88: {  	s2 =	sld [smem:$0x3FD9]  }
0x89: {  	s3 =	sld [smem:$0x3FFE];
	_ =	sdelay $0x1  }
0x8a: {  	s1 =	srdreg.scid  }
0x8b: {  	s0 =	sand.u32 $0x1, s1  }
0x8c: {  	s17 =	sshll.u32 s0, $0xA;
	s2 =	sadd.s32 s3, s2  }
0x8d: {  	s2 =	sadd.s32 s2, s17  }
0x8e: {  	[smem:$0x3FC6] =	sst s2  }
0x8f: {  	_ = 	snop  }
0x90: {  	s2 =	sld [smem:$0x3FD0];
	(tm) =	ssettm $0x1  }
0x91: {  	s18 =	sld [smem:$0x3FFB];
	_ =	sdelay $0x3  }
0x92: {  	_ =	strace s18  }
0x93: {  	s3 =	sld [smem:$0x3FFC];
	_ =	sdelay $0x3  }
0x94: {  	_ =	strace s3  }
0x95: {  	s3 =	sld [smem:$0x3FFD];
	_ =	sdelay $0x3  }
0x96: {  	_ =	strace s3  }
0x97: {  	_ =	strace $0x8FFFFFFF  }
0x98: {  	s19 =	sld [smem:$0x3FDB];
	_ =	sdelay $0x1  }
0x99: {  	s4 =	simm.s32 $_scs_section_size  }
0x9a: {  	s5 =	simm.s32 $_size__tile_overlayer_lowered;
	s6 =	simm.s32 $_tile_overlayer_lowered  }
0x9b: {  	s22 =	simm.s32 $0x1BFF;
	s21 =	sshll.u32 s6, $0x1;
	s3 =	sadd.s32 s4, s19  }
0x9c: {  	s7 =	simm.s32 $0x0;
	s20 =	sshll.u32 s5, $0x1;
	s5 =	sadd.s32 s21, s3  }
0x9d: {  	[timem:s7], [sflag:s22] =	dma.local [hbm:s5], s20  }
0x9e: {  	_ =	swait.ge [sflag:s22], s20  }
0x9f: {  	s4 =	ssub.s32 $0x0, s20;
	[sflag:s22] =	ssyncset.done $0x0  }
0xa0: {  	[sflag:s22] =	ssyncadd.s32 s4;
	_ =	sdelay $0x1  }
0xa1: {  	s23 =	simm.s32 $0x1B8B  }
0xa2: {  	_ =	swait.ge [sflag:s23], $0x1  }
0xa3: {  	[sflag:s23] =	ssyncset.done $0x0  }
0xa4: {  	s25 =	simm.s32 $0x1B8E;
	s24 =	sld [smem:$0x3FFE];
	[sflag:s23] =	ssyncadd.s32 $0xFFFFFFFF  }
0xa5: {  	s26 =	simm.s32 $execute0_lowered;
	[smem:$0x3FD2] =	sst s25  }
0xa6: {  	s5 =	sshll.u32 s26, $0x1;
	_ =	strace $0x80000046;
	[dreg:$0x1] =	wrdreg $0xFFFFFFFF  }
0xa7: {  	s28 =	simm.s32 $_size_execute0_lowered;
	s3 =	sadd.s32 s3, s5;
	[dreg:$0x0] =	wrdreg $0x0  }
0xa8: {  	s5 =	sshll.u32 s28, $0x1;
	[dreg:$0x2] =	wrdreg s3  }
0xa9: {  	[dreg:$0x3] =	wrdreg s5  }
0xaa: {  	[dreg:$0x4] =	wrdreg $0xC0  }
0xab: {  	_ =	task [dreg:s7], $0x5FFFF  }
0xac: {  	[dreg:$0x1] =	wrdreg $0xFFFFFFFF  }
0xad: {  	[dreg:$0x0] =	wrdreg $0x60  }
0xae: {  	[dreg:$0x2] =	wrdreg s2  }
0xaf: {  	[dreg:$0x3] =	wrdreg s24  }
0xb0: {  	[dreg:$0x4] =	wrdreg $0x9  }
0xb1: {  	_ =	task.clear_ibuf [dreg:s7], $0x5FFFF;
	_ =	strace $0x90000046  }
0xb2: {  	s29 =	simm.s32 $0x9;
	_ =	strace $0x80000048  }
0xb3: {  	_ =	swait.ge [sflag:s29], $0x1  }
0xb4: {  	[sflag:s29] =	ssyncadd.s32 $0xFFFFFFFF  }
0xb5: {  	_ =	strace $0x90000048  }
0xb6: {  	_ =	sfence  }
0xb7: {  	s30 =	sld [smem:$0x0];
	_ =	sdelay $0x2  }
0xb8: {  	s31 =	sshll.u32 s1, $0xD;
	s1 =	sshrl.u32 s1, $0x2  }
0xb9: {  	s3 =	sand.u32 $0x4000, s31;
	s1 =	sadd.s32 s1, s30  }
0xba: {  	s0 =	sor.u32 s3, s0;
	s1 =	sshll.u32 s1, $0x11  }
0xbb: {  	s0 =	sor.u32 s1, s0  }
0xbc: {  	s0 =	sadd.s32 $0x8F2B, s0  }
0xbd: {  	[sflag:s0] =	ssyncadd.remote.s32 $0x1  }
0xbe: {  	_ =	sfence.sel $0xFFFF  }
0xbf: {  	[dreg:$0x0] =	wrdreg $0xFFFFFFFF;
	(pc) =	sbr.abs _section_cstart, $3  }
0xc0: {  	[dreg:$0x1] =	wrdreg $0xFFFFFFFF  }
0xc1: {  	_ =	task.clear_ibuf [dreg:s7], $0x2FFFF;
	_ =	strace $0x9FFFFFFF  }
0xc2: {  	(tm) =	ssettm $0x7FFFFFFF  }
0xc3: {  	_ =	shalt  }
tec
execute0_lowered:
.L_overlay_start_1:
0x0: {  	(tag) =	ssettag $0x1  }
0x1: {  	s0 =	rddreg [dreg:$0x0]  }
0x2: {  	s1 =	rddreg [dreg:$0x1]  }
0x3: {  	s31 =	simm.s32 $0x0;
	s2 =	srdreg.scid;
	s3 =	stileid.u32;
	v0 =	vimm.s32 $0xEFCDAB89;
	v1 =	vimm.s32 $0x67452301  }
0x4: {  	[smem:$0x7FF] =	sst s31;
	s2 =	sand.u32 $0x1, s2;
	s4 =	sshll.u32 s3, $0x1;
	v0 =	vunpack.c.l.s4.s8 v0;
	v1 =	vunpack.c.l.s4.s8 v1  }
0x5: {  	s3 =	sadd.s32 $0xF44400, s1;
	s5 =	ssub.s32 $0x2, s2;
	s2 =	sor.u32 s2, s4  }
0x6: {  	s26 =	sadd.s32 $0x1400, s1;
	s6 =	sadd.s32 $0x2400, s1;
	s7 =	smul.u32 $0x680, s2;
	v0 =	vunpack.c.0.s8.s32 v0;
	v1 =	vunpack.c.0.s8.s32 v1  }
0x7: {  	_ =	strace $0x80000047;
	[dreg:$0x3] =	wrdreg s26;
	s28 =	sshrl.u32 s5, $0x1  }
0x8: {  	[dreg:$0x4] =	wrdreg s6;
	s29 =	ssub.s32 s5, s28;
	s0 =	sadd.s32 s0, s7;
	v0 =	vcombine.low v1, v0  }
0x9: {  	s6 =	sadd.s32 $0x3400, s1;
	s30 =	smax.u32 s29, $0x1;
	[dreg:$0x5] =	wrdreg s0  }
0xa: {  	s8 =	smul.u32 $0xC8000, s2;
	s2 =	simm.s32 $0x0;
	[dreg:$0x6] =	wrdreg s30;
	v0 =	vand.u32 $0xF, v0  }
.LBB2_1:
0xb: {  	[dreg:$0x7] =	wrdreg s2  }
0xc: {  	s0 =	rddreg [dreg:$0x3];
	s1 =	simm.s32 $0xF600;
	s20 =	simm.s32 $0x7  }
0xd: {  	[tilespmem:s1], [sflag:$0x7] =	stream.linear.gather [hbm4b:s0+s31], $0x8000, $0x38;
	[tilespmem:$0x1F600] =	vst v63  }
0xe: {  	_ =	swait.ge [sflag:s20], $0x8000  }
0xf: {  	[sflag:s20] =	ssyncset.done $0x0  }
0x10: {  	s22 =	simm.s32 $0x17600;
	s21 =	rddreg [dreg:$0x4];
	[sflag:s20] =	ssyncadd.s32 $0xFFFF8000  }
0x11: {  	[tilespmem:s22], [sflag:$0x7] =	stream.linear.gather [hbm4b:s21+s31], $0x8000, $0x38;
	[tilespmem:$0x1F600] =	vst v63  }
0x12: {  	_ =	swait.ge [sflag:s20], $0x8000  }
0x13: {  	[sflag:s20] =	ssyncset.done $0x0  }
0x14: {  	s23 =	rddreg [dreg:$0x5];
	[sflag:s20] =	ssyncadd.s32 $0xFFFF8000  }
0x15: {  	[tilespmem:s31], [sflag:$0x7] =	stream.linear.gather [hbm4b:s23+s31], $0x3200, $0x38;
	[tilespmem:$0x1F600] =	vst v63  }
0x16: {  	_ =	swait.ge [sflag:s20], $0x3200  }
0x17: {  	[sflag:s20] =	ssyncset.done $0x0  }
0x18: {  	[sflag:s20] =	ssyncadd.s32 $0xFFFFCE00  }
0x19: {  	v1 =	vld [tilespmem:$0x0]  }
0x1a: {  	v2 =	vld [tilespmem:$0x10]  }
0x1b: {  	v3 =	vld [tilespmem:$0x20]  }
0x1c: {  	v4 =	vld [tilespmem:$0x30];
	_ =	sdelay $0x1  }
0x1d: {  	v1 =	vshra.s32 v1, $0x1  }
0x1e: {  	[tilespmem:$0x3400] =	vst v1;
	v1 =	vshra.s32 v2, $0x1  }
0x1f: {  	[tilespmem:$0x3410] =	vst v1;
	v1 =	vshra.s32 v3, $0x1  }
0x20: {  	[tilespmem:$0x3420] =	vst v1;
	v1 =	vshra.s32 v4, $0x1  }
0x21: {  	s24 =	simm.s32 $0x3400;
	s25 =	simm.s32 $0x3600;
	s26 =	simm.s32 $0x40;
	[tilespmem:$0x3430] =	vst v1  }
0x22: {  	[tilespmem:s25], [sflag:$0x1] =	stream.indirect.gather [hbm4b:s3+s26], $0x80, s24, s26, $0xb8;
	[tilespmem:$0x1F600] =	vst v63  }
0x23: {  	v1 =	vld [tilespmem:$0x80]  }
0x24: {  	v2 =	vld [tilespmem:$0x90]  }
0x25: {  	v3 =	vld [tilespmem:$0xA0]  }
0x26: {  	v62 =	vld [tilespmem:$0xB0];
	_ =	sdelay $0x1  }
0x27: {  	v1 =	vshra.s32 v1, $0x1  }
0x28: {  	[tilespmem:$0x3480] =	vst v1;
	v1 =	vshra.s32 v2, $0x1  }
0x29: {  	[tilespmem:$0x3490] =	vst v1;
	v1 =	vshra.s32 v3, $0x1  }
0x2a: {  	[tilespmem:$0x34A0] =	vst v1;
	v1 =	vshra.s32 v62, $0x1  }
0x2b: {  	s28 =	simm.s32 $0x3480;
	s29 =	simm.s32 $0x5600;
	[tilespmem:$0x34B0] =	vst v1  }
0x2c: {  	[tilespmem:s29], [sflag:$0x2] =	stream.indirect.gather [hbm4b:s3+s26], $0x80, s28, s26, $0xb8;
	[tilespmem:$0x1F600] =	vst v63  }
0x2d: {  	v1 =	vld [tilespmem:$0x100]  }
0x2e: {  	v2 =	vld [tilespmem:$0x110]  }
0x2f: {  	v3 =	vld [tilespmem:$0x120]  }
0x30: {  	v63 =	vld [tilespmem:$0x130];
	_ =	sdelay $0x1  }
0x31: {  	s30 =	simm.s32 $0x3500;
	s10 =	simm.s32 $0x197F0;
	s12 =	simm.s32 $0x117F0;
	v1 =	vshra.s32 v1, $0x1  }
0x32: {  	s15 =	simm.s32 $0x13600;
	s16 =	simm.s32 $0x80;
	s17 =	simm.s32 $0x1B7F0;
	[tilespmem:$0x3500] =	vst v1;
	v1 =	vshra.s32 v2, $0x1  }
0x33: {  	s18 =	simm.s32 $0x1D600;
	s4 =	simm.s32 $0xC0;
	s5 =	simm.s32 $0x15600;
	[tilespmem:$0x3510] =	vst v1;
	v1 =	vshra.s32 v3, $0x1  }
0x34: {  	s7 =	simm.s32 $0x40;
	s9 =	simm.s32 $0x0;
	s11 =	simm.s32 $0x0;
	[tilespmem:$0x3520] =	vst v1;
	v1 =	vshra.s32 v63, $0x1  }
0x35: {  	s0 =	simm.s32 $0x177F0;
	s1 =	simm.s32 $0xF7F0;
	s31 =	simm.s32 $0x7600;
	[tilespmem:$0x3530] =	vst v1  }
0x36: {  	[tilespmem:s31], [sflag:$0x3] =	stream.indirect.gather [hbm4b:s3+s26], $0x80, s30, s26, $0xb8;
	[tilespmem:$0x1F600] =	vst v63  }
.LBB2_2:
0x37: {  	p0 =	seq.s32 s11, $0x0  }
0x38: {  	s20 =	sshll.u32 s11, $0x2;
	s2 =	simm.s32 @!p0 $0x5  }
0x39: {  	s13 =	sor.u32 $0x3, s20;
	_ =	swait.ge @!p0 [sflag:s2], $0x2000  }
0x3a: {  	[dreg:$0x8] =	wrdreg s13;
	s13 =	sshll.u32 s13, $0x7;
	[sflag:s2] =	ssyncset.done @!p0 $0x0  }
0x3b: {  	s23 =	sand.u32 $0x3FFFFF80, s13;
	[sflag:s2] =	ssyncadd.s32 @!p0 $0xFFFFE000  }
0x3c: {  	v1 =	vld [tilespmem:s23+$0x0];
	_ =	sdelay $0x4  }
0x3d: {  	v1 =	vshra.s32 v1, $0x1  }
0x3e: {  	[tilespmem:$0x3580] =	vst v1  }
0x3f: {  	v1 =	vld [tilespmem:s23+$0x10];
	_ =	sdelay $0x4  }
0x40: {  	v1 =	vshra.s32 v1, $0x1  }
0x41: {  	[tilespmem:$0x3590] =	vst v1  }
0x42: {  	v1 =	vld [tilespmem:s23+$0x20];
	_ =	sdelay $0x4  }
0x43: {  	v1 =	vshra.s32 v1, $0x1  }
0x44: {  	[tilespmem:$0x35A0] =	vst v1  }
0x45: {  	v1 =	vld [tilespmem:s23+$0x30];
	_ =	sdelay $0x3  }
0x46: {  	s24 =	smulhi.u32 $0x51EB851F, s9  }
0x47: {  	s25 =	simm.s32 $0x40;
	s14 =	simm.s32 $0x3580;
	v1 =	vshra.s32 v1, $0x1  }
0x48: {  	s19 =	simm.s32 $0x9600;
	s26 =	simm.s32 $0x1;
	s2 =	sshrl.u32 s24, $0x6;
	[tilespmem:$0x35B0] =	vst v1  }
0x49: {  	[tilespmem:s19], [sflag:$0x4] =	stream.indirect.gather [hbm4b:s3+s25], $0x80, s14, s25, $0xb8;
	[tilespmem:$0x1F600] =	vst v63  }
0x4a: {  	s2 =	smul.u32 $0xFFFE7000, s2;
	_ =	swait.ge [sflag:s26], $0x2000  }
0x4b: {  	[sflag:s26] =	ssyncset.done $0x0  }
0x4c: {  	s24 =	simm.s32 $0x3700;
	s2 =	sshra.s32 s2, $0x2;
	[sflag:s26] =	ssyncadd.s32 $0xFFFFE000  }
0x4d: {  	s28 =	sadd.s32 s2, s1;
	v1 =	vld [tilespmem:s24+$0x80]  }
0x4e: {  	s30 =	sadd.s32 s2, s0;
	v2 =	vld [tilespmem:s28+$0xFFFFFF90]  }
0x4f: {  	v3 =	vld [tilespmem:s30+$0xFFFFFF90];
	_ =	sdelay $0x2  }
0x50: {  	v4 =	vperm.xlane v1, v0  }
0x51: {  	v5 =	vld [tilespmem:s24+$0xFFFFFF00]  }
0x52: {  	v6 =	vld [tilespmem:s28+$0xFFFFFE10];
	v1 =	vmul.f32 v2, v1;
	v2 =	vmul.f32 v3, v4  }
0x53: {  	v3 =	vld [tilespmem:s30+$0xFFFFFE10]  }
0x54: {  	v4 =	vld [tilespmem:s24+$0xFFFFFF80];
	v1 =	vadd.f32 v2, v1  }
0x55: {  	s22 =	simm.s32 $0xB700;
	v7 =	vld [tilespmem:s30+$0xFFFFFE90]  }
0x56: {  	v8 =	vperm.xlane v5, v0;
	v2 =	vld [tilespmem:s28+$0xFFFFFE90];
	[tilespmem:s22+$0x80] =	vst v1  }
0x57: {  	v1 =	vld [tilespmem:s24+$0x90]  }
0x58: {  	v5 =	vmul.f32 v6, v5;
	v3 =	vmul.f32 v3, v8;
	v6 =	vld [tilespmem:s28+$0xFFFFFFA0]  }
0x59: {  	v8 =	vperm.xlane v4, v0;
	v9 =	vld [tilespmem:s30+$0xFFFFFFA0]  }
0x5a: {  	v10 =	vld [tilespmem:s24+$0x0];
	v3 =	vadd.f32 v3, v5  }
0x5b: {  	v5 =	vld [tilespmem:s28+$0xFFFFFF10];
	v2 =	vmul.f32 v2, v4;
	v4 =	vmul.f32 v7, v8  }
0x5c: {  	v7 =	vld [tilespmem:s30+$0xFFFFFF10];
	[tilespmem:s22+$0xFFFFFF00] =	vst v3;
	v3 =	vperm.xlane v1, v0  }
0x5d: {  	v2 =	vadd.f32 v4, v2;
	v4 =	vld [tilespmem:s24+$0xFFFFFF10]  }
0x5e: {  	v8 =	vld [tilespmem:s28+$0xFFFFFE20];
	v1 =	vmul.f32 v6, v1;
	v3 =	vmul.f32 v9, v3  }
0x5f: {  	v6 =	vperm.xlane v10, v0;
	[tilespmem:s22+$0xFFFFFF80] =	vst v2;
	v2 =	vld [tilespmem:s30+$0xFFFFFE20]  }
0x60: {  	v9 =	vld [tilespmem:s24+$0xFFFFFF90];
	v1 =	vadd.f32 v3, v1  }
0x61: {  	v3 =	vmul.f32 v5, v10;
	v5 =	vmul.f32 v7, v6;
	v6 =	vld [tilespmem:s28+$0xFFFFFEA0]  }
0x62: {  	v10 =	vld [tilespmem:s30+$0xFFFFFEA0];
	v7 =	vperm.xlane v4, v0;
	[tilespmem:s22+$0x90] =	vst v1  }
0x63: {  	v1 =	vadd.f32 v5, v3;
	v3 =	vld [tilespmem:s24+$0xA0]  }
0x64: {  	v4 =	vmul.f32 v8, v4;
	v2 =	vmul.f32 v2, v7;
	v5 =	vld [tilespmem:s28+$0xFFFFFFB0]  }
0x65: {  	v7 =	vld [tilespmem:s30+$0xFFFFFFB0];
	[tilespmem:s22+$0x0] =	vst v1;
	v1 =	vperm.xlane v9, v0  }
0x66: {  	v8 =	vld [tilespmem:s24+$0x10];
	v2 =	vadd.f32 v2, v4  }
0x67: {  	v4 =	vmul.f32 v6, v9;
	v6 =	vld [tilespmem:s28+$0xFFFFFF20];
	v1 =	vmul.f32 v10, v1  }
0x68: {  	v9 =	vld [tilespmem:s30+$0xFFFFFF20];
	[tilespmem:s22+$0xFFFFFF10] =	vst v2;
	v2 =	vperm.xlane v3, v0  }
0x69: {  	v10 =	vld [tilespmem:s24+$0xFFFFFF20];
	v1 =	vadd.f32 v1, v4  }
0x6a: {  	v4 =	vld [tilespmem:s28+$0xFFFFFE30];
	v3 =	vmul.f32 v5, v3;
	v2 =	vmul.f32 v7, v2  }
0x6b: {  	v5 =	vperm.xlane v8, v0;
	v7 =	vld [tilespmem:s30+$0xFFFFFE30];
	[tilespmem:s22+$0xFFFFFF90] =	vst v1  }
0x6c: {  	v1 =	vld [tilespmem:s24+$0xFFFFFFA0];
	v2 =	vadd.f32 v2, v3  }
0x6d: {  	v3 =	vmul.f32 v6, v8;
	v5 =	vmul.f32 v9, v5;
	v6 =	vld [tilespmem:s28+$0xFFFFFEB0]  }
0x6e: {  	v9 =	vld [tilespmem:s30+$0xFFFFFEB0];
	v8 =	vperm.xlane v10, v0;
	[tilespmem:s22+$0xA0] =	vst v2  }
0x6f: {  	v2 =	vadd.f32 v5, v3;
	v3 =	vld [tilespmem:s24+$0xB0]  }
0x70: {  	v4 =	vmul.f32 v4, v10;
	v5 =	vmul.f32 v7, v8;
	v7 =	vld [tilespmem:s28+$0xFFFFFFC0]  }
0x71: {  	v8 =	vld [tilespmem:s30+$0xFFFFFFC0];
	[tilespmem:s22+$0x10] =	vst v2;
	v2 =	vperm.xlane v1, v0  }
0x72: {  	v4 =	vadd.f32 v5, v4;
	v5 =	vld [tilespmem:s24+$0x20]  }
0x73: {  	v1 =	vmul.f32 v6, v1;
	v6 =	vld [tilespmem:s28+$0xFFFFFF30];
	v2 =	vmul.f32 v9, v2  }
0x74: {  	[tilespmem:s22+$0xFFFFFF20] =	vst v4;
	v4 =	vld [tilespmem:s30+$0xFFFFFF30];
	v9 =	vperm.xlane v3, v0  }
0x75: {  	v10 =	vld [tilespmem:s24+$0xFFFFFF30];
	v1 =	vadd.f32 v2, v1  }
0x76: {  	v2 =	vld [tilespmem:s28+$0xFFFFFE40];
	v3 =	vmul.f32 v7, v3;
	v7 =	vmul.f32 v8, v9  }
0x77: {  	v8 =	vld [tilespmem:s30+$0xFFFFFE40];
	[tilespmem:s22+$0xFFFFFFA0] =	vst v1;
	v1 =	vperm.xlane v5, v0  }
0x78: {  	v9 =	vld [tilespmem:s24+$0xFFFFFFB0];
	v3 =	vadd.f32 v7, v3  }
0x79: {  	v5 =	vmul.f32 v6, v5;
	v6 =	vld [tilespmem:s28+$0xFFFFFEC0];
	v1 =	vmul.f32 v4, v1  }
0x7a: {  	v7 =	vld [tilespmem:s30+$0xFFFFFEC0];
	v4 =	vperm.xlane v10, v0;
	[tilespmem:s22+$0xB0] =	vst v3  }
0x7b: {  	v1 =	vadd.f32 v1, v5;
	v3 =	vld [tilespmem:s24+$0xC0]  }
0x7c: {  	v2 =	vmul.f32 v2, v10;
	v4 =	vmul.f32 v8, v4;
	v5 =	vld [tilespmem:s28+$0xFFFFFFD0]  }
0x7d: {  	v8 =	vperm.xlane v9, v0;
	[tilespmem:s22+$0x20] =	vst v1;
	v1 =	vld [tilespmem:s30+$0xFFFFFFD0]  }
0x7e: {  	v2 =	vadd.f32 v4, v2;
	v4 =	vld [tilespmem:s24+$0x30]  }
0x7f: {  	v6 =	vmul.f32 v6, v9;
	v7 =	vmul.f32 v7, v8;
	v8 =	vld [tilespmem:s28+$0xFFFFFF40]  }
0x80: {  	[tilespmem:s22+$0xFFFFFF30] =	vst v2;
	v2 =	vld [tilespmem:s30+$0xFFFFFF40];
	v9 =	vperm.xlane v3, v0  }
0x81: {  	v10 =	vld [tilespmem:s24+$0xFFFFFF40];
	v6 =	vadd.f32 v7, v6  }
0x82: {  	v7 =	vld [tilespmem:s28+$0xFFFFFE50];
	v3 =	vmul.f32 v5, v3;
	v1 =	vmul.f32 v1, v9  }
0x83: {  	v5 =	vld [tilespmem:s30+$0xFFFFFE50];
	[tilespmem:s22+$0xFFFFFFB0] =	vst v6;
	v6 =	vperm.xlane v4, v0  }
0x84: {  	v9 =	vld [tilespmem:s24+$0xFFFFFFC0];
	v1 =	vadd.f32 v1, v3  }
0x85: {  	v3 =	vmul.f32 v8, v4;
	v4 =	vld [tilespmem:s28+$0xFFFFFED0];
	v2 =	vmul.f32 v2, v6  }
0x86: {  	v8 =	vld [tilespmem:s30+$0xFFFFFED0];
	v6 =	vperm.xlane v10, v0;
	[tilespmem:s22+$0xC0] =	vst v1  }
0x87: {  	v1 =	vadd.f32 v2, v3;
	v2 =	vld [tilespmem:s24+$0xD0]  }
0x88: {  	v3 =	vmul.f32 v7, v10;
	v5 =	vmul.f32 v5, v6;
	v6 =	vld [tilespmem:s28+$0xFFFFFFE0]  }
0x89: {  	v7 =	vperm.xlane v9, v0;
	[tilespmem:s22+$0x30] =	vst v1;
	v1 =	vld [tilespmem:s30+$0xFFFFFFE0]  }
0x8a: {  	v3 =	vadd.f32 v5, v3;
	v5 =	vld [tilespmem:s24+$0x40]  }
0x8b: {  	v4 =	vmul.f32 v4, v9;
	v7 =	vmul.f32 v8, v7;
	v8 =	vld [tilespmem:s28+$0xFFFFFF50]  }
0x8c: {  	[tilespmem:s22+$0xFFFFFF40] =	vst v3;
	v3 =	vld [tilespmem:s30+$0xFFFFFF50];
	v9 =	vperm.xlane v2, v0  }
0x8d: {  	v10 =	vld [tilespmem:s24+$0xFFFFFF50];
	v4 =	vadd.f32 v7, v4  }
0x8e: {  	v7 =	vld [tilespmem:s28+$0xFFFFFE60];
	v2 =	vmul.f32 v6, v2;
	v1 =	vmul.f32 v1, v9  }
0x8f: {  	v6 =	vld [tilespmem:s30+$0xFFFFFE60];
	[tilespmem:s22+$0xFFFFFFC0] =	vst v4;
	v4 =	vperm.xlane v5, v0  }
0x90: {  	v9 =	vld [tilespmem:s24+$0xFFFFFFD0];
	v1 =	vadd.f32 v1, v2  }
0x91: {  	v2 =	vmul.f32 v8, v5;
	v5 =	vld [tilespmem:s28+$0xFFFFFEE0];
	v3 =	vmul.f32 v3, v4  }
0x92: {  	v8 =	vld [tilespmem:s30+$0xFFFFFEE0];
	v4 =	vperm.xlane v10, v0;
	[tilespmem:s22+$0xD0] =	vst v1  }
0x93: {  	v1 =	vadd.f32 v3, v2;
	v2 =	vld [tilespmem:s24+$0xE0]  }
0x94: {  	v3 =	vmul.f32 v7, v10;
	v4 =	vmul.f32 v6, v4;
	v6 =	vld [tilespmem:s28+$0xFFFFFFF0]  }
0x95: {  	v7 =	vperm.xlane v9, v0;
	[tilespmem:s22+$0x40] =	vst v1;
	v1 =	vld [tilespmem:s30+$0xFFFFFFF0]  }
0x96: {  	v3 =	vadd.f32 v4, v3;
	v4 =	vld [tilespmem:s24+$0x50]  }
0x97: {  	v5 =	vmul.f32 v5, v9;
	v7 =	vmul.f32 v8, v7;
	v8 =	vld [tilespmem:s28+$0xFFFFFF60]  }
0x98: {  	[tilespmem:s22+$0xFFFFFF50] =	vst v3;
	v3 =	vld [tilespmem:s30+$0xFFFFFF60];
	v9 =	vperm.xlane v2, v0  }
0x99: {  	v10 =	vld [tilespmem:s24+$0xFFFFFF60];
	v5 =	vadd.f32 v7, v5  }
0x9a: {  	v7 =	vld [tilespmem:s28+$0xFFFFFE70];
	v2 =	vmul.f32 v6, v2;
	v1 =	vmul.f32 v1, v9  }
0x9b: {  	v6 =	vld [tilespmem:s30+$0xFFFFFE70];
	[tilespmem:s22+$0xFFFFFFD0] =	vst v5;
	v5 =	vperm.xlane v4, v0  }
0x9c: {  	v9 =	vld [tilespmem:s24+$0xFFFFFFE0];
	v1 =	vadd.f32 v1, v2  }
0x9d: {  	v2 =	vmul.f32 v8, v4;
	v4 =	vld [tilespmem:s28+$0xFFFFFEF0];
	v3 =	vmul.f32 v3, v5  }
0x9e: {  	v8 =	vld [tilespmem:s30+$0xFFFFFEF0];
	v5 =	vperm.xlane v10, v0;
	[tilespmem:s22+$0xE0] =	vst v1  }
0x9f: {  	s14 =	smulhi.u32 $0x51EB851F, s4;
	v1 =	vadd.f32 v3, v2;
	v3 =	vld [tilespmem:s24+$0xF0]  }
0xa0: {  	v2 =	vmul.f32 v7, v10;
	v5 =	vmul.f32 v6, v5;
	v6 =	vld [tilespmem:s28+$0x0]  }
0xa1: {  	s19 =	smulhi.u32 $0x51EB851F, s16;
	s2 =	sshrl.u32 s14, $0x6;
	v10 =	vld [tilespmem:s30+$0x0];
	v7 =	vperm.xlane v9, v0;
	[tilespmem:s22+$0x50] =	vst v1  }
0xa2: {  	s2 =	smul.u32 $0xFFFE7000, s2;
	v1 =	vadd.f32 v5, v2;
	v5 =	vld [tilespmem:s24+$0x60]  }
0xa3: {  	s21 =	smulhi.u32 $0x51EB851F, s7;
	v2 =	vmul.f32 v4, v9;
	v9 =	vld [tilespmem:s30+$0xFFFFFF70];
	v4 =	vmul.f32 v8, v7  }
0xa4: {  	s13 =	sshrl.u32 s19, $0x6;
	s2 =	sshra.s32 s2, $0x2;
	v7 =	vld [tilespmem:s28+$0xFFFFFF70];
	[tilespmem:s22+$0xFFFFFF60] =	vst v1;
	v8 =	vperm.xlane v3, v0  }
0xa5: {  	s14 =	sshrl.u32 s21, $0x6;
	s13 =	smul.u32 $0xFFFE7000, s13;
	s25 =	sadd.s32 s2, s18;
	v1 =	vld [tilespmem:s24+$0xFFFFFF70];
	v11 =	vadd.f32 v4, v2  }
0xa6: {  	s23 =	smul.u32 $0xFFFE7000, s14;
	v2 =	vld [tilespmem:s28+$0xFFFFFE80];
	v6 =	vmul.f32 v6, v3;
	[dreg:$0x9] =	wrdreg s25;
	v8 =	vmul.f32 v10, v8  }
0xa7: {  	s29 =	simm.s32 $0x0;
	s31 =	simm.s32 $0x3900;
	s13 =	sshra.s32 s13, $0x2;
	v4 =	vld [tilespmem:s30+$0xFFFFFE80];
	[tilespmem:s22+$0xFFFFFFE0] =	vst v11;
	v10 =	vperm.xlane v5, v0  }
0xa8: {  	s26 =	sshra.s32 s23, $0x2;
	s14 =	sadd.s32 s2, s5;
	s21 =	sadd.s32 s13, s15;
	v3 =	vld [tilespmem:s24+$0xFFFFFFF0];
	v11 =	vadd.f32 v8, v6  }
0xa9: {  	s19 =	sadd.s32 s13, s17;
	s23 =	sadd.s32 s26, s10;
	s2 =	smov.u32 s28;
	v8 =	vmul.f32 v7, v5;
	v5 =	vld [tilespmem:s28+$0xFFFFFF00];
	v9 =	vmul.f32 v9, v10  }
0xaa: {  	s13 =	smov.u32 s30;
	s25 =	sadd.s32 s26, s12;
	s26 =	simm.s32 $0xB700;
	v6 =	vld [tilespmem:s30+$0xFFFFFF00];
	v7 =	vperm.xlane v1, v0;
	[tilespmem:s22+$0xF0] =	vst v11  }
.LBB2_3:
0xab: {  	v10 =	vld [tilespmem:s31+$0x80];
	s29 =	sadd.s32 $0x4, s29;
	v1 =	vmul.f32 v2, v1;
	v2 =	vadd.f32 v9, v8;
	s28 =	sadd.s32 $0x200, s28  }
0xac: {  	s30 =	sadd.s32 $0x200, s30;
	v8 =	vld [tilespmem:s28+$0xFFFFFF90];
	p1 =	slt.u32 s29, $0x3C;
	v4 =	vmul.f32 v4, v7  }
0xad: {  	v7 =	vld [tilespmem:s30+$0xFFFFFF90];
	v9 =	vperm.xlane v3, v0;
	[tilespmem:s22+$0x60] =	vst v2  }
0xae: {  	v2 =	vld [tilespmem:s31+$0xFFFFFF80];
	v1 =	vadd.f32 v4, v1;
	v3 =	vmul.f32 v5, v3  }
0xaf: {  	v4 =	vld [tilespmem:s31+$0x0];
	v5 =	vmul.f32 v6, v9  }
0xb0: {  	v6 =	vld [tilespmem:s31+$0xFFFFFF00];
	v9 =	vperm.xlane v10, v0;
	[tilespmem:s22+$0xFFFFFF70] =	vst v1  }
0xb1: {  	v1 =	vld [tilespmem:s28+$0xFFFFFE10];
	v3 =	vadd.f32 v5, v3  }
0xb2: {  	v8 =	vmul.f32 v8, v10;
	v5 =	vld [tilespmem:s30+$0xFFFFFE10];
	v7 =	vmul.f32 v7, v9  }
0xb3: {  	v9 =	vperm.xlane v2, v0;
	v10 =	vld [tilespmem:s28+$0xFFFFFE90];
	[tilespmem:s22+$0xFFFFFFF0] =	vst v3  }
0xb4: {  	v3 =	vld [tilespmem:s30+$0xFFFFFE90];
	v11 =	vperm.xlane v4, v0;
	v7 =	vadd.f32 v7, v8  }
0xb5: {  	s22 =	sadd.s32 $0x200, s22;
	v8 =	vperm.xlane v6, v0;
	v12 =	vld [tilespmem:s28+$0xFFFFFF10]  }
0xb6: {  	v1 =	vmul.f32 v1, v6;
	v6 =	vld [tilespmem:s30+$0xFFFFFF10];
	[tilespmem:s22+$0x80] =	vst v7  }
0xb7: {  	v5 =	vmul.f32 v5, v8;
	v7 =	vld [tilespmem:s31+$0x90]  }
0xb8: {  	v2 =	vmul.f32 v10, v2;
	v8 =	vld [tilespmem:s28+$0xFFFFFFA0]  }
0xb9: {  	v1 =	vadd.f32 v5, v1;
	v3 =	vmul.f32 v3, v9;
	v5 =	vld [tilespmem:s30+$0xFFFFFFA0]  }
0xba: {  	v4 =	vmul.f32 v12, v4;
	v9 =	vld [tilespmem:s24+$0x70];
	s24 =	smov.u32 s31  }
0xbb: {  	[tilespmem:s22+$0xFFFFFF00] =	vst v1;
	v1 =	vadd.f32 v3, v2;
	v2 =	vmul.f32 v6, v11;
	v3 =	vld [tilespmem:s2+$0xFFFFFF80];
	s2 =	smov.u32 s28  }
0xbc: {  	v6 =	vld [tilespmem:s31+$0xFFFFFF10];
	v10 =	vperm.xlane v7, v0  }
0xbd: {  	v11 =	vld [tilespmem:s28+$0xFFFFFE20];
	[tilespmem:s22+$0xFFFFFF80] =	vst v1;
	v1 =	vadd.f32 v2, v4  }
0xbe: {  	v4 =	vmul.f32 v8, v7;
	v2 =	vld [tilespmem:s31+$0xFFFFFF90];
	v5 =	vmul.f32 v5, v10  }
0xbf: {  	v7 =	vld [tilespmem:s30+$0xFFFFFE20];
	[tilespmem:s22+$0x0] =	vst v1;
	v1 =	vperm.xlane v9, v0  }
0xc0: {  	v8 =	vld [tilespmem:s31+$0x10];
	v4 =	vadd.f32 v5, v4;
	v3 =	vmul.f32 v3, v9  }
0xc1: {  	v5 =	vperm.xlane v6, v0;
	v9 =	vld [tilespmem:s28+$0xFFFFFEA0]  }
0xc2: {  	v6 =	vmul.f32 v11, v6;
	v10 =	vld [tilespmem:s30+$0xFFFFFEA0];
	[tilespmem:s22+$0x90] =	vst v4  }
0xc3: {  	v4 =	vperm.xlane v2, v0;
	v11 =	vld [tilespmem:s31+$0xA0]  }
0xc4: {  	v5 =	vmul.f32 v7, v5;
	v7 =	vld [tilespmem:s28+$0xFFFFFFB0]  }
0xc5: {  	v12 =	vperm.xlane v8, v0;
	v13 =	vld [tilespmem:s30+$0xFFFFFFB0]  }
0xc6: {  	v5 =	vadd.f32 v5, v6;
	v2 =	vmul.f32 v9, v2;
	v6 =	vld [tilespmem:s28+$0xFFFFFF20]  }
0xc7: {  	v4 =	vmul.f32 v10, v4;
	v9 =	vld [tilespmem:s30+$0xFFFFFF20]  }
0xc8: {  	[tilespmem:s22+$0xFFFFFF10] =	vst v5;
	v5 =	vperm.xlane v11, v0;
	v10 =	vld [tilespmem:s13+$0xFFFFFF80];
	s13 =	smov.u32 s30  }
0xc9: {  	v14 =	vld [tilespmem:s31+$0xFFFFFF20];
	v2 =	vadd.f32 v4, v2  }
0xca: {  	v7 =	vmul.f32 v7, v11;
	v4 =	vld [tilespmem:s28+$0xFFFFFE30];
	v5 =	vmul.f32 v13, v5  }
0xcb: {  	v11 =	vld [tilespmem:s30+$0xFFFFFE30];
	[tilespmem:s22+$0xFFFFFF90] =	vst v2;
	v2 =	vmul.f32 v6, v8  }
0xcc: {  	v6 =	vld [tilespmem:s31+$0xFFFFFFA0];
	v8 =	vmul.f32 v9, v12;
	v5 =	vadd.f32 v5, v7  }
0xcd: {  	v7 =	vld [tilespmem:s28+$0xFFFFFEB0];
	v1 =	vmul.f32 v10, v1  }
0xce: {  	v9 =	vperm.xlane v14, v0;
	v10 =	vld [tilespmem:s30+$0xFFFFFEB0];
	v2 =	vadd.f32 v8, v2;
	[tilespmem:s22+$0xA0] =	vst v5  }
0xcf: {  	v4 =	vmul.f32 v4, v14;
	v5 =	vld [tilespmem:s31+$0xB0];
	v1 =	vadd.f32 v1, v3  }
0xd0: {  	v3 =	vmul.f32 v11, v9;
	[tilespmem:s22+$0x10] =	vst v2;
	v2 =	vld [tilespmem:s28+$0xFFFFFFC0]  }
0xd1: {  	v8 =	vperm.xlane v6, v0;
	v9 =	vld [tilespmem:s30+$0xFFFFFFC0];
	[tilespmem:s26+$0x70] =	vst v1;
	s26 =	smov.u32 s22  }
0xd2: {  	v1 =	vadd.f32 v3, v4;
	v3 =	vmul.f32 v7, v6;
	v4 =	vld [tilespmem:s31+$0x20]  }
0xd3: {  	v6 =	vmul.f32 v10, v8;
	v7 =	vld [tilespmem:s28+$0xFFFFFF30]  }
0xd4: {  	[tilespmem:s22+$0xFFFFFF20] =	vst v1;
	v1 =	vld [tilespmem:s30+$0xFFFFFF30];
	v8 =	vperm.xlane v5, v0  }
0xd5: {  	v10 =	vld [tilespmem:s31+$0xFFFFFF30];
	v3 =	vadd.f32 v6, v3  }
0xd6: {  	v2 =	vmul.f32 v2, v5;
	v6 =	vld [tilespmem:s28+$0xFFFFFE40];
	v5 =	vmul.f32 v9, v8  }
0xd7: {  	v8 =	vld [tilespmem:s30+$0xFFFFFE40];
	[tilespmem:s22+$0xFFFFFFA0] =	vst v3;
	v3 =	vperm.xlane v4, v0  }
0xd8: {  	v9 =	vld [tilespmem:s31+$0xFFFFFFB0];
	v4 =	vmul.f32 v7, v4;
	v2 =	vadd.f32 v5, v2  }
0xd9: {  	v5 =	vld [tilespmem:s28+$0xFFFFFEC0];
	v1 =	vmul.f32 v1, v3  }
0xda: {  	v3 =	vperm.xlane v10, v0;
	v7 =	vld [tilespmem:s30+$0xFFFFFEC0];
	[tilespmem:s22+$0xB0] =	vst v2  }
0xdb: {  	v2 =	vmul.f32 v6, v10;
	v1 =	vadd.f32 v1, v4;
	v4 =	vld [tilespmem:s31+$0xC0]  }
0xdc: {  	v3 =	vmul.f32 v8, v3;
	v6 =	vld [tilespmem:s28+$0xFFFFFFD0]  }
0xdd: {  	v8 =	vperm.xlane v9, v0;
	[tilespmem:s22+$0x20] =	vst v1;
	v1 =	vld [tilespmem:s30+$0xFFFFFFD0]  }
0xde: {  	v2 =	vadd.f32 v3, v2;
	v3 =	vmul.f32 v5, v9;
	v5 =	vld [tilespmem:s31+$0x30]  }
0xdf: {  	v7 =	vmul.f32 v7, v8;
	v8 =	vld [tilespmem:s28+$0xFFFFFF40]  }
0xe0: {  	[tilespmem:s22+$0xFFFFFF30] =	vst v2;
	v2 =	vld [tilespmem:s30+$0xFFFFFF40];
	v9 =	vperm.xlane v4, v0  }
0xe1: {  	v10 =	vld [tilespmem:s31+$0xFFFFFF40];
	v3 =	vadd.f32 v7, v3  }
0xe2: {  	v4 =	vmul.f32 v6, v4;
	v7 =	vld [tilespmem:s28+$0xFFFFFE50];
	v1 =	vmul.f32 v1, v9  }
0xe3: {  	v6 =	vld [tilespmem:s30+$0xFFFFFE50];
	[tilespmem:s22+$0xFFFFFFB0] =	vst v3;
	v3 =	vperm.xlane v5, v0  }
0xe4: {  	v9 =	vld [tilespmem:s31+$0xFFFFFFC0];
	v5 =	vmul.f32 v8, v5;
	v1 =	vadd.f32 v1, v4  }
0xe5: {  	v4 =	vld [tilespmem:s28+$0xFFFFFED0];
	v2 =	vmul.f32 v2, v3  }
0xe6: {  	v3 =	vperm.xlane v10, v0;
	v8 =	vld [tilespmem:s30+$0xFFFFFED0];
	[tilespmem:s22+$0xC0] =	vst v1  }
0xe7: {  	v1 =	vmul.f32 v7, v10;
	v2 =	vadd.f32 v2, v5;
	v5 =	vld [tilespmem:s31+$0xD0]  }
0xe8: {  	v3 =	vmul.f32 v6, v3;
	v6 =	vld [tilespmem:s28+$0xFFFFFFE0]  }
0xe9: {  	v7 =	vperm.xlane v9, v0;
	[tilespmem:s22+$0x30] =	vst v2;
	v2 =	vld [tilespmem:s30+$0xFFFFFFE0]  }
0xea: {  	v1 =	vadd.f32 v3, v1;
	v3 =	vmul.f32 v4, v9;
	v4 =	vld [tilespmem:s31+$0x40]  }
0xeb: {  	v7 =	vmul.f32 v8, v7;
	v8 =	vld [tilespmem:s28+$0xFFFFFF50]  }
0xec: {  	[tilespmem:s22+$0xFFFFFF40] =	vst v1;
	v1 =	vld [tilespmem:s30+$0xFFFFFF50];
	v9 =	vperm.xlane v5, v0  }
0xed: {  	v10 =	vld [tilespmem:s31+$0xFFFFFF50];
	v3 =	vadd.f32 v7, v3  }
0xee: {  	v5 =	vmul.f32 v6, v5;
	v7 =	vld [tilespmem:s28+$0xFFFFFE60];
	v2 =	vmul.f32 v2, v9  }
0xef: {  	v6 =	vld [tilespmem:s30+$0xFFFFFE60];
	[tilespmem:s22+$0xFFFFFFC0] =	vst v3;
	v3 =	vperm.xlane v4, v0  }
0xf0: {  	v9 =	vld [tilespmem:s31+$0xFFFFFFD0];
	v4 =	vmul.f32 v8, v4;
	v2 =	vadd.f32 v2, v5  }
0xf1: {  	v5 =	vld [tilespmem:s28+$0xFFFFFEE0];
	v1 =	vmul.f32 v1, v3  }
0xf2: {  	v3 =	vperm.xlane v10, v0;
	v8 =	vld [tilespmem:s30+$0xFFFFFEE0];
	[tilespmem:s22+$0xD0] =	vst v2  }
0xf3: {  	v2 =	vmul.f32 v7, v10;
	v1 =	vadd.f32 v1, v4;
	v4 =	vld [tilespmem:s31+$0xE0]  }
0xf4: {  	v3 =	vmul.f32 v6, v3;
	v6 =	vld [tilespmem:s28+$0xFFFFFFF0]  }
0xf5: {  	v7 =	vperm.xlane v9, v0;
	[tilespmem:s22+$0x40] =	vst v1;
	v1 =	vld [tilespmem:s30+$0xFFFFFFF0]  }
0xf6: {  	v2 =	vadd.f32 v3, v2;
	v3 =	vmul.f32 v5, v9;
	v5 =	vld [tilespmem:s31+$0x50]  }
0xf7: {  	v7 =	vmul.f32 v8, v7;
	v8 =	vld [tilespmem:s28+$0xFFFFFF60]  }
0xf8: {  	[tilespmem:s22+$0xFFFFFF50] =	vst v2;
	v2 =	vld [tilespmem:s30+$0xFFFFFF60];
	v9 =	vperm.xlane v4, v0  }
0xf9: {  	v10 =	vld [tilespmem:s31+$0xFFFFFF60];
	v3 =	vadd.f32 v7, v3  }
0xfa: {  	v4 =	vmul.f32 v6, v4;
	v7 =	vld [tilespmem:s28+$0xFFFFFE70];
	v1 =	vmul.f32 v1, v9  }
0xfb: {  	v6 =	vld [tilespmem:s30+$0xFFFFFE70];
	[tilespmem:s22+$0xFFFFFFD0] =	vst v3;
	v3 =	vperm.xlane v5, v0  }
0xfc: {  	v9 =	vld [tilespmem:s31+$0xFFFFFFE0];
	v5 =	vmul.f32 v8, v5;
	v1 =	vadd.f32 v1, v4  }
0xfd: {  	v4 =	vld [tilespmem:s28+$0xFFFFFEF0];
	v2 =	vmul.f32 v2, v3  }
0xfe: {  	v3 =	vperm.xlane v10, v0;
	v8 =	vld [tilespmem:s30+$0xFFFFFEF0];
	[tilespmem:s22+$0xE0] =	vst v1  }
0xff: {  	v1 =	vmul.f32 v7, v10;
	v2 =	vadd.f32 v2, v5;
	v5 =	vld [tilespmem:s31+$0xF0]  }
0x100: {  	v3 =	vmul.f32 v6, v3;
	v6 =	vld [tilespmem:s28+$0x0]  }
0x101: {  	v7 =	vperm.xlane v9, v0;
	[tilespmem:s22+$0x50] =	vst v2;
	v10 =	vld [tilespmem:s30+$0x0]  }
0x102: {  	v1 =	vadd.f32 v3, v1;
	v2 =	vmul.f32 v4, v9;
	v9 =	vld [tilespmem:s31+$0x60]  }
0x103: {  	v3 =	vmul.f32 v8, v7;
	v7 =	vld [tilespmem:s28+$0xFFFFFF70]  }
0x104: {  	[tilespmem:s22+$0xFFFFFF60] =	vst v1;
	v11 =	vld [tilespmem:s30+$0xFFFFFF70];
	v4 =	vperm.xlane v5, v0  }
0x105: {  	v1 =	vld [tilespmem:s31+$0xFFFFFF70];
	v3 =	vadd.f32 v3, v2  }
.Ltmp0:
0x106: {  	v5 =	vmul.f32 v6, v5;
	v2 =	vld [tilespmem:s28+$0xFFFFFE80];
	v6 =	vmul.f32 v10, v4;
	(pc) =	sbr.rel @p1 .LBB2_3-.Ltmp0, $4  }
0x107: {  	v4 =	vld [tilespmem:s30+$0xFFFFFE80];
	[tilespmem:s22+$0xFFFFFFE0] =	vst v3;
	v10 =	vperm.xlane v9, v0  }
0x108: {  	v3 =	vld [tilespmem:s31+$0xFFFFFFF0];
	v8 =	vmul.f32 v7, v9;
	v12 =	vadd.f32 v6, v5  }
0x109: {  	v5 =	vld [tilespmem:s28+$0xFFFFFF00];
	v9 =	vmul.f32 v11, v10  }
0x10a: {  	s31 =	sadd.s32 $0x200, s31;
	v7 =	vperm.xlane v1, v0;
	v6 =	vld [tilespmem:s30+$0xFFFFFF00];
	[tilespmem:s22+$0xF0] =	vst v12  }
0x10b: {  	v8 =	vadd.f32 v9, v8;
	_ =	sdelay $0x1  }
0x10c: {  	[tilespmem:s22+$0x60] =	vst v8  }
0x10d: {  	v8 =	vld [tilespmem:s24+$0x70]  }
0x10e: {  	v9 =	vld [tilespmem:s2+$0xFFFFFF80]  }
0x10f: {  	v10 =	vld [tilespmem:s13+$0xFFFFFF80];
	_ =	sdelay $0x1  }
0x110: {  	v1 =	vmul.f32 v2, v1;
	v2 =	vperm.xlane v3, v0  }
0x111: {  	v4 =	vmul.f32 v4, v7;
	v7 =	vperm.xlane v8, v0  }
0x112: {  	v3 =	vmul.f32 v5, v3;
	v2 =	vmul.f32 v6, v2  }
0x113: {  	v1 =	vadd.f32 v4, v1;
	v4 =	vmul.f32 v9, v8;
	v5 =	vmul.f32 v10, v7  }
0x114: {  	s13 =	sshll.u32 s11, $0xF;
	v2 =	vadd.f32 v2, v3  }
0x115: {  	s2 =	sadd.s32 s8, s13;
	[tilespmem:s22+$0xFFFFFF70] =	vst v1;
	v1 =	vadd.f32 v5, v4  }
0x116: {  	s2 =	sshrl.u32 s2, $0x3;
	[tilespmem:s22+$0xFFFFFFF0] =	vst v2  }
0x117: {  	s31 =	simm.s32 $0x0;
	s24 =	simm.s32 $0xB600;
	s2 =	sadd.s32 s6, s2;
	[tilespmem:s26+$0x70] =	vst v1  }
0x118: {  	[hbm4b:s2+s31] =	stream.linear.scatter [tilespmem:s24], [sflag:$0x5], $0x2000, $0x38;
	[tilespmem:$0x1F600] =	vst v63  }
0x119: {  	s2 =	simm.s32 @!p0 $0x6  }
0x11a: {  	p1 =	seq.s32 @!p0 s11, $0x18;
	_ =	swait.ge @!p0 [sflag:s2], $0x2000  }
0x11b: {  	p1 =	por p0, !p1;
	[sflag:s2] =	ssyncset.done @!p0 $0x0  }
0x11c: {  	[sflag:s2] =	ssyncadd.s32 @!p0 $0xFFFFE000;
	s2 =	sshll.u32 @p1 s11, $0x9  }
0x11d: {  	s2 =	sand.u32 @p1 $0x3FFFFE00, s2  }
0x11e: {  	v1 =	vld @p1 [tilespmem:s2+$0x200];
	_ =	sdelay $0x4  }
0x11f: {  	v1 =	vshra.s32 @p1 v1, $0x1  }
0x120: {  	[tilespmem:$0x3400] =	vst @p1 v1  }
0x121: {  	v1 =	vld @p1 [tilespmem:s2+$0x210];
	_ =	sdelay $0x4  }
0x122: {  	v1 =	vshra.s32 @p1 v1, $0x1  }
0x123: {  	[tilespmem:$0x3410] =	vst @p1 v1  }
0x124: {  	v1 =	vld @p1 [tilespmem:s2+$0x220];
	_ =	sdelay $0x4  }
0x125: {  	v1 =	vshra.s32 @p1 v1, $0x1  }
0x126: {  	[tilespmem:$0x3420] =	vst @p1 v1  }
0x127: {  	v1 =	vld @p1 [tilespmem:s2+$0x230];
	_ =	sdelay $0x4  }
0x128: {  	s13 =	simm.s32 @p1 $0x3600;
	v1 =	vshra.s32 @p1 v1, $0x1  }
0x129: {  	s22 =	simm.s32 @p1 $0x40;
	s26 =	simm.s32 $0x2;
	s2 =	simm.s32 @p1 $0x3400;
	[tilespmem:$0x3430] =	vst @p1 v1  }
0x12a: {  	[tilespmem:s13], [sflag:$0x1] =	stream.indirect.gather @p1 [hbm4b:s3+s22], $0x80, s2, s22, $0xb8;
	[tilespmem:$0x1F600] =	vst v63  }
0x12b: {  	_ =	swait.ge [sflag:s26], $0x2000  }
0x12c: {  	[sflag:s26] =	ssyncset.done $0x0  }
0x12d: {  	s24 =	simm.s32 $0x57F0;
	[sflag:s26] =	ssyncadd.s32 $0xFFFFE000  }
0x12e: {  	v1 =	vld [tilespmem:s24+$0xFFFFFF90]  }
0x12f: {  	v2 =	vld [tilespmem:s25+$0xFFFFFF90]  }
0x130: {  	v3 =	vld [tilespmem:s23+$0xFFFFFF90];
	_ =	sdelay $0x2  }
0x131: {  	v4 =	vperm.xlane v1, v0  }
0x132: {  	v5 =	vld [tilespmem:s24+$0xFFFFFE10]  }
0x133: {  	v6 =	vld [tilespmem:s25+$0xFFFFFE10];
	v1 =	vmul.f32 v2, v1;
	v2 =	vmul.f32 v3, v4  }
0x134: {  	v3 =	vld [tilespmem:s23+$0xFFFFFE10]  }
0x135: {  	v4 =	vld [tilespmem:s24+$0xFFFFFE90];
	v1 =	vadd.f32 v2, v1  }
0x136: {  	s22 =	simm.s32 $0xD7F0;
	v7 =	vld [tilespmem:s23+$0xFFFFFE90]  }
0x137: {  	v8 =	vperm.xlane v5, v0;
	v2 =	vld [tilespmem:s25+$0xFFFFFE90];
	[tilespmem:s22+$0xFFFFFF90] =	vst v1  }
0x138: {  	v1 =	vld [tilespmem:s24+$0xFFFFFFA0]  }
0x139: {  	v5 =	vmul.f32 v6, v5;
	v3 =	vmul.f32 v3, v8;
	v6 =	vld [tilespmem:s25+$0xFFFFFFA0]  }
0x13a: {  	v8 =	vperm.xlane v4, v0;
	v9 =	vld [tilespmem:s23+$0xFFFFFFA0]  }
0x13b: {  	v10 =	vld [tilespmem:s24+$0xFFFFFF10];
	v3 =	vadd.f32 v3, v5  }
0x13c: {  	v5 =	vld [tilespmem:s25+$0xFFFFFF10];
	v2 =	vmul.f32 v2, v4;
	v4 =	vmul.f32 v7, v8  }
0x13d: {  	v7 =	vld [tilespmem:s23+$0xFFFFFF10];
	[tilespmem:s22+$0xFFFFFE10] =	vst v3;
	v3 =	vperm.xlane v1, v0  }
0x13e: {  	v2 =	vadd.f32 v4, v2;
	v4 =	vld [tilespmem:s24+$0xFFFFFE20]  }
0x13f: {  	v8 =	vld [tilespmem:s25+$0xFFFFFE20];
	v1 =	vmul.f32 v6, v1;
	v3 =	vmul.f32 v9, v3  }
0x140: {  	v6 =	vperm.xlane v10, v0;
	[tilespmem:s22+$0xFFFFFE90] =	vst v2;
	v2 =	vld [tilespmem:s23+$0xFFFFFE20]  }
0x141: {  	v9 =	vld [tilespmem:s24+$0xFFFFFEA0];
	v1 =	vadd.f32 v3, v1  }
0x142: {  	v3 =	vmul.f32 v5, v10;
	v5 =	vmul.f32 v7, v6;
	v6 =	vld [tilespmem:s25+$0xFFFFFEA0]  }
0x143: {  	v10 =	vld [tilespmem:s23+$0xFFFFFEA0];
	v7 =	vperm.xlane v4, v0;
	[tilespmem:s22+$0xFFFFFFA0] =	vst v1  }
0x144: {  	v1 =	vadd.f32 v5, v3;
	v3 =	vld [tilespmem:s24+$0xFFFFFFB0]  }
0x145: {  	v4 =	vmul.f32 v8, v4;
	v2 =	vmul.f32 v2, v7;
	v5 =	vld [tilespmem:s25+$0xFFFFFFB0]  }
0x146: {  	v7 =	vld [tilespmem:s23+$0xFFFFFFB0];
	[tilespmem:s22+$0xFFFFFF10] =	vst v1;
	v1 =	vperm.xlane v9, v0  }
0x147: {  	v8 =	vld [tilespmem:s24+$0xFFFFFF20];
	v2 =	vadd.f32 v2, v4  }
0x148: {  	v4 =	vmul.f32 v6, v9;
	v6 =	vld [tilespmem:s25+$0xFFFFFF20];
	v1 =	vmul.f32 v10, v1  }
0x149: {  	v9 =	vld [tilespmem:s23+$0xFFFFFF20];
	[tilespmem:s22+$0xFFFFFE20] =	vst v2;
	v2 =	vperm.xlane v3, v0  }
0x14a: {  	v10 =	vld [tilespmem:s24+$0xFFFFFE30];
	v1 =	vadd.f32 v1, v4  }
0x14b: {  	v4 =	vld [tilespmem:s25+$0xFFFFFE30];
	v3 =	vmul.f32 v5, v3;
	v2 =	vmul.f32 v7, v2  }
0x14c: {  	v5 =	vperm.xlane v8, v0;
	v7 =	vld [tilespmem:s23+$0xFFFFFE30];
	[tilespmem:s22+$0xFFFFFEA0] =	vst v1  }
0x14d: {  	v1 =	vld [tilespmem:s24+$0xFFFFFEB0];
	v2 =	vadd.f32 v2, v3  }
0x14e: {  	v3 =	vmul.f32 v6, v8;
	v5 =	vmul.f32 v9, v5;
	v6 =	vld [tilespmem:s25+$0xFFFFFEB0]  }
0x14f: {  	v9 =	vld [tilespmem:s23+$0xFFFFFEB0];
	v8 =	vperm.xlane v10, v0;
	[tilespmem:s22+$0xFFFFFFB0] =	vst v2  }
0x150: {  	v2 =	vadd.f32 v5, v3;
	v3 =	vld [tilespmem:s24+$0xFFFFFFC0]  }
0x151: {  	v4 =	vmul.f32 v4, v10;
	v5 =	vmul.f32 v7, v8;
	v7 =	vld [tilespmem:s25+$0xFFFFFFC0]  }
0x152: {  	v8 =	vld [tilespmem:s23+$0xFFFFFFC0];
	[tilespmem:s22+$0xFFFFFF20] =	vst v2;
	v2 =	vperm.xlane v1, v0  }
0x153: {  	v4 =	vadd.f32 v5, v4;
	v5 =	vld [tilespmem:s24+$0xFFFFFF30]  }
0x154: {  	v1 =	vmul.f32 v6, v1;
	v6 =	vld [tilespmem:s25+$0xFFFFFF30];
	v2 =	vmul.f32 v9, v2  }
0x155: {  	[tilespmem:s22+$0xFFFFFE30] =	vst v4;
	v4 =	vld [tilespmem:s23+$0xFFFFFF30];
	v9 =	vperm.xlane v3, v0  }
0x156: {  	v10 =	vld [tilespmem:s24+$0xFFFFFE40];
	v1 =	vadd.f32 v2, v1  }
0x157: {  	v2 =	vld [tilespmem:s25+$0xFFFFFE40];
	v3 =	vmul.f32 v7, v3;
	v7 =	vmul.f32 v8, v9  }
0x158: {  	v8 =	vld [tilespmem:s23+$0xFFFFFE40];
	[tilespmem:s22+$0xFFFFFEB0] =	vst v1;
	v1 =	vperm.xlane v5, v0  }
0x159: {  	v9 =	vld [tilespmem:s24+$0xFFFFFEC0];
	v3 =	vadd.f32 v7, v3  }
0x15a: {  	v5 =	vmul.f32 v6, v5;
	v6 =	vld [tilespmem:s25+$0xFFFFFEC0];
	v1 =	vmul.f32 v4, v1  }
0x15b: {  	v7 =	vld [tilespmem:s23+$0xFFFFFEC0];
	v4 =	vperm.xlane v10, v0;
	[tilespmem:s22+$0xFFFFFFC0] =	vst v3  }
0x15c: {  	v1 =	vadd.f32 v1, v5;
	v3 =	vld [tilespmem:s24+$0xFFFFFFD0]  }
0x15d: {  	v2 =	vmul.f32 v2, v10;
	v4 =	vmul.f32 v8, v4;
	v5 =	vld [tilespmem:s25+$0xFFFFFFD0]  }
0x15e: {  	v8 =	vperm.xlane v9, v0;
	[tilespmem:s22+$0xFFFFFF30] =	vst v1;
	v1 =	vld [tilespmem:s23+$0xFFFFFFD0]  }
0x15f: {  	v2 =	vadd.f32 v4, v2;
	v4 =	vld [tilespmem:s24+$0xFFFFFF40]  }
0x160: {  	v6 =	vmul.f32 v6, v9;
	v7 =	vmul.f32 v7, v8;
	v8 =	vld [tilespmem:s25+$0xFFFFFF40]  }
0x161: {  	[tilespmem:s22+$0xFFFFFE40] =	vst v2;
	v2 =	vld [tilespmem:s23+$0xFFFFFF40];
	v9 =	vperm.xlane v3, v0  }
0x162: {  	v10 =	vld [tilespmem:s24+$0xFFFFFE50];
	v6 =	vadd.f32 v7, v6  }
0x163: {  	v7 =	vld [tilespmem:s25+$0xFFFFFE50];
	v3 =	vmul.f32 v5, v3;
	v1 =	vmul.f32 v1, v9  }
0x164: {  	v5 =	vld [tilespmem:s23+$0xFFFFFE50];
	[tilespmem:s22+$0xFFFFFEC0] =	vst v6;
	v6 =	vperm.xlane v4, v0  }
0x165: {  	v9 =	vld [tilespmem:s24+$0xFFFFFED0];
	v1 =	vadd.f32 v1, v3  }
0x166: {  	v3 =	vmul.f32 v8, v4;
	v4 =	vld [tilespmem:s25+$0xFFFFFED0];
	v2 =	vmul.f32 v2, v6  }
0x167: {  	v8 =	vld [tilespmem:s23+$0xFFFFFED0];
	v6 =	vperm.xlane v10, v0;
	[tilespmem:s22+$0xFFFFFFD0] =	vst v1  }
0x168: {  	v1 =	vadd.f32 v2, v3;
	v2 =	vld [tilespmem:s24+$0xFFFFFFE0]  }
0x169: {  	v3 =	vmul.f32 v7, v10;
	v5 =	vmul.f32 v5, v6;
	v6 =	vld [tilespmem:s25+$0xFFFFFFE0]  }
0x16a: {  	v7 =	vperm.xlane v9, v0;
	[tilespmem:s22+$0xFFFFFF40] =	vst v1;
	v1 =	vld [tilespmem:s23+$0xFFFFFFE0]  }
0x16b: {  	v3 =	vadd.f32 v5, v3;
	v5 =	vld [tilespmem:s24+$0xFFFFFF50]  }
0x16c: {  	v4 =	vmul.f32 v4, v9;
	v7 =	vmul.f32 v8, v7;
	v8 =	vld [tilespmem:s25+$0xFFFFFF50]  }
0x16d: {  	[tilespmem:s22+$0xFFFFFE50] =	vst v3;
	v3 =	vld [tilespmem:s23+$0xFFFFFF50];
	v9 =	vperm.xlane v2, v0  }
0x16e: {  	v10 =	vld [tilespmem:s24+$0xFFFFFE60];
	v4 =	vadd.f32 v7, v4  }
0x16f: {  	v7 =	vld [tilespmem:s25+$0xFFFFFE60];
	v2 =	vmul.f32 v6, v2;
	v1 =	vmul.f32 v1, v9  }
0x170: {  	v6 =	vld [tilespmem:s23+$0xFFFFFE60];
	[tilespmem:s22+$0xFFFFFED0] =	vst v4;
	v4 =	vperm.xlane v5, v0  }
0x171: {  	v9 =	vld [tilespmem:s24+$0xFFFFFEE0];
	v1 =	vadd.f32 v1, v2  }
0x172: {  	v2 =	vmul.f32 v8, v5;
	v5 =	vld [tilespmem:s25+$0xFFFFFEE0];
	v3 =	vmul.f32 v3, v4  }
0x173: {  	v8 =	vld [tilespmem:s23+$0xFFFFFEE0];
	v4 =	vperm.xlane v10, v0;
	[tilespmem:s22+$0xFFFFFFE0] =	vst v1  }
0x174: {  	v1 =	vadd.f32 v3, v2;
	v2 =	vld [tilespmem:s24+$0xFFFFFFF0]  }
0x175: {  	v3 =	vmul.f32 v7, v10;
	v4 =	vmul.f32 v6, v4;
	v6 =	vld [tilespmem:s25+$0xFFFFFFF0]  }
0x176: {  	v7 =	vperm.xlane v9, v0;
	[tilespmem:s22+$0xFFFFFF50] =	vst v1;
	v1 =	vld [tilespmem:s23+$0xFFFFFFF0]  }
0x177: {  	v3 =	vadd.f32 v4, v3;
	v4 =	vld [tilespmem:s24+$0xFFFFFF60]  }
0x178: {  	v5 =	vmul.f32 v5, v9;
	v7 =	vmul.f32 v8, v7;
	v8 =	vld [tilespmem:s25+$0xFFFFFF60]  }
0x179: {  	[tilespmem:s22+$0xFFFFFE60] =	vst v3;
	v3 =	vld [tilespmem:s23+$0xFFFFFF60];
	v9 =	vperm.xlane v2, v0  }
0x17a: {  	v10 =	vld [tilespmem:s24+$0xFFFFFE70];
	v5 =	vadd.f32 v7, v5  }
0x17b: {  	v7 =	vld [tilespmem:s25+$0xFFFFFE70];
	v2 =	vmul.f32 v6, v2;
	v1 =	vmul.f32 v1, v9  }
0x17c: {  	v6 =	vld [tilespmem:s23+$0xFFFFFE70];
	[tilespmem:s22+$0xFFFFFEE0] =	vst v5;
	v5 =	vperm.xlane v4, v0  }
0x17d: {  	v9 =	vld [tilespmem:s24+$0xFFFFFEF0];
	v1 =	vadd.f32 v1, v2  }
0x17e: {  	v2 =	vmul.f32 v8, v4;
	v4 =	vld [tilespmem:s25+$0xFFFFFEF0];
	v3 =	vmul.f32 v3, v5  }
0x17f: {  	v8 =	vld [tilespmem:s23+$0xFFFFFEF0];
	v5 =	vperm.xlane v10, v0;
	[tilespmem:s22+$0xFFFFFFF0] =	vst v1  }
0x180: {  	v1 =	vadd.f32 v3, v2;
	v2 =	vld [tilespmem:s24+$0x0]  }
0x181: {  	v3 =	vmul.f32 v7, v10;
	v5 =	vmul.f32 v6, v5;
	v6 =	vld [tilespmem:s25+$0x0]  }
0x182: {  	v10 =	vld [tilespmem:s23+$0x0];
	v7 =	vperm.xlane v9, v0;
	[tilespmem:s22+$0xFFFFFF60] =	vst v1  }
0x183: {  	v1 =	vadd.f32 v5, v3;
	v5 =	vld [tilespmem:s24+$0xFFFFFF70]  }
0x184: {  	v3 =	vmul.f32 v4, v9;
	v9 =	vld [tilespmem:s23+$0xFFFFFF70];
	v4 =	vmul.f32 v8, v7  }
0x185: {  	v7 =	vld [tilespmem:s25+$0xFFFFFF70];
	[tilespmem:s22+$0xFFFFFE70] =	vst v1;
	v8 =	vperm.xlane v2, v0  }
0x186: {  	v1 =	vld [tilespmem:s24+$0xFFFFFE80];
	v11 =	vadd.f32 v4, v3  }
0x187: {  	v4 =	vld [tilespmem:s25+$0xFFFFFE80];
	v6 =	vmul.f32 v6, v2;
	v8 =	vmul.f32 v10, v8  }
0x188: {  	v3 =	vld [tilespmem:s23+$0xFFFFFE80];
	[tilespmem:s22+$0xFFFFFEF0] =	vst v11;
	v10 =	vperm.xlane v5, v0  }
0x189: {  	v2 =	vld [tilespmem:s24+$0xFFFFFF00];
	v11 =	vadd.f32 v8, v6  }
0x18a: {  	s28 =	sor.u32 $0x1, s20;
	s29 =	simm.s32 $0x0;
	s30 =	simm.s32 $0x59F0;
	v8 =	vmul.f32 v7, v5;
	v5 =	vld [tilespmem:s25+$0xFFFFFF00];
	v9 =	vmul.f32 v9, v10  }
0x18b: {  	s2 =	smov.u32 s25;
	s13 =	smov.u32 s23;
	s26 =	simm.s32 $0xD7F0;
	v6 =	vld [tilespmem:s23+$0xFFFFFF00];
	v7 =	vperm.xlane v1, v0;
	[tilespmem:s22+$0x0] =	vst v11  }
.LBB2_5:
0x18c: {  	v10 =	vld [tilespmem:s30+$0xFFFFFF90];
	s29 =	sadd.s32 $0x4, s29;
	v1 =	vmul.f32 v4, v1;
	v4 =	vadd.f32 v9, v8;
	s25 =	sadd.s32 $0x200, s25  }
0x18d: {  	s23 =	sadd.s32 $0x200, s23;
	v8 =	vld [tilespmem:s25+$0xFFFFFF90];
	p0 =	slt.u32 s29, $0x3C;
	v3 =	vmul.f32 v3, v7  }
0x18e: {  	v7 =	vld [tilespmem:s23+$0xFFFFFF90];
	v9 =	vperm.xlane v2, v0;
	[tilespmem:s22+$0xFFFFFF70] =	vst v4  }
0x18f: {  	v4 =	vld [tilespmem:s30+$0xFFFFFE90];
	v1 =	vadd.f32 v3, v1;
	v2 =	vmul.f32 v5, v2  }
0x190: {  	v3 =	vld [tilespmem:s30+$0xFFFFFF10];
	v5 =	vmul.f32 v6, v9  }
0x191: {  	v6 =	vld [tilespmem:s30+$0xFFFFFE10];
	v9 =	vperm.xlane v10, v0;
	[tilespmem:s22+$0xFFFFFE80] =	vst v1  }
0x192: {  	v1 =	vld [tilespmem:s25+$0xFFFFFE10];
	v2 =	vadd.f32 v5, v2  }
0x193: {  	v8 =	vmul.f32 v8, v10;
	v5 =	vld [tilespmem:s23+$0xFFFFFE10];
	v7 =	vmul.f32 v7, v9  }
0x194: {  	v9 =	vperm.xlane v4, v0;
	v10 =	vld [tilespmem:s25+$0xFFFFFE90];
	[tilespmem:s22+$0xFFFFFF00] =	vst v2  }
0x195: {  	v2 =	vld [tilespmem:s23+$0xFFFFFE90];
	v11 =	vperm.xlane v3, v0;
	v7 =	vadd.f32 v7, v8  }
0x196: {  	s22 =	sadd.s32 $0x200, s22;
	v8 =	vperm.xlane v6, v0;
	v12 =	vld [tilespmem:s25+$0xFFFFFF10]  }
0x197: {  	v1 =	vmul.f32 v1, v6;
	v6 =	vld [tilespmem:s23+$0xFFFFFF10];
	[tilespmem:s22+$0xFFFFFF90] =	vst v7  }
0x198: {  	v5 =	vmul.f32 v5, v8;
	v7 =	vld [tilespmem:s30+$0xFFFFFFA0]  }
0x199: {  	v4 =	vmul.f32 v10, v4;
	v8 =	vld [tilespmem:s25+$0xFFFFFFA0]  }
0x19a: {  	v1 =	vadd.f32 v5, v1;
	v2 =	vmul.f32 v2, v9;
	v5 =	vld [tilespmem:s23+$0xFFFFFFA0]  }
0x19b: {  	v3 =	vmul.f32 v12, v3;
	v9 =	vld [tilespmem:s24+$0xFFFFFF80];
	s24 =	smov.u32 s30  }
0x19c: {  	[tilespmem:s22+$0xFFFFFE10] =	vst v1;
	v1 =	vadd.f32 v2, v4;
	v2 =	vmul.f32 v6, v11;
	v4 =	vld [tilespmem:s2+$0xFFFFFF80];
	s2 =	smov.u32 s25  }
0x19d: {  	v6 =	vld [tilespmem:s30+$0xFFFFFE20];
	v10 =	vperm.xlane v7, v0  }
0x19e: {  	v11 =	vld [tilespmem:s25+$0xFFFFFE20];
	[tilespmem:s22+$0xFFFFFE90] =	vst v1;
	v1 =	vadd.f32 v2, v3  }
0x19f: {  	v3 =	vmul.f32 v8, v7;
	v2 =	vld [tilespmem:s30+$0xFFFFFEA0];
	v5 =	vmul.f32 v5, v10  }
0x1a0: {  	v7 =	vld [tilespmem:s23+$0xFFFFFE20];
	[tilespmem:s22+$0xFFFFFF10] =	vst v1;
	v1 =	vperm.xlane v9, v0  }
0x1a1: {  	v8 =	vld [tilespmem:s30+$0xFFFFFF20];
	v3 =	vadd.f32 v5, v3;
	v4 =	vmul.f32 v4, v9  }
0x1a2: {  	v5 =	vperm.xlane v6, v0;
	v9 =	vld [tilespmem:s25+$0xFFFFFEA0]  }
0x1a3: {  	v6 =	vmul.f32 v11, v6;
	v10 =	vld [tilespmem:s23+$0xFFFFFEA0];
	[tilespmem:s22+$0xFFFFFFA0] =	vst v3  }
0x1a4: {  	v3 =	vperm.xlane v2, v0;
	v11 =	vld [tilespmem:s30+$0xFFFFFFB0]  }
0x1a5: {  	v5 =	vmul.f32 v7, v5;
	v7 =	vld [tilespmem:s25+$0xFFFFFFB0]  }
0x1a6: {  	v12 =	vperm.xlane v8, v0;
	v13 =	vld [tilespmem:s23+$0xFFFFFFB0]  }
0x1a7: {  	v5 =	vadd.f32 v5, v6;
	v2 =	vmul.f32 v9, v2;
	v6 =	vld [tilespmem:s25+$0xFFFFFF20]  }
0x1a8: {  	v3 =	vmul.f32 v10, v3;
	v9 =	vld [tilespmem:s23+$0xFFFFFF20]  }
0x1a9: {  	[tilespmem:s22+$0xFFFFFE20] =	vst v5;
	v5 =	vperm.xlane v11, v0;
	v10 =	vld [tilespmem:s13+$0xFFFFFF80];
	s13 =	smov.u32 s23  }
0x1aa: {  	v14 =	vld [tilespmem:s30+$0xFFFFFE30];
	v2 =	vadd.f32 v3, v2  }
0x1ab: {  	v7 =	vmul.f32 v7, v11;
	v3 =	vld [tilespmem:s25+$0xFFFFFE30];
	v5 =	vmul.f32 v13, v5  }
0x1ac: {  	v11 =	vld [tilespmem:s23+$0xFFFFFE30];
	[tilespmem:s22+$0xFFFFFEA0] =	vst v2;
	v2 =	vmul.f32 v6, v8  }
0x1ad: {  	v6 =	vld [tilespmem:s30+$0xFFFFFEB0];
	v8 =	vmul.f32 v9, v12;
	v5 =	vadd.f32 v5, v7  }
0x1ae: {  	v7 =	vld [tilespmem:s25+$0xFFFFFEB0];
	v1 =	vmul.f32 v10, v1  }
0x1af: {  	v9 =	vperm.xlane v14, v0;
	v10 =	vld [tilespmem:s23+$0xFFFFFEB0];
	v2 =	vadd.f32 v8, v2;
	[tilespmem:s22+$0xFFFFFFB0] =	vst v5  }
0x1b0: {  	v3 =	vmul.f32 v3, v14;
	v5 =	vld [tilespmem:s30+$0xFFFFFFC0];
	v1 =	vadd.f32 v1, v4  }
0x1b1: {  	v4 =	vmul.f32 v11, v9;
	[tilespmem:s22+$0xFFFFFF20] =	vst v2;
	v2 =	vld [tilespmem:s25+$0xFFFFFFC0]  }
0x1b2: {  	v8 =	vperm.xlane v6, v0;
	v9 =	vld [tilespmem:s23+$0xFFFFFFC0];
	[tilespmem:s26+$0xFFFFFF80] =	vst v1;
	s26 =	smov.u32 s22  }
0x1b3: {  	v1 =	vadd.f32 v4, v3;
	v3 =	vmul.f32 v7, v6;
	v4 =	vld [tilespmem:s30+$0xFFFFFF30]  }
0x1b4: {  	v6 =	vmul.f32 v10, v8;
	v7 =	vld [tilespmem:s25+$0xFFFFFF30]  }
0x1b5: {  	[tilespmem:s22+$0xFFFFFE30] =	vst v1;
	v1 =	vld [tilespmem:s23+$0xFFFFFF30];
	v8 =	vperm.xlane v5, v0  }
0x1b6: {  	v10 =	vld [tilespmem:s30+$0xFFFFFE40];
	v3 =	vadd.f32 v6, v3  }
0x1b7: {  	v2 =	vmul.f32 v2, v5;
	v6 =	vld [tilespmem:s25+$0xFFFFFE40];
	v5 =	vmul.f32 v9, v8  }
0x1b8: {  	v8 =	vld [tilespmem:s23+$0xFFFFFE40];
	[tilespmem:s22+$0xFFFFFEB0] =	vst v3;
	v3 =	vperm.xlane v4, v0  }
0x1b9: {  	v9 =	vld [tilespmem:s30+$0xFFFFFEC0];
	v4 =	vmul.f32 v7, v4;
	v2 =	vadd.f32 v5, v2  }
0x1ba: {  	v5 =	vld [tilespmem:s25+$0xFFFFFEC0];
	v1 =	vmul.f32 v1, v3  }
0x1bb: {  	v3 =	vperm.xlane v10, v0;
	v7 =	vld [tilespmem:s23+$0xFFFFFEC0];
	[tilespmem:s22+$0xFFFFFFC0] =	vst v2  }
0x1bc: {  	v2 =	vmul.f32 v6, v10;
	v1 =	vadd.f32 v1, v4;
	v4 =	vld [tilespmem:s30+$0xFFFFFFD0]  }
0x1bd: {  	v3 =	vmul.f32 v8, v3;
	v6 =	vld [tilespmem:s25+$0xFFFFFFD0]  }
0x1be: {  	v8 =	vperm.xlane v9, v0;
	[tilespmem:s22+$0xFFFFFF30] =	vst v1;
	v1 =	vld [tilespmem:s23+$0xFFFFFFD0]  }
0x1bf: {  	v2 =	vadd.f32 v3, v2;
	v3 =	vmul.f32 v5, v9;
	v5 =	vld [tilespmem:s30+$0xFFFFFF40]  }
0x1c0: {  	v7 =	vmul.f32 v7, v8;
	v8 =	vld [tilespmem:s25+$0xFFFFFF40]  }
0x1c1: {  	[tilespmem:s22+$0xFFFFFE40] =	vst v2;
	v2 =	vld [tilespmem:s23+$0xFFFFFF40];
	v9 =	vperm.xlane v4, v0  }
0x1c2: {  	v10 =	vld [tilespmem:s30+$0xFFFFFE50];
	v3 =	vadd.f32 v7, v3  }
0x1c3: {  	v4 =	vmul.f32 v6, v4;
	v7 =	vld [tilespmem:s25+$0xFFFFFE50];
	v1 =	vmul.f32 v1, v9  }
0x1c4: {  	v6 =	vld [tilespmem:s23+$0xFFFFFE50];
	[tilespmem:s22+$0xFFFFFEC0] =	vst v3;
	v3 =	vperm.xlane v5, v0  }
0x1c5: {  	v9 =	vld [tilespmem:s30+$0xFFFFFED0];
	v5 =	vmul.f32 v8, v5;
	v1 =	vadd.f32 v1, v4  }
0x1c6: {  	v4 =	vld [tilespmem:s25+$0xFFFFFED0];
	v2 =	vmul.f32 v2, v3  }
0x1c7: {  	v3 =	vperm.xlane v10, v0;
	v8 =	vld [tilespmem:s23+$0xFFFFFED0];
	[tilespmem:s22+$0xFFFFFFD0] =	vst v1  }
0x1c8: {  	v1 =	vmul.f32 v7, v10;
	v2 =	vadd.f32 v2, v5;
	v5 =	vld [tilespmem:s30+$0xFFFFFFE0]  }
0x1c9: {  	v3 =	vmul.f32 v6, v3;
	v6 =	vld [tilespmem:s25+$0xFFFFFFE0]  }
0x1ca: {  	v7 =	vperm.xlane v9, v0;
	[tilespmem:s22+$0xFFFFFF40] =	vst v2;
	v2 =	vld [tilespmem:s23+$0xFFFFFFE0]  }
0x1cb: {  	v1 =	vadd.f32 v3, v1;
	v3 =	vmul.f32 v4, v9;
	v4 =	vld [tilespmem:s30+$0xFFFFFF50]  }
0x1cc: {  	v7 =	vmul.f32 v8, v7;
	v8 =	vld [tilespmem:s25+$0xFFFFFF50]  }
0x1cd: {  	[tilespmem:s22+$0xFFFFFE50] =	vst v1;
	v1 =	vld [tilespmem:s23+$0xFFFFFF50];
	v9 =	vperm.xlane v5, v0  }
0x1ce: {  	v10 =	vld [tilespmem:s30+$0xFFFFFE60];
	v3 =	vadd.f32 v7, v3  }
0x1cf: {  	v5 =	vmul.f32 v6, v5;
	v7 =	vld [tilespmem:s25+$0xFFFFFE60];
	v2 =	vmul.f32 v2, v9  }
0x1d0: {  	v6 =	vld [tilespmem:s23+$0xFFFFFE60];
	[tilespmem:s22+$0xFFFFFED0] =	vst v3;
	v3 =	vperm.xlane v4, v0  }
0x1d1: {  	v9 =	vld [tilespmem:s30+$0xFFFFFEE0];
	v4 =	vmul.f32 v8, v4;
	v2 =	vadd.f32 v2, v5  }
0x1d2: {  	v5 =	vld [tilespmem:s25+$0xFFFFFEE0];
	v1 =	vmul.f32 v1, v3  }
0x1d3: {  	v3 =	vperm.xlane v10, v0;
	v8 =	vld [tilespmem:s23+$0xFFFFFEE0];
	[tilespmem:s22+$0xFFFFFFE0] =	vst v2  }
0x1d4: {  	v2 =	vmul.f32 v7, v10;
	v1 =	vadd.f32 v1, v4;
	v4 =	vld [tilespmem:s30+$0xFFFFFFF0]  }
0x1d5: {  	v3 =	vmul.f32 v6, v3;
	v6 =	vld [tilespmem:s25+$0xFFFFFFF0]  }
0x1d6: {  	v7 =	vperm.xlane v9, v0;
	[tilespmem:s22+$0xFFFFFF50] =	vst v1;
	v1 =	vld [tilespmem:s23+$0xFFFFFFF0]  }
0x1d7: {  	v2 =	vadd.f32 v3, v2;
	v3 =	vmul.f32 v5, v9;
	v5 =	vld [tilespmem:s30+$0xFFFFFF60]  }
0x1d8: {  	v7 =	vmul.f32 v8, v7;
	v8 =	vld [tilespmem:s25+$0xFFFFFF60]  }
0x1d9: {  	[tilespmem:s22+$0xFFFFFE60] =	vst v2;
	v2 =	vld [tilespmem:s23+$0xFFFFFF60];
	v9 =	vperm.xlane v4, v0  }
0x1da: {  	v10 =	vld [tilespmem:s30+$0xFFFFFE70];
	v3 =	vadd.f32 v7, v3  }
0x1db: {  	v4 =	vmul.f32 v6, v4;
	v7 =	vld [tilespmem:s25+$0xFFFFFE70];
	v1 =	vmul.f32 v1, v9  }
0x1dc: {  	v6 =	vld [tilespmem:s23+$0xFFFFFE70];
	[tilespmem:s22+$0xFFFFFEE0] =	vst v3;
	v3 =	vperm.xlane v5, v0  }
0x1dd: {  	v9 =	vld [tilespmem:s30+$0xFFFFFEF0];
	v5 =	vmul.f32 v8, v5;
	v1 =	vadd.f32 v1, v4  }
0x1de: {  	v4 =	vld [tilespmem:s25+$0xFFFFFEF0];
	v2 =	vmul.f32 v2, v3  }
0x1df: {  	v3 =	vperm.xlane v10, v0;
	v8 =	vld [tilespmem:s23+$0xFFFFFEF0];
	[tilespmem:s22+$0xFFFFFFF0] =	vst v1  }
0x1e0: {  	v1 =	vmul.f32 v7, v10;
	v2 =	vadd.f32 v2, v5;
	v5 =	vld [tilespmem:s30+$0x0]  }
0x1e1: {  	v3 =	vmul.f32 v6, v3;
	v6 =	vld [tilespmem:s25+$0x0]  }
0x1e2: {  	v7 =	vperm.xlane v9, v0;
	[tilespmem:s22+$0xFFFFFF60] =	vst v2;
	v2 =	vld [tilespmem:s23+$0x0]  }
0x1e3: {  	v1 =	vadd.f32 v3, v1;
	v3 =	vmul.f32 v4, v9;
	v9 =	vld [tilespmem:s30+$0xFFFFFF70]  }
0x1e4: {  	v4 =	vmul.f32 v8, v7;
	v7 =	vld [tilespmem:s25+$0xFFFFFF70]  }
0x1e5: {  	[tilespmem:s22+$0xFFFFFE70] =	vst v1;
	v10 =	vld [tilespmem:s23+$0xFFFFFF70];
	v8 =	vperm.xlane v5, v0  }
0x1e6: {  	v1 =	vld [tilespmem:s30+$0xFFFFFE80];
	v11 =	vadd.f32 v4, v3  }
.Ltmp1:
0x1e7: {  	v5 =	vmul.f32 v6, v5;
	v4 =	vld [tilespmem:s25+$0xFFFFFE80];
	v6 =	vmul.f32 v2, v8;
	(pc) =	sbr.rel @p0 .LBB2_5-.Ltmp1, $4  }
0x1e8: {  	v3 =	vld [tilespmem:s23+$0xFFFFFE80];
	[tilespmem:s22+$0xFFFFFEF0] =	vst v11;
	v11 =	vperm.xlane v9, v0  }
0x1e9: {  	v2 =	vld [tilespmem:s30+$0xFFFFFF00];
	v8 =	vmul.f32 v7, v9;
	v12 =	vadd.f32 v6, v5  }
0x1ea: {  	v5 =	vld [tilespmem:s25+$0xFFFFFF00];
	v9 =	vmul.f32 v10, v11  }
0x1eb: {  	s30 =	sadd.s32 $0x200, s30;
	v7 =	vperm.xlane v1, v0;
	v6 =	vld [tilespmem:s23+$0xFFFFFF00];
	[tilespmem:s22+$0x0] =	vst v12  }
0x1ec: {  	v8 =	vadd.f32 v9, v8;
	_ =	sdelay $0x1  }
0x1ed: {  	[tilespmem:s22+$0xFFFFFF70] =	vst v8  }
0x1ee: {  	v8 =	vld [tilespmem:s24+$0xFFFFFF80]  }
0x1ef: {  	v9 =	vld [tilespmem:s2+$0xFFFFFF80]  }
0x1f0: {  	v10 =	vld [tilespmem:s13+$0xFFFFFF80];
	_ =	sdelay $0x1  }
0x1f1: {  	v1 =	vmul.f32 v4, v1;
	v4 =	vperm.xlane v2, v0  }
0x1f2: {  	v3 =	vmul.f32 v3, v7;
	v7 =	vperm.xlane v8, v0  }
0x1f3: {  	v2 =	vmul.f32 v5, v2;
	v4 =	vmul.f32 v6, v4  }
0x1f4: {  	v1 =	vadd.f32 v3, v1;
	v3 =	vmul.f32 v9, v8;
	v5 =	vmul.f32 v10, v7  }
0x1f5: {  	s28 =	sshll.u32 s28, $0xD;
	v2 =	vadd.f32 v4, v2  }
0x1f6: {  	s2 =	sadd.s32 s8, s28;
	[tilespmem:s22+$0xFFFFFE80] =	vst v1;
	v1 =	vadd.f32 v5, v3  }
0x1f7: {  	s2 =	sshrl.u32 s2, $0x3;
	[tilespmem:s22+$0xFFFFFF00] =	vst v2  }
0x1f8: {  	s29 =	simm.s32 $0x5;
	s24 =	simm.s32 $0xD600;
	s2 =	sadd.s32 s6, s2;
	[tilespmem:s26+$0xFFFFFF80] =	vst v1  }
0x1f9: {  	[hbm4b:s2+s31] =	stream.linear.scatter [tilespmem:s24], [sflag:$0x6], $0x2000, $0x38;
	[tilespmem:$0x1F600] =	vst v63  }
0x1fa: {  	p0 =	seq.s32 s11, $0x18;
	_ =	swait.ge [sflag:s29], $0x2000  }
0x1fb: {  	s2 =	sshll.u32 @!p0 s11, $0x9;
	[sflag:s29] =	ssyncset.done $0x0  }
0x1fc: {  	s23 =	sand.u32 @!p0 $0x3FFFFE00, s2;
	[sflag:s29] =	ssyncadd.s32 $0xFFFFE000  }
0x1fd: {  	v1 =	vld @!p0 [tilespmem:s23+$0x280];
	_ =	sdelay $0x4  }
0x1fe: {  	v1 =	vshra.s32 @!p0 v1, $0x1  }
0x1ff: {  	[tilespmem:$0x3480] =	vst @!p0 v1  }
0x200: {  	v1 =	vld @!p0 [tilespmem:s23+$0x290];
	_ =	sdelay $0x4  }
0x201: {  	v1 =	vshra.s32 @!p0 v1, $0x1  }
0x202: {  	[tilespmem:$0x3490] =	vst @!p0 v1  }
0x203: {  	v1 =	vld @!p0 [tilespmem:s23+$0x2A0];
	_ =	sdelay $0x4  }
0x204: {  	v1 =	vshra.s32 @!p0 v1, $0x1  }
0x205: {  	[tilespmem:$0x34A0] =	vst @!p0 v1  }
0x206: {  	v1 =	vld @!p0 [tilespmem:s23+$0x2B0];
	_ =	sdelay $0x4  }
0x207: {  	s30 =	simm.s32 $0x3;
	v1 =	vshra.s32 @!p0 v1, $0x1  }
0x208: {  	s13 =	simm.s32 @!p0 $0x3480;
	s22 =	simm.s32 @!p0 $0x5600;
	s2 =	simm.s32 @!p0 $0x40;
	[tilespmem:$0x34B0] =	vst @!p0 v1  }
0x209: {  	v1 =	vmov s21;
	[tilespmem:s22], [sflag:$0x2] =	stream.indirect.gather @!p0 [hbm4b:s3+s2], $0x80, s13, s2, $0xb8;
	[tilespmem:$0x1F600] =	vst v63  }
0x20a: {  	v2 =	vmov s19;
	_ =	swait.ge [sflag:s30], $0x2000  }
0x20b: {  	[sflag:s30] =	ssyncset.done $0x0  }
0x20c: {  	s19 =	simm.s32 $0x0;
	[sflag:s30] =	ssyncadd.s32 $0xFFFFE000  }
0x20d: {  	v3 =	vld [tilespmem:s19+$0x7780]  }
0x20e: {  	v4 =	vld.idx.msk [tilespmem:v1+s19+$0x180 ss:$0x1], $0xffff  }
0x20f: {  	v5 =	vld.idx.msk [tilespmem:v2+s19+$0xFFFFFF90 ss:$0x1], $0xffff  }
0x210: {  	v6 =	vld [tilespmem:s19+$0x7600]  }
0x211: {  	v7 =	vld [tilespmem:s19+$0x7680]  }
0x212: {  	v8 =	vld [tilespmem:s19+$0x7700]  }
0x213: {  	v10 =	vld.idx.msk [tilespmem:v1+s19+$0x0 ss:$0x1], $0xffff;
	v9 =	vperm.xlane v3, v0  }
0x214: {  	v11 =	vld.idx.msk [tilespmem:v2+s19+$0xFFFFFE10 ss:$0x1], $0xffff  }
0x215: {  	v12 =	vld.idx.msk [tilespmem:v1+s19+$0x100 ss:$0x1], $0xffff;
	v3 =	vmul.f32 v4, v3;
	v4 =	vmul.f32 v5, v9  }
0x216: {  	v5 =	vld.idx.msk [tilespmem:v1+s19+$0x80 ss:$0x1], $0xffff  }
0x217: {  	v9 =	vld.idx.msk [tilespmem:v2+s19+$0xFFFFFE90 ss:$0x1], $0xffff;
	v3 =	vadd.f32 v4, v3  }
0x218: {  	v13 =	vld.idx.msk [tilespmem:v2+s19+$0xFFFFFF10 ss:$0x1], $0xffff;
	v4 =	vperm.xlane v6, v0  }
0x219: {  	[tilespmem:s19+$0xB780] =	vst v3;
	v3 =	vmul.f32 v10, v6;
	v6 =	vld [tilespmem:s19+$0x7790]  }
0x21a: {  	v4 =	vmul.f32 v11, v4;
	v10 =	vperm.xlane v7, v0;
	v11 =	vld.idx.msk [tilespmem:v1+s19+$0x190 ss:$0x1], $0xffff  }
0x21b: {  	v14 =	vperm.xlane v8, v0;
	v15 =	vld.idx.msk [tilespmem:v2+s19+$0xFFFFFFA0 ss:$0x1], $0xffff  }
0x21c: {  	v3 =	vadd.f32 v4, v3;
	v4 =	vmul.f32 v5, v7;
	v5 =	vld [tilespmem:s19+$0x7610];
	v7 =	vmul.f32 v9, v10  }
0x21d: {  	v9 =	vld [tilespmem:s19+$0x7690]  }
0x21e: {  	v8 =	vmul.f32 v12, v8;
	[tilespmem:s19+$0xB600] =	vst v3;
	v3 =	vadd.f32 v7, v4;
	v4 =	vmul.f32 v13, v14;
	v13 =	vld [tilespmem:s19+$0x7710]  }
0x21f: {  	v7 =	vld.idx.msk [tilespmem:v1+s19+$0x10 ss:$0x1], $0xffff;
	v10 =	vperm.xlane v6, v0  }
0x220: {  	v12 =	vld.idx.msk [tilespmem:v2+s19+$0xFFFFFE20 ss:$0x1], $0xffff;
	[tilespmem:s19+$0xB680] =	vst v3;
	v3 =	vadd.f32 v4, v8  }
0x221: {  	v4 =	vmul.f32 v11, v6;
	v6 =	vmul.f32 v15, v10;
	v8 =	vld.idx.msk [tilespmem:v1+s19+$0x90 ss:$0x1], $0xffff  }
0x222: {  	v10 =	vld.idx.msk [tilespmem:v2+s19+$0xFFFFFEA0 ss:$0x1], $0xffff;
	[tilespmem:s19+$0xB700] =	vst v3  }
0x223: {  	v3 =	vadd.f32 v6, v4;
	v6 =	vld.idx.msk [tilespmem:v1+s19+$0x110 ss:$0x1], $0xffff  }
0x224: {  	v4 =	vperm.xlane v5, v0;
	v11 =	vld.idx.msk [tilespmem:v2+s19+$0xFFFFFF20 ss:$0x1], $0xffff  }
0x225: {  	[tilespmem:s19+$0xB790] =	vst v3;
	v3 =	vmul.f32 v7, v5;
	v5 =	vld [tilespmem:s19+$0x77A0]  }
0x226: {  	v4 =	vmul.f32 v12, v4;
	v7 =	vperm.xlane v9, v0;
	v12 =	vld.idx.msk [tilespmem:v1+s19+$0x1A0 ss:$0x1], $0xffff  }
0x227: {  	v14 =	vperm.xlane v13, v0;
	v15 =	vld.idx.msk [tilespmem:v2+s19+$0xFFFFFFB0 ss:$0x1], $0xffff  }
0x228: {  	v3 =	vadd.f32 v4, v3;
	v4 =	vmul.f32 v8, v9;
	v8 =	vld [tilespmem:s19+$0x7620];
	v7 =	vmul.f32 v10, v7  }
0x229: {  	v9 =	vld [tilespmem:s19+$0x76A0]  }
0x22a: {  	v6 =	vmul.f32 v6, v13;
	v13 =	vld [tilespmem:s19+$0x7720];
	[tilespmem:s19+$0xB610] =	vst v3;
	v3 =	vadd.f32 v7, v4;
	v4 =	vmul.f32 v11, v14  }
0x22b: {  	v7 =	vld.idx.msk [tilespmem:v1+s19+$0x20 ss:$0x1], $0xffff;
	v10 =	vperm.xlane v5, v0  }
0x22c: {  	v11 =	vld.idx.msk [tilespmem:v2+s19+$0xFFFFFE30 ss:$0x1], $0xffff;
	[tilespmem:s19+$0xB690] =	vst v3;
	v3 =	vadd.f32 v4, v6  }
0x22d: {  	v4 =	vmul.f32 v12, v5;
	v5 =	vmul.f32 v15, v10;
	v6 =	vld.idx.msk [tilespmem:v1+s19+$0xA0 ss:$0x1], $0xffff  }
0x22e: {  	v10 =	vld.idx.msk [tilespmem:v2+s19+$0xFFFFFEB0 ss:$0x1], $0xffff;
	[tilespmem:s19+$0xB710] =	vst v3  }
0x22f: {  	v3 =	vadd.f32 v5, v4;
	v5 =	vld.idx.msk [tilespmem:v1+s19+$0x120 ss:$0x1], $0xffff  }
0x230: {  	v4 =	vperm.xlane v8, v0;
	v12 =	vld.idx.msk [tilespmem:v2+s19+$0xFFFFFF30 ss:$0x1], $0xffff  }
0x231: {  	[tilespmem:s19+$0xB7A0] =	vst v3;
	v3 =	vmul.f32 v7, v8;
	v7 =	vld [tilespmem:s19+$0x77B0]  }
0x232: {  	v4 =	vmul.f32 v11, v4;
	v8 =	vperm.xlane v9, v0;
	v11 =	vld.idx.msk [tilespmem:v1+s19+$0x1B0 ss:$0x1], $0xffff  }
0x233: {  	v14 =	vperm.xlane v13, v0;
	v15 =	vld.idx.msk [tilespmem:v2+s19+$0xFFFFFFC0 ss:$0x1], $0xffff  }
0x234: {  	v3 =	vadd.f32 v4, v3;
	v4 =	vmul.f32 v6, v9;
	v6 =	vld [tilespmem:s19+$0x7630];
	v8 =	vmul.f32 v10, v8  }
0x235: {  	v9 =	vld [tilespmem:s19+$0x76B0]  }
0x236: {  	v5 =	vmul.f32 v5, v13;
	v13 =	vld [tilespmem:s19+$0x7730];
	[tilespmem:s19+$0xB620] =	vst v3;
	v3 =	vadd.f32 v8, v4;
	v4 =	vmul.f32 v12, v14  }
0x237: {  	v8 =	vld.idx.msk [tilespmem:v1+s19+$0x30 ss:$0x1], $0xffff;
	v10 =	vperm.xlane v7, v0  }
0x238: {  	v12 =	vld.idx.msk [tilespmem:v2+s19+$0xFFFFFE40 ss:$0x1], $0xffff;
	[tilespmem:s19+$0xB6A0] =	vst v3;
	v3 =	vadd.f32 v4, v5  }
0x239: {  	v4 =	vmul.f32 v11, v7;
	v5 =	vmul.f32 v15, v10;
	v7 =	vld.idx.msk [tilespmem:v1+s19+$0xB0 ss:$0x1], $0xffff  }
0x23a: {  	v10 =	vld.idx.msk [tilespmem:v2+s19+$0xFFFFFEC0 ss:$0x1], $0xffff;
	[tilespmem:s19+$0xB720] =	vst v3  }
0x23b: {  	v3 =	vadd.f32 v5, v4;
	v5 =	vld.idx.msk [tilespmem:v1+s19+$0x130 ss:$0x1], $0xffff  }
0x23c: {  	v4 =	vperm.xlane v6, v0;
	v11 =	vld.idx.msk [tilespmem:v2+s19+$0xFFFFFF40 ss:$0x1], $0xffff  }
0x23d: {  	[tilespmem:s19+$0xB7B0] =	vst v3;
	v3 =	vmul.f32 v8, v6;
	v6 =	vld [tilespmem:s19+$0x77C0]  }
0x23e: {  	v4 =	vmul.f32 v12, v4;
	v8 =	vperm.xlane v9, v0;
	v12 =	vld.idx.msk [tilespmem:v1+s19+$0x1C0 ss:$0x1], $0xffff  }
0x23f: {  	v14 =	vperm.xlane v13, v0;
	v15 =	vld.idx.msk [tilespmem:v2+s19+$0xFFFFFFD0 ss:$0x1], $0xffff  }
0x240: {  	v3 =	vadd.f32 v4, v3;
	v4 =	vmul.f32 v7, v9;
	v7 =	vld [tilespmem:s19+$0x7640];
	v8 =	vmul.f32 v10, v8  }
0x241: {  	v9 =	vld [tilespmem:s19+$0x76C0]  }
0x242: {  	v5 =	vmul.f32 v5, v13;
	v13 =	vld [tilespmem:s19+$0x7740];
	[tilespmem:s19+$0xB630] =	vst v3;
	v3 =	vadd.f32 v8, v4;
	v4 =	vmul.f32 v11, v14  }
0x243: {  	v8 =	vld.idx.msk [tilespmem:v1+s19+$0x40 ss:$0x1], $0xffff;
	v10 =	vperm.xlane v6, v0  }
0x244: {  	v11 =	vld.idx.msk [tilespmem:v2+s19+$0xFFFFFE50 ss:$0x1], $0xffff;
	[tilespmem:s19+$0xB6B0] =	vst v3;
	v3 =	vadd.f32 v4, v5  }
0x245: {  	v4 =	vmul.f32 v12, v6;
	v5 =	vmul.f32 v15, v10;
	v6 =	vld.idx.msk [tilespmem:v1+s19+$0xC0 ss:$0x1], $0xffff  }
0x246: {  	v10 =	vld.idx.msk [tilespmem:v2+s19+$0xFFFFFED0 ss:$0x1], $0xffff;
	[tilespmem:s19+$0xB730] =	vst v3  }
0x247: {  	v3 =	vadd.f32 v5, v4;
	v5 =	vld.idx.msk [tilespmem:v1+s19+$0x140 ss:$0x1], $0xffff  }
0x248: {  	v4 =	vperm.xlane v7, v0;
	v12 =	vld.idx.msk [tilespmem:v2+s19+$0xFFFFFF50 ss:$0x1], $0xffff  }
0x249: {  	[tilespmem:s19+$0xB7C0] =	vst v3;
	v3 =	vmul.f32 v8, v7;
	v7 =	vld [tilespmem:s19+$0x77D0]  }
0x24a: {  	v4 =	vmul.f32 v11, v4;
	v8 =	vperm.xlane v9, v0;
	v11 =	vld.idx.msk [tilespmem:v1+s19+$0x1D0 ss:$0x1], $0xffff  }
0x24b: {  	v14 =	vperm.xlane v13, v0;
	v15 =	vld.idx.msk [tilespmem:v2+s19+$0xFFFFFFE0 ss:$0x1], $0xffff  }
0x24c: {  	v3 =	vadd.f32 v4, v3;
	v4 =	vmul.f32 v6, v9;
	v6 =	vld [tilespmem:s19+$0x7650];
	v8 =	vmul.f32 v10, v8  }
0x24d: {  	v9 =	vld [tilespmem:s19+$0x76D0]  }
0x24e: {  	v5 =	vmul.f32 v5, v13;
	v13 =	vld [tilespmem:s19+$0x7750];
	[tilespmem:s19+$0xB640] =	vst v3;
	v3 =	vadd.f32 v8, v4;
	v4 =	vmul.f32 v12, v14  }
0x24f: {  	v8 =	vld.idx.msk [tilespmem:v1+s19+$0x50 ss:$0x1], $0xffff;
	v10 =	vperm.xlane v7, v0  }
0x250: {  	v12 =	vld.idx.msk [tilespmem:v2+s19+$0xFFFFFE60 ss:$0x1], $0xffff;
	[tilespmem:s19+$0xB6C0] =	vst v3;
	v3 =	vadd.f32 v4, v5  }
0x251: {  	v4 =	vmul.f32 v11, v7;
	v5 =	vmul.f32 v15, v10;
	v7 =	vld.idx.msk [tilespmem:v1+s19+$0xD0 ss:$0x1], $0xffff  }
0x252: {  	v10 =	vld.idx.msk [tilespmem:v2+s19+$0xFFFFFEE0 ss:$0x1], $0xffff;
	[tilespmem:s19+$0xB740] =	vst v3  }
0x253: {  	v3 =	vadd.f32 v5, v4;
	v5 =	vld.idx.msk [tilespmem:v1+s19+$0x150 ss:$0x1], $0xffff  }
0x254: {  	v4 =	vperm.xlane v6, v0;
	v11 =	vld.idx.msk [tilespmem:v2+s19+$0xFFFFFF60 ss:$0x1], $0xffff  }
0x255: {  	[tilespmem:s19+$0xB7D0] =	vst v3;
	v3 =	vmul.f32 v8, v6;
	v6 =	vld [tilespmem:s19+$0x77E0]  }
0x256: {  	v4 =	vmul.f32 v12, v4;
	v12 =	vld.idx.msk [tilespmem:v1+s19+$0x1E0 ss:$0x1], $0xffff  }
0x257: {  	v8 =	vperm.xlane v9, v0;
	v15 =	vld.idx.msk [tilespmem:v2+s19+$0xFFFFFFF0 ss:$0x1], $0xffff  }
0x258: {  	v3 =	vadd.f32 v4, v3;
	v4 =	vmul.f32 v7, v9;
	v7 =	vld [tilespmem:s19+$0x7660]  }
0x259: {  	v14 =	vperm.xlane v13, v0;
	v8 =	vmul.f32 v10, v8;
	v9 =	vld [tilespmem:s19+$0x76E0]  }
0x25a: {  	v5 =	vmul.f32 v5, v13;
	v13 =	vld [tilespmem:s19+$0x7760];
	[tilespmem:s19+$0xB650] =	vst v3  }
0x25b: {  	v3 =	vadd.f32 v8, v4;
	v4 =	vmul.f32 v11, v14;
	v8 =	vld.idx.msk [tilespmem:v1+s19+$0x60 ss:$0x1], $0xffff;
	v10 =	vperm.xlane v6, v0  }
0x25c: {  	v11 =	vld.idx.msk [tilespmem:v2+s19+$0xFFFFFE70 ss:$0x1], $0xffff  }
0x25d: {  	v14 =	vld [tilespmem:s19+$0x77F0];
	[tilespmem:s19+$0xB6D0] =	vst v3;
	v3 =	vadd.f32 v4, v5;
	v4 =	vmul.f32 v12, v6;
	v5 =	vmul.f32 v15, v10  }
0x25e: {  	v6 =	vld.idx.msk [tilespmem:v1+s19+$0xE0 ss:$0x1], $0xffff  }
0x25f: {  	v10 =	vld.idx.msk [tilespmem:v2+s19+$0xFFFFFEF0 ss:$0x1], $0xffff;
	[tilespmem:s19+$0xB750] =	vst v3;
	v3 =	vadd.f32 v5, v4  }
0x260: {  	v4 =	vld.idx.msk [tilespmem:v1+s19+$0x160 ss:$0x1], $0xffff;
	v5 =	vperm.xlane v7, v0  }
0x261: {  	v12 =	vld.idx.msk [tilespmem:v2+s19+$0xFFFFFF70 ss:$0x1], $0xffff;
	v7 =	vmul.f32 v8, v7;
	[tilespmem:s19+$0xB7E0] =	vst v3  }
0x262: {  	v3 =	vperm.xlane v9, v0;
	v5 =	vmul.f32 v11, v5;
	v11 =	vld.idx.msk [tilespmem:v1+s19+$0x1F0 ss:$0x1], $0xffff  }
0x263: {  	v8 =	vperm.xlane v13, v0;
	v15 =	vld.idx.msk [tilespmem:v2+s19+$0x0 ss:$0x1], $0xffff  }
0x264: {  	v6 =	vmul.f32 v6, v9;
	v7 =	vadd.f32 v5, v7;
	v5 =	vld [tilespmem:s19+$0x7670];
	v9 =	vmul.f32 v10, v3  }
0x265: {  	v3 =	vld [tilespmem:s19+$0x76F0]  }
0x266: {  	v10 =	vmul.f32 v4, v13;
	v8 =	vmul.f32 v12, v8;
	v4 =	vld [tilespmem:s19+$0x7770];
	[tilespmem:s19+$0xB660] =	vst v7;
	v9 =	vadd.f32 v9, v6  }
0x267: {  	v12 =	vperm.xlane v14, v0;
	v6 =	vld.idx.msk [tilespmem:v1+s19+$0x70 ss:$0x1], $0xffff  }
0x268: {  	v7 =	vld.idx.msk [tilespmem:v2+s19+$0xFFFFFE80 ss:$0x1], $0xffff;
	[tilespmem:s19+$0xB6E0] =	vst v9;
	v9 =	vadd.f32 v8, v10  }
0x269: {  	v14 =	vmul.f32 v11, v14;
	v15 =	vmul.f32 v15, v12;
	v8 =	vld.idx.msk [tilespmem:v1+s19+$0xF0 ss:$0x1], $0xffff  }
0x26a: {  	v13 =	vperm.xlane v5, v0;
	v10 =	vld.idx.msk [tilespmem:v2+s19+$0xFFFFFF00 ss:$0x1], $0xffff;
	[tilespmem:s19+$0xB760] =	vst v9  }
0x26b: {  	s20 =	sor.u32 $0x2, s20;
	s2 =	simm.s32 $0x0;
	s13 =	simm.s32 $0x800;
	v11 =	vperm.xlane v3, v0;
	v9 =	vperm.xlane v4, v0;
	v14 =	vadd.f32 v15, v14;
	v12 =	vld.idx.msk [tilespmem:v1+s19+$0x170 ss:$0x1], $0xffff  }
.LBB2_7:
0x26c: {  	s21 =	sshra.s32 s13, $0x2;
	v15 =	vld.idx.msk [tilespmem:v2+s19+$0xFFFFFF80 ss:$0x1], $0xffff  }
0x26d: {  	v5 =	vmul.f32 v6, v5;
	v16 =	vld.idx.msk [tilespmem:v1+s21+$0x180 ss:$0x1], $0xffff;
	[tilespmem:s19+$0xB7F0] =	vst v14  }
0x26e: {  	v7 =	vmul.f32 v7, v13;
	v6 =	vld [tilespmem:s21+$0x7780]  }
0x26f: {  	v3 =	vmul.f32 v8, v3;
	v13 =	vld.idx.msk [tilespmem:v2+s21+$0xFFFFFF90 ss:$0x1], $0xffff  }
0x270: {  	v5 =	vadd.f32 v7, v5;
	v7 =	vmul.f32 v10, v11;
	v8 =	vld [tilespmem:s21+$0x7600]  }
0x271: {  	v4 =	vmul.f32 v12, v4;
	v10 =	vld [tilespmem:s21+$0x7680]  }
0x272: {  	v3 =	vadd.f32 v7, v3;
	v11 =	vld [tilespmem:s21+$0x7700];
	[tilespmem:s19+$0xB670] =	vst v5;
	v5 =	vmul.f32 v15, v9  }
0x273: {  	v7 =	vld.idx.msk [tilespmem:v1+s21+$0x0 ss:$0x1], $0xffff;
	v9 =	vperm.xlane v6, v0  }
0x274: {  	s2 =	sadd.s32 $0x4, s2;
	v12 =	vld.idx.msk [tilespmem:v2+s21+$0xFFFFFE10 ss:$0x1], $0xffff;
	[tilespmem:s19+$0xB6F0] =	vst v3;
	v3 =	vadd.f32 v5, v4  }
0x275: {  	p1 =	slt.u32 s2, $0x3C;
	v5 =	vmul.f32 v16, v6;
	v4 =	vld.idx.msk [tilespmem:v1+s21+$0x80 ss:$0x1], $0xffff;
	v6 =	vmul.f32 v13, v9  }
0x276: {  	v9 =	vperm.xlane v8, v0;
	v13 =	vperm.xlane v10, v0;
	v14 =	vld.idx.msk [tilespmem:v2+s21+$0xFFFFFE90 ss:$0x1], $0xffff;
	[tilespmem:s19+$0xB770] =	vst v3;
	s19 =	smov.u32 s21  }
0x277: {  	v3 =	vperm.xlane v11, v0;
	v15 =	vld.idx.msk [tilespmem:v1+s19+$0x100 ss:$0x1], $0xffff;
	v5 =	vadd.f32 v6, v5  }
0x278: {  	v6 =	vld.idx.msk [tilespmem:v2+s19+$0xFFFFFF10 ss:$0x1], $0xffff  }
0x279: {  	v7 =	vmul.f32 v7, v8;
	[tilespmem:s19+$0xB780] =	vst v5;
	v5 =	vld [tilespmem:s19+$0x7790]  }
0x27a: {  	v8 =	vmul.f32 v12, v9;
	v9 =	vld.idx.msk [tilespmem:v1+s19+$0x190 ss:$0x1], $0xffff  }
0x27b: {  	v4 =	vmul.f32 v4, v10;
	v10 =	vld.idx.msk [tilespmem:v2+s19+$0xFFFFFFA0 ss:$0x1], $0xffff  }
0x27c: {  	v7 =	vadd.f32 v8, v7;
	v12 =	vmul.f32 v14, v13;
	v8 =	vld [tilespmem:s19+$0x7610]  }
0x27d: {  	v11 =	vmul.f32 v15, v11;
	v13 =	vld [tilespmem:s19+$0x7690]  }
0x27e: {  	v4 =	vadd.f32 v12, v4;
	v3 =	vmul.f32 v6, v3;
	[tilespmem:s19+$0xB600] =	vst v7;
	v6 =	vld [tilespmem:s19+$0x7710]  }
0x27f: {  	v12 =	vperm.xlane v5, v0;
	v7 =	vld.idx.msk [tilespmem:v1+s19+$0x10 ss:$0x1], $0xffff  }
0x280: {  	v3 =	vadd.f32 v3, v11;
	v14 =	vld.idx.msk [tilespmem:v2+s19+$0xFFFFFE20 ss:$0x1], $0xffff;
	[tilespmem:s19+$0xB680] =	vst v4  }
0x281: {  	v5 =	vmul.f32 v9, v5;
	v9 =	vmul.f32 v10, v12;
	v4 =	vld.idx.msk [tilespmem:v1+s19+$0x90 ss:$0x1], $0xffff  }
0x282: {  	v10 =	vperm.xlane v8, v0;
	v11 =	vperm.xlane v13, v0;
	v12 =	vld.idx.msk [tilespmem:v2+s19+$0xFFFFFEA0 ss:$0x1], $0xffff;
	[tilespmem:s19+$0xB700] =	vst v3  }
0x283: {  	v5 =	vadd.f32 v9, v5;
	v3 =	vperm.xlane v6, v0;
	v15 =	vld.idx.msk [tilespmem:v1+s19+$0x110 ss:$0x1], $0xffff  }
0x284: {  	v9 =	vld.idx.msk [tilespmem:v2+s19+$0xFFFFFF20 ss:$0x1], $0xffff  }
0x285: {  	v7 =	vmul.f32 v7, v8;
	[tilespmem:s19+$0xB790] =	vst v5;
	v5 =	vld [tilespmem:s19+$0x77A0]  }
0x286: {  	v8 =	vmul.f32 v14, v10;
	v10 =	vld.idx.msk [tilespmem:v1+s19+$0x1A0 ss:$0x1], $0xffff  }
0x287: {  	v4 =	vmul.f32 v4, v13;
	v13 =	vld.idx.msk [tilespmem:v2+s19+$0xFFFFFFB0 ss:$0x1], $0xffff  }
0x288: {  	v7 =	vadd.f32 v8, v7;
	v11 =	vmul.f32 v12, v11;
	v8 =	vld [tilespmem:s19+$0x7620]  }
0x289: {  	v6 =	vmul.f32 v15, v6;
	v12 =	vld [tilespmem:s19+$0x76A0]  }
0x28a: {  	v4 =	vadd.f32 v11, v4;
	v3 =	vmul.f32 v9, v3;
	[tilespmem:s19+$0xB610] =	vst v7;
	v7 =	vld [tilespmem:s19+$0x7720]  }
0x28b: {  	v11 =	vperm.xlane v5, v0;
	v9 =	vld.idx.msk [tilespmem:v1+s19+$0x20 ss:$0x1], $0xffff  }
0x28c: {  	v3 =	vadd.f32 v3, v6;
	v14 =	vld.idx.msk [tilespmem:v2+s19+$0xFFFFFE30 ss:$0x1], $0xffff;
	[tilespmem:s19+$0xB690] =	vst v4  }
0x28d: {  	v5 =	vmul.f32 v10, v5;
	v6 =	vmul.f32 v13, v11;
	v4 =	vld.idx.msk [tilespmem:v1+s19+$0xA0 ss:$0x1], $0xffff  }
0x28e: {  	v10 =	vperm.xlane v8, v0;
	v11 =	vperm.xlane v12, v0;
	v13 =	vld.idx.msk [tilespmem:v2+s19+$0xFFFFFEB0 ss:$0x1], $0xffff;
	[tilespmem:s19+$0xB710] =	vst v3  }
0x28f: {  	v5 =	vadd.f32 v6, v5;
	v3 =	vperm.xlane v7, v0;
	v15 =	vld.idx.msk [tilespmem:v1+s19+$0x120 ss:$0x1], $0xffff  }
0x290: {  	v6 =	vld.idx.msk [tilespmem:v2+s19+$0xFFFFFF30 ss:$0x1], $0xffff  }
0x291: {  	v8 =	vmul.f32 v9, v8;
	[tilespmem:s19+$0xB7A0] =	vst v5;
	v5 =	vld [tilespmem:s19+$0x77B0]  }
0x292: {  	v9 =	vmul.f32 v14, v10;
	v10 =	vld.idx.msk [tilespmem:v1+s19+$0x1B0 ss:$0x1], $0xffff  }
0x293: {  	v4 =	vmul.f32 v4, v12;
	v12 =	vld.idx.msk [tilespmem:v2+s19+$0xFFFFFFC0 ss:$0x1], $0xffff  }
0x294: {  	v8 =	vadd.f32 v9, v8;
	v11 =	vmul.f32 v13, v11;
	v9 =	vld [tilespmem:s19+$0x7630]  }
0x295: {  	v7 =	vmul.f32 v15, v7;
	v13 =	vld [tilespmem:s19+$0x76B0]  }
0x296: {  	v4 =	vadd.f32 v11, v4;
	v3 =	vmul.f32 v6, v3;
	[tilespmem:s19+$0xB620] =	vst v8;
	v6 =	vld [tilespmem:s19+$0x7730]  }
0x297: {  	v11 =	vperm.xlane v5, v0;
	v8 =	vld.idx.msk [tilespmem:v1+s19+$0x30 ss:$0x1], $0xffff  }
0x298: {  	v3 =	vadd.f32 v3, v7;
	v14 =	vld.idx.msk [tilespmem:v2+s19+$0xFFFFFE40 ss:$0x1], $0xffff;
	[tilespmem:s19+$0xB6A0] =	vst v4  }
0x299: {  	v5 =	vmul.f32 v10, v5;
	v7 =	vmul.f32 v12, v11;
	v4 =	vld.idx.msk [tilespmem:v1+s19+$0xB0 ss:$0x1], $0xffff  }
0x29a: {  	v10 =	vperm.xlane v9, v0;
	v11 =	vperm.xlane v13, v0;
	v12 =	vld.idx.msk [tilespmem:v2+s19+$0xFFFFFEC0 ss:$0x1], $0xffff;
	[tilespmem:s19+$0xB720] =	vst v3  }
0x29b: {  	v5 =	vadd.f32 v7, v5;
	v3 =	vperm.xlane v6, v0;
	v15 =	vld.idx.msk [tilespmem:v1+s19+$0x130 ss:$0x1], $0xffff  }
0x29c: {  	v7 =	vld.idx.msk [tilespmem:v2+s19+$0xFFFFFF40 ss:$0x1], $0xffff  }
0x29d: {  	v8 =	vmul.f32 v8, v9;
	[tilespmem:s19+$0xB7B0] =	vst v5;
	v5 =	vld [tilespmem:s19+$0x77C0]  }
0x29e: {  	v9 =	vmul.f32 v14, v10;
	v10 =	vld.idx.msk [tilespmem:v1+s19+$0x1C0 ss:$0x1], $0xffff  }
0x29f: {  	v4 =	vmul.f32 v4, v13;
	v13 =	vld.idx.msk [tilespmem:v2+s19+$0xFFFFFFD0 ss:$0x1], $0xffff  }
0x2a0: {  	v8 =	vadd.f32 v9, v8;
	v11 =	vmul.f32 v12, v11;
	v9 =	vld [tilespmem:s19+$0x7640]  }
0x2a1: {  	v6 =	vmul.f32 v15, v6;
	v12 =	vld [tilespmem:s19+$0x76C0]  }
0x2a2: {  	v4 =	vadd.f32 v11, v4;
	v3 =	vmul.f32 v7, v3;
	[tilespmem:s19+$0xB630] =	vst v8;
	v7 =	vld [tilespmem:s19+$0x7740]  }
0x2a3: {  	v11 =	vperm.xlane v5, v0;
	v8 =	vld.idx.msk [tilespmem:v1+s19+$0x40 ss:$0x1], $0xffff  }
0x2a4: {  	v3 =	vadd.f32 v3, v6;
	v14 =	vld.idx.msk [tilespmem:v2+s19+$0xFFFFFE50 ss:$0x1], $0xffff;
	[tilespmem:s19+$0xB6B0] =	vst v4  }
0x2a5: {  	v5 =	vmul.f32 v10, v5;
	v6 =	vmul.f32 v13, v11;
	v4 =	vld.idx.msk [tilespmem:v1+s19+$0xC0 ss:$0x1], $0xffff  }
0x2a6: {  	v10 =	vperm.xlane v9, v0;
	v11 =	vperm.xlane v12, v0;
	v13 =	vld.idx.msk [tilespmem:v2+s19+$0xFFFFFED0 ss:$0x1], $0xffff;
	[tilespmem:s19+$0xB730] =	vst v3  }
0x2a7: {  	v5 =	vadd.f32 v6, v5;
	v3 =	vperm.xlane v7, v0;
	v15 =	vld.idx.msk [tilespmem:v1+s19+$0x140 ss:$0x1], $0xffff  }
0x2a8: {  	v6 =	vld.idx.msk [tilespmem:v2+s19+$0xFFFFFF50 ss:$0x1], $0xffff  }
0x2a9: {  	v8 =	vmul.f32 v8, v9;
	[tilespmem:s19+$0xB7C0] =	vst v5;
	v5 =	vld [tilespmem:s19+$0x77D0]  }
0x2aa: {  	v9 =	vmul.f32 v14, v10;
	v10 =	vld.idx.msk [tilespmem:v1+s19+$0x1D0 ss:$0x1], $0xffff  }
0x2ab: {  	v4 =	vmul.f32 v4, v12;
	v12 =	vld.idx.msk [tilespmem:v2+s19+$0xFFFFFFE0 ss:$0x1], $0xffff  }
0x2ac: {  	v8 =	vadd.f32 v9, v8;
	v11 =	vmul.f32 v13, v11;
	v9 =	vld [tilespmem:s19+$0x7650]  }
0x2ad: {  	v7 =	vmul.f32 v15, v7;
	v13 =	vld [tilespmem:s19+$0x76D0]  }
0x2ae: {  	v4 =	vadd.f32 v11, v4;
	v3 =	vmul.f32 v6, v3;
	[tilespmem:s19+$0xB640] =	vst v8;
	v6 =	vld [tilespmem:s19+$0x7750]  }
0x2af: {  	v11 =	vperm.xlane v5, v0;
	v8 =	vld.idx.msk [tilespmem:v1+s19+$0x50 ss:$0x1], $0xffff  }
0x2b0: {  	v3 =	vadd.f32 v3, v7;
	v14 =	vld.idx.msk [tilespmem:v2+s19+$0xFFFFFE60 ss:$0x1], $0xffff;
	[tilespmem:s19+$0xB6C0] =	vst v4  }
0x2b1: {  	v5 =	vmul.f32 v10, v5;
	v7 =	vmul.f32 v12, v11;
	v4 =	vld.idx.msk [tilespmem:v1+s19+$0xD0 ss:$0x1], $0xffff  }
0x2b2: {  	v10 =	vperm.xlane v9, v0;
	v11 =	vperm.xlane v13, v0;
	v12 =	vld.idx.msk [tilespmem:v2+s19+$0xFFFFFEE0 ss:$0x1], $0xffff;
	[tilespmem:s19+$0xB740] =	vst v3  }
0x2b3: {  	v5 =	vadd.f32 v7, v5;
	v3 =	vperm.xlane v6, v0;
	v15 =	vld.idx.msk [tilespmem:v1+s19+$0x150 ss:$0x1], $0xffff  }
0x2b4: {  	v7 =	vld.idx.msk [tilespmem:v2+s19+$0xFFFFFF60 ss:$0x1], $0xffff  }
0x2b5: {  	v8 =	vmul.f32 v8, v9;
	[tilespmem:s19+$0xB7D0] =	vst v5;
	v5 =	vld [tilespmem:s19+$0x77E0]  }
0x2b6: {  	v9 =	vmul.f32 v14, v10;
	v10 =	vld.idx.msk [tilespmem:v1+s19+$0x1E0 ss:$0x1], $0xffff  }
0x2b7: {  	v4 =	vmul.f32 v4, v13;
	v13 =	vld.idx.msk [tilespmem:v2+s19+$0xFFFFFFF0 ss:$0x1], $0xffff  }
0x2b8: {  	v8 =	vadd.f32 v9, v8;
	v11 =	vmul.f32 v12, v11;
	v9 =	vld [tilespmem:s19+$0x7660]  }
0x2b9: {  	v6 =	vmul.f32 v15, v6;
	v12 =	vld [tilespmem:s19+$0x76E0]  }
0x2ba: {  	v4 =	vadd.f32 v11, v4;
	v3 =	vmul.f32 v7, v3;
	[tilespmem:s19+$0xB650] =	vst v8;
	v7 =	vld [tilespmem:s19+$0x7760]  }
0x2bb: {  	v11 =	vperm.xlane v5, v0;
	v8 =	vld.idx.msk [tilespmem:v1+s19+$0x60 ss:$0x1], $0xffff  }
0x2bc: {  	v3 =	vadd.f32 v3, v6;
	v14 =	vld.idx.msk [tilespmem:v2+s19+$0xFFFFFE70 ss:$0x1], $0xffff;
	[tilespmem:s19+$0xB6D0] =	vst v4  }
0x2bd: {  	v5 =	vmul.f32 v10, v5;
	v6 =	vmul.f32 v13, v11;
	v4 =	vld.idx.msk [tilespmem:v1+s19+$0xE0 ss:$0x1], $0xffff  }
0x2be: {  	v10 =	vperm.xlane v9, v0;
	v11 =	vperm.xlane v12, v0;
	v13 =	vld.idx.msk [tilespmem:v2+s19+$0xFFFFFEF0 ss:$0x1], $0xffff;
	[tilespmem:s19+$0xB750] =	vst v3  }
0x2bf: {  	v3 =	vadd.f32 v6, v5;
	v15 =	vperm.xlane v7, v0;
	v16 =	vld.idx.msk [tilespmem:v1+s19+$0x160 ss:$0x1], $0xffff  }
0x2c0: {  	v6 =	vld.idx.msk [tilespmem:v2+s19+$0xFFFFFF70 ss:$0x1], $0xffff  }
0x2c1: {  	v5 =	vmul.f32 v8, v9;
	[tilespmem:s19+$0xB7E0] =	vst v3;
	v9 =	vld [tilespmem:s19+$0x77F0]  }
0x2c2: {  	v3 =	vmul.f32 v14, v10;
	v10 =	vld.idx.msk [tilespmem:v1+s19+$0x1F0 ss:$0x1], $0xffff  }
0x2c3: {  	v4 =	vmul.f32 v4, v12;
	v12 =	vld.idx.msk [tilespmem:v2+s19+$0x0 ss:$0x1], $0xffff  }
0x2c4: {  	v8 =	vadd.f32 v3, v5;
	v11 =	vmul.f32 v13, v11;
	v5 =	vld [tilespmem:s19+$0x7670]  }
0x2c5: {  	v13 =	vmul.f32 v16, v7;
	v3 =	vld [tilespmem:s19+$0x76F0]  }
0x2c6: {  	[tilespmem:s19+$0xB660] =	vst v8;
	v8 =	vadd.f32 v11, v4;
	v11 =	vmul.f32 v6, v15;
	v4 =	vld [tilespmem:s19+$0x7770]  }
.Ltmp2:
0x2c7: {  	v14 =	vperm.xlane v9, v0;
	v6 =	vld.idx.msk [tilespmem:v1+s19+$0x70 ss:$0x1], $0xffff;
	(pc) =	sbr.rel @p1 .LBB2_7-.Ltmp2, $4  }
0x2c8: {  	v7 =	vld.idx.msk [tilespmem:v2+s19+$0xFFFFFE80 ss:$0x1], $0xffff;
	[tilespmem:s19+$0xB6E0] =	vst v8;
	v15 =	vadd.f32 v11, v13  }
0x2c9: {  	v16 =	vmul.f32 v10, v9;
	v14 =	vmul.f32 v12, v14;
	v8 =	vld.idx.msk [tilespmem:v1+s19+$0xF0 ss:$0x1], $0xffff  }
0x2ca: {  	v13 =	vperm.xlane v5, v0;
	v11 =	vperm.xlane v3, v0;
	v10 =	vld.idx.msk [tilespmem:v2+s19+$0xFFFFFF00 ss:$0x1], $0xffff;
	[tilespmem:s19+$0xB760] =	vst v15  }
0x2cb: {  	s13 =	sadd.s32 $0x800, s13;
	v14 =	vadd.f32 v14, v16;
	v9 =	vperm.xlane v4, v0;
	v12 =	vld.idx.msk [tilespmem:v1+s19+$0x170 ss:$0x1], $0xffff  }
0x2cc: {  	_ =	sdelay $0x3  }
0x2cd: {  	v1 =	vld.idx.msk [tilespmem:v2+s19+$0xFFFFFF80 ss:$0x1], $0xffff;
	_ =	sdelay $0x2  }
0x2ce: {  	v2 =	vmul.f32 v6, v5;
	v5 =	vmul.f32 v7, v13  }
0x2cf: {  	v3 =	vmul.f32 v8, v3;
	v6 =	vmul.f32 v10, v11  }
0x2d0: {  	v2 =	vadd.f32 v5, v2;
	v4 =	vmul.f32 v12, v4;
	v1 =	vmul.f32 v1, v9  }
0x2d1: {  	s2 =	sshll.u32 s20, $0xD;
	[tilespmem:s19+$0xB7F0] =	vst v14;
	v3 =	vadd.f32 v6, v3  }
0x2d2: {  	s2 =	sadd.s32 s8, s2;
	[tilespmem:s19+$0xB670] =	vst v2;
	v1 =	vadd.f32 v1, v4  }
0x2d3: {  	s2 =	sshrl.u32 s2, $0x3;
	[tilespmem:s19+$0xB6F0] =	vst v3  }
0x2d4: {  	s13 =	simm.s32 $0xB600;
	s28 =	simm.s32 $0x6;
	s2 =	sadd.s32 s6, s2;
	[tilespmem:s19+$0xB770] =	vst v1  }
0x2d5: {  	[hbm4b:s2+s31] =	stream.linear.scatter [tilespmem:s13], [sflag:$0x5], $0x2000, $0x38;
	[tilespmem:$0x1F600] =	vst v63  }
0x2d6: {  	_ =	swait.ge [sflag:s28], $0x2000  }
0x2d7: {  	[sflag:s28] =	ssyncset.done $0x0  }
0x2d8: {  	[sflag:s28] =	ssyncadd.s32 $0xFFFFE000  }
0x2d9: {  	v1 =	vld @!p0 [tilespmem:s23+$0x300];
	_ =	sdelay $0x4  }
0x2da: {  	v1 =	vshra.s32 @!p0 v1, $0x1  }
0x2db: {  	[tilespmem:$0x3500] =	vst @!p0 v1  }
0x2dc: {  	v1 =	vld @!p0 [tilespmem:s23+$0x310];
	_ =	sdelay $0x4  }
0x2dd: {  	v1 =	vshra.s32 @!p0 v1, $0x1  }
0x2de: {  	[tilespmem:$0x3510] =	vst @!p0 v1  }
0x2df: {  	v1 =	vld @!p0 [tilespmem:s23+$0x320];
	_ =	sdelay $0x4  }
0x2e0: {  	v1 =	vshra.s32 @!p0 v1, $0x1  }
0x2e1: {  	[tilespmem:$0x3520] =	vst @!p0 v1  }
0x2e2: {  	v1 =	vld @!p0 [tilespmem:s23+$0x330];
	_ =	sdelay $0x4  }
0x2e3: {  	s29 =	simm.s32 $0x4;
	v1 =	vshra.s32 @!p0 v1, $0x1  }
0x2e4: {  	s19 =	simm.s32 @!p0 $0x7600;
	s2 =	simm.s32 @!p0 $0x40;
	s13 =	simm.s32 @!p0 $0x3500;
	[tilespmem:$0x3530] =	vst @!p0 v1  }
0x2e5: {  	[tilespmem:s19], [sflag:$0x3] =	stream.indirect.gather @!p0 [hbm4b:s3+s2], $0x80, s13, s2, $0xb8;
	[tilespmem:$0x1F600] =	vst v63  }
0x2e6: {  	v1 =	vmov s14;
	_ =	swait.ge [sflag:s29], $0x2000  }
0x2e7: {  	s30 =	rddreg [dreg:$0x9]  }
0x2e8: {  	[sflag:s29] =	ssyncset.done $0x0;
	v2 =	vmov s30  }
0x2e9: {  	s13 =	simm.s32 $0x0;
	[sflag:s29] =	ssyncadd.s32 $0xFFFFE000  }
0x2ea: {  	v3 =	vld [tilespmem:s13+$0x9780]  }
0x2eb: {  	v4 =	vld.idx.msk [tilespmem:v1+s13+$0x180 ss:$0x1], $0xffff  }
0x2ec: {  	v6 =	vld [tilespmem:s13+$0x9600]  }
0x2ed: {  	v5 =	vld.idx.msk [tilespmem:v2+s13+$0x180 ss:$0x1], $0xffff  }
0x2ee: {  	v7 =	vld [tilespmem:s13+$0x9680]  }
0x2ef: {  	v8 =	vld [tilespmem:s13+$0x9700]  }
0x2f0: {  	v10 =	vld.idx.msk [tilespmem:v1+s13+$0x0 ss:$0x1], $0xffff;
	v9 =	vperm.xlane v3, v0  }
0x2f1: {  	v12 =	vld.idx.msk [tilespmem:v1+s13+$0x100 ss:$0x1], $0xffff  }
0x2f2: {  	v11 =	vld.idx.msk [tilespmem:v2+s13+$0x0 ss:$0x1], $0xffff;
	v3 =	vmul.f32 v4, v3;
	v4 =	vmul.f32 v5, v9  }
0x2f3: {  	v5 =	vld.idx.msk [tilespmem:v1+s13+$0x80 ss:$0x1], $0xffff  }
0x2f4: {  	v9 =	vld.idx.msk [tilespmem:v2+s13+$0x80 ss:$0x1], $0xffff;
	v3 =	vadd.f32 v4, v3  }
0x2f5: {  	v13 =	vld.idx.msk [tilespmem:v2+s13+$0x100 ss:$0x1], $0xffff;
	v4 =	vperm.xlane v6, v0  }
0x2f6: {  	[tilespmem:s13+$0xD780] =	vst v3;
	v3 =	vmul.f32 v10, v6;
	v6 =	vld [tilespmem:s13+$0x9790]  }
0x2f7: {  	v4 =	vmul.f32 v11, v4;
	v10 =	vperm.xlane v7, v0;
	v11 =	vld.idx.msk [tilespmem:v1+s13+$0x190 ss:$0x1], $0xffff  }
0x2f8: {  	v14 =	vperm.xlane v8, v0;
	v15 =	vld.idx.msk [tilespmem:v2+s13+$0x190 ss:$0x1], $0xffff  }
0x2f9: {  	v3 =	vadd.f32 v4, v3;
	v4 =	vmul.f32 v5, v7;
	v5 =	vld [tilespmem:s13+$0x9610];
	v7 =	vmul.f32 v9, v10  }
0x2fa: {  	v9 =	vld [tilespmem:s13+$0x9690]  }
0x2fb: {  	v8 =	vmul.f32 v12, v8;
	[tilespmem:s13+$0xD600] =	vst v3;
	v3 =	vadd.f32 v7, v4;
	v4 =	vmul.f32 v13, v14;
	v13 =	vld [tilespmem:s13+$0x9710]  }
0x2fc: {  	v7 =	vld.idx.msk [tilespmem:v1+s13+$0x10 ss:$0x1], $0xffff;
	v10 =	vperm.xlane v6, v0  }
0x2fd: {  	v12 =	vld.idx.msk [tilespmem:v2+s13+$0x10 ss:$0x1], $0xffff;
	[tilespmem:s13+$0xD680] =	vst v3;
	v3 =	vadd.f32 v4, v8  }
0x2fe: {  	v4 =	vmul.f32 v11, v6;
	v6 =	vmul.f32 v15, v10;
	v8 =	vld.idx.msk [tilespmem:v1+s13+$0x90 ss:$0x1], $0xffff  }
0x2ff: {  	v10 =	vld.idx.msk [tilespmem:v2+s13+$0x90 ss:$0x1], $0xffff;
	[tilespmem:s13+$0xD700] =	vst v3  }
0x300: {  	v3 =	vadd.f32 v6, v4;
	v6 =	vld.idx.msk [tilespmem:v1+s13+$0x110 ss:$0x1], $0xffff  }
0x301: {  	v4 =	vperm.xlane v5, v0;
	v11 =	vld.idx.msk [tilespmem:v2+s13+$0x110 ss:$0x1], $0xffff  }
0x302: {  	[tilespmem:s13+$0xD790] =	vst v3;
	v3 =	vmul.f32 v7, v5;
	v5 =	vld [tilespmem:s13+$0x97A0]  }
0x303: {  	v4 =	vmul.f32 v12, v4;
	v7 =	vperm.xlane v9, v0;
	v12 =	vld.idx.msk [tilespmem:v1+s13+$0x1A0 ss:$0x1], $0xffff  }
0x304: {  	v14 =	vperm.xlane v13, v0;
	v15 =	vld.idx.msk [tilespmem:v2+s13+$0x1A0 ss:$0x1], $0xffff  }
0x305: {  	v3 =	vadd.f32 v4, v3;
	v4 =	vmul.f32 v8, v9;
	v8 =	vld [tilespmem:s13+$0x9620];
	v7 =	vmul.f32 v10, v7  }
0x306: {  	v9 =	vld [tilespmem:s13+$0x96A0]  }
0x307: {  	v6 =	vmul.f32 v6, v13;
	v13 =	vld [tilespmem:s13+$0x9720];
	[tilespmem:s13+$0xD610] =	vst v3;
	v3 =	vadd.f32 v7, v4;
	v4 =	vmul.f32 v11, v14  }
0x308: {  	v7 =	vld.idx.msk [tilespmem:v1+s13+$0x20 ss:$0x1], $0xffff;
	v10 =	vperm.xlane v5, v0  }
0x309: {  	v11 =	vld.idx.msk [tilespmem:v2+s13+$0x20 ss:$0x1], $0xffff;
	[tilespmem:s13+$0xD690] =	vst v3;
	v3 =	vadd.f32 v4, v6  }
0x30a: {  	v4 =	vmul.f32 v12, v5;
	v5 =	vmul.f32 v15, v10;
	v6 =	vld.idx.msk [tilespmem:v1+s13+$0xA0 ss:$0x1], $0xffff  }
0x30b: {  	v10 =	vld.idx.msk [tilespmem:v2+s13+$0xA0 ss:$0x1], $0xffff;
	[tilespmem:s13+$0xD710] =	vst v3  }
0x30c: {  	v3 =	vadd.f32 v5, v4;
	v5 =	vld.idx.msk [tilespmem:v1+s13+$0x120 ss:$0x1], $0xffff  }
0x30d: {  	v4 =	vperm.xlane v8, v0;
	v12 =	vld.idx.msk [tilespmem:v2+s13+$0x120 ss:$0x1], $0xffff  }
0x30e: {  	[tilespmem:s13+$0xD7A0] =	vst v3;
	v3 =	vmul.f32 v7, v8;
	v7 =	vld [tilespmem:s13+$0x97B0]  }
0x30f: {  	v4 =	vmul.f32 v11, v4;
	v8 =	vperm.xlane v9, v0;
	v11 =	vld.idx.msk [tilespmem:v1+s13+$0x1B0 ss:$0x1], $0xffff  }
0x310: {  	v14 =	vperm.xlane v13, v0;
	v15 =	vld.idx.msk [tilespmem:v2+s13+$0x1B0 ss:$0x1], $0xffff  }
0x311: {  	v3 =	vadd.f32 v4, v3;
	v4 =	vmul.f32 v6, v9;
	v6 =	vld [tilespmem:s13+$0x9630];
	v8 =	vmul.f32 v10, v8  }
0x312: {  	v9 =	vld [tilespmem:s13+$0x96B0]  }
0x313: {  	v5 =	vmul.f32 v5, v13;
	v13 =	vld [tilespmem:s13+$0x9730];
	[tilespmem:s13+$0xD620] =	vst v3;
	v3 =	vadd.f32 v8, v4;
	v4 =	vmul.f32 v12, v14  }
0x314: {  	v8 =	vld.idx.msk [tilespmem:v1+s13+$0x30 ss:$0x1], $0xffff;
	v10 =	vperm.xlane v7, v0  }
0x315: {  	v12 =	vld.idx.msk [tilespmem:v2+s13+$0x30 ss:$0x1], $0xffff;
	[tilespmem:s13+$0xD6A0] =	vst v3;
	v3 =	vadd.f32 v4, v5  }
0x316: {  	v4 =	vmul.f32 v11, v7;
	v5 =	vmul.f32 v15, v10;
	v7 =	vld.idx.msk [tilespmem:v1+s13+$0xB0 ss:$0x1], $0xffff  }
0x317: {  	v10 =	vld.idx.msk [tilespmem:v2+s13+$0xB0 ss:$0x1], $0xffff;
	[tilespmem:s13+$0xD720] =	vst v3  }
0x318: {  	v3 =	vadd.f32 v5, v4;
	v5 =	vld.idx.msk [tilespmem:v1+s13+$0x130 ss:$0x1], $0xffff  }
0x319: {  	v4 =	vperm.xlane v6, v0;
	v11 =	vld.idx.msk [tilespmem:v2+s13+$0x130 ss:$0x1], $0xffff  }
0x31a: {  	[tilespmem:s13+$0xD7B0] =	vst v3;
	v3 =	vmul.f32 v8, v6;
	v6 =	vld [tilespmem:s13+$0x97C0]  }
0x31b: {  	v4 =	vmul.f32 v12, v4;
	v8 =	vperm.xlane v9, v0;
	v12 =	vld.idx.msk [tilespmem:v1+s13+$0x1C0 ss:$0x1], $0xffff  }
0x31c: {  	v14 =	vperm.xlane v13, v0;
	v15 =	vld.idx.msk [tilespmem:v2+s13+$0x1C0 ss:$0x1], $0xffff  }
0x31d: {  	v3 =	vadd.f32 v4, v3;
	v4 =	vmul.f32 v7, v9;
	v7 =	vld [tilespmem:s13+$0x9640];
	v8 =	vmul.f32 v10, v8  }
0x31e: {  	v9 =	vld [tilespmem:s13+$0x96C0]  }
0x31f: {  	v5 =	vmul.f32 v5, v13;
	v13 =	vld [tilespmem:s13+$0x9740];
	[tilespmem:s13+$0xD630] =	vst v3;
	v3 =	vadd.f32 v8, v4;
	v4 =	vmul.f32 v11, v14  }
0x320: {  	v8 =	vld.idx.msk [tilespmem:v1+s13+$0x40 ss:$0x1], $0xffff;
	v10 =	vperm.xlane v6, v0  }
0x321: {  	v11 =	vld.idx.msk [tilespmem:v2+s13+$0x40 ss:$0x1], $0xffff;
	[tilespmem:s13+$0xD6B0] =	vst v3;
	v3 =	vadd.f32 v4, v5  }
0x322: {  	v4 =	vmul.f32 v12, v6;
	v5 =	vmul.f32 v15, v10;
	v6 =	vld.idx.msk [tilespmem:v1+s13+$0xC0 ss:$0x1], $0xffff  }
0x323: {  	v10 =	vld.idx.msk [tilespmem:v2+s13+$0xC0 ss:$0x1], $0xffff;
	[tilespmem:s13+$0xD730] =	vst v3  }
0x324: {  	v3 =	vadd.f32 v5, v4;
	v5 =	vld.idx.msk [tilespmem:v1+s13+$0x140 ss:$0x1], $0xffff  }
0x325: {  	v4 =	vperm.xlane v7, v0;
	v12 =	vld.idx.msk [tilespmem:v2+s13+$0x140 ss:$0x1], $0xffff  }
0x326: {  	[tilespmem:s13+$0xD7C0] =	vst v3;
	v3 =	vmul.f32 v8, v7;
	v7 =	vld [tilespmem:s13+$0x97D0]  }
0x327: {  	v4 =	vmul.f32 v11, v4;
	v8 =	vperm.xlane v9, v0;
	v11 =	vld.idx.msk [tilespmem:v1+s13+$0x1D0 ss:$0x1], $0xffff  }
0x328: {  	v14 =	vperm.xlane v13, v0;
	v15 =	vld.idx.msk [tilespmem:v2+s13+$0x1D0 ss:$0x1], $0xffff  }
0x329: {  	v3 =	vadd.f32 v4, v3;
	v4 =	vmul.f32 v6, v9;
	v6 =	vld [tilespmem:s13+$0x9650];
	v8 =	vmul.f32 v10, v8  }
0x32a: {  	v9 =	vld [tilespmem:s13+$0x96D0]  }
0x32b: {  	v5 =	vmul.f32 v5, v13;
	v13 =	vld [tilespmem:s13+$0x9750];
	[tilespmem:s13+$0xD640] =	vst v3;
	v3 =	vadd.f32 v8, v4;
	v4 =	vmul.f32 v12, v14  }
0x32c: {  	v8 =	vld.idx.msk [tilespmem:v1+s13+$0x50 ss:$0x1], $0xffff;
	v10 =	vperm.xlane v7, v0  }
0x32d: {  	v12 =	vld.idx.msk [tilespmem:v2+s13+$0x50 ss:$0x1], $0xffff;
	[tilespmem:s13+$0xD6C0] =	vst v3;
	v3 =	vadd.f32 v4, v5  }
0x32e: {  	v4 =	vmul.f32 v11, v7;
	v5 =	vmul.f32 v15, v10;
	v7 =	vld.idx.msk [tilespmem:v1+s13+$0xD0 ss:$0x1], $0xffff  }
0x32f: {  	v10 =	vld.idx.msk [tilespmem:v2+s13+$0xD0 ss:$0x1], $0xffff;
	[tilespmem:s13+$0xD740] =	vst v3  }
0x330: {  	v3 =	vadd.f32 v5, v4;
	v5 =	vld.idx.msk [tilespmem:v1+s13+$0x150 ss:$0x1], $0xffff  }
0x331: {  	v4 =	vperm.xlane v6, v0;
	v11 =	vld.idx.msk [tilespmem:v2+s13+$0x150 ss:$0x1], $0xffff  }
0x332: {  	[tilespmem:s13+$0xD7D0] =	vst v3;
	v3 =	vmul.f32 v8, v6;
	v6 =	vld [tilespmem:s13+$0x97E0]  }
0x333: {  	v4 =	vmul.f32 v12, v4;
	v12 =	vld.idx.msk [tilespmem:v1+s13+$0x1E0 ss:$0x1], $0xffff  }
0x334: {  	v8 =	vperm.xlane v9, v0;
	v15 =	vld.idx.msk [tilespmem:v2+s13+$0x1E0 ss:$0x1], $0xffff  }
0x335: {  	v3 =	vadd.f32 v4, v3;
	v4 =	vmul.f32 v7, v9;
	v7 =	vld [tilespmem:s13+$0x9660]  }
0x336: {  	v14 =	vperm.xlane v13, v0;
	v8 =	vmul.f32 v10, v8;
	v9 =	vld [tilespmem:s13+$0x96E0]  }
0x337: {  	v5 =	vmul.f32 v5, v13;
	v13 =	vld [tilespmem:s13+$0x9760];
	[tilespmem:s13+$0xD650] =	vst v3  }
0x338: {  	v3 =	vadd.f32 v8, v4;
	v4 =	vmul.f32 v11, v14;
	v8 =	vld.idx.msk [tilespmem:v1+s13+$0x60 ss:$0x1], $0xffff;
	v10 =	vperm.xlane v6, v0  }
0x339: {  	v11 =	vld.idx.msk [tilespmem:v2+s13+$0x60 ss:$0x1], $0xffff  }
0x33a: {  	v14 =	vld [tilespmem:s13+$0x97F0];
	[tilespmem:s13+$0xD6D0] =	vst v3;
	v3 =	vadd.f32 v4, v5;
	v4 =	vmul.f32 v12, v6;
	v5 =	vmul.f32 v15, v10  }
0x33b: {  	v6 =	vld.idx.msk [tilespmem:v1+s13+$0xE0 ss:$0x1], $0xffff  }
0x33c: {  	v10 =	vld.idx.msk [tilespmem:v2+s13+$0xE0 ss:$0x1], $0xffff;
	[tilespmem:s13+$0xD750] =	vst v3;
	v3 =	vadd.f32 v5, v4  }
0x33d: {  	v4 =	vld.idx.msk [tilespmem:v1+s13+$0x160 ss:$0x1], $0xffff;
	v5 =	vperm.xlane v7, v0  }
0x33e: {  	v12 =	vld.idx.msk [tilespmem:v2+s13+$0x160 ss:$0x1], $0xffff;
	v7 =	vmul.f32 v8, v7;
	[tilespmem:s13+$0xD7E0] =	vst v3  }
0x33f: {  	v3 =	vperm.xlane v9, v0;
	v5 =	vmul.f32 v11, v5;
	v11 =	vld.idx.msk [tilespmem:v1+s13+$0x1F0 ss:$0x1], $0xffff  }
0x340: {  	v8 =	vperm.xlane v13, v0;
	v15 =	vld.idx.msk [tilespmem:v2+s13+$0x1F0 ss:$0x1], $0xffff  }
0x341: {  	v6 =	vmul.f32 v6, v9;
	v7 =	vadd.f32 v5, v7;
	v5 =	vld [tilespmem:s13+$0x9670];
	v9 =	vmul.f32 v10, v3  }
0x342: {  	v3 =	vld [tilespmem:s13+$0x96F0]  }
0x343: {  	v10 =	vmul.f32 v4, v13;
	v8 =	vmul.f32 v12, v8;
	v4 =	vld [tilespmem:s13+$0x9770];
	[tilespmem:s13+$0xD660] =	vst v7;
	v9 =	vadd.f32 v9, v6  }
0x344: {  	v12 =	vperm.xlane v14, v0;
	v6 =	vld.idx.msk [tilespmem:v1+s13+$0x70 ss:$0x1], $0xffff  }
0x345: {  	v7 =	vld.idx.msk [tilespmem:v2+s13+$0x70 ss:$0x1], $0xffff;
	[tilespmem:s13+$0xD6E0] =	vst v9;
	v9 =	vadd.f32 v8, v10  }
0x346: {  	v14 =	vmul.f32 v11, v14;
	v15 =	vmul.f32 v15, v12;
	v8 =	vld.idx.msk [tilespmem:v1+s13+$0xF0 ss:$0x1], $0xffff  }
0x347: {  	v13 =	vperm.xlane v5, v0;
	v10 =	vld.idx.msk [tilespmem:v2+s13+$0xF0 ss:$0x1], $0xffff;
	[tilespmem:s13+$0xD760] =	vst v9  }
0x348: {  	s14 =	simm.s32 $0x800;
	s2 =	simm.s32 $0x0;
	v11 =	vperm.xlane v3, v0;
	v9 =	vperm.xlane v4, v0;
	v14 =	vadd.f32 v15, v14;
	v12 =	vld.idx.msk [tilespmem:v1+s13+$0x170 ss:$0x1], $0xffff  }
.LBB2_9:
0x349: {  	s19 =	sshra.s32 s14, $0x2;
	v15 =	vld.idx.msk [tilespmem:v2+s13+$0x170 ss:$0x1], $0xffff  }
0x34a: {  	v5 =	vmul.f32 v6, v5;
	v16 =	vld.idx.msk [tilespmem:v1+s19+$0x180 ss:$0x1], $0xffff;
	[tilespmem:s13+$0xD7F0] =	vst v14  }
0x34b: {  	v7 =	vmul.f32 v7, v13;
	v6 =	vld [tilespmem:s19+$0x9780]  }
0x34c: {  	v3 =	vmul.f32 v8, v3;
	v13 =	vld.idx.msk [tilespmem:v2+s19+$0x180 ss:$0x1], $0xffff  }
0x34d: {  	v5 =	vadd.f32 v7, v5;
	v7 =	vmul.f32 v10, v11;
	v8 =	vld [tilespmem:s19+$0x9600]  }
0x34e: {  	v4 =	vmul.f32 v12, v4;
	v10 =	vld [tilespmem:s19+$0x9680]  }
0x34f: {  	v3 =	vadd.f32 v7, v3;
	v11 =	vld [tilespmem:s19+$0x9700];
	[tilespmem:s13+$0xD670] =	vst v5;
	v5 =	vmul.f32 v15, v9  }
0x350: {  	v7 =	vld.idx.msk [tilespmem:v1+s19+$0x0 ss:$0x1], $0xffff;
	v9 =	vperm.xlane v6, v0  }
0x351: {  	s2 =	sadd.s32 $0x4, s2;
	v12 =	vld.idx.msk [tilespmem:v2+s19+$0x0 ss:$0x1], $0xffff;
	[tilespmem:s13+$0xD6F0] =	vst v3;
	v3 =	vadd.f32 v5, v4  }
0x352: {  	p0 =	slt.u32 s2, $0x3C;
	v5 =	vmul.f32 v16, v6;
	v4 =	vld.idx.msk [tilespmem:v1+s19+$0x80 ss:$0x1], $0xffff;
	v6 =	vmul.f32 v13, v9  }
0x353: {  	v9 =	vperm.xlane v8, v0;
	v13 =	vperm.xlane v10, v0;
	v14 =	vld.idx.msk [tilespmem:v2+s19+$0x80 ss:$0x1], $0xffff;
	[tilespmem:s13+$0xD770] =	vst v3;
	s13 =	smov.u32 s19  }
0x354: {  	v3 =	vperm.xlane v11, v0;
	v15 =	vld.idx.msk [tilespmem:v1+s13+$0x100 ss:$0x1], $0xffff;
	v5 =	vadd.f32 v6, v5  }
0x355: {  	v6 =	vld.idx.msk [tilespmem:v2+s13+$0x100 ss:$0x1], $0xffff  }
0x356: {  	v7 =	vmul.f32 v7, v8;
	[tilespmem:s13+$0xD780] =	vst v5;
	v5 =	vld [tilespmem:s13+$0x9790]  }
0x357: {  	v8 =	vmul.f32 v12, v9;
	v9 =	vld.idx.msk [tilespmem:v1+s13+$0x190 ss:$0x1], $0xffff  }
0x358: {  	v4 =	vmul.f32 v4, v10;
	v10 =	vld.idx.msk [tilespmem:v2+s13+$0x190 ss:$0x1], $0xffff  }
0x359: {  	v7 =	vadd.f32 v8, v7;
	v12 =	vmul.f32 v14, v13;
	v8 =	vld [tilespmem:s13+$0x9610]  }
0x35a: {  	v11 =	vmul.f32 v15, v11;
	v13 =	vld [tilespmem:s13+$0x9690]  }
0x35b: {  	v4 =	vadd.f32 v12, v4;
	v3 =	vmul.f32 v6, v3;
	[tilespmem:s13+$0xD600] =	vst v7;
	v6 =	vld [tilespmem:s13+$0x9710]  }
0x35c: {  	v12 =	vperm.xlane v5, v0;
	v7 =	vld.idx.msk [tilespmem:v1+s13+$0x10 ss:$0x1], $0xffff  }
0x35d: {  	v3 =	vadd.f32 v3, v11;
	v14 =	vld.idx.msk [tilespmem:v2+s13+$0x10 ss:$0x1], $0xffff;
	[tilespmem:s13+$0xD680] =	vst v4  }
0x35e: {  	v5 =	vmul.f32 v9, v5;
	v9 =	vmul.f32 v10, v12;
	v4 =	vld.idx.msk [tilespmem:v1+s13+$0x90 ss:$0x1], $0xffff  }
0x35f: {  	v10 =	vperm.xlane v8, v0;
	v11 =	vperm.xlane v13, v0;
	v12 =	vld.idx.msk [tilespmem:v2+s13+$0x90 ss:$0x1], $0xffff;
	[tilespmem:s13+$0xD700] =	vst v3  }
0x360: {  	v5 =	vadd.f32 v9, v5;
	v3 =	vperm.xlane v6, v0;
	v15 =	vld.idx.msk [tilespmem:v1+s13+$0x110 ss:$0x1], $0xffff  }
0x361: {  	v9 =	vld.idx.msk [tilespmem:v2+s13+$0x110 ss:$0x1], $0xffff  }
0x362: {  	v7 =	vmul.f32 v7, v8;
	[tilespmem:s13+$0xD790] =	vst v5;
	v5 =	vld [tilespmem:s13+$0x97A0]  }
0x363: {  	v8 =	vmul.f32 v14, v10;
	v10 =	vld.idx.msk [tilespmem:v1+s13+$0x1A0 ss:$0x1], $0xffff  }
0x364: {  	v4 =	vmul.f32 v4, v13;
	v13 =	vld.idx.msk [tilespmem:v2+s13+$0x1A0 ss:$0x1], $0xffff  }
0x365: {  	v7 =	vadd.f32 v8, v7;
	v11 =	vmul.f32 v12, v11;
	v8 =	vld [tilespmem:s13+$0x9620]  }
0x366: {  	v6 =	vmul.f32 v15, v6;
	v12 =	vld [tilespmem:s13+$0x96A0]  }
0x367: {  	v4 =	vadd.f32 v11, v4;
	v3 =	vmul.f32 v9, v3;
	[tilespmem:s13+$0xD610] =	vst v7;
	v7 =	vld [tilespmem:s13+$0x9720]  }
0x368: {  	v11 =	vperm.xlane v5, v0;
	v9 =	vld.idx.msk [tilespmem:v1+s13+$0x20 ss:$0x1], $0xffff  }
0x369: {  	v3 =	vadd.f32 v3, v6;
	v14 =	vld.idx.msk [tilespmem:v2+s13+$0x20 ss:$0x1], $0xffff;
	[tilespmem:s13+$0xD690] =	vst v4  }
0x36a: {  	v5 =	vmul.f32 v10, v5;
	v6 =	vmul.f32 v13, v11;
	v4 =	vld.idx.msk [tilespmem:v1+s13+$0xA0 ss:$0x1], $0xffff  }
0x36b: {  	v10 =	vperm.xlane v8, v0;
	v11 =	vperm.xlane v12, v0;
	v13 =	vld.idx.msk [tilespmem:v2+s13+$0xA0 ss:$0x1], $0xffff;
	[tilespmem:s13+$0xD710] =	vst v3  }
0x36c: {  	v5 =	vadd.f32 v6, v5;
	v3 =	vperm.xlane v7, v0;
	v15 =	vld.idx.msk [tilespmem:v1+s13+$0x120 ss:$0x1], $0xffff  }
0x36d: {  	v6 =	vld.idx.msk [tilespmem:v2+s13+$0x120 ss:$0x1], $0xffff  }
0x36e: {  	v8 =	vmul.f32 v9, v8;
	[tilespmem:s13+$0xD7A0] =	vst v5;
	v5 =	vld [tilespmem:s13+$0x97B0]  }
0x36f: {  	v9 =	vmul.f32 v14, v10;
	v10 =	vld.idx.msk [tilespmem:v1+s13+$0x1B0 ss:$0x1], $0xffff  }
0x370: {  	v4 =	vmul.f32 v4, v12;
	v12 =	vld.idx.msk [tilespmem:v2+s13+$0x1B0 ss:$0x1], $0xffff  }
0x371: {  	v8 =	vadd.f32 v9, v8;
	v11 =	vmul.f32 v13, v11;
	v9 =	vld [tilespmem:s13+$0x9630]  }
0x372: {  	v7 =	vmul.f32 v15, v7;
	v13 =	vld [tilespmem:s13+$0x96B0]  }
0x373: {  	v4 =	vadd.f32 v11, v4;
	v3 =	vmul.f32 v6, v3;
	[tilespmem:s13+$0xD620] =	vst v8;
	v6 =	vld [tilespmem:s13+$0x9730]  }
0x374: {  	v11 =	vperm.xlane v5, v0;
	v8 =	vld.idx.msk [tilespmem:v1+s13+$0x30 ss:$0x1], $0xffff  }
0x375: {  	v3 =	vadd.f32 v3, v7;
	v14 =	vld.idx.msk [tilespmem:v2+s13+$0x30 ss:$0x1], $0xffff;
	[tilespmem:s13+$0xD6A0] =	vst v4  }
0x376: {  	v5 =	vmul.f32 v10, v5;
	v7 =	vmul.f32 v12, v11;
	v4 =	vld.idx.msk [tilespmem:v1+s13+$0xB0 ss:$0x1], $0xffff  }
0x377: {  	v10 =	vperm.xlane v9, v0;
	v11 =	vperm.xlane v13, v0;
	v12 =	vld.idx.msk [tilespmem:v2+s13+$0xB0 ss:$0x1], $0xffff;
	[tilespmem:s13+$0xD720] =	vst v3  }
0x378: {  	v5 =	vadd.f32 v7, v5;
	v3 =	vperm.xlane v6, v0;
	v15 =	vld.idx.msk [tilespmem:v1+s13+$0x130 ss:$0x1], $0xffff  }
0x379: {  	v7 =	vld.idx.msk [tilespmem:v2+s13+$0x130 ss:$0x1], $0xffff  }
0x37a: {  	v8 =	vmul.f32 v8, v9;
	[tilespmem:s13+$0xD7B0] =	vst v5;
	v5 =	vld [tilespmem:s13+$0x97C0]  }
0x37b: {  	v9 =	vmul.f32 v14, v10;
	v10 =	vld.idx.msk [tilespmem:v1+s13+$0x1C0 ss:$0x1], $0xffff  }
0x37c: {  	v4 =	vmul.f32 v4, v13;
	v13 =	vld.idx.msk [tilespmem:v2+s13+$0x1C0 ss:$0x1], $0xffff  }
0x37d: {  	v8 =	vadd.f32 v9, v8;
	v11 =	vmul.f32 v12, v11;
	v9 =	vld [tilespmem:s13+$0x9640]  }
0x37e: {  	v6 =	vmul.f32 v15, v6;
	v12 =	vld [tilespmem:s13+$0x96C0]  }
0x37f: {  	v4 =	vadd.f32 v11, v4;
	v3 =	vmul.f32 v7, v3;
	[tilespmem:s13+$0xD630] =	vst v8;
	v7 =	vld [tilespmem:s13+$0x9740]  }
0x380: {  	v11 =	vperm.xlane v5, v0;
	v8 =	vld.idx.msk [tilespmem:v1+s13+$0x40 ss:$0x1], $0xffff  }
0x381: {  	v3 =	vadd.f32 v3, v6;
	v14 =	vld.idx.msk [tilespmem:v2+s13+$0x40 ss:$0x1], $0xffff;
	[tilespmem:s13+$0xD6B0] =	vst v4  }
0x382: {  	v5 =	vmul.f32 v10, v5;
	v6 =	vmul.f32 v13, v11;
	v4 =	vld.idx.msk [tilespmem:v1+s13+$0xC0 ss:$0x1], $0xffff  }
0x383: {  	v10 =	vperm.xlane v9, v0;
	v11 =	vperm.xlane v12, v0;
	v13 =	vld.idx.msk [tilespmem:v2+s13+$0xC0 ss:$0x1], $0xffff;
	[tilespmem:s13+$0xD730] =	vst v3  }
0x384: {  	v5 =	vadd.f32 v6, v5;
	v3 =	vperm.xlane v7, v0;
	v15 =	vld.idx.msk [tilespmem:v1+s13+$0x140 ss:$0x1], $0xffff  }
0x385: {  	v6 =	vld.idx.msk [tilespmem:v2+s13+$0x140 ss:$0x1], $0xffff  }
0x386: {  	v8 =	vmul.f32 v8, v9;
	[tilespmem:s13+$0xD7C0] =	vst v5;
	v5 =	vld [tilespmem:s13+$0x97D0]  }
0x387: {  	v9 =	vmul.f32 v14, v10;
	v10 =	vld.idx.msk [tilespmem:v1+s13+$0x1D0 ss:$0x1], $0xffff  }
0x388: {  	v4 =	vmul.f32 v4, v12;
	v12 =	vld.idx.msk [tilespmem:v2+s13+$0x1D0 ss:$0x1], $0xffff  }
0x389: {  	v8 =	vadd.f32 v9, v8;
	v11 =	vmul.f32 v13, v11;
	v9 =	vld [tilespmem:s13+$0x9650]  }
0x38a: {  	v7 =	vmul.f32 v15, v7;
	v13 =	vld [tilespmem:s13+$0x96D0]  }
0x38b: {  	v4 =	vadd.f32 v11, v4;
	v3 =	vmul.f32 v6, v3;
	[tilespmem:s13+$0xD640] =	vst v8;
	v6 =	vld [tilespmem:s13+$0x9750]  }
0x38c: {  	v11 =	vperm.xlane v5, v0;
	v8 =	vld.idx.msk [tilespmem:v1+s13+$0x50 ss:$0x1], $0xffff  }
0x38d: {  	v3 =	vadd.f32 v3, v7;
	v14 =	vld.idx.msk [tilespmem:v2+s13+$0x50 ss:$0x1], $0xffff;
	[tilespmem:s13+$0xD6C0] =	vst v4  }
0x38e: {  	v5 =	vmul.f32 v10, v5;
	v7 =	vmul.f32 v12, v11;
	v4 =	vld.idx.msk [tilespmem:v1+s13+$0xD0 ss:$0x1], $0xffff  }
0x38f: {  	v10 =	vperm.xlane v9, v0;
	v11 =	vperm.xlane v13, v0;
	v12 =	vld.idx.msk [tilespmem:v2+s13+$0xD0 ss:$0x1], $0xffff;
	[tilespmem:s13+$0xD740] =	vst v3  }
0x390: {  	v5 =	vadd.f32 v7, v5;
	v3 =	vperm.xlane v6, v0;
	v15 =	vld.idx.msk [tilespmem:v1+s13+$0x150 ss:$0x1], $0xffff  }
0x391: {  	v7 =	vld.idx.msk [tilespmem:v2+s13+$0x150 ss:$0x1], $0xffff  }
0x392: {  	v8 =	vmul.f32 v8, v9;
	[tilespmem:s13+$0xD7D0] =	vst v5;
	v5 =	vld [tilespmem:s13+$0x97E0]  }
0x393: {  	v9 =	vmul.f32 v14, v10;
	v10 =	vld.idx.msk [tilespmem:v1+s13+$0x1E0 ss:$0x1], $0xffff  }
0x394: {  	v4 =	vmul.f32 v4, v13;
	v13 =	vld.idx.msk [tilespmem:v2+s13+$0x1E0 ss:$0x1], $0xffff  }
0x395: {  	v8 =	vadd.f32 v9, v8;
	v11 =	vmul.f32 v12, v11;
	v9 =	vld [tilespmem:s13+$0x9660]  }
0x396: {  	v6 =	vmul.f32 v15, v6;
	v12 =	vld [tilespmem:s13+$0x96E0]  }
0x397: {  	v4 =	vadd.f32 v11, v4;
	v3 =	vmul.f32 v7, v3;
	[tilespmem:s13+$0xD650] =	vst v8;
	v7 =	vld [tilespmem:s13+$0x9760]  }
0x398: {  	v11 =	vperm.xlane v5, v0;
	v8 =	vld.idx.msk [tilespmem:v1+s13+$0x60 ss:$0x1], $0xffff  }
0x399: {  	v3 =	vadd.f32 v3, v6;
	v14 =	vld.idx.msk [tilespmem:v2+s13+$0x60 ss:$0x1], $0xffff;
	[tilespmem:s13+$0xD6D0] =	vst v4  }
0x39a: {  	v5 =	vmul.f32 v10, v5;
	v6 =	vmul.f32 v13, v11;
	v4 =	vld.idx.msk [tilespmem:v1+s13+$0xE0 ss:$0x1], $0xffff  }
0x39b: {  	v10 =	vperm.xlane v9, v0;
	v11 =	vperm.xlane v12, v0;
	v13 =	vld.idx.msk [tilespmem:v2+s13+$0xE0 ss:$0x1], $0xffff;
	[tilespmem:s13+$0xD750] =	vst v3  }
0x39c: {  	v3 =	vadd.f32 v6, v5;
	v15 =	vperm.xlane v7, v0;
	v16 =	vld.idx.msk [tilespmem:v1+s13+$0x160 ss:$0x1], $0xffff  }
0x39d: {  	v6 =	vld.idx.msk [tilespmem:v2+s13+$0x160 ss:$0x1], $0xffff  }
0x39e: {  	v5 =	vmul.f32 v8, v9;
	[tilespmem:s13+$0xD7E0] =	vst v3;
	v9 =	vld [tilespmem:s13+$0x97F0]  }
0x39f: {  	v3 =	vmul.f32 v14, v10;
	v10 =	vld.idx.msk [tilespmem:v1+s13+$0x1F0 ss:$0x1], $0xffff  }
0x3a0: {  	v4 =	vmul.f32 v4, v12;
	v12 =	vld.idx.msk [tilespmem:v2+s13+$0x1F0 ss:$0x1], $0xffff  }
0x3a1: {  	v8 =	vadd.f32 v3, v5;
	v11 =	vmul.f32 v13, v11;
	v5 =	vld [tilespmem:s13+$0x9670]  }
0x3a2: {  	v13 =	vmul.f32 v16, v7;
	v3 =	vld [tilespmem:s13+$0x96F0]  }
0x3a3: {  	[tilespmem:s13+$0xD660] =	vst v8;
	v8 =	vadd.f32 v11, v4;
	v11 =	vmul.f32 v6, v15;
	v4 =	vld [tilespmem:s13+$0x9770]  }
.Ltmp3:
0x3a4: {  	v14 =	vperm.xlane v9, v0;
	v6 =	vld.idx.msk [tilespmem:v1+s13+$0x70 ss:$0x1], $0xffff;
	(pc) =	sbr.rel @p0 .LBB2_9-.Ltmp3, $4  }
0x3a5: {  	v7 =	vld.idx.msk [tilespmem:v2+s13+$0x70 ss:$0x1], $0xffff;
	[tilespmem:s13+$0xD6E0] =	vst v8;
	v15 =	vadd.f32 v11, v13  }
0x3a6: {  	v16 =	vmul.f32 v10, v9;
	v14 =	vmul.f32 v12, v14;
	v8 =	vld.idx.msk [tilespmem:v1+s13+$0xF0 ss:$0x1], $0xffff  }
0x3a7: {  	v13 =	vperm.xlane v5, v0;
	v11 =	vperm.xlane v3, v0;
	v10 =	vld.idx.msk [tilespmem:v2+s13+$0xF0 ss:$0x1], $0xffff;
	[tilespmem:s13+$0xD760] =	vst v15  }
0x3a8: {  	s14 =	sadd.s32 $0x800, s14;
	v14 =	vadd.f32 v14, v16;
	v9 =	vperm.xlane v4, v0;
	v12 =	vld.idx.msk [tilespmem:v1+s13+$0x170 ss:$0x1], $0xffff  }
0x3a9: {  	_ =	sdelay $0x3  }
0x3aa: {  	v1 =	vld.idx.msk [tilespmem:v2+s13+$0x170 ss:$0x1], $0xffff;
	_ =	sdelay $0x2  }
0x3ab: {  	v2 =	vmul.f32 v6, v5;
	s11 =	sadd.s32 $0x1, s11;
	s0 =	sadd.s32 $0x8000, s0;
	v62 =	vmul.f32 v7, v13  }
0x3ac: {  	s9 =	sadd.s32 $0x100, s9;
	s1 =	sadd.s32 $0x8000, s1;
	s10 =	sadd.s32 $0x8000, s10;
	[tilespmem:s13+$0xD7F0] =	vst v14;
	v3 =	vmul.f32 v8, v3;
	v63 =	vmul.f32 v10, v11  }
0x3ad: {  	s7 =	sadd.s32 $0x100, s7;
	p0 =	sne.s32 s11, $0x19;
	s2 =	rddreg [dreg:$0x8];
	v2 =	vadd.f32 v62, v2;
	v4 =	vmul.f32 v12, v4;
	v1 =	vmul.f32 v1, v9  }
.Ltmp4:
0x3ae: {  	s12 =	sadd.s32 $0x8000, s12;
	s2 =	sshll.u32 s2, $0xD;
	v3 =	vadd.f32 v63, v3;
	(pc) =	sbr.rel @p0 .LBB2_2-.Ltmp4, $4  }
0x3af: {  	s15 =	sadd.s32 $0x8000, s15;
	s16 =	sadd.s32 $0x100, s16;
	s2 =	sadd.s32 s8, s2;
	[tilespmem:s13+$0xD670] =	vst v2;
	v1 =	vadd.f32 v1, v4  }
0x3b0: {  	s17 =	sadd.s32 $0x8000, s17;
	s18 =	sadd.s32 $0x8000, s18;
	s2 =	sshrl.u32 s2, $0x3;
	[tilespmem:s13+$0xD6F0] =	vst v3  }
0x3b1: {  	s4 =	sadd.s32 $0x100, s4;
	s5 =	sadd.s32 $0x8000, s5;
	s2 =	sadd.s32 s6, s2;
	[tilespmem:s13+$0xD770] =	vst v1  }
0x3b2: {  	[hbm4b:s2+s31] =	stream.linear.scatter [tilespmem:s24], [sflag:$0x6], $0x2000, $0x38;
	[tilespmem:$0x1F600] =	vst v63  }
0x3b3: {  	s0 =	simm.s32 $0x5  }
0x3b4: {  	_ =	swait.ge [sflag:s0], $0x2000  }
0x3b5: {  	[sflag:s0] =	ssyncset.done $0x0  }
0x3b6: {  	s1 =	simm.s32 $0x6;
	[sflag:s0] =	ssyncadd.s32 $0xFFFFE000  }
0x3b7: {  	_ =	swait.ge [sflag:s1], $0x2000  }
0x3b8: {  	s2 =	rddreg [dreg:$0x7]  }
0x3b9: {  	s30 =	rddreg [dreg:$0x6];
	s2 =	sadd.s32 $0x1, s2  }
0x3ba: {  	p0 =	sne.s32 s2, s30  }
.Ltmp5:
0x3bb: {  	_ = 	snop;
	(pc) =	sbr.rel @p0 .LBB2_1-.Ltmp5, $3  }
0x3bc: {  	_ =	sdelay $0x1  }
0x3bd: {  	[sflag:s1] =	ssyncset.done $0x0  }
0x3be: {  	[sflag:s1] =	ssyncadd.s32 $0xFFFFE000  }
0x3bf: {  	_ =	sfence.sel $0x180000  }
0x3c0: {  	[bflag:$0x0] =	sbarrier.arrive $0xFFFF  }
0x3c1: {  	_ =	strace $0x90000047  }
0x3c2: {  	s0 =	stileid.u32;
	[bflag:$0x2] =	sbarrier.arrive $0xFFFF  }
0x3c3: {  	p0 =	sne.s32 s0, $0x0;
	s0 =	rddreg [dreg:$0x2]  }
0x3c4: {  	s0 =	sadd.s32 @!p0 $0x100000, s0  }
0x3c5: {  	[sflag:s0] =	ssyncadd.tile.s32 @!p0 $0x1;
	_ =	shalt  }
.Lfunc_end2:
_tile_overlayer_lowered:
.L_overlay_start_2:
0x3c6: {  	(tag) =	ssettag $0x2  }
0x3c7: {  	s0 =	rddreg [dreg:$0x0];
	s2 =	stileid.u32  }
0x3c8: {  	s1 =	rddreg [dreg:$0x1];
	p0 =	sne.s32 s2, $0x0  }
0x3c9: {  	s3 =	rddreg [dreg:$0x2];
	[bflag:$0x3] =	sbarrier.arrive $0xFFFF;
	s2 =	simm.s32 @!p0 $0x1C07  }
0x3ca: {  	[timem:s3], [sflag:s2] =	dma.local @!p0 [hbm:s0], s1  }
0x3cb: {  	s0 =	simm.s32 @!p0 $0x7  }
0x3cc: {  	_ =	swait.ge @!p0 [sflag:s0], s1  }
0x3cd: {  	s1 =	ssub.s32 @!p0 $0x0, s1;
	[sflag:s0] =	ssyncset.done @!p0 $0x0  }
0x3ce: {  	[sflag:s0] =	ssyncadd.s32 @!p0 s1  }
0x3cf: {  	[bflag:$0x3] =	sbarrier.arrive $0xFFFF  }
0x3d0: {  	_ =	shalt  }

// kernel: sparse-core-data-format-call.cloned.1.call-start
scs
called_computation_lowered:
.L_overlay_start_0:
0x0: {  	s2 =	sld [smem:$0x3FD9]  }
0x1: {  	s3 =	sld [smem:$0x3FFE];
	_ =	sdelay $0x1  }
0x2: {  	s1 =	srdreg.scid  }
0x3: {  	s0 =	sand.u32 $0x1, s1  }
0x4: {  	s18 =	sshll.u32 s0, $0xA;
	s2 =	sadd.s32 s3, s2  }
0x5: {  	s2 =	sadd.s32 s2, s18  }
0x6: {  	[smem:$0x3FC6] =	sst s2  }
0x7: {  	_ = 	snop  }
0x8: {  	s2 =	sld [smem:$0x3FD0];
	(tm) =	ssettm $0x1  }
0x9: {  	s19 =	sld [smem:$0x3FFB];
	_ =	sdelay $0x3  }
0xa: {  	_ =	strace s19  }
0xb: {  	s3 =	sld [smem:$0x3FFC];
	_ =	sdelay $0x3  }
0xc: {  	_ =	strace s3  }
0xd: {  	s3 =	sld [smem:$0x3FFD];
	_ =	sdelay $0x3  }
0xe: {  	_ =	strace s3  }
0xf: {  	_ =	strace $0x8FFFFFFF  }
0x10: {  	s20 =	sld [smem:$0x3FDB];
	_ =	sdelay $0x1  }
0x11: {  	s4 =	simm.s32 $_scs_section_size  }
0x12: {  	s5 =	simm.s32 $_size__tile_overlayer_lowered;
	s6 =	simm.s32 $_tile_overlayer_lowered  }
0x13: {  	s23 =	simm.s32 $0x1BFF;
	s22 =	sshll.u32 s6, $0x1;
	s3 =	sadd.s32 s4, s20  }
0x14: {  	s7 =	simm.s32 $0x0;
	s21 =	sshll.u32 s5, $0x1;
	s5 =	sadd.s32 s22, s3  }
0x15: {  	[timem:s7], [sflag:s23] =	dma.local [hbm:s5], s21  }
0x16: {  	_ =	swait.ge [sflag:s23], s21  }
0x17: {  	s4 =	ssub.s32 $0x0, s21;
	[sflag:s23] =	ssyncset.done $0x0  }
0x18: {  	[sflag:s23] =	ssyncadd.s32 s4;
	_ =	sdelay $0x1  }
0x19: {  	s24 =	simm.s32 $0x1B8B  }
0x1a: {  	_ =	swait.ge [sflag:s24], $0x1  }
0x1b: {  	[sflag:s24] =	ssyncset.done $0x0  }
0x1c: {  	s26 =	simm.s32 $0x1B8E;
	s25 =	sld [smem:$0x3FFE];
	[sflag:s24] =	ssyncadd.s32 $0xFFFFFFFF  }
0x1d: {  	s27 =	simm.s32 $execute0_lowered;
	[smem:$0x3FD2] =	sst s26  }
0x1e: {  	s5 =	sshll.u32 s27, $0x1;
	_ =	strace $0x80000049;
	[dreg:$0x1] =	wrdreg $0xFFFFFFFF  }
0x1f: {  	s28 =	simm.s32 $_size_execute0_lowered;
	s3 =	sadd.s32 s3, s5;
	[dreg:$0x0] =	wrdreg $0x0  }
0x20: {  	s5 =	sshll.u32 s28, $0x1;
	[dreg:$0x2] =	wrdreg s3  }
0x21: {  	[dreg:$0x3] =	wrdreg s5  }
0x22: {  	[dreg:$0x4] =	wrdreg $0xC0  }
0x23: {  	_ =	task [dreg:s7], $0x5FFFF  }
0x24: {  	[dreg:$0x1] =	wrdreg $0xFFFFFFFF  }
0x25: {  	[dreg:$0x0] =	wrdreg $0x60  }
0x26: {  	[dreg:$0x2] =	wrdreg s25  }
0x27: {  	[dreg:$0x3] =	wrdreg s2  }
0x28: {  	[dreg:$0x4] =	wrdreg $0x9  }
0x29: {  	_ =	task.clear_ibuf [dreg:s7], $0x5FFFF;
	_ =	strace $0x90000049  }
0x2a: {  	s29 =	simm.s32 $0x9;
	_ =	strace $0x8000004B  }
0x2b: {  	_ =	swait.ge [sflag:s29], $0x1  }
0x2c: {  	[sflag:s29] =	ssyncadd.s32 $0xFFFFFFFF  }
0x2d: {  	_ =	strace $0x9000004B  }
0x2e: {  	_ =	sfence  }
0x2f: {  	s30 =	sld [smem:$0x0];
	_ =	sdelay $0x2  }
0x30: {  	s31 =	sshll.u32 s1, $0xD;
	s1 =	sshrl.u32 s1, $0x2  }
0x31: {  	s3 =	sand.u32 $0x4000, s31;
	s1 =	sadd.s32 s1, s30  }
0x32: {  	s0 =	sor.u32 s3, s0;
	s1 =	sshll.u32 s1, $0x11  }
0x33: {  	s0 =	sor.u32 s1, s0  }
0x34: {  	s0 =	sadd.s32 $0x8F2B, s0  }
0x35: {  	[sflag:s0] =	ssyncadd.remote.s32 $0x1  }
0x36: {  	_ =	sfence.sel $0xFFFF  }
0x37: {  	[dreg:$0x0] =	wrdreg $0xFFFFFFFF;
	(pc) =	sbr.abs _section_cstart, $3  }
0x38: {  	[dreg:$0x1] =	wrdreg $0xFFFFFFFF  }
0x39: {  	_ =	task.clear_ibuf [dreg:s7], $0x2FFFF;
	_ =	strace $0x9FFFFFFF  }
0x3a: {  	(tm) =	ssettm $0x7FFFFFFF  }
0x3b: {  	_ =	shalt  }
tec
execute0_lowered:
.L_overlay_start_1:
0x0: {  	(tag) =	ssettag $0x1  }
0x1: {  	s0 =	stileid.u32;
	s6 =	rddreg [dreg:$0x0]  }
0x2: {  	s2 =	rddreg [dreg:$0x1];
	s5 =	srdreg.scid  }
0x3: {  	s31 =	simm.s32 $0x2;
	s13 =	simm.s32 $0x0;
	s1 =	sshll.u32 s0, $0x7  }
0x4: {  	s14 =	simm.s32 $0x0;
	s12 =	simm.s32 $0x0;
	s3 =	sand.u32 $0x380, s1  }
0x5: {  	s5 =	sshll.u32 s5, $0x4;
	s6 =	sadd.s32 $0x323400, s6;
	s4 =	ssub.s32 $0x400, s3  }
0x6: {  	s1 =	rddreg [dreg:$0x2];
	_ =	strace $0x8000004A;
	s7 =	sand.u32 $0x380, s4  }
0x7: {  	s5 =	sand.u32 $0x10, s5;
	p0 =	sne.s32 s7, $0x0;
	s7 =	simm.s32 $0x1  }
.Ltmp0:
0x8: {  	s8 =	sshrl.u32 s4, $0xA;
	s7 =	simm.s32 @!p0 $0x0;
	(pc) =	sbr.rel .LBB1_1-.Ltmp0, $4  }
0x9: {  	s9 =	sor.u32 s0, s5;
	s4 =	simm.s32 $0x1;
	s30 =	sadd.s32 s7, s8  }
0xa: {  	s11 =	smov.u32 s3;
	[sflag:s4] =	ssyncpa.u1 $0x0;
	s5 =	smul.u32 $0x32, s30  }
0xb: {  	[sflag:s31] =	ssyncpa.u1 $0x0;
	p0 =	por $0x0, $0x0;
	s7 =	sshrl.u32 s9, $0x3  }
0xc: {  	s9 =	simm.s32 $0x2000;
	s10 =	smov.u32 s7;
	s8 =	sor.u32 $0x1, s5  }
.LBB1_4:
0xd: {  	s17 =	sand.u32 $0x1F80, s14;
	s13 =	sshll.u32 s13, $0xD  }
0xe: {  	[tilespmem:s16+$0x810 ss:$0x81] =	vst.msk $0xffff, v2;
	s18 =	sshrl.u32 s14, $0x3;
	s31 =	sand.u32 $0x7, s14;
	s17 =	sadd.s32 s2, s17  }
0xf: {  	[tilespmem:s16+$0x1020 ss:$0x81] =	vst.msk $0xffff, v0;
	s18 =	sand.u32 $0xF, s18;
	s14 =	sshll.u32 s31, $0x12;
	s13 =	sadd.s32 s13, s17  }
0x10: {  	[tilespmem:s16+$0x0 ss:$0x81] =	vst.msk $0xffff, v1;
	s14 =	sor.u32 $0x400, s14;
	s13 =	sadd.s32 s18, s13  }
0x11: {  	[hbm4b:s13+s14] =	stream.strided.scatter [tilespmem:s15], [sflag:$0x2], $0x2000, s9, s14, $0x20;
	[tilespmem:$0x8080] =	vst v63  }
.LBB1_5:
0x12: {  	s15 =	sadd.s32 $0x4, s10  }
0x13: {  	s13 =	sadd.s32 $0x400, s11;
	s17 =	smov.u32 s11;
	p2 =	sgt.s32 s15, $0xC7  }
0x14: {  	s17 =	smov.u32 @p2 s13  }
0x15: {  	s15 =	smov.u32 @p2 s7;
	p2 =	sgt.s32 s17, $0x3FF  }
0x16: {  	s17 =	smov.u32 @p2 s3;
	p2 =	sne.s32 s12, s8  }
.Ltmp1:
0x17: {  	p1 =	slt.u32 s12, $0x2;
	(pc) =	sbr.rel @!p2 .LBB1_6-.Ltmp1, $4  }
0x18: {  	s16 =	simm.s32 @!p1 $0x2  }
0x19: {  	s14 =	smov.u32 s11;
	p0 =	por !p0, !p0;
	_ =	swait.ge @!p1 [sflag:s16], $0x2000  }
0x1a: {  	s13 =	smov.u32 s10;
	[sflag:s16] =	ssyncset.done @!p1 $0x0;
	s10 =	smov.u32 s15  }
0x1b: {  	s12 =	sadd.s32 $0x1, s12;
	[sflag:s16] =	ssyncadd.s32 @!p1 $0xFFFFE000;
	s11 =	smov.u32 s17  }
.LBB1_1:
0x1c: {  	p1 =	sge.u32 s12, s5  }
0x1d: {  	s15 =	sand.u32 @!p1 $0x1FFFFFF, s10  }
0x1e: {  	s16 =	smulhi.u32 @!p1 $0x147AE15, s15;
	_ =	sdelay $0x1  }
0x1f: {  	s16 =	smul.u32 @!p1 $0xC8, s16  }
0x20: {  	s17 =	sxor.u32 @!p1 $0xFFFFFFFF, s12;
	s18 =	smul.u32 @!p1 $0xC80, s11  }
0x21: {  	s31 =	sadd.s32 $0xFFFFFFFF, s12;
	s17 =	sshll.u32 @!p1 s17, $0xD;
	s15 =	ssub.s32 @!p1 s15, s16  }
0x22: {  	s16 =	sand.u32 @!p1 $0x2000, s17;
	s17 =	sadd.s32 @!p1 s6, s18;
	s15 =	sshll.u32 @!p1 s15, $0x4  }
0x23: {  	s18 =	simm.s32 @!p1 $0x6400;
	s15 =	sadd.s32 @!p1 s15, s17;
	s17 =	simm.s32 @!p1 $0x40  }
0x24: {  	[tilespmem:s16], [sflag:$0x1] =	stream.strided.gather @!p1 [hbm4b:s15+s17], $0x2000, s18, s17, $0x38;
	[tilespmem:$0x8080] =	vst v63  }
0x25: {  	p1 =	sge.u32 s31, s5  }
.Ltmp2:
0x26: {  	_ = 	snop;
	(pc) =	sbr.rel @p1 .LBB1_5-.Ltmp2, $1  }
0x27: {  	_ =	sdelay $0x3  }
0x28: {  	s15 =	simm.s32 $0x1  }
0x29: {  	_ =	swait.ge [sflag:s4], $0x2000;
	s15 =	simm.s32 @!p0 $0x0  }
0x2a: {  	[sflag:s4] =	ssyncset.done $0x0;
	s16 =	sshll.u32 s15, $0xD  }
0x2b: {  	[sflag:s4] =	ssyncadd.s32 $0xFFFFE000;
	s19 =	sor.u32 $0x20, s16  }
0x2c: {  	s15 =	smul.u32 $0x8100, s15;
	v3 =	vld [tilespmem:s19+$0x10]  }
0x2d: {  	s30 =	sand.u32 $0x1, s12;
	v2 =	vld [tilespmem:s19+$0xFFFFFFF0]  }
0x2e: {  	s16 =	smul.u32 $0x8100, s30;
	s15 =	sshrl.u32 s15, $0x2;
	v0 =	vld [tilespmem:s19+$0x0]  }
0x2f: {  	v1 =	vld [tilespmem:s19+$0xFFFFFFE0];
	s17 =	sor.u32 $0x4000, s15  }
0x30: {  	s31 =	sshrl.u32 s16, $0x2;
	s16 =	sadd.s32 $0x0, s17  }
0x31: {  	s18 =	simm.s32 $0x4;
	s19 =	sadd.s32 $0x40, s19;
	s15 =	sor.u32 $0x4000, s31;
	[tilespmem:s16+$0x1830 ss:$0x81] =	vst.msk $0xffff, v3  }
.LBB1_3:
0x32: {  	v3 =	vld [tilespmem:s19+$0x10];
	p1 =	sne.s32 s18, $0x1FC;
	[tilespmem:s16+$0x810 ss:$0x81] =	vst.msk $0xffff, v2;
	s20 =	smov.u32 s18;
	s18 =	sadd.s32 $0x4, s18  }
.Ltmp3:
0x33: {  	v2 =	vld [tilespmem:s19+$0xFFFFFFF0];
	[tilespmem:s16+$0x1020 ss:$0x81] =	vst.msk $0xffff, v0;
	(pc) =	sbr.rel @p1 .LBB1_3-.Ltmp3, $4  }
0x34: {  	v0 =	vld [tilespmem:s19+$0x0];
	[tilespmem:s16+$0x0 ss:$0x81] =	vst.msk $0xffff, v1  }
0x35: {  	s16 =	sshra.s32 s20, $0x2;
	v1 =	vld [tilespmem:s19+$0xFFFFFFE0]  }
0x36: {  	s16 =	sadd.s32 s16, s17  }
0x37: {  	s19 =	sadd.s32 $0x40, s19;
	[tilespmem:s16+$0x1830 ss:$0x81] =	vst.msk $0xffff, v3  }
.Ltmp4:
0x38: {  	_ = 	snop;
	(pc) =	sbr.rel .LBB1_4-.Ltmp4, $1  }
0x39: {  	_ =	sdelay $0x3  }
.LBB1_6:
0x3a: {  	_ =	sfence.sel $0x180000  }
0x3b: {  	s2 =	simm.s32 $0x1;
	[bflag:$0x0] =	sbarrier.arrive $0xFFFF  }
0x3c: {  	s31 =	simm.s32 $0x2;
	[sflag:s2] =	ssyncpa.u1 $0x1  }
0x3d: {  	[sflag:s31] =	ssyncpa.u1 $0x1  }
0x3e: {  	p0 =	sne.s32 s0, $0x0;
	_ =	strace $0x9000004A  }
0x3f: {  	s0 =	sadd.s32 @!p0 $0x100000, s1;
	[bflag:$0x2] =	sbarrier.arrive $0xFFFF  }
0x40: {  	[sflag:s0] =	ssyncadd.tile.s32 @!p0 $0x1;
	_ =	shalt  }
.Lfunc_end1:
_tile_overlayer_lowered:
.L_overlay_start_2:
0x41: {  	(tag) =	ssettag $0x2  }
0x42: {  	s0 =	rddreg [dreg:$0x0];
	s2 =	stileid.u32  }
0x43: {  	s1 =	rddreg [dreg:$0x1];
	p0 =	sne.s32 s2, $0x0  }
0x44: {  	s3 =	rddreg [dreg:$0x2];
	[bflag:$0x3] =	sbarrier.arrive $0xFFFF;
	s2 =	simm.s32 @!p0 $0x1C01  }
0x45: {  	[timem:s3], [sflag:s2] =	dma.local @!p0 [hbm:s0], s1  }
0x46: {  	s0 =	simm.s32 @!p0 $0x1  }
0x47: {  	_ =	swait.ge @!p0 [sflag:s0], s1  }
0x48: {  	s1 =	ssub.s32 @!p0 $0x0, s1;
	[sflag:s0] =	ssyncset.done @!p0 $0x0  }
0x49: {  	[sflag:s0] =	ssyncadd.s32 @!p0 s1  }
0x4a: {  	[bflag:$0x3] =	sbarrier.arrive $0xFFFF  }
0x4b: {  	_ =	shalt  }

</sc_bundles>
